<compile_context>
chip_gen: v7x
topology: tpu7x:2x2x1
jax: 0.10.2.dev20260603
libtpu: 0.0.44.dev20260713+nightly
codegen_flags: <defaults>
</compile_context>

<pallas_src>
import functools

import jax
import jax.numpy as jnp
from jax import lax
from jax.experimental import pallas as pl
from jax.experimental.pallas import tpu as pltpu
from jax.experimental.pallas import tpu_sc as plsc

VOCAB = 1000000
EMBED = 32
BATCH = 4096
SEQ = 200

NC = 2
NS = 16
NW = NC * NS
B_PER_W = BATCH // NW
CA = 104
CB = SEQ - CA

VB = 256
N_VB = VOCAB // VB
TAIL = VOCAB - N_VB * VB
PAIRS = N_VB // NW // 2
EPI = N_VB - PAIRS * 2 * NW


@functools.partial(
    pl.kernel,
    mesh=plsc.VectorSubcoreMesh(core_axis_name="c", subcore_axis_name="s"),
    out_type=jax.ShapeDtypeStruct((VOCAB * EMBED // 2,), jnp.int32),
    compiler_params=pltpu.CompilerParams(
        needs_layout_passes=False, use_tc_tiling_on_sc=True),
    scratch_types=[
        pltpu.VMEM((EMBED, VB), jnp.float32),
        pltpu.VMEM((EMBED, VB), jnp.float32),
        pltpu.VMEM((VB * EMBED // 2,), jnp.int32),
        pltpu.VMEM((VB * EMBED // 2,), jnp.int32),
        pltpu.VMEM((EMBED, TAIL), jnp.float32),
        pltpu.SemaphoreType.DMA,
        pltpu.SemaphoreType.DMA,
        pltpu.SemaphoreType.DMA,
        pltpu.SemaphoreType.DMA,
        pltpu.SemaphoreType.DMA,
    ],
)
def _sc_retile(embt_hbm, out_hbm, tin0, tin1, tout0, tout1, tint,
               si0, si1, so0, so1, sit):
    wid = lax.axis_index("s") * NC + lax.axis_index("c")
    lanes = lax.broadcasted_iota(jnp.int32, (16,), 0)

    def rd(j, buf, sem):
        return pltpu.make_async_copy(
            embt_hbm.at[:, pl.ds(j * VB, VB)], buf, sem)

    HW = EMBED // 2

    def wr(j, n, buf, sem):
        return pltpu.make_async_copy(
            buf.at[pl.ds(0, n * HW)] if n != VB else buf,
            out_hbm.at[pl.ds(j * (VB * HW), n * HW)], sem)

    pre = [lanes * HW + d for d in range(HW)]

    def transpose_block(tin, tout, n):
        @plsc.parallel_loop(0, n // 16, unroll=2)
        def _(v0):
            b = jnp.full((16,), 0, jnp.int32) + v0 * (16 * HW)
            for d in range(HW):
                g0 = tin[d, pl.ds(v0 * 16, 16)]
                g1 = tin[d + HW, pl.ds(v0 * 16, 16)]
                p = plsc.pack(g0, g1, format=plsc.PackFormat.INTERLEAVED)
                plsc.store_scatter(tout, [b + pre[d]],
                                   plsc.bitcast(p, jnp.int32))

    rd(wid, tin0, si0).start()

    def pair_body(k, carry):
        ja = wid + (2 * k) * NW
        jb = ja + NW
        rd(jb, tin1, si1).start()
        rd(ja, tin0, si0).wait()

        @pl.when(k > 0)
        def _():
            wr(ja, VB, tout0, so0).wait()

        transpose_block(tin0, tout0, VB)
        wr(ja, VB, tout0, so0).start()

        @pl.when(k < PAIRS - 1)
        def _():
            rd(wid + (2 * k + 2) * NW, tin0, si0).start()

        rd(jb, tin1, si1).wait()

        @pl.when(k > 0)
        def _():
            wr(jb, VB, tout1, so1).wait()

        transpose_block(tin1, tout1, VB)
        wr(jb, VB, tout1, so1).start()
        return carry

    lax.fori_loop(0, PAIRS, pair_body, 0)
    wr(0, VB, tout0, so0).wait()
    wr(0, VB, tout1, so1).wait()

    @pl.when(wid < EPI)
    def _():
        j = PAIRS * 2 * NW + wid
        rd(j, tin0, si0).start()
        rd(j, tin0, si0).wait()
        transpose_block(tin0, tout0, VB)
        wr(j, VB, tout0, so0).start()
        wr(j, VB, tout0, so0).wait()

    @pl.when(wid == EPI)
    def _():
        j = N_VB
        pltpu.make_async_copy(
            embt_hbm.at[:, pl.ds(j * VB, TAIL)], tint, sit).start()
        pltpu.make_async_copy(
            embt_hbm.at[:, pl.ds(j * VB, TAIL)], tint, sit).wait()
        transpose_block(tint, tout0, TAIL)
        wr(j, TAIL, tout0, so0).start()
        wr(j, TAIL, tout0, so0).wait()


@functools.partial(
    pl.kernel,
    mesh=plsc.VectorSubcoreMesh(core_axis_name="c", subcore_axis_name="s"),
    out_type=jax.ShapeDtypeStruct((BATCH,), jnp.float32),
    compiler_params=pltpu.CompilerParams(
        needs_layout_passes=False, use_tc_tiling_on_sc=False),
    scratch_types=(
        [pltpu.VMEM((B_PER_W, SEQ), jnp.int32)]
        + [pltpu.VMEM((CA, EMBED // 2), jnp.int32) for _ in range(4)]
        + [pltpu.VMEM((CB, EMBED // 2), jnp.int32) for _ in range(4)]
        + [pltpu.VMEM((B_PER_W,), jnp.float32),
           pltpu.VMEM((48,), jnp.float32)]
        + [pltpu.SemaphoreType.DMA for _ in range(8)]
    ),
)
def _sc_classify(x_hbm, params_hbm, emb_hbm, out_hbm,
                 idx_v, a0_v, a1_v, a2_v, a3_v, b0_v, b1_v, b2_v, b3_v,
                 out_v, par_v, sa0, sa1, sa2, sa3, sb0, sb1, sb2, sb3):
    wid = lax.axis_index("s") * NC + lax.axis_index("c")
    base = wid * B_PER_W
    abufs = (a0_v, a1_v, a2_v, a3_v)
    bbufs = (b0_v, b1_v, b2_v, b3_v)
    asems = (sa0, sa1, sa2, sa3)
    bsems = (sb0, sb1, sb2, sb3)

    pltpu.sync_copy(x_hbm.at[pl.ds(base, B_PER_W)], idx_v)
    pltpu.sync_copy(params_hbm, par_v)

    w0 = par_v[pl.ds(0, 16)]
    w1 = par_v[pl.ds(16, 16)]
    bias = par_v[pl.ds(32, 16)][0]
    zeros = jnp.zeros((16,), jnp.float32)
    bzeros = jnp.zeros((EMBED,), jnp.bfloat16)
    lanes = lax.broadcasted_iota(jnp.int32, (16,), 0)

    def gather_a(r, s):
        return pltpu.make_async_copy(
            emb_hbm.at[idx_v.at[r, pl.ds(0, CA)]], abufs[s], asems[s])

    def gather_b(r, s):
        return pltpu.make_async_copy(
            emb_hbm.at[idx_v.at[r, pl.ds(CA, CB)]], bbufs[s], bsems[s])

    def reduce_chunk(buf, n, accs):
        def red_body(j, accs2):
            s0, s1 = accs2
            x0 = plsc.bitcast(buf[j * 2, pl.ds(0, EMBED // 2)], jnp.bfloat16)
            x1 = plsc.bitcast(buf[j * 2 + 1, pl.ds(0, EMBED // 2)],
                              jnp.bfloat16)
            return (s0 + x0, s1 + x1)

        return lax.fori_loop(0, n // 2, red_body, accs, unroll=8)

    def finalize(r, accs, z_vec):
        s0, s1 = accs
        e0, o0 = plsc.unpack(s0, format=plsc.PackFormat.INTERLEAVED)
        e1, o1 = plsc.unpack(s1, format=plsc.PackFormat.INTERLEAVED)
        acc0 = e0 + e1
        acc1 = o0 + o1
        z = jnp.sum(acc0 * w0) + jnp.sum(acc1 * w1)
        z = z * (1.0 / SEQ) + bias
        z_vec = jnp.where(lanes == (r % 16), z, z_vec)

        @pl.when(r % 16 == 15)
        def _():
            out_v[pl.ds((r // 16) * 16, 16)] = 1.0 / (1.0 + jnp.exp(-z_vec))

        return z_vec

    zz = (bzeros, bzeros)

    for s in range(4):
        gather_a(s, s).start()
        gather_b(s, s).start()

    def quad_body(k, z_vec):
        for s in range(4):
            r = k * 4 + s
            gather_a(r, s).wait()
            accs = reduce_chunk(abufs[s], CA, zz)

            @pl.when(k < B_PER_W // 4 - 1)
            def _():
                gather_a(r + 4, s).start()

            gather_b(r, s).wait()
            accs = reduce_chunk(bbufs[s], CB, accs)

            @pl.when(k < B_PER_W // 4 - 1)
            def _():
                gather_b(r + 4, s).start()

            z_vec = finalize(r, accs, z_vec)
        return z_vec

    lax.fori_loop(0, B_PER_W // 4, quad_body, zeros)

    pltpu.sync_copy(out_v, out_hbm.at[pl.ds(base, B_PER_W)])


def kernel(x, embedding, fc_w, fc_b):
    params = jnp.concatenate(
        [fc_w.reshape(-1), fc_b.reshape(-1),
         jnp.zeros((15,), jnp.float32)]).astype(jnp.float32)
    emb_lin = _sc_retile(embedding.T).reshape(VOCAB, EMBED // 2)
    out = _sc_classify(x.astype(jnp.int32), params, emb_lin)
    return out.reshape(BATCH, 1)

# --- scband reference (transcript-rebuilt; emitter-appended) ---
"""Pipeline reference for scband-text-classifier-81681688035700 (READ-ONLY COPY).

The authoritative reference and input builder live on the scoring server;
editing this copy changes nothing except your own understanding.
"""

import jax, jax.numpy as jnp
import numpy as np

VOCAB = 1000000
EMBED = 32
BATCH = 4096
SEQ = 200

def setup_inputs(seed: int = 0) -> dict:
    key = jax.random.key(seed)
    k_idx, k_emb, k_w, k_b = jax.random.split(key, 4)
    x = jax.random.randint(k_idx, (BATCH, SEQ), 0, VOCAB, dtype=jnp.int64 if jax.config.jax_enable_x64 else jnp.int32)
    embedding = jax.random.normal(k_emb, (VOCAB, EMBED), dtype=jnp.float32)
    fc_w = jax.random.normal(k_w, (1, EMBED), dtype=jnp.float32) * (1.0 / np.sqrt(EMBED))
    fc_b = jnp.zeros((1,), dtype=jnp.float32)
    return {"x": x, "embedding": embedding, "fc_w": fc_w, "fc_b": fc_b}

def reference(x, embedding, fc_w, fc_b):
    embeds = jnp.take(embedding, x, axis=0)            # [B, S, D]
    sentence_vector = embeds.mean(axis=1)              # [B, D]
    output = sentence_vector @ fc_w.T + fc_b           # [B, 1]
    return jax.nn.sigmoid(output)

if __name__ == "__main__":
    import jax
    _d = setup_inputs()
    print(jax.jit(kernel)(*tuple(_d.values())))

</pallas_src>

<mosaic_0001>
#map = affine_map<(d0, d1) -> (0, 0)>
#map1 = affine_map<(d0, d1) -> (0)>
module attributes {stable_mosaic.version = 14 : i64} {
  func.func @_sc_retile(%arg0: i32, %arg1: i32, %arg2: memref<32x1000000xf32, #tpu.memory_space<hbm>>, %arg3: memref<16000000xi32, #tpu.memory_space<hbm>>, %arg4: memref<32x256xf32, #tpu.memory_space<vmem>>, %arg5: memref<32x256xf32, #tpu.memory_space<vmem>>, %arg6: memref<4096xi32, #tpu.memory_space<vmem>>, %arg7: memref<4096xi32, #tpu.memory_space<vmem>>, %arg8: memref<32x64xf32, #tpu.memory_space<vmem>>, %arg9: memref<!tpu.dma_semaphore, #tpu.memory_space<semaphore_mem>>, %arg10: memref<!tpu.dma_semaphore, #tpu.memory_space<semaphore_mem>>, %arg11: memref<!tpu.dma_semaphore, #tpu.memory_space<semaphore_mem>>, %arg12: memref<!tpu.dma_semaphore, #tpu.memory_space<semaphore_mem>>, %arg13: memref<!tpu.dma_semaphore, #tpu.memory_space<semaphore_mem>>) attributes {dimension_semantics = [#tpu.dimension_semantics<core_parallel>, #tpu.dimension_semantics<subcore_parallel>], iteration_bounds = array<i64: 2, 16>, scalar_prefetch = 0 : i64, scratch_operands = 10 : i64, tpu.core_type = #tpu.core_type<sc_vector_subcore>, window_params = [{transform_indices = #map}, {transform_indices = #map1}]} {
    %mul3A = arith.constant 2 : i32
    %mul3A_0 = arith.muli %arg1, %mul3A : i32
    %add3A = arith.addi %mul3A_0, %arg0 : i32
    %iota3A = tpu.iota {dimensions = array<i32: 0>} : vector<16xi32>
    %mul3A_1 = arith.constant 16 : i32
    %mul3A_2 = vector.broadcast %mul3A_1 : i32 to vector<16xi32>
    %mul3A_3 = arith.muli %iota3A, %mul3A_2 : vector<16xi32>
    %add3A_4 = arith.constant 0 : i32
    %add3A_5 = vector.broadcast %add3A_4 : i32 to vector<16xi32>
    %add3A_6 = arith.addi %mul3A_3, %add3A_5 : vector<16xi32>
    %mul3A_7 = arith.constant 16 : i32
    %mul3A_8 = vector.broadcast %mul3A_7 : i32 to vector<16xi32>
    %mul3A_9 = arith.muli %iota3A, %mul3A_8 : vector<16xi32>
    %add3A_10 = arith.constant 1 : i32
    %add3A_11 = vector.broadcast %add3A_10 : i32 to vector<16xi32>
    %add3A_12 = arith.addi %mul3A_9, %add3A_11 : vector<16xi32>
    %mul3A_13 = arith.constant 16 : i32
    %mul3A_14 = vector.broadcast %mul3A_13 : i32 to vector<16xi32>
    %mul3A_15 = arith.muli %iota3A, %mul3A_14 : vector<16xi32>
    %add3A_16 = arith.constant 2 : i32
    %add3A_17 = vector.broadcast %add3A_16 : i32 to vector<16xi32>
    %add3A_18 = arith.addi %mul3A_15, %add3A_17 : vector<16xi32>
    %mul3A_19 = arith.constant 16 : i32
    %mul3A_20 = vector.broadcast %mul3A_19 : i32 to vector<16xi32>
    %mul3A_21 = arith.muli %iota3A, %mul3A_20 : vector<16xi32>
    %add3A_22 = arith.constant 3 : i32
    %add3A_23 = vector.broadcast %add3A_22 : i32 to vector<16xi32>
    %add3A_24 = arith.addi %mul3A_21, %add3A_23 : vector<16xi32>
    %mul3A_25 = arith.constant 16 : i32
    %mul3A_26 = vector.broadcast %mul3A_25 : i32 to vector<16xi32>
    %mul3A_27 = arith.muli %iota3A, %mul3A_26 : vector<16xi32>
    %add3A_28 = arith.constant 4 : i32
    %add3A_29 = vector.broadcast %add3A_28 : i32 to vector<16xi32>
    %add3A_30 = arith.addi %mul3A_27, %add3A_29 : vector<16xi32>
    %mul3A_31 = arith.constant 16 : i32
    %mul3A_32 = vector.broadcast %mul3A_31 : i32 to vector<16xi32>
    %mul3A_33 = arith.muli %iota3A, %mul3A_32 : vector<16xi32>
    %add3A_34 = arith.constant 5 : i32
    %add3A_35 = vector.broadcast %add3A_34 : i32 to vector<16xi32>
    %add3A_36 = arith.addi %mul3A_33, %add3A_35 : vector<16xi32>
    %mul3A_37 = arith.constant 16 : i32
    %mul3A_38 = vector.broadcast %mul3A_37 : i32 to vector<16xi32>
    %mul3A_39 = arith.muli %iota3A, %mul3A_38 : vector<16xi32>
    %add3A_40 = arith.constant 6 : i32
    %add3A_41 = vector.broadcast %add3A_40 : i32 to vector<16xi32>
    %add3A_42 = arith.addi %mul3A_39, %add3A_41 : vector<16xi32>
    %mul3A_43 = arith.constant 16 : i32
    %mul3A_44 = vector.broadcast %mul3A_43 : i32 to vector<16xi32>
    %mul3A_45 = arith.muli %iota3A, %mul3A_44 : vector<16xi32>
    %add3A_46 = arith.constant 7 : i32
    %add3A_47 = vector.broadcast %add3A_46 : i32 to vector<16xi32>
    %add3A_48 = arith.addi %mul3A_45, %add3A_47 : vector<16xi32>
    %mul3A_49 = arith.constant 16 : i32
    %mul3A_50 = vector.broadcast %mul3A_49 : i32 to vector<16xi32>
    %mul3A_51 = arith.muli %iota3A, %mul3A_50 : vector<16xi32>
    %add3A_52 = arith.constant 8 : i32
    %add3A_53 = vector.broadcast %add3A_52 : i32 to vector<16xi32>
    %add3A_54 = arith.addi %mul3A_51, %add3A_53 : vector<16xi32>
    %mul3A_55 = arith.constant 16 : i32
    %mul3A_56 = vector.broadcast %mul3A_55 : i32 to vector<16xi32>
    %mul3A_57 = arith.muli %iota3A, %mul3A_56 : vector<16xi32>
    %add3A_58 = arith.constant 9 : i32
    %add3A_59 = vector.broadcast %add3A_58 : i32 to vector<16xi32>
    %add3A_60 = arith.addi %mul3A_57, %add3A_59 : vector<16xi32>
    %mul3A_61 = arith.constant 16 : i32
    %mul3A_62 = vector.broadcast %mul3A_61 : i32 to vector<16xi32>
    %mul3A_63 = arith.muli %iota3A, %mul3A_62 : vector<16xi32>
    %add3A_64 = arith.constant 10 : i32
    %add3A_65 = vector.broadcast %add3A_64 : i32 to vector<16xi32>
    %add3A_66 = arith.addi %mul3A_63, %add3A_65 : vector<16xi32>
    %mul3A_67 = arith.constant 16 : i32
    %mul3A_68 = vector.broadcast %mul3A_67 : i32 to vector<16xi32>
    %mul3A_69 = arith.muli %iota3A, %mul3A_68 : vector<16xi32>
    %add3A_70 = arith.constant 11 : i32
    %add3A_71 = vector.broadcast %add3A_70 : i32 to vector<16xi32>
    %add3A_72 = arith.addi %mul3A_69, %add3A_71 : vector<16xi32>
    %mul3A_73 = arith.constant 16 : i32
    %mul3A_74 = vector.broadcast %mul3A_73 : i32 to vector<16xi32>
    %mul3A_75 = arith.muli %iota3A, %mul3A_74 : vector<16xi32>
    %add3A_76 = arith.constant 12 : i32
    %add3A_77 = vector.broadcast %add3A_76 : i32 to vector<16xi32>
    %add3A_78 = arith.addi %mul3A_75, %add3A_77 : vector<16xi32>
    %mul3A_79 = arith.constant 16 : i32
    %mul3A_80 = vector.broadcast %mul3A_79 : i32 to vector<16xi32>
    %mul3A_81 = arith.muli %iota3A, %mul3A_80 : vector<16xi32>
    %add3A_82 = arith.constant 13 : i32
    %add3A_83 = vector.broadcast %add3A_82 : i32 to vector<16xi32>
    %add3A_84 = arith.addi %mul3A_81, %add3A_83 : vector<16xi32>
    %mul3A_85 = arith.constant 16 : i32
    %mul3A_86 = vector.broadcast %mul3A_85 : i32 to vector<16xi32>
    %mul3A_87 = arith.muli %iota3A, %mul3A_86 : vector<16xi32>
    %add3A_88 = arith.constant 14 : i32
    %add3A_89 = vector.broadcast %add3A_88 : i32 to vector<16xi32>
    %add3A_90 = arith.addi %mul3A_87, %add3A_89 : vector<16xi32>
    %mul3A_91 = arith.constant 16 : i32
    %mul3A_92 = vector.broadcast %mul3A_91 : i32 to vector<16xi32>
    %mul3A_93 = arith.muli %iota3A, %mul3A_92 : vector<16xi32>
    %add3A_94 = arith.constant 15 : i32
    %add3A_95 = vector.broadcast %add3A_94 : i32 to vector<16xi32>
    %add3A_96 = arith.addi %mul3A_93, %add3A_95 : vector<16xi32>
    %mul3A_97 = arith.constant 256 : i32
    %mul3A_98 = arith.muli %add3A, %mul3A_97 : i32
    %dma_start3A = arith.constant 0 : i32
    %dma_start3A_99 = tpu.memref_slice %arg2[%dma_start3A, %mul3A_98] : memref<32x1000000xf32, #tpu.memory_space<hbm>> -> memref<32x256xf32, #tpu.memory_space<hbm>>
    %dma_start3A_100 = arith.constant 0 : i32
    %dma_start3A_101 = tpu.memref_slice %arg2[%dma_start3A_100, %mul3A_98] : memref<32x1000000xf32, #tpu.memory_space<hbm>> -> memref<32x256xf32, #tpu.memory_space<hbm>>
    tpu.enqueue_dma source(%dma_start3A_101 : memref<32x256xf32, #tpu.memory_space<hbm>>) target(%arg4 : memref<32x256xf32, #tpu.memory_space<vmem>>) target_semaphore(%arg9 : memref<!tpu.dma_semaphore, #tpu.memory_space<semaphore_mem>>)
    %scan3A = arith.constant 0 : i32
    %scan3A_102 = arith.constant 0 : i32
    %scan3A_103 = arith.constant 61 : i32
    %scan3A_104 = arith.addi %scan3A_102, %scan3A_103 : i32
    %scan3A_105 = arith.constant 1 : i32
    scf.for %scan3A_120 = %scan3A_102 to %scan3A_104 step %scan3A_105  : i32 {
      %mul3A_121 = arith.constant 2 : i32
      %mul3A_122 = arith.muli %mul3A_121, %scan3A_120 : i32
      %mul3A_123 = arith.constant 32 : i32
      %mul3A_124 = arith.muli %mul3A_122, %mul3A_123 : i32
      %add3A_125 = arith.addi %add3A, %mul3A_124 : i32
      %add3A_126 = arith.constant 32 : i32
      %add3A_127 = arith.addi %add3A_125, %add3A_126 : i32
      %mul3A_128 = arith.constant 256 : i32
      %mul3A_129 = arith.muli %add3A_127, %mul3A_128 : i32
      %dma_start3A_130 = arith.constant 0 : i32
      %dma_start3A_131 = tpu.memref_slice %arg2[%dma_start3A_130, %mul3A_129] : memref<32x1000000xf32, #tpu.memory_space<hbm>> -> memref<32x256xf32, #tpu.memory_space<hbm>>
      %dma_start3A_132 = arith.constant 0 : i32
      %dma_start3A_133 = tpu.memref_slice %arg2[%dma_start3A_132, %mul3A_129] : memref<32x1000000xf32, #tpu.memory_space<hbm>> -> memref<32x256xf32, #tpu.memory_space<hbm>>
      tpu.enqueue_dma source(%dma_start3A_133 : memref<32x256xf32, #tpu.memory_space<hbm>>) target(%arg5 : memref<32x256xf32, #tpu.memory_space<vmem>>) target_semaphore(%arg10 : memref<!tpu.dma_semaphore, #tpu.memory_space<semaphore_mem>>)
      %mul3A_134 = arith.constant 256 : i32
      %mul3A_135 = arith.muli %add3A_125, %mul3A_134 : i32
      %dma_wait3A_136 = arith.constant 0 : i32
      %dma_wait3A_137 = tpu.memref_slice %arg2[%dma_wait3A_136, %mul3A_135] : memref<32x1000000xf32, #tpu.memory_space<hbm>> -> memref<32x256xf32, #tpu.memory_space<hbm>>
      %dma_wait3A_138 = arith.constant 0 : i32
      %dma_wait3A_139 = tpu.memref_slice %arg2[%dma_wait3A_138, %mul3A_135] : memref<32x1000000xf32, #tpu.memory_space<hbm>> -> memref<32x256xf32, #tpu.memory_space<hbm>>
      tpu.wait_dma2 semaphore(%arg9 : memref<!tpu.dma_semaphore, #tpu.memory_space<semaphore_mem>>) src(%dma_wait3A_139 : memref<32x256xf32, #tpu.memory_space<hbm>>) dst(%arg4 : memref<32x256xf32, #tpu.memory_space<vmem>>)
      %gt3A = arith.constant 0 : i32
      %gt3A_140 = arith.cmpi sgt, %scan3A_120, %gt3A : i32
      %convert_element_type3A_141 = arith.extui %gt3A_140 : i1 to i32
      %cond3A_142 = arith.constant 0 : i32
      %cond3A_143 = arith.cmpi ne, %convert_element_type3A_141, %cond3A_142 : i32
      scf.if %cond3A_143 {
        %mul3A_173 = arith.constant 4096 : i32
        %mul3A_174 = arith.muli %add3A_125, %mul3A_173 : i32
        %dma_wait3A_175 = tpu.memref_slice %arg3[%mul3A_174] : memref<16000000xi32, #tpu.memory_space<hbm>> -> memref<4096xi32, #tpu.memory_space<hbm>>
        %dma_wait3A_176 = tpu.memref_slice %arg3[%mul3A_174] : memref<16000000xi32, #tpu.memory_space<hbm>> -> memref<4096xi32, #tpu.memory_space<hbm>>
        tpu.wait_dma2 semaphore(%arg11 : memref<!tpu.dma_semaphore, #tpu.memory_space<semaphore_mem>>) src(%arg6 : memref<4096xi32, #tpu.memory_space<vmem>>) dst(%dma_wait3A_176 : memref<4096xi32, #tpu.memory_space<hbm>>)
      } else {
      }
      %parallel_loop3A = arith.constant 0 : i32
      %parallel_loop3A_144 = arith.constant 16 : i32
      %parallel_loop3A_145 = arith.constant 1 : i32
      scf.for %parallel_loop3A_173 = %parallel_loop3A to %parallel_loop3A_144 step %parallel_loop3A_145  : i32 {
        %parallel_loop3A_174 = arith.constant 0 : i32
        %parallel_loop3A_175 = vector.broadcast %parallel_loop3A_174 : i32 to vector<16xi32>
        %parallel_loop3A_176 = arith.constant 256 : i32
        %parallel_loop3A_177 = arith.muli %parallel_loop3A_173, %parallel_loop3A_176 : i32
        %parallel_loop3A_178 = vector.broadcast %parallel_loop3A_177 : i32 to vector<16xi32>
        %parallel_loop3A_179 = arith.addi %parallel_loop3A_175, %parallel_loop3A_178 : vector<16xi32>
        %parallel_loop3A_180 = arith.constant 16 : i32
        %parallel_loop3A_181 = arith.muli %parallel_loop3A_173, %parallel_loop3A_180 : i32
        %parallel_loop3A_182 = arith.constant 0 : i32
        %parallel_loop3A_183 = arith.index_cast %parallel_loop3A_182 : i32 to index
        %parallel_loop3A_184 = arith.index_cast %parallel_loop3A_181 : i32 to index
        %parallel_loop3A_185 = tpu.vector_load %arg4[%parallel_loop3A_183, %parallel_loop3A_184] {strides = array<i32>} : memref<32x256xf32, #tpu.memory_space<vmem>>, vector<16xf32>,
        %parallel_loop3A_186 = arith.constant 16 : i32
        %parallel_loop3A_187 = arith.muli %parallel_loop3A_173, %parallel_loop3A_186 : i32
        %parallel_loop3A_188 = arith.constant 16 : i32
        %parallel_loop3A_189 = arith.index_cast %parallel_loop3A_188 : i32 to index
        %parallel_loop3A_190 = arith.index_cast %parallel_loop3A_187 : i32 to index
        %parallel_loop3A_191 = tpu.vector_load %arg4[%parallel_loop3A_189, %parallel_loop3A_190] {strides = array<i32>} : memref<32x256xf32, #tpu.memory_space<vmem>>, vector<16xf32>,
        %parallel_loop3A_192 = tpu.pack_subelements %parallel_loop3A_185, %parallel_loop3A_191 {pack_format = #tpu.pack_format<interleaved>, positions = array<i32: 0, 1>} : vector<16xf32>, vector<16xf32> -> vector<32xbf16>
        %parallel_loop3A_193 = arith.addi %parallel_loop3A_179, %add3A_6 : vector<16xi32>
        %parallel_loop3A_194 = vector.bitcast %parallel_loop3A_192 : vector<32xbf16> to vector<16xi32>
        tpu.vector_store_idx %arg6[%parallel_loop3A_193], %parallel_loop3A_194 : memref<4096xi32, #tpu.memory_space<vmem>>[vector<16xi32>], vector<16xi32>,
        %parallel_loop3A_195 = arith.constant 16 : i32
        %parallel_loop3A_196 = arith.muli %parallel_loop3A_173, %parallel_loop3A_195 : i32
        %parallel_loop3A_197 = arith.constant 1 : i32
        %parallel_loop3A_198 = arith.index_cast %parallel_loop3A_197 : i32 to index
        %parallel_loop3A_199 = arith.index_cast %parallel_loop3A_196 : i32 to index
        %parallel_loop3A_200 = tpu.vector_load %arg4[%parallel_loop3A_198, %parallel_loop3A_199] {strides = array<i32>} : memref<32x256xf32, #tpu.memory_space<vmem>>, vector<16xf32>,
        %parallel_loop3A_201 = arith.constant 16 : i32
        %parallel_loop3A_202 = arith.muli %parallel_loop3A_173, %parallel_loop3A_201 : i32
        %parallel_loop3A_203 = arith.constant 17 : i32
        %parallel_loop3A_204 = arith.index_cast %parallel_loop3A_203 : i32 to index
        %parallel_loop3A_205 = arith.index_cast %parallel_loop3A_202 : i32 to index
        %parallel_loop3A_206 = tpu.vector_load %arg4[%parallel_loop3A_204, %parallel_loop3A_205] {strides = array<i32>} : memref<32x256xf32, #tpu.memory_space<vmem>>, vector<16xf32>,
        %parallel_loop3A_207 = tpu.pack_subelements %parallel_loop3A_200, %parallel_loop3A_206 {pack_format = #tpu.pack_format<interleaved>, positions = array<i32: 0, 1>} : vector<16xf32>, vector<16xf32> -> vector<32xbf16>
        %parallel_loop3A_208 = arith.addi %parallel_loop3A_179, %add3A_12 : vector<16xi32>
        %parallel_loop3A_209 = vector.bitcast %parallel_loop3A_207 : vector<32xbf16> to vector<16xi32>
        tpu.vector_store_idx %arg6[%parallel_loop3A_208], %parallel_loop3A_209 : memref<4096xi32, #tpu.memory_space<vmem>>[vector<16xi32>], vector<16xi32>,
        %parallel_loop3A_210 = arith.constant 16 : i32
        %parallel_loop3A_211 = arith.muli %parallel_loop3A_173, %parallel_loop3A_210 : i32
        %parallel_loop3A_212 = arith.constant 2 : i32
        %parallel_loop3A_213 = arith.index_cast %parallel_loop3A_212 : i32 to index
        %parallel_loop3A_214 = arith.index_cast %parallel_loop3A_211 : i32 to index
        %parallel_loop3A_215 = tpu.vector_load %arg4[%parallel_loop3A_213, %parallel_loop3A_214] {strides = array<i32>} : memref<32x256xf32, #tpu.memory_space<vmem>>, vector<16xf32>,
        %parallel_loop3A_216 = arith.constant 16 : i32
        %parallel_loop3A_217 = arith.muli %parallel_loop3A_173, %parallel_loop3A_216 : i32
        %parallel_loop3A_218 = arith.constant 18 : i32
        %parallel_loop3A_219 = arith.index_cast %parallel_loop3A_218 : i32 to index
        %parallel_loop3A_220 = arith.index_cast %parallel_loop3A_217 : i32 to index
        %parallel_loop3A_221 = tpu.vector_load %arg4[%parallel_loop3A_219, %parallel_loop3A_220] {strides = array<i32>} : memref<32x256xf32, #tpu.memory_space<vmem>>, vector<16xf32>,
        %parallel_loop3A_222 = tpu.pack_subelements %parallel_loop3A_215, %parallel_loop3A_221 {pack_format = #tpu.pack_format<interleaved>, positions = array<i32: 0, 1>} : vector<16xf32>, vector<16xf32> -> vector<32xbf16>
        %parallel_loop3A_223 = arith.addi %parallel_loop3A_179, %add3A_18 : vector<16xi32>
        %parallel_loop3A_224 = vector.bitcast %parallel_loop3A_222 : vector<32xbf16> to vector<16xi32>
        tpu.vector_store_idx %arg6[%parallel_loop3A_223], %parallel_loop3A_224 : memref<4096xi32, #tpu.memory_space<vmem>>[vector<16xi32>], vector<16xi32>,
        %parallel_loop3A_225 = arith.constant 16 : i32
        %parallel_loop3A_226 = arith.muli %parallel_loop3A_173, %parallel_loop3A_225 : i32
        %parallel_loop3A_227 = arith.constant 3 : i32
        %parallel_loop3A_228 = arith.index_cast %parallel_loop3A_227 : i32 to index
        %parallel_loop3A_229 = arith.index_cast %parallel_loop3A_226 : i32 to index
        %parallel_loop3A_230 = tpu.vector_load %arg4[%parallel_loop3A_228, %parallel_loop3A_229] {strides = array<i32>} : memref<32x256xf32, #tpu.memory_space<vmem>>, vector<16xf32>,
        %parallel_loop3A_231 = arith.constant 16 : i32
        %parallel_loop3A_232 = arith.muli %parallel_loop3A_173, %parallel_loop3A_231 : i32
        %parallel_loop3A_233 = arith.constant 19 : i32
        %parallel_loop3A_234 = arith.index_cast %parallel_loop3A_233 : i32 to index
        %parallel_loop3A_235 = arith.index_cast %parallel_loop3A_232 : i32 to index
        %parallel_loop3A_236 = tpu.vector_load %arg4[%parallel_loop3A_234, %parallel_loop3A_235] {strides = array<i32>} : memref<32x256xf32, #tpu.memory_space<vmem>>, vector<16xf32>,
        %parallel_loop3A_237 = tpu.pack_subelements %parallel_loop3A_230, %parallel_loop3A_236 {pack_format = #tpu.pack_format<interleaved>, positions = array<i32: 0, 1>} : vector<16xf32>, vector<16xf32> -> vector<32xbf16>
        %parallel_loop3A_238 = arith.addi %parallel_loop3A_179, %add3A_24 : vector<16xi32>
        %parallel_loop3A_239 = vector.bitcast %parallel_loop3A_237 : vector<32xbf16> to vector<16xi32>
        tpu.vector_store_idx %arg6[%parallel_loop3A_238], %parallel_loop3A_239 : memref<4096xi32, #tpu.memory_space<vmem>>[vector<16xi32>], vector<16xi32>,
        %parallel_loop3A_240 = arith.constant 16 : i32
        %parallel_loop3A_241 = arith.muli %parallel_loop3A_173, %parallel_loop3A_240 : i32
        %parallel_loop3A_242 = arith.constant 4 : i32
        %parallel_loop3A_243 = arith.index_cast %parallel_loop3A_242 : i32 to index
        %parallel_loop3A_244 = arith.index_cast %parallel_loop3A_241 : i32 to index
        %parallel_loop3A_245 = tpu.vector_load %arg4[%parallel_loop3A_243, %parallel_loop3A_244] {strides = array<i32>} : memref<32x256xf32, #tpu.memory_space<vmem>>, vector<16xf32>,
        %parallel_loop3A_246 = arith.constant 16 : i32
        %parallel_loop3A_247 = arith.muli %parallel_loop3A_173, %parallel_loop3A_246 : i32
        %parallel_loop3A_248 = arith.constant 20 : i32
        %parallel_loop3A_249 = arith.index_cast %parallel_loop3A_248 : i32 to index
        %parallel_loop3A_250 = arith.index_cast %parallel_loop3A_247 : i32 to index
        %parallel_loop3A_251 = tpu.vector_load %arg4[%parallel_loop3A_249, %parallel_loop3A_250] {strides = array<i32>} : memref<32x256xf32, #tpu.memory_space<vmem>>, vector<16xf32>,
        %parallel_loop3A_252 = tpu.pack_subelements %parallel_loop3A_245, %parallel_loop3A_251 {pack_format = #tpu.pack_format<interleaved>, positions = array<i32: 0, 1>} : vector<16xf32>, vector<16xf32> -> vector<32xbf16>
        %parallel_loop3A_253 = arith.addi %parallel_loop3A_179, %add3A_30 : vector<16xi32>
        %parallel_loop3A_254 = vector.bitcast %parallel_loop3A_252 : vector<32xbf16> to vector<16xi32>
        tpu.vector_store_idx %arg6[%parallel_loop3A_253], %parallel_loop3A_254 : memref<4096xi32, #tpu.memory_space<vmem>>[vector<16xi32>], vector<16xi32>,
        %parallel_loop3A_255 = arith.constant 16 : i32
        %parallel_loop3A_256 = arith.muli %parallel_loop3A_173, %parallel_loop3A_255 : i32
        %parallel_loop3A_257 = arith.constant 5 : i32
        %parallel_loop3A_258 = arith.index_cast %parallel_loop3A_257 : i32 to index
        %parallel_loop3A_259 = arith.index_cast %parallel_loop3A_256 : i32 to index
        %parallel_loop3A_260 = tpu.vector_load %arg4[%parallel_loop3A_258, %parallel_loop3A_259] {strides = array<i32>} : memref<32x256xf32, #tpu.memory_space<vmem>>, vector<16xf32>,
        %parallel_loop3A_261 = arith.constant 16 : i32
        %parallel_loop3A_262 = arith.muli %parallel_loop3A_173, %parallel_loop3A_261 : i32
        %parallel_loop3A_263 = arith.constant 21 : i32
        %parallel_loop3A_264 = arith.index_cast %parallel_loop3A_263 : i32 to index
        %parallel_loop3A_265 = arith.index_cast %parallel_loop3A_262 : i32 to index
        %parallel_loop3A_266 = tpu.vector_load %arg4[%parallel_loop3A_264, %parallel_loop3A_265] {strides = array<i32>} : memref<32x256xf32, #tpu.memory_space<vmem>>, vector<16xf32>,
        %parallel_loop3A_267 = tpu.pack_subelements %parallel_loop3A_260, %parallel_loop3A_266 {pack_format = #tpu.pack_format<interleaved>, positions = array<i32: 0, 1>} : vector<16xf32>, vector<16xf32> -> vector<32xbf16>
        %parallel_loop3A_268 = arith.addi %parallel_loop3A_179, %add3A_36 : vector<16xi32>
        %parallel_loop3A_269 = vector.bitcast %parallel_loop3A_267 : vector<32xbf16> to vector<16xi32>
        tpu.vector_store_idx %arg6[%parallel_loop3A_268], %parallel_loop3A_269 : memref<4096xi32, #tpu.memory_space<vmem>>[vector<16xi32>], vector<16xi32>,
        %parallel_loop3A_270 = arith.constant 16 : i32
        %parallel_loop3A_271 = arith.muli %parallel_loop3A_173, %parallel_loop3A_270 : i32
        %parallel_loop3A_272 = arith.constant 6 : i32
        %parallel_loop3A_273 = arith.index_cast %parallel_loop3A_272 : i32 to index
        %parallel_loop3A_274 = arith.index_cast %parallel_loop3A_271 : i32 to index
        %parallel_loop3A_275 = tpu.vector_load %arg4[%parallel_loop3A_273, %parallel_loop3A_274] {strides = array<i32>} : memref<32x256xf32, #tpu.memory_space<vmem>>, vector<16xf32>,
        %parallel_loop3A_276 = arith.constant 16 : i32
        %parallel_loop3A_277 = arith.muli %parallel_loop3A_173, %parallel_loop3A_276 : i32
        %parallel_loop3A_278 = arith.constant 22 : i32
        %parallel_loop3A_279 = arith.index_cast %parallel_loop3A_278 : i32 to index
        %parallel_loop3A_280 = arith.index_cast %parallel_loop3A_277 : i32 to index
        %parallel_loop3A_281 = tpu.vector_load %arg4[%parallel_loop3A_279, %parallel_loop3A_280] {strides = array<i32>} : memref<32x256xf32, #tpu.memory_space<vmem>>, vector<16xf32>,
        %parallel_loop3A_282 = tpu.pack_subelements %parallel_loop3A_275, %parallel_loop3A_281 {pack_format = #tpu.pack_format<interleaved>, positions = array<i32: 0, 1>} : vector<16xf32>, vector<16xf32> -> vector<32xbf16>
        %parallel_loop3A_283 = arith.addi %parallel_loop3A_179, %add3A_42 : vector<16xi32>
        %parallel_loop3A_284 = vector.bitcast %parallel_loop3A_282 : vector<32xbf16> to vector<16xi32>
        tpu.vector_store_idx %arg6[%parallel_loop3A_283], %parallel_loop3A_284 : memref<4096xi32, #tpu.memory_space<vmem>>[vector<16xi32>], vector<16xi32>,
        %parallel_loop3A_285 = arith.constant 16 : i32
        %parallel_loop3A_286 = arith.muli %parallel_loop3A_173, %parallel_loop3A_285 : i32
        %parallel_loop3A_287 = arith.constant 7 : i32
        %parallel_loop3A_288 = arith.index_cast %parallel_loop3A_287 : i32 to index
        %parallel_loop3A_289 = arith.index_cast %parallel_loop3A_286 : i32 to index
        %parallel_loop3A_290 = tpu.vector_load %arg4[%parallel_loop3A_288, %parallel_loop3A_289] {strides = array<i32>} : memref<32x256xf32, #tpu.memory_space<vmem>>, vector<16xf32>,
        %parallel_loop3A_291 = arith.constant 16 : i32
        %parallel_loop3A_292 = arith.muli %parallel_loop3A_173, %parallel_loop3A_291 : i32
        %parallel_loop3A_293 = arith.constant 23 : i32
        %parallel_loop3A_294 = arith.index_cast %parallel_loop3A_293 : i32 to index
        %parallel_loop3A_295 = arith.index_cast %parallel_loop3A_292 : i32 to index
        %parallel_loop3A_296 = tpu.vector_load %arg4[%parallel_loop3A_294, %parallel_loop3A_295] {strides = array<i32>} : memref<32x256xf32, #tpu.memory_space<vmem>>, vector<16xf32>,
        %parallel_loop3A_297 = tpu.pack_subelements %parallel_loop3A_290, %parallel_loop3A_296 {pack_format = #tpu.pack_format<interleaved>, positions = array<i32: 0, 1>} : vector<16xf32>, vector<16xf32> -> vector<32xbf16>
        %parallel_loop3A_298 = arith.addi %parallel_loop3A_179, %add3A_48 : vector<16xi32>
        %parallel_loop3A_299 = vector.bitcast %parallel_loop3A_297 : vector<32xbf16> to vector<16xi32>
        tpu.vector_store_idx %arg6[%parallel_loop3A_298], %parallel_loop3A_299 : memref<4096xi32, #tpu.memory_space<vmem>>[vector<16xi32>], vector<16xi32>,
        %parallel_loop3A_300 = arith.constant 16 : i32
        %parallel_loop3A_301 = arith.muli %parallel_loop3A_173, %parallel_loop3A_300 : i32
        %parallel_loop3A_302 = arith.constant 8 : i32
        %parallel_loop3A_303 = arith.index_cast %parallel_loop3A_302 : i32 to index
        %parallel_loop3A_304 = arith.index_cast %parallel_loop3A_301 : i32 to index
        %parallel_loop3A_305 = tpu.vector_load %arg4[%parallel_loop3A_303, %parallel_loop3A_304] {strides = array<i32>} : memref<32x256xf32, #tpu.memory_space<vmem>>, vector<16xf32>,
        %parallel_loop3A_306 = arith.constant 16 : i32
        %parallel_loop3A_307 = arith.muli %parallel_loop3A_173, %parallel_loop3A_306 : i32
        %parallel_loop3A_308 = arith.constant 24 : i32
        %parallel_loop3A_309 = arith.index_cast %parallel_loop3A_308 : i32 to index
        %parallel_loop3A_310 = arith.index_cast %parallel_loop3A_307 : i32 to index
        %parallel_loop3A_311 = tpu.vector_load %arg4[%parallel_loop3A_309, %parallel_loop3A_310] {strides = array<i32>} : memref<32x256xf32, #tpu.memory_space<vmem>>, vector<16xf32>,
        %parallel_loop3A_312 = tpu.pack_subelements %parallel_loop3A_305, %parallel_loop3A_311 {pack_format = #tpu.pack_format<interleaved>, positions = array<i32: 0, 1>} : vector<16xf32>, vector<16xf32> -> vector<32xbf16>
        %parallel_loop3A_313 = arith.addi %parallel_loop3A_179, %add3A_54 : vector<16xi32>
        %parallel_loop3A_314 = vector.bitcast %parallel_loop3A_312 : vector<32xbf16> to vector<16xi32>
        tpu.vector_store_idx %arg6[%parallel_loop3A_313], %parallel_loop3A_314 : memref<4096xi32, #tpu.memory_space<vmem>>[vector<16xi32>], vector<16xi32>,
        %parallel_loop3A_315 = arith.constant 16 : i32
        %parallel_loop3A_316 = arith.muli %parallel_loop3A_173, %parallel_loop3A_315 : i32
        %parallel_loop3A_317 = arith.constant 9 : i32
        %parallel_loop3A_318 = arith.index_cast %parallel_loop3A_317 : i32 to index
        %parallel_loop3A_319 = arith.index_cast %parallel_loop3A_316 : i32 to index
        %parallel_loop3A_320 = tpu.vector_load %arg4[%parallel_loop3A_318, %parallel_loop3A_319] {strides = array<i32>} : memref<32x256xf32, #tpu.memory_space<vmem>>, vector<16xf32>,
        %parallel_loop3A_321 = arith.constant 16 : i32
        %parallel_loop3A_322 = arith.muli %parallel_loop3A_173, %parallel_loop3A_321 : i32
        %parallel_loop3A_323 = arith.constant 25 : i32
        %parallel_loop3A_324 = arith.index_cast %parallel_loop3A_323 : i32 to index
        %parallel_loop3A_325 = arith.index_cast %parallel_loop3A_322 : i32 to index
        %parallel_loop3A_326 = tpu.vector_load %arg4[%parallel_loop3A_324, %parallel_loop3A_325] {strides = array<i32>} : memref<32x256xf32, #tpu.memory_space<vmem>>, vector<16xf32>,
        %parallel_loop3A_327 = tpu.pack_subelements %parallel_loop3A_320, %parallel_loop3A_326 {pack_format = #tpu.pack_format<interleaved>, positions = array<i32: 0, 1>} : vector<16xf32>, vector<16xf32> -> vector<32xbf16>
        %parallel_loop3A_328 = arith.addi %parallel_loop3A_179, %add3A_60 : vector<16xi32>
        %parallel_loop3A_329 = vector.bitcast %parallel_loop3A_327 : vector<32xbf16> to vector<16xi32>
        tpu.vector_store_idx %arg6[%parallel_loop3A_328], %parallel_loop3A_329 : memref<4096xi32, #tpu.memory_space<vmem>>[vector<16xi32>], vector<16xi32>,
        %parallel_loop3A_330 = arith.constant 16 : i32
        %parallel_loop3A_331 = arith.muli %parallel_loop3A_173, %parallel_loop3A_330 : i32
        %parallel_loop3A_332 = arith.constant 10 : i32
        %parallel_loop3A_333 = arith.index_cast %parallel_loop3A_332 : i32 to index
        %parallel_loop3A_334 = arith.index_cast %parallel_loop3A_331 : i32 to index
        %parallel_loop3A_335 = tpu.vector_load %arg4[%parallel_loop3A_333, %parallel_loop3A_334] {strides = array<i32>} : memref<32x256xf32, #tpu.memory_space<vmem>>, vector<16xf32>,
        %parallel_loop3A_336 = arith.constant 16 : i32
        %parallel_loop3A_337 = arith.muli %parallel_loop3A_173, %parallel_loop3A_336 : i32
        %parallel_loop3A_338 = arith.constant 26 : i32
        %parallel_loop3A_339 = arith.index_cast %parallel_loop3A_338 : i32 to index
        %parallel_loop3A_340 = arith.index_cast %parallel_loop3A_337 : i32 to index
        %parallel_loop3A_341 = tpu.vector_load %arg4[%parallel_loop3A_339, %parallel_loop3A_340] {strides = array<i32>} : memref<32x256xf32, #tpu.memory_space<vmem>>, vector<16xf32>,
        %parallel_loop3A_342 = tpu.pack_subelements %parallel_loop3A_335, %parallel_loop3A_341 {pack_format = #tpu.pack_format<interleaved>, positions = array<i32: 0, 1>} : vector<16xf32>, vector<16xf32> -> vector<32xbf16>
        %parallel_loop3A_343 = arith.addi %parallel_loop3A_179, %add3A_66 : vector<16xi32>
        %parallel_loop3A_344 = vector.bitcast %parallel_loop3A_342 : vector<32xbf16> to vector<16xi32>
        tpu.vector_store_idx %arg6[%parallel_loop3A_343], %parallel_loop3A_344 : memref<4096xi32, #tpu.memory_space<vmem>>[vector<16xi32>], vector<16xi32>,
        %parallel_loop3A_345 = arith.constant 16 : i32
        %parallel_loop3A_346 = arith.muli %parallel_loop3A_173, %parallel_loop3A_345 : i32
        %parallel_loop3A_347 = arith.constant 11 : i32
        %parallel_loop3A_348 = arith.index_cast %parallel_loop3A_347 : i32 to index
        %parallel_loop3A_349 = arith.index_cast %parallel_loop3A_346 : i32 to index
        %parallel_loop3A_350 = tpu.vector_load %arg4[%parallel_loop3A_348, %parallel_loop3A_349] {strides = array<i32>} : memref<32x256xf32, #tpu.memory_space<vmem>>, vector<16xf32>,
        %parallel_loop3A_351 = arith.constant 16 : i32
        %parallel_loop3A_352 = arith.muli %parallel_loop3A_173, %parallel_loop3A_351 : i32
        %parallel_loop3A_353 = arith.constant 27 : i32
        %parallel_loop3A_354 = arith.index_cast %parallel_loop3A_353 : i32 to index
        %parallel_loop3A_355 = arith.index_cast %parallel_loop3A_352 : i32 to index
        %parallel_loop3A_356 = tpu.vector_load %arg4[%parallel_loop3A_354, %parallel_loop3A_355] {strides = array<i32>} : memref<32x256xf32, #tpu.memory_space<vmem>>, vector<16xf32>,
        %parallel_loop3A_357 = tpu.pack_subelements %parallel_loop3A_350, %parallel_loop3A_356 {pack_format = #tpu.pack_format<interleaved>, positions = array<i32: 0, 1>} : vector<16xf32>, vector<16xf32> -> vector<32xbf16>
        %parallel_loop3A_358 = arith.addi %parallel_loop3A_179, %add3A_72 : vector<16xi32>
        %parallel_loop3A_359 = vector.bitcast %parallel_loop3A_357 : vector<32xbf16> to vector<16xi32>
        tpu.vector_store_idx %arg6[%parallel_loop3A_358], %parallel_loop3A_359 : memref<4096xi32, #tpu.memory_space<vmem>>[vector<16xi32>], vector<16xi32>,
        %parallel_loop3A_360 = arith.constant 16 : i32
        %parallel_loop3A_361 = arith.muli %parallel_loop3A_173, %parallel_loop3A_360 : i32
        %parallel_loop3A_362 = arith.constant 12 : i32
        %parallel_loop3A_363 = arith.index_cast %parallel_loop3A_362 : i32 to index
        %parallel_loop3A_364 = arith.index_cast %parallel_loop3A_361 : i32 to index
        %parallel_loop3A_365 = tpu.vector_load %arg4[%parallel_loop3A_363, %parallel_loop3A_364] {strides = array<i32>} : memref<32x256xf32, #tpu.memory_space<vmem>>, vector<16xf32>,
        %parallel_loop3A_366 = arith.constant 16 : i32
        %parallel_loop3A_367 = arith.muli %parallel_loop3A_173, %parallel_loop3A_366 : i32
        %parallel_loop3A_368 = arith.constant 28 : i32
        %parallel_loop3A_369 = arith.index_cast %parallel_loop3A_368 : i32 to index
        %parallel_loop3A_370 = arith.index_cast %parallel_loop3A_367 : i32 to index
        %parallel_loop3A_371 = tpu.vector_load %arg4[%parallel_loop3A_369, %parallel_loop3A_370] {strides = array<i32>} : memref<32x256xf32, #tpu.memory_space<vmem>>, vector<16xf32>,
        %parallel_loop3A_372 = tpu.pack_subelements %parallel_loop3A_365, %parallel_loop3A_371 {pack_format = #tpu.pack_format<interleaved>, positions = array<i32: 0, 1>} : vector<16xf32>, vector<16xf32> -> vector<32xbf16>
        %parallel_loop3A_373 = arith.addi %parallel_loop3A_179, %add3A_78 : vector<16xi32>
        %parallel_loop3A_374 = vector.bitcast %parallel_loop3A_372 : vector<32xbf16> to vector<16xi32>
        tpu.vector_store_idx %arg6[%parallel_loop3A_373], %parallel_loop3A_374 : memref<4096xi32, #tpu.memory_space<vmem>>[vector<16xi32>], vector<16xi32>,
        %parallel_loop3A_375 = arith.constant 16 : i32
        %parallel_loop3A_376 = arith.muli %parallel_loop3A_173, %parallel_loop3A_375 : i32
        %parallel_loop3A_377 = arith.constant 13 : i32
        %parallel_loop3A_378 = arith.index_cast %parallel_loop3A_377 : i32 to index
        %parallel_loop3A_379 = arith.index_cast %parallel_loop3A_376 : i32 to index
        %parallel_loop3A_380 = tpu.vector_load %arg4[%parallel_loop3A_378, %parallel_loop3A_379] {strides = array<i32>} : memref<32x256xf32, #tpu.memory_space<vmem>>, vector<16xf32>,
        %parallel_loop3A_381 = arith.constant 16 : i32
        %parallel_loop3A_382 = arith.muli %parallel_loop3A_173, %parallel_loop3A_381 : i32
        %parallel_loop3A_383 = arith.constant 29 : i32
        %parallel_loop3A_384 = arith.index_cast %parallel_loop3A_383 : i32 to index
        %parallel_loop3A_385 = arith.index_cast %parallel_loop3A_382 : i32 to index
        %parallel_loop3A_386 = tpu.vector_load %arg4[%parallel_loop3A_384, %parallel_loop3A_385] {strides = array<i32>} : memref<32x256xf32, #tpu.memory_space<vmem>>, vector<16xf32>,
        %parallel_loop3A_387 = tpu.pack_subelements %parallel_loop3A_380, %parallel_loop3A_386 {pack_format = #tpu.pack_format<interleaved>, positions = array<i32: 0, 1>} : vector<16xf32>, vector<16xf32> -> vector<32xbf16>
        %parallel_loop3A_388 = arith.addi %parallel_loop3A_179, %add3A_84 : vector<16xi32>
        %parallel_loop3A_389 = vector.bitcast %parallel_loop3A_387 : vector<32xbf16> to vector<16xi32>
        tpu.vector_store_idx %arg6[%parallel_loop3A_388], %parallel_loop3A_389 : memref<4096xi32, #tpu.memory_space<vmem>>[vector<16xi32>], vector<16xi32>,
        %parallel_loop3A_390 = arith.constant 16 : i32
        %parallel_loop3A_391 = arith.muli %parallel_loop3A_173, %parallel_loop3A_390 : i32
        %parallel_loop3A_392 = arith.constant 14 : i32
        %parallel_loop3A_393 = arith.index_cast %parallel_loop3A_392 : i32 to index
        %parallel_loop3A_394 = arith.index_cast %parallel_loop3A_391 : i32 to index
        %parallel_loop3A_395 = tpu.vector_load %arg4[%parallel_loop3A_393, %parallel_loop3A_394] {strides = array<i32>} : memref<32x256xf32, #tpu.memory_space<vmem>>, vector<16xf32>,
        %parallel_loop3A_396 = arith.constant 16 : i32
        %parallel_loop3A_397 = arith.muli %parallel_loop3A_173, %parallel_loop3A_396 : i32
        %parallel_loop3A_398 = arith.constant 30 : i32
        %parallel_loop3A_399 = arith.index_cast %parallel_loop3A_398 : i32 to index
        %parallel_loop3A_400 = arith.index_cast %parallel_loop3A_397 : i32 to index
        %parallel_loop3A_401 = tpu.vector_load %arg4[%parallel_loop3A_399, %parallel_loop3A_400] {strides = array<i32>} : memref<32x256xf32, #tpu.memory_space<vmem>>, vector<16xf32>,
        %parallel_loop3A_402 = tpu.pack_subelements %parallel_loop3A_395, %parallel_loop3A_401 {pack_format = #tpu.pack_format<interleaved>, positions = array<i32: 0, 1>} : vector<16xf32>, vector<16xf32> -> vector<32xbf16>
        %parallel_loop3A_403 = arith.addi %parallel_loop3A_179, %add3A_90 : vector<16xi32>
        %parallel_loop3A_404 = vector.bitcast %parallel_loop3A_402 : vector<32xbf16> to vector<16xi32>
        tpu.vector_store_idx %arg6[%parallel_loop3A_403], %parallel_loop3A_404 : memref<4096xi32, #tpu.memory_space<vmem>>[vector<16xi32>], vector<16xi32>,
        %parallel_loop3A_405 = arith.constant 16 : i32
        %parallel_loop3A_406 = arith.muli %parallel_loop3A_173, %parallel_loop3A_405 : i32
        %parallel_loop3A_407 = arith.constant 15 : i32
        %parallel_loop3A_408 = arith.index_cast %parallel_loop3A_407 : i32 to index
        %parallel_loop3A_409 = arith.index_cast %parallel_loop3A_406 : i32 to index
        %parallel_loop3A_410 = tpu.vector_load %arg4[%parallel_loop3A_408, %parallel_loop3A_409] {strides = array<i32>} : memref<32x256xf32, #tpu.memory_space<vmem>>, vector<16xf32>,
        %parallel_loop3A_411 = arith.constant 16 : i32
        %parallel_loop3A_412 = arith.muli %parallel_loop3A_173, %parallel_loop3A_411 : i32
        %parallel_loop3A_413 = arith.constant 31 : i32
        %parallel_loop3A_414 = arith.index_cast %parallel_loop3A_413 : i32 to index
        %parallel_loop3A_415 = arith.index_cast %parallel_loop3A_412 : i32 to index
        %parallel_loop3A_416 = tpu.vector_load %arg4[%parallel_loop3A_414, %parallel_loop3A_415] {strides = array<i32>} : memref<32x256xf32, #tpu.memory_space<vmem>>, vector<16xf32>,
        %parallel_loop3A_417 = tpu.pack_subelements %parallel_loop3A_410, %parallel_loop3A_416 {pack_format = #tpu.pack_format<interleaved>, positions = array<i32: 0, 1>} : vector<16xf32>, vector<16xf32> -> vector<32xbf16>
        %parallel_loop3A_418 = arith.addi %parallel_loop3A_179, %add3A_96 : vector<16xi32>
        %parallel_loop3A_419 = vector.bitcast %parallel_loop3A_417 : vector<32xbf16> to vector<16xi32>
        tpu.vector_store_idx %arg6[%parallel_loop3A_418], %parallel_loop3A_419 : memref<4096xi32, #tpu.memory_space<vmem>>[vector<16xi32>], vector<16xi32>,
      } {sc.loop_unroll_factor = 2 : i64, sc.parallel_access}
      %mul3A_146 = arith.constant 4096 : i32
      %mul3A_147 = arith.muli %add3A_125, %mul3A_146 : i32
      %dma_start3A_148 = tpu.memref_slice %arg3[%mul3A_147] : memref<16000000xi32, #tpu.memory_space<hbm>> -> memref<4096xi32, #tpu.memory_space<hbm>>
      %dma_start3A_149 = tpu.memref_slice %arg3[%mul3A_147] : memref<16000000xi32, #tpu.memory_space<hbm>> -> memref<4096xi32, #tpu.memory_space<hbm>>
      tpu.enqueue_dma source(%arg6 : memref<4096xi32, #tpu.memory_space<vmem>>) target(%dma_start3A_149 : memref<4096xi32, #tpu.memory_space<hbm>>) target_semaphore(%arg11 : memref<!tpu.dma_semaphore, #tpu.memory_space<semaphore_mem>>)
      %lt3A_150 = arith.constant 60 : i32
      %lt3A_151 = arith.cmpi slt, %scan3A_120, %lt3A_150 : i32
      %convert_element_type3A_152 = arith.extui %lt3A_151 : i1 to i32
      %cond3A_153 = arith.constant 0 : i32
      %cond3A_154 = arith.cmpi ne, %convert_element_type3A_152, %cond3A_153 : i32
      scf.if %cond3A_154 {
        %mul3A_173 = arith.constant 2 : i32
        %mul3A_174 = arith.muli %mul3A_173, %scan3A_120 : i32
        %add3A_175 = arith.constant 2 : i32
        %add3A_176 = arith.addi %mul3A_174, %add3A_175 : i32
        %mul3A_177 = arith.constant 32 : i32
        %mul3A_178 = arith.muli %add3A_176, %mul3A_177 : i32
        %add3A_179 = arith.addi %add3A, %mul3A_178 : i32
        %mul3A_180 = arith.constant 256 : i32
        %mul3A_181 = arith.muli %add3A_179, %mul3A_180 : i32
        %dma_start3A_182 = arith.constant 0 : i32
        %dma_start3A_183 = tpu.memref_slice %arg2[%dma_start3A_182, %mul3A_181] : memref<32x1000000xf32, #tpu.memory_space<hbm>> -> memref<32x256xf32, #tpu.memory_space<hbm>>
        %dma_start3A_184 = arith.constant 0 : i32
        %dma_start3A_185 = tpu.memref_slice %arg2[%dma_start3A_184, %mul3A_181] : memref<32x1000000xf32, #tpu.memory_space<hbm>> -> memref<32x256xf32, #tpu.memory_space<hbm>>
        tpu.enqueue_dma source(%dma_start3A_185 : memref<32x256xf32, #tpu.memory_space<hbm>>) target(%arg4 : memref<32x256xf32, #tpu.memory_space<vmem>>) target_semaphore(%arg9 : memref<!tpu.dma_semaphore, #tpu.memory_space<semaphore_mem>>)
      } else {
      }
      %mul3A_155 = arith.constant 256 : i32
      %mul3A_156 = arith.muli %add3A_127, %mul3A_155 : i32
      %dma_wait3A_157 = arith.constant 0 : i32
      %dma_wait3A_158 = tpu.memref_slice %arg2[%dma_wait3A_157, %mul3A_156] : memref<32x1000000xf32, #tpu.memory_space<hbm>> -> memref<32x256xf32, #tpu.memory_space<hbm>>
      %dma_wait3A_159 = arith.constant 0 : i32
      %dma_wait3A_160 = tpu.memref_slice %arg2[%dma_wait3A_159, %mul3A_156] : memref<32x1000000xf32, #tpu.memory_space<hbm>> -> memref<32x256xf32, #tpu.memory_space<hbm>>
      tpu.wait_dma2 semaphore(%arg10 : memref<!tpu.dma_semaphore, #tpu.memory_space<semaphore_mem>>) src(%dma_wait3A_160 : memref<32x256xf32, #tpu.memory_space<hbm>>) dst(%arg5 : memref<32x256xf32, #tpu.memory_space<vmem>>)
      %gt3A_161 = arith.constant 0 : i32
      %gt3A_162 = arith.cmpi sgt, %scan3A_120, %gt3A_161 : i32
      %convert_element_type3A_163 = arith.extui %gt3A_162 : i1 to i32
      %cond3A_164 = arith.constant 0 : i32
      %cond3A_165 = arith.cmpi ne, %convert_element_type3A_163, %cond3A_164 : i32
      scf.if %cond3A_165 {
        %mul3A_173 = arith.constant 4096 : i32
        %mul3A_174 = arith.muli %add3A_127, %mul3A_173 : i32
        %dma_wait3A_175 = tpu.memref_slice %arg3[%mul3A_174] : memref<16000000xi32, #tpu.memory_space<hbm>> -> memref<4096xi32, #tpu.memory_space<hbm>>
        %dma_wait3A_176 = tpu.memref_slice %arg3[%mul3A_174] : memref<16000000xi32, #tpu.memory_space<hbm>> -> memref<4096xi32, #tpu.memory_space<hbm>>
        tpu.wait_dma2 semaphore(%arg12 : memref<!tpu.dma_semaphore, #tpu.memory_space<semaphore_mem>>) src(%arg7 : memref<4096xi32, #tpu.memory_space<vmem>>) dst(%dma_wait3A_176 : memref<4096xi32, #tpu.memory_space<hbm>>)
      } else {
      }
      %parallel_loop3A_166 = arith.constant 0 : i32
      %parallel_loop3A_167 = arith.constant 16 : i32
      %parallel_loop3A_168 = arith.constant 1 : i32
      scf.for %parallel_loop3A_173 = %parallel_loop3A_166 to %parallel_loop3A_167 step %parallel_loop3A_168  : i32 {
        %parallel_loop3A_174 = arith.constant 0 : i32
        %parallel_loop3A_175 = vector.broadcast %parallel_loop3A_174 : i32 to vector<16xi32>
        %parallel_loop3A_176 = arith.constant 256 : i32
        %parallel_loop3A_177 = arith.muli %parallel_loop3A_173, %parallel_loop3A_176 : i32
        %parallel_loop3A_178 = vector.broadcast %parallel_loop3A_177 : i32 to vector<16xi32>
        %parallel_loop3A_179 = arith.addi %parallel_loop3A_175, %parallel_loop3A_178 : vector<16xi32>
        %parallel_loop3A_180 = arith.constant 16 : i32
        %parallel_loop3A_181 = arith.muli %parallel_loop3A_173, %parallel_loop3A_180 : i32
        %parallel_loop3A_182 = arith.constant 0 : i32
        %parallel_loop3A_183 = arith.index_cast %parallel_loop3A_182 : i32 to index
        %parallel_loop3A_184 = arith.index_cast %parallel_loop3A_181 : i32 to index
        %parallel_loop3A_185 = tpu.vector_load %arg5[%parallel_loop3A_183, %parallel_loop3A_184] {strides = array<i32>} : memref<32x256xf32, #tpu.memory_space<vmem>>, vector<16xf32>,
        %parallel_loop3A_186 = arith.constant 16 : i32
        %parallel_loop3A_187 = arith.muli %parallel_loop3A_173, %parallel_loop3A_186 : i32
        %parallel_loop3A_188 = arith.constant 16 : i32
        %parallel_loop3A_189 = arith.index_cast %parallel_loop3A_188 : i32 to index
        %parallel_loop3A_190 = arith.index_cast %parallel_loop3A_187 : i32 to index
        %parallel_loop3A_191 = tpu.vector_load %arg5[%parallel_loop3A_189, %parallel_loop3A_190] {strides = array<i32>} : memref<32x256xf32, #tpu.memory_space<vmem>>, vector<16xf32>,
        %parallel_loop3A_192 = tpu.pack_subelements %parallel_loop3A_185, %parallel_loop3A_191 {pack_format = #tpu.pack_format<interleaved>, positions = array<i32: 0, 1>} : vector<16xf32>, vector<16xf32> -> vector<32xbf16>
        %parallel_loop3A_193 = arith.addi %parallel_loop3A_179, %add3A_6 : vector<16xi32>
        %parallel_loop3A_194 = vector.bitcast %parallel_loop3A_192 : vector<32xbf16> to vector<16xi32>
        tpu.vector_store_idx %arg7[%parallel_loop3A_193], %parallel_loop3A_194 : memref<4096xi32, #tpu.memory_space<vmem>>[vector<16xi32>], vector<16xi32>,
        %parallel_loop3A_195 = arith.constant 16 : i32
        %parallel_loop3A_196 = arith.muli %parallel_loop3A_173, %parallel_loop3A_195 : i32
        %parallel_loop3A_197 = arith.constant 1 : i32
        %parallel_loop3A_198 = arith.index_cast %parallel_loop3A_197 : i32 to index
        %parallel_loop3A_199 = arith.index_cast %parallel_loop3A_196 : i32 to index
        %parallel_loop3A_200 = tpu.vector_load %arg5[%parallel_loop3A_198, %parallel_loop3A_199] {strides = array<i32>} : memref<32x256xf32, #tpu.memory_space<vmem>>, vector<16xf32>,
        %parallel_loop3A_201 = arith.constant 16 : i32
        %parallel_loop3A_202 = arith.muli %parallel_loop3A_173, %parallel_loop3A_201 : i32
        %parallel_loop3A_203 = arith.constant 17 : i32
        %parallel_loop3A_204 = arith.index_cast %parallel_loop3A_203 : i32 to index
        %parallel_loop3A_205 = arith.index_cast %parallel_loop3A_202 : i32 to index
        %parallel_loop3A_206 = tpu.vector_load %arg5[%parallel_loop3A_204, %parallel_loop3A_205] {strides = array<i32>} : memref<32x256xf32, #tpu.memory_space<vmem>>, vector<16xf32>,
        %parallel_loop3A_207 = tpu.pack_subelements %parallel_loop3A_200, %parallel_loop3A_206 {pack_format = #tpu.pack_format<interleaved>, positions = array<i32: 0, 1>} : vector<16xf32>, vector<16xf32> -> vector<32xbf16>
        %parallel_loop3A_208 = arith.addi %parallel_loop3A_179, %add3A_12 : vector<16xi32>
        %parallel_loop3A_209 = vector.bitcast %parallel_loop3A_207 : vector<32xbf16> to vector<16xi32>
        tpu.vector_store_idx %arg7[%parallel_loop3A_208], %parallel_loop3A_209 : memref<4096xi32, #tpu.memory_space<vmem>>[vector<16xi32>], vector<16xi32>,
        %parallel_loop3A_210 = arith.constant 16 : i32
        %parallel_loop3A_211 = arith.muli %parallel_loop3A_173, %parallel_loop3A_210 : i32
        %parallel_loop3A_212 = arith.constant 2 : i32
        %parallel_loop3A_213 = arith.index_cast %parallel_loop3A_212 : i32 to index
        %parallel_loop3A_214 = arith.index_cast %parallel_loop3A_211 : i32 to index
        %parallel_loop3A_215 = tpu.vector_load %arg5[%parallel_loop3A_213, %parallel_loop3A_214] {strides = array<i32>} : memref<32x256xf32, #tpu.memory_space<vmem>>, vector<16xf32>,
        %parallel_loop3A_216 = arith.constant 16 : i32
        %parallel_loop3A_217 = arith.muli %parallel_loop3A_173, %parallel_loop3A_216 : i32
        %parallel_loop3A_218 = arith.constant 18 : i32
        %parallel_loop3A_219 = arith.index_cast %parallel_loop3A_218 : i32 to index
        %parallel_loop3A_220 = arith.index_cast %parallel_loop3A_217 : i32 to index
        %parallel_loop3A_221 = tpu.vector_load %arg5[%parallel_loop3A_219, %parallel_loop3A_220] {strides = array<i32>} : memref<32x256xf32, #tpu.memory_space<vmem>>, vector<16xf32>,
        %parallel_loop3A_222 = tpu.pack_subelements %parallel_loop3A_215, %parallel_loop3A_221 {pack_format = #tpu.pack_format<interleaved>, positions = array<i32: 0, 1>} : vector<16xf32>, vector<16xf32> -> vector<32xbf16>
        %parallel_loop3A_223 = arith.addi %parallel_loop3A_179, %add3A_18 : vector<16xi32>
        %parallel_loop3A_224 = vector.bitcast %parallel_loop3A_222 : vector<32xbf16> to vector<16xi32>
        tpu.vector_store_idx %arg7[%parallel_loop3A_223], %parallel_loop3A_224 : memref<4096xi32, #tpu.memory_space<vmem>>[vector<16xi32>], vector<16xi32>,
        %parallel_loop3A_225 = arith.constant 16 : i32
        %parallel_loop3A_226 = arith.muli %parallel_loop3A_173, %parallel_loop3A_225 : i32
        %parallel_loop3A_227 = arith.constant 3 : i32
        %parallel_loop3A_228 = arith.index_cast %parallel_loop3A_227 : i32 to index
        %parallel_loop3A_229 = arith.index_cast %parallel_loop3A_226 : i32 to index
        %parallel_loop3A_230 = tpu.vector_load %arg5[%parallel_loop3A_228, %parallel_loop3A_229] {strides = array<i32>} : memref<32x256xf32, #tpu.memory_space<vmem>>, vector<16xf32>,
        %parallel_loop3A_231 = arith.constant 16 : i32
        %parallel_loop3A_232 = arith.muli %parallel_loop3A_173, %parallel_loop3A_231 : i32
        %parallel_loop3A_233 = arith.constant 19 : i32
        %parallel_loop3A_234 = arith.index_cast %parallel_loop3A_233 : i32 to index
        %parallel_loop3A_235 = arith.index_cast %parallel_loop3A_232 : i32 to index
        %parallel_loop3A_236 = tpu.vector_load %arg5[%parallel_loop3A_234, %parallel_loop3A_235] {strides = array<i32>} : memref<32x256xf32, #tpu.memory_space<vmem>>, vector<16xf32>,
        %parallel_loop3A_237 = tpu.pack_subelements %parallel_loop3A_230, %parallel_loop3A_236 {pack_format = #tpu.pack_format<interleaved>, positions = array<i32: 0, 1>} : vector<16xf32>, vector<16xf32> -> vector<32xbf16>
        %parallel_loop3A_238 = arith.addi %parallel_loop3A_179, %add3A_24 : vector<16xi32>
        %parallel_loop3A_239 = vector.bitcast %parallel_loop3A_237 : vector<32xbf16> to vector<16xi32>
        tpu.vector_store_idx %arg7[%parallel_loop3A_238], %parallel_loop3A_239 : memref<4096xi32, #tpu.memory_space<vmem>>[vector<16xi32>], vector<16xi32>,
        %parallel_loop3A_240 = arith.constant 16 : i32
        %parallel_loop3A_241 = arith.muli %parallel_loop3A_173, %parallel_loop3A_240 : i32
        %parallel_loop3A_242 = arith.constant 4 : i32
        %parallel_loop3A_243 = arith.index_cast %parallel_loop3A_242 : i32 to index
        %parallel_loop3A_244 = arith.index_cast %parallel_loop3A_241 : i32 to index
        %parallel_loop3A_245 = tpu.vector_load %arg5[%parallel_loop3A_243, %parallel_loop3A_244] {strides = array<i32>} : memref<32x256xf32, #tpu.memory_space<vmem>>, vector<16xf32>,
        %parallel_loop3A_246 = arith.constant 16 : i32
        %parallel_loop3A_247 = arith.muli %parallel_loop3A_173, %parallel_loop3A_246 : i32
        %parallel_loop3A_248 = arith.constant 20 : i32
        %parallel_loop3A_249 = arith.index_cast %parallel_loop3A_248 : i32 to index
        %parallel_loop3A_250 = arith.index_cast %parallel_loop3A_247 : i32 to index
        %parallel_loop3A_251 = tpu.vector_load %arg5[%parallel_loop3A_249, %parallel_loop3A_250] {strides = array<i32>} : memref<32x256xf32, #tpu.memory_space<vmem>>, vector<16xf32>,
        %parallel_loop3A_252 = tpu.pack_subelements %parallel_loop3A_245, %parallel_loop3A_251 {pack_format = #tpu.pack_format<interleaved>, positions = array<i32: 0, 1>} : vector<16xf32>, vector<16xf32> -> vector<32xbf16>
        %parallel_loop3A_253 = arith.addi %parallel_loop3A_179, %add3A_30 : vector<16xi32>
        %parallel_loop3A_254 = vector.bitcast %parallel_loop3A_252 : vector<32xbf16> to vector<16xi32>
        tpu.vector_store_idx %arg7[%parallel_loop3A_253], %parallel_loop3A_254 : memref<4096xi32, #tpu.memory_space<vmem>>[vector<16xi32>], vector<16xi32>,
        %parallel_loop3A_255 = arith.constant 16 : i32
        %parallel_loop3A_256 = arith.muli %parallel_loop3A_173, %parallel_loop3A_255 : i32
        %parallel_loop3A_257 = arith.constant 5 : i32
        %parallel_loop3A_258 = arith.index_cast %parallel_loop3A_257 : i32 to index
        %parallel_loop3A_259 = arith.index_cast %parallel_loop3A_256 : i32 to index
        %parallel_loop3A_260 = tpu.vector_load %arg5[%parallel_loop3A_258, %parallel_loop3A_259] {strides = array<i32>} : memref<32x256xf32, #tpu.memory_space<vmem>>, vector<16xf32>,
        %parallel_loop3A_261 = arith.constant 16 : i32
        %parallel_loop3A_262 = arith.muli %parallel_loop3A_173, %parallel_loop3A_261 : i32
        %parallel_loop3A_263 = arith.constant 21 : i32
        %parallel_loop3A_264 = arith.index_cast %parallel_loop3A_263 : i32 to index
        %parallel_loop3A_265 = arith.index_cast %parallel_loop3A_262 : i32 to index
        %parallel_loop3A_266 = tpu.vector_load %arg5[%parallel_loop3A_264, %parallel_loop3A_265] {strides = array<i32>} : memref<32x256xf32, #tpu.memory_space<vmem>>, vector<16xf32>,
        %parallel_loop3A_267 = tpu.pack_subelements %parallel_loop3A_260, %parallel_loop3A_266 {pack_format = #tpu.pack_format<interleaved>, positions = array<i32: 0, 1>} : vector<16xf32>, vector<16xf32> -> vector<32xbf16>
        %parallel_loop3A_268 = arith.addi %parallel_loop3A_179, %add3A_36 : vector<16xi32>
        %parallel_loop3A_269 = vector.bitcast %parallel_loop3A_267 : vector<32xbf16> to vector<16xi32>
        tpu.vector_store_idx %arg7[%parallel_loop3A_268], %parallel_loop3A_269 : memref<4096xi32, #tpu.memory_space<vmem>>[vector<16xi32>], vector<16xi32>,
        %parallel_loop3A_270 = arith.constant 16 : i32
        %parallel_loop3A_271 = arith.muli %parallel_loop3A_173, %parallel_loop3A_270 : i32
        %parallel_loop3A_272 = arith.constant 6 : i32
        %parallel_loop3A_273 = arith.index_cast %parallel_loop3A_272 : i32 to index
        %parallel_loop3A_274 = arith.index_cast %parallel_loop3A_271 : i32 to index
        %parallel_loop3A_275 = tpu.vector_load %arg5[%parallel_loop3A_273, %parallel_loop3A_274] {strides = array<i32>} : memref<32x256xf32, #tpu.memory_space<vmem>>, vector<16xf32>,
        %parallel_loop3A_276 = arith.constant 16 : i32
        %parallel_loop3A_277 = arith.muli %parallel_loop3A_173, %parallel_loop3A_276 : i32
        %parallel_loop3A_278 = arith.constant 22 : i32
        %parallel_loop3A_279 = arith.index_cast %parallel_loop3A_278 : i32 to index
        %parallel_loop3A_280 = arith.index_cast %parallel_loop3A_277 : i32 to index
        %parallel_loop3A_281 = tpu.vector_load %arg5[%parallel_loop3A_279, %parallel_loop3A_280] {strides = array<i32>} : memref<32x256xf32, #tpu.memory_space<vmem>>, vector<16xf32>,
        %parallel_loop3A_282 = tpu.pack_subelements %parallel_loop3A_275, %parallel_loop3A_281 {pack_format = #tpu.pack_format<interleaved>, positions = array<i32: 0, 1>} : vector<16xf32>, vector<16xf32> -> vector<32xbf16>
        %parallel_loop3A_283 = arith.addi %parallel_loop3A_179, %add3A_42 : vector<16xi32>
        %parallel_loop3A_284 = vector.bitcast %parallel_loop3A_282 : vector<32xbf16> to vector<16xi32>
        tpu.vector_store_idx %arg7[%parallel_loop3A_283], %parallel_loop3A_284 : memref<4096xi32, #tpu.memory_space<vmem>>[vector<16xi32>], vector<16xi32>,
        %parallel_loop3A_285 = arith.constant 16 : i32
        %parallel_loop3A_286 = arith.muli %parallel_loop3A_173, %parallel_loop3A_285 : i32
        %parallel_loop3A_287 = arith.constant 7 : i32
        %parallel_loop3A_288 = arith.index_cast %parallel_loop3A_287 : i32 to index
        %parallel_loop3A_289 = arith.index_cast %parallel_loop3A_286 : i32 to index
        %parallel_loop3A_290 = tpu.vector_load %arg5[%parallel_loop3A_288, %parallel_loop3A_289] {strides = array<i32>} : memref<32x256xf32, #tpu.memory_space<vmem>>, vector<16xf32>,
        %parallel_loop3A_291 = arith.constant 16 : i32
        %parallel_loop3A_292 = arith.muli %parallel_loop3A_173, %parallel_loop3A_291 : i32
        %parallel_loop3A_293 = arith.constant 23 : i32
        %parallel_loop3A_294 = arith.index_cast %parallel_loop3A_293 : i32 to index
        %parallel_loop3A_295 = arith.index_cast %parallel_loop3A_292 : i32 to index
        %parallel_loop3A_296 = tpu.vector_load %arg5[%parallel_loop3A_294, %parallel_loop3A_295] {strides = array<i32>} : memref<32x256xf32, #tpu.memory_space<vmem>>, vector<16xf32>,
        %parallel_loop3A_297 = tpu.pack_subelements %parallel_loop3A_290, %parallel_loop3A_296 {pack_format = #tpu.pack_format<interleaved>, positions = array<i32: 0, 1>} : vector<16xf32>, vector<16xf32> -> vector<32xbf16>
        %parallel_loop3A_298 = arith.addi %parallel_loop3A_179, %add3A_48 : vector<16xi32>
        %parallel_loop3A_299 = vector.bitcast %parallel_loop3A_297 : vector<32xbf16> to vector<16xi32>
        tpu.vector_store_idx %arg7[%parallel_loop3A_298], %parallel_loop3A_299 : memref<4096xi32, #tpu.memory_space<vmem>>[vector<16xi32>], vector<16xi32>,
        %parallel_loop3A_300 = arith.constant 16 : i32
        %parallel_loop3A_301 = arith.muli %parallel_loop3A_173, %parallel_loop3A_300 : i32
        %parallel_loop3A_302 = arith.constant 8 : i32
        %parallel_loop3A_303 = arith.index_cast %parallel_loop3A_302 : i32 to index
        %parallel_loop3A_304 = arith.index_cast %parallel_loop3A_301 : i32 to index
        %parallel_loop3A_305 = tpu.vector_load %arg5[%parallel_loop3A_303, %parallel_loop3A_304] {strides = array<i32>} : memref<32x256xf32, #tpu.memory_space<vmem>>, vector<16xf32>,
        %parallel_loop3A_306 = arith.constant 16 : i32
        %parallel_loop3A_307 = arith.muli %parallel_loop3A_173, %parallel_loop3A_306 : i32
        %parallel_loop3A_308 = arith.constant 24 : i32
        %parallel_loop3A_309 = arith.index_cast %parallel_loop3A_308 : i32 to index
        %parallel_loop3A_310 = arith.index_cast %parallel_loop3A_307 : i32 to index
        %parallel_loop3A_311 = tpu.vector_load %arg5[%parallel_loop3A_309, %parallel_loop3A_310] {strides = array<i32>} : memref<32x256xf32, #tpu.memory_space<vmem>>, vector<16xf32>,
        %parallel_loop3A_312 = tpu.pack_subelements %parallel_loop3A_305, %parallel_loop3A_311 {pack_format = #tpu.pack_format<interleaved>, positions = array<i32: 0, 1>} : vector<16xf32>, vector<16xf32> -> vector<32xbf16>
        %parallel_loop3A_313 = arith.addi %parallel_loop3A_179, %add3A_54 : vector<16xi32>
        %parallel_loop3A_314 = vector.bitcast %parallel_loop3A_312 : vector<32xbf16> to vector<16xi32>
        tpu.vector_store_idx %arg7[%parallel_loop3A_313], %parallel_loop3A_314 : memref<4096xi32, #tpu.memory_space<vmem>>[vector<16xi32>], vector<16xi32>,
        %parallel_loop3A_315 = arith.constant 16 : i32
        %parallel_loop3A_316 = arith.muli %parallel_loop3A_173, %parallel_loop3A_315 : i32
        %parallel_loop3A_317 = arith.constant 9 : i32
        %parallel_loop3A_318 = arith.index_cast %parallel_loop3A_317 : i32 to index
        %parallel_loop3A_319 = arith.index_cast %parallel_loop3A_316 : i32 to index
        %parallel_loop3A_320 = tpu.vector_load %arg5[%parallel_loop3A_318, %parallel_loop3A_319] {strides = array<i32>} : memref<32x256xf32, #tpu.memory_space<vmem>>, vector<16xf32>,
        %parallel_loop3A_321 = arith.constant 16 : i32
        %parallel_loop3A_322 = arith.muli %parallel_loop3A_173, %parallel_loop3A_321 : i32
        %parallel_loop3A_323 = arith.constant 25 : i32
        %parallel_loop3A_324 = arith.index_cast %parallel_loop3A_323 : i32 to index
        %parallel_loop3A_325 = arith.index_cast %parallel_loop3A_322 : i32 to index
        %parallel_loop3A_326 = tpu.vector_load %arg5[%parallel_loop3A_324, %parallel_loop3A_325] {strides = array<i32>} : memref<32x256xf32, #tpu.memory_space<vmem>>, vector<16xf32>,
        %parallel_loop3A_327 = tpu.pack_subelements %parallel_loop3A_320, %parallel_loop3A_326 {pack_format = #tpu.pack_format<interleaved>, positions = array<i32: 0, 1>} : vector<16xf32>, vector<16xf32> -> vector<32xbf16>
        %parallel_loop3A_328 = arith.addi %parallel_loop3A_179, %add3A_60 : vector<16xi32>
        %parallel_loop3A_329 = vector.bitcast %parallel_loop3A_327 : vector<32xbf16> to vector<16xi32>
        tpu.vector_store_idx %arg7[%parallel_loop3A_328], %parallel_loop3A_329 : memref<4096xi32, #tpu.memory_space<vmem>>[vector<16xi32>], vector<16xi32>,
        %parallel_loop3A_330 = arith.constant 16 : i32
        %parallel_loop3A_331 = arith.muli %parallel_loop3A_173, %parallel_loop3A_330 : i32
        %parallel_loop3A_332 = arith.constant 10 : i32
        %parallel_loop3A_333 = arith.index_cast %parallel_loop3A_332 : i32 to index
        %parallel_loop3A_334 = arith.index_cast %parallel_loop3A_331 : i32 to index
        %parallel_loop3A_335 = tpu.vector_load %arg5[%parallel_loop3A_333, %parallel_loop3A_334] {strides = array<i32>} : memref<32x256xf32, #tpu.memory_space<vmem>>, vector<16xf32>,
        %parallel_loop3A_336 = arith.constant 16 : i32
        %parallel_loop3A_337 = arith.muli %parallel_loop3A_173, %parallel_loop3A_336 : i32
        %parallel_loop3A_338 = arith.constant 26 : i32
        %parallel_loop3A_339 = arith.index_cast %parallel_loop3A_338 : i32 to index
        %parallel_loop3A_340 = arith.index_cast %parallel_loop3A_337 : i32 to index
        %parallel_loop3A_341 = tpu.vector_load %arg5[%parallel_loop3A_339, %parallel_loop3A_340] {strides = array<i32>} : memref<32x256xf32, #tpu.memory_space<vmem>>, vector<16xf32>,
        %parallel_loop3A_342 = tpu.pack_subelements %parallel_loop3A_335, %parallel_loop3A_341 {pack_format = #tpu.pack_format<interleaved>, positions = array<i32: 0, 1>} : vector<16xf32>, vector<16xf32> -> vector<32xbf16>
        %parallel_loop3A_343 = arith.addi %parallel_loop3A_179, %add3A_66 : vector<16xi32>
        %parallel_loop3A_344 = vector.bitcast %parallel_loop3A_342 : vector<32xbf16> to vector<16xi32>
        tpu.vector_store_idx %arg7[%parallel_loop3A_343], %parallel_loop3A_344 : memref<4096xi32, #tpu.memory_space<vmem>>[vector<16xi32>], vector<16xi32>,
        %parallel_loop3A_345 = arith.constant 16 : i32
        %parallel_loop3A_346 = arith.muli %parallel_loop3A_173, %parallel_loop3A_345 : i32
        %parallel_loop3A_347 = arith.constant 11 : i32
        %parallel_loop3A_348 = arith.index_cast %parallel_loop3A_347 : i32 to index
        %parallel_loop3A_349 = arith.index_cast %parallel_loop3A_346 : i32 to index
        %parallel_loop3A_350 = tpu.vector_load %arg5[%parallel_loop3A_348, %parallel_loop3A_349] {strides = array<i32>} : memref<32x256xf32, #tpu.memory_space<vmem>>, vector<16xf32>,
        %parallel_loop3A_351 = arith.constant 16 : i32
        %parallel_loop3A_352 = arith.muli %parallel_loop3A_173, %parallel_loop3A_351 : i32
        %parallel_loop3A_353 = arith.constant 27 : i32
        %parallel_loop3A_354 = arith.index_cast %parallel_loop3A_353 : i32 to index
        %parallel_loop3A_355 = arith.index_cast %parallel_loop3A_352 : i32 to index
        %parallel_loop3A_356 = tpu.vector_load %arg5[%parallel_loop3A_354, %parallel_loop3A_355] {strides = array<i32>} : memref<32x256xf32, #tpu.memory_space<vmem>>, vector<16xf32>,
        %parallel_loop3A_357 = tpu.pack_subelements %parallel_loop3A_350, %parallel_loop3A_356 {pack_format = #tpu.pack_format<interleaved>, positions = array<i32: 0, 1>} : vector<16xf32>, vector<16xf32> -> vector<32xbf16>
        %parallel_loop3A_358 = arith.addi %parallel_loop3A_179, %add3A_72 : vector<16xi32>
        %parallel_loop3A_359 = vector.bitcast %parallel_loop3A_357 : vector<32xbf16> to vector<16xi32>
        tpu.vector_store_idx %arg7[%parallel_loop3A_358], %parallel_loop3A_359 : memref<4096xi32, #tpu.memory_space<vmem>>[vector<16xi32>], vector<16xi32>,
        %parallel_loop3A_360 = arith.constant 16 : i32
        %parallel_loop3A_361 = arith.muli %parallel_loop3A_173, %parallel_loop3A_360 : i32
        %parallel_loop3A_362 = arith.constant 12 : i32
        %parallel_loop3A_363 = arith.index_cast %parallel_loop3A_362 : i32 to index
        %parallel_loop3A_364 = arith.index_cast %parallel_loop3A_361 : i32 to index
        %parallel_loop3A_365 = tpu.vector_load %arg5[%parallel_loop3A_363, %parallel_loop3A_364] {strides = array<i32>} : memref<32x256xf32, #tpu.memory_space<vmem>>, vector<16xf32>,
        %parallel_loop3A_366 = arith.constant 16 : i32
        %parallel_loop3A_367 = arith.muli %parallel_loop3A_173, %parallel_loop3A_366 : i32
        %parallel_loop3A_368 = arith.constant 28 : i32
        %parallel_loop3A_369 = arith.index_cast %parallel_loop3A_368 : i32 to index
        %parallel_loop3A_370 = arith.index_cast %parallel_loop3A_367 : i32 to index
        %parallel_loop3A_371 = tpu.vector_load %arg5[%parallel_loop3A_369, %parallel_loop3A_370] {strides = array<i32>} : memref<32x256xf32, #tpu.memory_space<vmem>>, vector<16xf32>,
        %parallel_loop3A_372 = tpu.pack_subelements %parallel_loop3A_365, %parallel_loop3A_371 {pack_format = #tpu.pack_format<interleaved>, positions = array<i32: 0, 1>} : vector<16xf32>, vector<16xf32> -> vector<32xbf16>
        %parallel_loop3A_373 = arith.addi %parallel_loop3A_179, %add3A_78 : vector<16xi32>
        %parallel_loop3A_374 = vector.bitcast %parallel_loop3A_372 : vector<32xbf16> to vector<16xi32>
        tpu.vector_store_idx %arg7[%parallel_loop3A_373], %parallel_loop3A_374 : memref<4096xi32, #tpu.memory_space<vmem>>[vector<16xi32>], vector<16xi32>,
        %parallel_loop3A_375 = arith.constant 16 : i32
        %parallel_loop3A_376 = arith.muli %parallel_loop3A_173, %parallel_loop3A_375 : i32
        %parallel_loop3A_377 = arith.constant 13 : i32
        %parallel_loop3A_378 = arith.index_cast %parallel_loop3A_377 : i32 to index
        %parallel_loop3A_379 = arith.index_cast %parallel_loop3A_376 : i32 to index
        %parallel_loop3A_380 = tpu.vector_load %arg5[%parallel_loop3A_378, %parallel_loop3A_379] {strides = array<i32>} : memref<32x256xf32, #tpu.memory_space<vmem>>, vector<16xf32>,
        %parallel_loop3A_381 = arith.constant 16 : i32
        %parallel_loop3A_382 = arith.muli %parallel_loop3A_173, %parallel_loop3A_381 : i32
        %parallel_loop3A_383 = arith.constant 29 : i32
        %parallel_loop3A_384 = arith.index_cast %parallel_loop3A_383 : i32 to index
        %parallel_loop3A_385 = arith.index_cast %parallel_loop3A_382 : i32 to index
        %parallel_loop3A_386 = tpu.vector_load %arg5[%parallel_loop3A_384, %parallel_loop3A_385] {strides = array<i32>} : memref<32x256xf32, #tpu.memory_space<vmem>>, vector<16xf32>,
        %parallel_loop3A_387 = tpu.pack_subelements %parallel_loop3A_380, %parallel_loop3A_386 {pack_format = #tpu.pack_format<interleaved>, positions = array<i32: 0, 1>} : vector<16xf32>, vector<16xf32> -> vector<32xbf16>
        %parallel_loop3A_388 = arith.addi %parallel_loop3A_179, %add3A_84 : vector<16xi32>
        %parallel_loop3A_389 = vector.bitcast %parallel_loop3A_387 : vector<32xbf16> to vector<16xi32>
        tpu.vector_store_idx %arg7[%parallel_loop3A_388], %parallel_loop3A_389 : memref<4096xi32, #tpu.memory_space<vmem>>[vector<16xi32>], vector<16xi32>,
        %parallel_loop3A_390 = arith.constant 16 : i32
        %parallel_loop3A_391 = arith.muli %parallel_loop3A_173, %parallel_loop3A_390 : i32
        %parallel_loop3A_392 = arith.constant 14 : i32
        %parallel_loop3A_393 = arith.index_cast %parallel_loop3A_392 : i32 to index
        %parallel_loop3A_394 = arith.index_cast %parallel_loop3A_391 : i32 to index
        %parallel_loop3A_395 = tpu.vector_load %arg5[%parallel_loop3A_393, %parallel_loop3A_394] {strides = array<i32>} : memref<32x256xf32, #tpu.memory_space<vmem>>, vector<16xf32>,
        %parallel_loop3A_396 = arith.constant 16 : i32
        %parallel_loop3A_397 = arith.muli %parallel_loop3A_173, %parallel_loop3A_396 : i32
        %parallel_loop3A_398 = arith.constant 30 : i32
        %parallel_loop3A_399 = arith.index_cast %parallel_loop3A_398 : i32 to index
        %parallel_loop3A_400 = arith.index_cast %parallel_loop3A_397 : i32 to index
        %parallel_loop3A_401 = tpu.vector_load %arg5[%parallel_loop3A_399, %parallel_loop3A_400] {strides = array<i32>} : memref<32x256xf32, #tpu.memory_space<vmem>>, vector<16xf32>,
        %parallel_loop3A_402 = tpu.pack_subelements %parallel_loop3A_395, %parallel_loop3A_401 {pack_format = #tpu.pack_format<interleaved>, positions = array<i32: 0, 1>} : vector<16xf32>, vector<16xf32> -> vector<32xbf16>
        %parallel_loop3A_403 = arith.addi %parallel_loop3A_179, %add3A_90 : vector<16xi32>
        %parallel_loop3A_404 = vector.bitcast %parallel_loop3A_402 : vector<32xbf16> to vector<16xi32>
        tpu.vector_store_idx %arg7[%parallel_loop3A_403], %parallel_loop3A_404 : memref<4096xi32, #tpu.memory_space<vmem>>[vector<16xi32>], vector<16xi32>,
        %parallel_loop3A_405 = arith.constant 16 : i32
        %parallel_loop3A_406 = arith.muli %parallel_loop3A_173, %parallel_loop3A_405 : i32
        %parallel_loop3A_407 = arith.constant 15 : i32
        %parallel_loop3A_408 = arith.index_cast %parallel_loop3A_407 : i32 to index
        %parallel_loop3A_409 = arith.index_cast %parallel_loop3A_406 : i32 to index
        %parallel_loop3A_410 = tpu.vector_load %arg5[%parallel_loop3A_408, %parallel_loop3A_409] {strides = array<i32>} : memref<32x256xf32, #tpu.memory_space<vmem>>, vector<16xf32>,
        %parallel_loop3A_411 = arith.constant 16 : i32
        %parallel_loop3A_412 = arith.muli %parallel_loop3A_173, %parallel_loop3A_411 : i32
        %parallel_loop3A_413 = arith.constant 31 : i32
        %parallel_loop3A_414 = arith.index_cast %parallel_loop3A_413 : i32 to index
        %parallel_loop3A_415 = arith.index_cast %parallel_loop3A_412 : i32 to index
        %parallel_loop3A_416 = tpu.vector_load %arg5[%parallel_loop3A_414, %parallel_loop3A_415] {strides = array<i32>} : memref<32x256xf32, #tpu.memory_space<vmem>>, vector<16xf32>,
        %parallel_loop3A_417 = tpu.pack_subelements %parallel_loop3A_410, %parallel_loop3A_416 {pack_format = #tpu.pack_format<interleaved>, positions = array<i32: 0, 1>} : vector<16xf32>, vector<16xf32> -> vector<32xbf16>
        %parallel_loop3A_418 = arith.addi %parallel_loop3A_179, %add3A_96 : vector<16xi32>
        %parallel_loop3A_419 = vector.bitcast %parallel_loop3A_417 : vector<32xbf16> to vector<16xi32>
        tpu.vector_store_idx %arg7[%parallel_loop3A_418], %parallel_loop3A_419 : memref<4096xi32, #tpu.memory_space<vmem>>[vector<16xi32>], vector<16xi32>,
      } {sc.loop_unroll_factor = 2 : i64, sc.parallel_access}
      %mul3A_169 = arith.constant 4096 : i32
      %mul3A_170 = arith.muli %add3A_127, %mul3A_169 : i32
      %dma_start3A_171 = tpu.memref_slice %arg3[%mul3A_170] : memref<16000000xi32, #tpu.memory_space<hbm>> -> memref<4096xi32, #tpu.memory_space<hbm>>
      %dma_start3A_172 = tpu.memref_slice %arg3[%mul3A_170] : memref<16000000xi32, #tpu.memory_space<hbm>> -> memref<4096xi32, #tpu.memory_space<hbm>>
      tpu.enqueue_dma source(%arg7 : memref<4096xi32, #tpu.memory_space<vmem>>) target(%dma_start3A_172 : memref<4096xi32, #tpu.memory_space<hbm>>) target_semaphore(%arg12 : memref<!tpu.dma_semaphore, #tpu.memory_space<semaphore_mem>>)
    }
    %scan3A_106 = arith.constant 61 : i32
    %dma_wait3A = arith.constant 0 : i32
    %dma_wait3A_107 = tpu.memref_slice %arg3[%dma_wait3A] : memref<16000000xi32, #tpu.memory_space<hbm>> -> memref<4096xi32, #tpu.memory_space<hbm>>
    %dma_wait3A_108 = arith.constant 0 : i32
    %dma_wait3A_109 = tpu.memref_slice %arg3[%dma_wait3A_108] : memref<16000000xi32, #tpu.memory_space<hbm>> -> memref<4096xi32, #tpu.memory_space<hbm>>
    tpu.wait_dma2 semaphore(%arg11 : memref<!tpu.dma_semaphore, #tpu.memory_space<semaphore_mem>>) src(%arg6 : memref<4096xi32, #tpu.memory_space<vmem>>) dst(%dma_wait3A_109 : memref<4096xi32, #tpu.memory_space<hbm>>)
    %dma_wait3A_110 = arith.constant 0 : i32
    %dma_wait3A_111 = tpu.memref_slice %arg3[%dma_wait3A_110] : memref<16000000xi32, #tpu.memory_space<hbm>> -> memref<4096xi32, #tpu.memory_space<hbm>>
    %dma_wait3A_112 = arith.constant 0 : i32
    %dma_wait3A_113 = tpu.memref_slice %arg3[%dma_wait3A_112] : memref<16000000xi32, #tpu.memory_space<hbm>> -> memref<4096xi32, #tpu.memory_space<hbm>>
    tpu.wait_dma2 semaphore(%arg12 : memref<!tpu.dma_semaphore, #tpu.memory_space<semaphore_mem>>) src(%arg7 : memref<4096xi32, #tpu.memory_space<vmem>>) dst(%dma_wait3A_113 : memref<4096xi32, #tpu.memory_space<hbm>>)
    %lt3A = arith.constant 2 : i32
    %lt3A_114 = arith.cmpi slt, %add3A, %lt3A : i32
    %convert_element_type3A = arith.extui %lt3A_114 : i1 to i32
    %cond3A = arith.constant 0 : i32
    %cond3A_115 = arith.cmpi ne, %convert_element_type3A, %cond3A : i32
    scf.if %cond3A_115 {
      %add3A_120 = arith.constant 3904 : i32
      %add3A_121 = arith.addi %add3A_120, %add3A : i32
      %mul3A_122 = arith.constant 256 : i32
      %mul3A_123 = arith.muli %add3A_121, %mul3A_122 : i32
      %dma_start3A_124 = arith.constant 0 : i32
      %dma_start3A_125 = tpu.memref_slice %arg2[%dma_start3A_124, %mul3A_123] : memref<32x1000000xf32, #tpu.memory_space<hbm>> -> memref<32x256xf32, #tpu.memory_space<hbm>>
      %dma_start3A_126 = arith.constant 0 : i32
      %dma_start3A_127 = tpu.memref_slice %arg2[%dma_start3A_126, %mul3A_123] : memref<32x1000000xf32, #tpu.memory_space<hbm>> -> memref<32x256xf32, #tpu.memory_space<hbm>>
      tpu.enqueue_dma source(%dma_start3A_127 : memref<32x256xf32, #tpu.memory_space<hbm>>) target(%arg4 : memref<32x256xf32, #tpu.memory_space<vmem>>) target_semaphore(%arg9 : memref<!tpu.dma_semaphore, #tpu.memory_space<semaphore_mem>>)
      %mul3A_128 = arith.constant 256 : i32
      %mul3A_129 = arith.muli %add3A_121, %mul3A_128 : i32
      %dma_wait3A_130 = arith.constant 0 : i32
      %dma_wait3A_131 = tpu.memref_slice %arg2[%dma_wait3A_130, %mul3A_129] : memref<32x1000000xf32, #tpu.memory_space<hbm>> -> memref<32x256xf32, #tpu.memory_space<hbm>>
      %dma_wait3A_132 = arith.constant 0 : i32
      %dma_wait3A_133 = tpu.memref_slice %arg2[%dma_wait3A_132, %mul3A_129] : memref<32x1000000xf32, #tpu.memory_space<hbm>> -> memref<32x256xf32, #tpu.memory_space<hbm>>
      tpu.wait_dma2 semaphore(%arg9 : memref<!tpu.dma_semaphore, #tpu.memory_space<semaphore_mem>>) src(%dma_wait3A_133 : memref<32x256xf32, #tpu.memory_space<hbm>>) dst(%arg4 : memref<32x256xf32, #tpu.memory_space<vmem>>)
      %parallel_loop3A = arith.constant 0 : i32
      %parallel_loop3A_134 = arith.constant 16 : i32
      %parallel_loop3A_135 = arith.constant 1 : i32
      scf.for %parallel_loop3A_144 = %parallel_loop3A to %parallel_loop3A_134 step %parallel_loop3A_135  : i32 {
        %parallel_loop3A_145 = arith.constant 0 : i32
        %parallel_loop3A_146 = vector.broadcast %parallel_loop3A_145 : i32 to vector<16xi32>
        %parallel_loop3A_147 = arith.constant 256 : i32
        %parallel_loop3A_148 = arith.muli %parallel_loop3A_144, %parallel_loop3A_147 : i32
        %parallel_loop3A_149 = vector.broadcast %parallel_loop3A_148 : i32 to vector<16xi32>
        %parallel_loop3A_150 = arith.addi %parallel_loop3A_146, %parallel_loop3A_149 : vector<16xi32>
        %parallel_loop3A_151 = arith.constant 16 : i32
        %parallel_loop3A_152 = arith.muli %parallel_loop3A_144, %parallel_loop3A_151 : i32
        %parallel_loop3A_153 = arith.constant 0 : i32
        %parallel_loop3A_154 = arith.index_cast %parallel_loop3A_153 : i32 to index
        %parallel_loop3A_155 = arith.index_cast %parallel_loop3A_152 : i32 to index
        %parallel_loop3A_156 = tpu.vector_load %arg4[%parallel_loop3A_154, %parallel_loop3A_155] {strides = array<i32>} : memref<32x256xf32, #tpu.memory_space<vmem>>, vector<16xf32>,
        %parallel_loop3A_157 = arith.constant 16 : i32
        %parallel_loop3A_158 = arith.muli %parallel_loop3A_144, %parallel_loop3A_157 : i32
        %parallel_loop3A_159 = arith.constant 16 : i32
        %parallel_loop3A_160 = arith.index_cast %parallel_loop3A_159 : i32 to index
        %parallel_loop3A_161 = arith.index_cast %parallel_loop3A_158 : i32 to index
        %parallel_loop3A_162 = tpu.vector_load %arg4[%parallel_loop3A_160, %parallel_loop3A_161] {strides = array<i32>} : memref<32x256xf32, #tpu.memory_space<vmem>>, vector<16xf32>,
        %parallel_loop3A_163 = tpu.pack_subelements %parallel_loop3A_156, %parallel_loop3A_162 {pack_format = #tpu.pack_format<interleaved>, positions = array<i32: 0, 1>} : vector<16xf32>, vector<16xf32> -> vector<32xbf16>
        %parallel_loop3A_164 = arith.addi %parallel_loop3A_150, %add3A_6 : vector<16xi32>
        %parallel_loop3A_165 = vector.bitcast %parallel_loop3A_163 : vector<32xbf16> to vector<16xi32>
        tpu.vector_store_idx %arg6[%parallel_loop3A_164], %parallel_loop3A_165 : memref<4096xi32, #tpu.memory_space<vmem>>[vector<16xi32>], vector<16xi32>,
        %parallel_loop3A_166 = arith.constant 16 : i32
        %parallel_loop3A_167 = arith.muli %parallel_loop3A_144, %parallel_loop3A_166 : i32
        %parallel_loop3A_168 = arith.constant 1 : i32
        %parallel_loop3A_169 = arith.index_cast %parallel_loop3A_168 : i32 to index
        %parallel_loop3A_170 = arith.index_cast %parallel_loop3A_167 : i32 to index
        %parallel_loop3A_171 = tpu.vector_load %arg4[%parallel_loop3A_169, %parallel_loop3A_170] {strides = array<i32>} : memref<32x256xf32, #tpu.memory_space<vmem>>, vector<16xf32>,
        %parallel_loop3A_172 = arith.constant 16 : i32
        %parallel_loop3A_173 = arith.muli %parallel_loop3A_144, %parallel_loop3A_172 : i32
        %parallel_loop3A_174 = arith.constant 17 : i32
        %parallel_loop3A_175 = arith.index_cast %parallel_loop3A_174 : i32 to index
        %parallel_loop3A_176 = arith.index_cast %parallel_loop3A_173 : i32 to index
        %parallel_loop3A_177 = tpu.vector_load %arg4[%parallel_loop3A_175, %parallel_loop3A_176] {strides = array<i32>} : memref<32x256xf32, #tpu.memory_space<vmem>>, vector<16xf32>,
        %parallel_loop3A_178 = tpu.pack_subelements %parallel_loop3A_171, %parallel_loop3A_177 {pack_format = #tpu.pack_format<interleaved>, positions = array<i32: 0, 1>} : vector<16xf32>, vector<16xf32> -> vector<32xbf16>
        %parallel_loop3A_179 = arith.addi %parallel_loop3A_150, %add3A_12 : vector<16xi32>
        %parallel_loop3A_180 = vector.bitcast %parallel_loop3A_178 : vector<32xbf16> to vector<16xi32>
        tpu.vector_store_idx %arg6[%parallel_loop3A_179], %parallel_loop3A_180 : memref<4096xi32, #tpu.memory_space<vmem>>[vector<16xi32>], vector<16xi32>,
        %parallel_loop3A_181 = arith.constant 16 : i32
        %parallel_loop3A_182 = arith.muli %parallel_loop3A_144, %parallel_loop3A_181 : i32
        %parallel_loop3A_183 = arith.constant 2 : i32
        %parallel_loop3A_184 = arith.index_cast %parallel_loop3A_183 : i32 to index
        %parallel_loop3A_185 = arith.index_cast %parallel_loop3A_182 : i32 to index
        %parallel_loop3A_186 = tpu.vector_load %arg4[%parallel_loop3A_184, %parallel_loop3A_185] {strides = array<i32>} : memref<32x256xf32, #tpu.memory_space<vmem>>, vector<16xf32>,
        %parallel_loop3A_187 = arith.constant 16 : i32
        %parallel_loop3A_188 = arith.muli %parallel_loop3A_144, %parallel_loop3A_187 : i32
        %parallel_loop3A_189 = arith.constant 18 : i32
        %parallel_loop3A_190 = arith.index_cast %parallel_loop3A_189 : i32 to index
        %parallel_loop3A_191 = arith.index_cast %parallel_loop3A_188 : i32 to index
        %parallel_loop3A_192 = tpu.vector_load %arg4[%parallel_loop3A_190, %parallel_loop3A_191] {strides = array<i32>} : memref<32x256xf32, #tpu.memory_space<vmem>>, vector<16xf32>,
        %parallel_loop3A_193 = tpu.pack_subelements %parallel_loop3A_186, %parallel_loop3A_192 {pack_format = #tpu.pack_format<interleaved>, positions = array<i32: 0, 1>} : vector<16xf32>, vector<16xf32> -> vector<32xbf16>
        %parallel_loop3A_194 = arith.addi %parallel_loop3A_150, %add3A_18 : vector<16xi32>
        %parallel_loop3A_195 = vector.bitcast %parallel_loop3A_193 : vector<32xbf16> to vector<16xi32>
        tpu.vector_store_idx %arg6[%parallel_loop3A_194], %parallel_loop3A_195 : memref<4096xi32, #tpu.memory_space<vmem>>[vector<16xi32>], vector<16xi32>,
        %parallel_loop3A_196 = arith.constant 16 : i32
        %parallel_loop3A_197 = arith.muli %parallel_loop3A_144, %parallel_loop3A_196 : i32
        %parallel_loop3A_198 = arith.constant 3 : i32
        %parallel_loop3A_199 = arith.index_cast %parallel_loop3A_198 : i32 to index
        %parallel_loop3A_200 = arith.index_cast %parallel_loop3A_197 : i32 to index
        %parallel_loop3A_201 = tpu.vector_load %arg4[%parallel_loop3A_199, %parallel_loop3A_200] {strides = array<i32>} : memref<32x256xf32, #tpu.memory_space<vmem>>, vector<16xf32>,
        %parallel_loop3A_202 = arith.constant 16 : i32
        %parallel_loop3A_203 = arith.muli %parallel_loop3A_144, %parallel_loop3A_202 : i32
        %parallel_loop3A_204 = arith.constant 19 : i32
        %parallel_loop3A_205 = arith.index_cast %parallel_loop3A_204 : i32 to index
        %parallel_loop3A_206 = arith.index_cast %parallel_loop3A_203 : i32 to index
        %parallel_loop3A_207 = tpu.vector_load %arg4[%parallel_loop3A_205, %parallel_loop3A_206] {strides = array<i32>} : memref<32x256xf32, #tpu.memory_space<vmem>>, vector<16xf32>,
        %parallel_loop3A_208 = tpu.pack_subelements %parallel_loop3A_201, %parallel_loop3A_207 {pack_format = #tpu.pack_format<interleaved>, positions = array<i32: 0, 1>} : vector<16xf32>, vector<16xf32> -> vector<32xbf16>
        %parallel_loop3A_209 = arith.addi %parallel_loop3A_150, %add3A_24 : vector<16xi32>
        %parallel_loop3A_210 = vector.bitcast %parallel_loop3A_208 : vector<32xbf16> to vector<16xi32>
        tpu.vector_store_idx %arg6[%parallel_loop3A_209], %parallel_loop3A_210 : memref<4096xi32, #tpu.memory_space<vmem>>[vector<16xi32>], vector<16xi32>,
        %parallel_loop3A_211 = arith.constant 16 : i32
        %parallel_loop3A_212 = arith.muli %parallel_loop3A_144, %parallel_loop3A_211 : i32
        %parallel_loop3A_213 = arith.constant 4 : i32
        %parallel_loop3A_214 = arith.index_cast %parallel_loop3A_213 : i32 to index
        %parallel_loop3A_215 = arith.index_cast %parallel_loop3A_212 : i32 to index
        %parallel_loop3A_216 = tpu.vector_load %arg4[%parallel_loop3A_214, %parallel_loop3A_215] {strides = array<i32>} : memref<32x256xf32, #tpu.memory_space<vmem>>, vector<16xf32>,
        %parallel_loop3A_217 = arith.constant 16 : i32
        %parallel_loop3A_218 = arith.muli %parallel_loop3A_144, %parallel_loop3A_217 : i32
        %parallel_loop3A_219 = arith.constant 20 : i32
        %parallel_loop3A_220 = arith.index_cast %parallel_loop3A_219 : i32 to index
        %parallel_loop3A_221 = arith.index_cast %parallel_loop3A_218 : i32 to index
        %parallel_loop3A_222 = tpu.vector_load %arg4[%parallel_loop3A_220, %parallel_loop3A_221] {strides = array<i32>} : memref<32x256xf32, #tpu.memory_space<vmem>>, vector<16xf32>,
        %parallel_loop3A_223 = tpu.pack_subelements %parallel_loop3A_216, %parallel_loop3A_222 {pack_format = #tpu.pack_format<interleaved>, positions = array<i32: 0, 1>} : vector<16xf32>, vector<16xf32> -> vector<32xbf16>
        %parallel_loop3A_224 = arith.addi %parallel_loop3A_150, %add3A_30 : vector<16xi32>
        %parallel_loop3A_225 = vector.bitcast %parallel_loop3A_223 : vector<32xbf16> to vector<16xi32>
        tpu.vector_store_idx %arg6[%parallel_loop3A_224], %parallel_loop3A_225 : memref<4096xi32, #tpu.memory_space<vmem>>[vector<16xi32>], vector<16xi32>,
        %parallel_loop3A_226 = arith.constant 16 : i32
        %parallel_loop3A_227 = arith.muli %parallel_loop3A_144, %parallel_loop3A_226 : i32
        %parallel_loop3A_228 = arith.constant 5 : i32
        %parallel_loop3A_229 = arith.index_cast %parallel_loop3A_228 : i32 to index
        %parallel_loop3A_230 = arith.index_cast %parallel_loop3A_227 : i32 to index
        %parallel_loop3A_231 = tpu.vector_load %arg4[%parallel_loop3A_229, %parallel_loop3A_230] {strides = array<i32>} : memref<32x256xf32, #tpu.memory_space<vmem>>, vector<16xf32>,
        %parallel_loop3A_232 = arith.constant 16 : i32
        %parallel_loop3A_233 = arith.muli %parallel_loop3A_144, %parallel_loop3A_232 : i32
        %parallel_loop3A_234 = arith.constant 21 : i32
        %parallel_loop3A_235 = arith.index_cast %parallel_loop3A_234 : i32 to index
        %parallel_loop3A_236 = arith.index_cast %parallel_loop3A_233 : i32 to index
        %parallel_loop3A_237 = tpu.vector_load %arg4[%parallel_loop3A_235, %parallel_loop3A_236] {strides = array<i32>} : memref<32x256xf32, #tpu.memory_space<vmem>>, vector<16xf32>,
        %parallel_loop3A_238 = tpu.pack_subelements %parallel_loop3A_231, %parallel_loop3A_237 {pack_format = #tpu.pack_format<interleaved>, positions = array<i32: 0, 1>} : vector<16xf32>, vector<16xf32> -> vector<32xbf16>
        %parallel_loop3A_239 = arith.addi %parallel_loop3A_150, %add3A_36 : vector<16xi32>
        %parallel_loop3A_240 = vector.bitcast %parallel_loop3A_238 : vector<32xbf16> to vector<16xi32>
        tpu.vector_store_idx %arg6[%parallel_loop3A_239], %parallel_loop3A_240 : memref<4096xi32, #tpu.memory_space<vmem>>[vector<16xi32>], vector<16xi32>,
        %parallel_loop3A_241 = arith.constant 16 : i32
        %parallel_loop3A_242 = arith.muli %parallel_loop3A_144, %parallel_loop3A_241 : i32
        %parallel_loop3A_243 = arith.constant 6 : i32
        %parallel_loop3A_244 = arith.index_cast %parallel_loop3A_243 : i32 to index
        %parallel_loop3A_245 = arith.index_cast %parallel_loop3A_242 : i32 to index
        %parallel_loop3A_246 = tpu.vector_load %arg4[%parallel_loop3A_244, %parallel_loop3A_245] {strides = array<i32>} : memref<32x256xf32, #tpu.memory_space<vmem>>, vector<16xf32>,
        %parallel_loop3A_247 = arith.constant 16 : i32
        %parallel_loop3A_248 = arith.muli %parallel_loop3A_144, %parallel_loop3A_247 : i32
        %parallel_loop3A_249 = arith.constant 22 : i32
        %parallel_loop3A_250 = arith.index_cast %parallel_loop3A_249 : i32 to index
        %parallel_loop3A_251 = arith.index_cast %parallel_loop3A_248 : i32 to index
        %parallel_loop3A_252 = tpu.vector_load %arg4[%parallel_loop3A_250, %parallel_loop3A_251] {strides = array<i32>} : memref<32x256xf32, #tpu.memory_space<vmem>>, vector<16xf32>,
        %parallel_loop3A_253 = tpu.pack_subelements %parallel_loop3A_246, %parallel_loop3A_252 {pack_format = #tpu.pack_format<interleaved>, positions = array<i32: 0, 1>} : vector<16xf32>, vector<16xf32> -> vector<32xbf16>
        %parallel_loop3A_254 = arith.addi %parallel_loop3A_150, %add3A_42 : vector<16xi32>
        %parallel_loop3A_255 = vector.bitcast %parallel_loop3A_253 : vector<32xbf16> to vector<16xi32>
        tpu.vector_store_idx %arg6[%parallel_loop3A_254], %parallel_loop3A_255 : memref<4096xi32, #tpu.memory_space<vmem>>[vector<16xi32>], vector<16xi32>,
        %parallel_loop3A_256 = arith.constant 16 : i32
        %parallel_loop3A_257 = arith.muli %parallel_loop3A_144, %parallel_loop3A_256 : i32
        %parallel_loop3A_258 = arith.constant 7 : i32
        %parallel_loop3A_259 = arith.index_cast %parallel_loop3A_258 : i32 to index
        %parallel_loop3A_260 = arith.index_cast %parallel_loop3A_257 : i32 to index
        %parallel_loop3A_261 = tpu.vector_load %arg4[%parallel_loop3A_259, %parallel_loop3A_260] {strides = array<i32>} : memref<32x256xf32, #tpu.memory_space<vmem>>, vector<16xf32>,
        %parallel_loop3A_262 = arith.constant 16 : i32
        %parallel_loop3A_263 = arith.muli %parallel_loop3A_144, %parallel_loop3A_262 : i32
        %parallel_loop3A_264 = arith.constant 23 : i32
        %parallel_loop3A_265 = arith.index_cast %parallel_loop3A_264 : i32 to index
        %parallel_loop3A_266 = arith.index_cast %parallel_loop3A_263 : i32 to index
        %parallel_loop3A_267 = tpu.vector_load %arg4[%parallel_loop3A_265, %parallel_loop3A_266] {strides = array<i32>} : memref<32x256xf32, #tpu.memory_space<vmem>>, vector<16xf32>,
        %parallel_loop3A_268 = tpu.pack_subelements %parallel_loop3A_261, %parallel_loop3A_267 {pack_format = #tpu.pack_format<interleaved>, positions = array<i32: 0, 1>} : vector<16xf32>, vector<16xf32> -> vector<32xbf16>
        %parallel_loop3A_269 = arith.addi %parallel_loop3A_150, %add3A_48 : vector<16xi32>
        %parallel_loop3A_270 = vector.bitcast %parallel_loop3A_268 : vector<32xbf16> to vector<16xi32>
        tpu.vector_store_idx %arg6[%parallel_loop3A_269], %parallel_loop3A_270 : memref<4096xi32, #tpu.memory_space<vmem>>[vector<16xi32>], vector<16xi32>,
        %parallel_loop3A_271 = arith.constant 16 : i32
        %parallel_loop3A_272 = arith.muli %parallel_loop3A_144, %parallel_loop3A_271 : i32
        %parallel_loop3A_273 = arith.constant 8 : i32
        %parallel_loop3A_274 = arith.index_cast %parallel_loop3A_273 : i32 to index
        %parallel_loop3A_275 = arith.index_cast %parallel_loop3A_272 : i32 to index
        %parallel_loop3A_276 = tpu.vector_load %arg4[%parallel_loop3A_274, %parallel_loop3A_275] {strides = array<i32>} : memref<32x256xf32, #tpu.memory_space<vmem>>, vector<16xf32>,
        %parallel_loop3A_277 = arith.constant 16 : i32
        %parallel_loop3A_278 = arith.muli %parallel_loop3A_144, %parallel_loop3A_277 : i32
        %parallel_loop3A_279 = arith.constant 24 : i32
        %parallel_loop3A_280 = arith.index_cast %parallel_loop3A_279 : i32 to index
        %parallel_loop3A_281 = arith.index_cast %parallel_loop3A_278 : i32 to index
        %parallel_loop3A_282 = tpu.vector_load %arg4[%parallel_loop3A_280, %parallel_loop3A_281] {strides = array<i32>} : memref<32x256xf32, #tpu.memory_space<vmem>>, vector<16xf32>,
        %parallel_loop3A_283 = tpu.pack_subelements %parallel_loop3A_276, %parallel_loop3A_282 {pack_format = #tpu.pack_format<interleaved>, positions = array<i32: 0, 1>} : vector<16xf32>, vector<16xf32> -> vector<32xbf16>
        %parallel_loop3A_284 = arith.addi %parallel_loop3A_150, %add3A_54 : vector<16xi32>
        %parallel_loop3A_285 = vector.bitcast %parallel_loop3A_283 : vector<32xbf16> to vector<16xi32>
        tpu.vector_store_idx %arg6[%parallel_loop3A_284], %parallel_loop3A_285 : memref<4096xi32, #tpu.memory_space<vmem>>[vector<16xi32>], vector<16xi32>,
        %parallel_loop3A_286 = arith.constant 16 : i32
        %parallel_loop3A_287 = arith.muli %parallel_loop3A_144, %parallel_loop3A_286 : i32
        %parallel_loop3A_288 = arith.constant 9 : i32
        %parallel_loop3A_289 = arith.index_cast %parallel_loop3A_288 : i32 to index
        %parallel_loop3A_290 = arith.index_cast %parallel_loop3A_287 : i32 to index
        %parallel_loop3A_291 = tpu.vector_load %arg4[%parallel_loop3A_289, %parallel_loop3A_290] {strides = array<i32>} : memref<32x256xf32, #tpu.memory_space<vmem>>, vector<16xf32>,
        %parallel_loop3A_292 = arith.constant 16 : i32
        %parallel_loop3A_293 = arith.muli %parallel_loop3A_144, %parallel_loop3A_292 : i32
        %parallel_loop3A_294 = arith.constant 25 : i32
        %parallel_loop3A_295 = arith.index_cast %parallel_loop3A_294 : i32 to index
        %parallel_loop3A_296 = arith.index_cast %parallel_loop3A_293 : i32 to index
        %parallel_loop3A_297 = tpu.vector_load %arg4[%parallel_loop3A_295, %parallel_loop3A_296] {strides = array<i32>} : memref<32x256xf32, #tpu.memory_space<vmem>>, vector<16xf32>,
        %parallel_loop3A_298 = tpu.pack_subelements %parallel_loop3A_291, %parallel_loop3A_297 {pack_format = #tpu.pack_format<interleaved>, positions = array<i32: 0, 1>} : vector<16xf32>, vector<16xf32> -> vector<32xbf16>
        %parallel_loop3A_299 = arith.addi %parallel_loop3A_150, %add3A_60 : vector<16xi32>
        %parallel_loop3A_300 = vector.bitcast %parallel_loop3A_298 : vector<32xbf16> to vector<16xi32>
        tpu.vector_store_idx %arg6[%parallel_loop3A_299], %parallel_loop3A_300 : memref<4096xi32, #tpu.memory_space<vmem>>[vector<16xi32>], vector<16xi32>,
        %parallel_loop3A_301 = arith.constant 16 : i32
        %parallel_loop3A_302 = arith.muli %parallel_loop3A_144, %parallel_loop3A_301 : i32
        %parallel_loop3A_303 = arith.constant 10 : i32
        %parallel_loop3A_304 = arith.index_cast %parallel_loop3A_303 : i32 to index
        %parallel_loop3A_305 = arith.index_cast %parallel_loop3A_302 : i32 to index
        %parallel_loop3A_306 = tpu.vector_load %arg4[%parallel_loop3A_304, %parallel_loop3A_305] {strides = array<i32>} : memref<32x256xf32, #tpu.memory_space<vmem>>, vector<16xf32>,
        %parallel_loop3A_307 = arith.constant 16 : i32
        %parallel_loop3A_308 = arith.muli %parallel_loop3A_144, %parallel_loop3A_307 : i32
        %parallel_loop3A_309 = arith.constant 26 : i32
        %parallel_loop3A_310 = arith.index_cast %parallel_loop3A_309 : i32 to index
        %parallel_loop3A_311 = arith.index_cast %parallel_loop3A_308 : i32 to index
        %parallel_loop3A_312 = tpu.vector_load %arg4[%parallel_loop3A_310, %parallel_loop3A_311] {strides = array<i32>} : memref<32x256xf32, #tpu.memory_space<vmem>>, vector<16xf32>,
        %parallel_loop3A_313 = tpu.pack_subelements %parallel_loop3A_306, %parallel_loop3A_312 {pack_format = #tpu.pack_format<interleaved>, positions = array<i32: 0, 1>} : vector<16xf32>, vector<16xf32> -> vector<32xbf16>
        %parallel_loop3A_314 = arith.addi %parallel_loop3A_150, %add3A_66 : vector<16xi32>
        %parallel_loop3A_315 = vector.bitcast %parallel_loop3A_313 : vector<32xbf16> to vector<16xi32>
        tpu.vector_store_idx %arg6[%parallel_loop3A_314], %parallel_loop3A_315 : memref<4096xi32, #tpu.memory_space<vmem>>[vector<16xi32>], vector<16xi32>,
        %parallel_loop3A_316 = arith.constant 16 : i32
        %parallel_loop3A_317 = arith.muli %parallel_loop3A_144, %parallel_loop3A_316 : i32
        %parallel_loop3A_318 = arith.constant 11 : i32
        %parallel_loop3A_319 = arith.index_cast %parallel_loop3A_318 : i32 to index
        %parallel_loop3A_320 = arith.index_cast %parallel_loop3A_317 : i32 to index
        %parallel_loop3A_321 = tpu.vector_load %arg4[%parallel_loop3A_319, %parallel_loop3A_320] {strides = array<i32>} : memref<32x256xf32, #tpu.memory_space<vmem>>, vector<16xf32>,
        %parallel_loop3A_322 = arith.constant 16 : i32
        %parallel_loop3A_323 = arith.muli %parallel_loop3A_144, %parallel_loop3A_322 : i32
        %parallel_loop3A_324 = arith.constant 27 : i32
        %parallel_loop3A_325 = arith.index_cast %parallel_loop3A_324 : i32 to index
        %parallel_loop3A_326 = arith.index_cast %parallel_loop3A_323 : i32 to index
        %parallel_loop3A_327 = tpu.vector_load %arg4[%parallel_loop3A_325, %parallel_loop3A_326] {strides = array<i32>} : memref<32x256xf32, #tpu.memory_space<vmem>>, vector<16xf32>,
        %parallel_loop3A_328 = tpu.pack_subelements %parallel_loop3A_321, %parallel_loop3A_327 {pack_format = #tpu.pack_format<interleaved>, positions = array<i32: 0, 1>} : vector<16xf32>, vector<16xf32> -> vector<32xbf16>
        %parallel_loop3A_329 = arith.addi %parallel_loop3A_150, %add3A_72 : vector<16xi32>
        %parallel_loop3A_330 = vector.bitcast %parallel_loop3A_328 : vector<32xbf16> to vector<16xi32>
        tpu.vector_store_idx %arg6[%parallel_loop3A_329], %parallel_loop3A_330 : memref<4096xi32, #tpu.memory_space<vmem>>[vector<16xi32>], vector<16xi32>,
        %parallel_loop3A_331 = arith.constant 16 : i32
        %parallel_loop3A_332 = arith.muli %parallel_loop3A_144, %parallel_loop3A_331 : i32
        %parallel_loop3A_333 = arith.constant 12 : i32
        %parallel_loop3A_334 = arith.index_cast %parallel_loop3A_333 : i32 to index
        %parallel_loop3A_335 = arith.index_cast %parallel_loop3A_332 : i32 to index
        %parallel_loop3A_336 = tpu.vector_load %arg4[%parallel_loop3A_334, %parallel_loop3A_335] {strides = array<i32>} : memref<32x256xf32, #tpu.memory_space<vmem>>, vector<16xf32>,
        %parallel_loop3A_337 = arith.constant 16 : i32
        %parallel_loop3A_338 = arith.muli %parallel_loop3A_144, %parallel_loop3A_337 : i32
        %parallel_loop3A_339 = arith.constant 28 : i32
        %parallel_loop3A_340 = arith.index_cast %parallel_loop3A_339 : i32 to index
        %parallel_loop3A_341 = arith.index_cast %parallel_loop3A_338 : i32 to index
        %parallel_loop3A_342 = tpu.vector_load %arg4[%parallel_loop3A_340, %parallel_loop3A_341] {strides = array<i32>} : memref<32x256xf32, #tpu.memory_space<vmem>>, vector<16xf32>,
        %parallel_loop3A_343 = tpu.pack_subelements %parallel_loop3A_336, %parallel_loop3A_342 {pack_format = #tpu.pack_format<interleaved>, positions = array<i32: 0, 1>} : vector<16xf32>, vector<16xf32> -> vector<32xbf16>
        %parallel_loop3A_344 = arith.addi %parallel_loop3A_150, %add3A_78 : vector<16xi32>
        %parallel_loop3A_345 = vector.bitcast %parallel_loop3A_343 : vector<32xbf16> to vector<16xi32>
        tpu.vector_store_idx %arg6[%parallel_loop3A_344], %parallel_loop3A_345 : memref<4096xi32, #tpu.memory_space<vmem>>[vector<16xi32>], vector<16xi32>,
        %parallel_loop3A_346 = arith.constant 16 : i32
        %parallel_loop3A_347 = arith.muli %parallel_loop3A_144, %parallel_loop3A_346 : i32
        %parallel_loop3A_348 = arith.constant 13 : i32
        %parallel_loop3A_349 = arith.index_cast %parallel_loop3A_348 : i32 to index
        %parallel_loop3A_350 = arith.index_cast %parallel_loop3A_347 : i32 to index
        %parallel_loop3A_351 = tpu.vector_load %arg4[%parallel_loop3A_349, %parallel_loop3A_350] {strides = array<i32>} : memref<32x256xf32, #tpu.memory_space<vmem>>, vector<16xf32>,
        %parallel_loop3A_352 = arith.constant 16 : i32
        %parallel_loop3A_353 = arith.muli %parallel_loop3A_144, %parallel_loop3A_352 : i32
        %parallel_loop3A_354 = arith.constant 29 : i32
        %parallel_loop3A_355 = arith.index_cast %parallel_loop3A_354 : i32 to index
        %parallel_loop3A_356 = arith.index_cast %parallel_loop3A_353 : i32 to index
        %parallel_loop3A_357 = tpu.vector_load %arg4[%parallel_loop3A_355, %parallel_loop3A_356] {strides = array<i32>} : memref<32x256xf32, #tpu.memory_space<vmem>>, vector<16xf32>,
        %parallel_loop3A_358 = tpu.pack_subelements %parallel_loop3A_351, %parallel_loop3A_357 {pack_format = #tpu.pack_format<interleaved>, positions = array<i32: 0, 1>} : vector<16xf32>, vector<16xf32> -> vector<32xbf16>
        %parallel_loop3A_359 = arith.addi %parallel_loop3A_150, %add3A_84 : vector<16xi32>
        %parallel_loop3A_360 = vector.bitcast %parallel_loop3A_358 : vector<32xbf16> to vector<16xi32>
        tpu.vector_store_idx %arg6[%parallel_loop3A_359], %parallel_loop3A_360 : memref<4096xi32, #tpu.memory_space<vmem>>[vector<16xi32>], vector<16xi32>,
        %parallel_loop3A_361 = arith.constant 16 : i32
        %parallel_loop3A_362 = arith.muli %parallel_loop3A_144, %parallel_loop3A_361 : i32
        %parallel_loop3A_363 = arith.constant 14 : i32
        %parallel_loop3A_364 = arith.index_cast %parallel_loop3A_363 : i32 to index
        %parallel_loop3A_365 = arith.index_cast %parallel_loop3A_362 : i32 to index
        %parallel_loop3A_366 = tpu.vector_load %arg4[%parallel_loop3A_364, %parallel_loop3A_365] {strides = array<i32>} : memref<32x256xf32, #tpu.memory_space<vmem>>, vector<16xf32>,
        %parallel_loop3A_367 = arith.constant 16 : i32
        %parallel_loop3A_368 = arith.muli %parallel_loop3A_144, %parallel_loop3A_367 : i32
        %parallel_loop3A_369 = arith.constant 30 : i32
        %parallel_loop3A_370 = arith.index_cast %parallel_loop3A_369 : i32 to index
        %parallel_loop3A_371 = arith.index_cast %parallel_loop3A_368 : i32 to index
        %parallel_loop3A_372 = tpu.vector_load %arg4[%parallel_loop3A_370, %parallel_loop3A_371] {strides = array<i32>} : memref<32x256xf32, #tpu.memory_space<vmem>>, vector<16xf32>,
        %parallel_loop3A_373 = tpu.pack_subelements %parallel_loop3A_366, %parallel_loop3A_372 {pack_format = #tpu.pack_format<interleaved>, positions = array<i32: 0, 1>} : vector<16xf32>, vector<16xf32> -> vector<32xbf16>
        %parallel_loop3A_374 = arith.addi %parallel_loop3A_150, %add3A_90 : vector<16xi32>
        %parallel_loop3A_375 = vector.bitcast %parallel_loop3A_373 : vector<32xbf16> to vector<16xi32>
        tpu.vector_store_idx %arg6[%parallel_loop3A_374], %parallel_loop3A_375 : memref<4096xi32, #tpu.memory_space<vmem>>[vector<16xi32>], vector<16xi32>,
        %parallel_loop3A_376 = arith.constant 16 : i32
        %parallel_loop3A_377 = arith.muli %parallel_loop3A_144, %parallel_loop3A_376 : i32
        %parallel_loop3A_378 = arith.constant 15 : i32
        %parallel_loop3A_379 = arith.index_cast %parallel_loop3A_378 : i32 to index
        %parallel_loop3A_380 = arith.index_cast %parallel_loop3A_377 : i32 to index
        %parallel_loop3A_381 = tpu.vector_load %arg4[%parallel_loop3A_379, %parallel_loop3A_380] {strides = array<i32>} : memref<32x256xf32, #tpu.memory_space<vmem>>, vector<16xf32>,
        %parallel_loop3A_382 = arith.constant 16 : i32
        %parallel_loop3A_383 = arith.muli %parallel_loop3A_144, %parallel_loop3A_382 : i32
        %parallel_loop3A_384 = arith.constant 31 : i32
        %parallel_loop3A_385 = arith.index_cast %parallel_loop3A_384 : i32 to index
        %parallel_loop3A_386 = arith.index_cast %parallel_loop3A_383 : i32 to index
        %parallel_loop3A_387 = tpu.vector_load %arg4[%parallel_loop3A_385, %parallel_loop3A_386] {strides = array<i32>} : memref<32x256xf32, #tpu.memory_space<vmem>>, vector<16xf32>,
        %parallel_loop3A_388 = tpu.pack_subelements %parallel_loop3A_381, %parallel_loop3A_387 {pack_format = #tpu.pack_format<interleaved>, positions = array<i32: 0, 1>} : vector<16xf32>, vector<16xf32> -> vector<32xbf16>
        %parallel_loop3A_389 = arith.addi %parallel_loop3A_150, %add3A_96 : vector<16xi32>
        %parallel_loop3A_390 = vector.bitcast %parallel_loop3A_388 : vector<32xbf16> to vector<16xi32>
        tpu.vector_store_idx %arg6[%parallel_loop3A_389], %parallel_loop3A_390 : memref<4096xi32, #tpu.memory_space<vmem>>[vector<16xi32>], vector<16xi32>,
      } {sc.loop_unroll_factor = 2 : i64, sc.parallel_access}
      %mul3A_136 = arith.constant 4096 : i32
      %mul3A_137 = arith.muli %add3A_121, %mul3A_136 : i32
      %dma_start3A_138 = tpu.memref_slice %arg3[%mul3A_137] : memref<16000000xi32, #tpu.memory_space<hbm>> -> memref<4096xi32, #tpu.memory_space<hbm>>
      %dma_start3A_139 = tpu.memref_slice %arg3[%mul3A_137] : memref<16000000xi32, #tpu.memory_space<hbm>> -> memref<4096xi32, #tpu.memory_space<hbm>>
      tpu.enqueue_dma source(%arg6 : memref<4096xi32, #tpu.memory_space<vmem>>) target(%dma_start3A_139 : memref<4096xi32, #tpu.memory_space<hbm>>) target_semaphore(%arg11 : memref<!tpu.dma_semaphore, #tpu.memory_space<semaphore_mem>>)
      %mul3A_140 = arith.constant 4096 : i32
      %mul3A_141 = arith.muli %add3A_121, %mul3A_140 : i32
      %dma_wait3A_142 = tpu.memref_slice %arg3[%mul3A_141] : memref<16000000xi32, #tpu.memory_space<hbm>> -> memref<4096xi32, #tpu.memory_space<hbm>>
      %dma_wait3A_143 = tpu.memref_slice %arg3[%mul3A_141] : memref<16000000xi32, #tpu.memory_space<hbm>> -> memref<4096xi32, #tpu.memory_space<hbm>>
      tpu.wait_dma2 semaphore(%arg11 : memref<!tpu.dma_semaphore, #tpu.memory_space<semaphore_mem>>) src(%arg6 : memref<4096xi32, #tpu.memory_space<vmem>>) dst(%dma_wait3A_143 : memref<4096xi32, #tpu.memory_space<hbm>>)
    } else {
    }
    %eq3A = arith.constant 2 : i32
    %eq3A_116 = arith.cmpi eq, %add3A, %eq3A : i32
    %convert_element_type3A_117 = arith.extui %eq3A_116 : i1 to i32
    %cond3A_118 = arith.constant 0 : i32
    %cond3A_119 = arith.cmpi ne, %convert_element_type3A_117, %cond3A_118 : i32
    scf.if %cond3A_119 {
      %dma_start3A_120 = arith.constant 0 : i32
      %dma_start3A_121 = arith.constant 999936 : i32
      %dma_start3A_122 = tpu.memref_slice %arg2[%dma_start3A_120, %dma_start3A_121] : memref<32x1000000xf32, #tpu.memory_space<hbm>> -> memref<32x64xf32, #tpu.memory_space<hbm>>
      %dma_start3A_123 = arith.constant 0 : i32
      %dma_start3A_124 = arith.constant 999936 : i32
      %dma_start3A_125 = tpu.memref_slice %arg2[%dma_start3A_123, %dma_start3A_124] : memref<32x1000000xf32, #tpu.memory_space<hbm>> -> memref<32x64xf32, #tpu.memory_space<hbm>>
      tpu.enqueue_dma source(%dma_start3A_125 : memref<32x64xf32, #tpu.memory_space<hbm>>) target(%arg8 : memref<32x64xf32, #tpu.memory_space<vmem>>) target_semaphore(%arg13 : memref<!tpu.dma_semaphore, #tpu.memory_space<semaphore_mem>>)
      %dma_wait3A_126 = arith.constant 0 : i32
      %dma_wait3A_127 = arith.constant 999936 : i32
      %dma_wait3A_128 = tpu.memref_slice %arg2[%dma_wait3A_126, %dma_wait3A_127] : memref<32x1000000xf32, #tpu.memory_space<hbm>> -> memref<32x64xf32, #tpu.memory_space<hbm>>
      %dma_wait3A_129 = arith.constant 0 : i32
      %dma_wait3A_130 = arith.constant 999936 : i32
      %dma_wait3A_131 = tpu.memref_slice %arg2[%dma_wait3A_129, %dma_wait3A_130] : memref<32x1000000xf32, #tpu.memory_space<hbm>> -> memref<32x64xf32, #tpu.memory_space<hbm>>
      tpu.wait_dma2 semaphore(%arg13 : memref<!tpu.dma_semaphore, #tpu.memory_space<semaphore_mem>>) src(%dma_wait3A_131 : memref<32x64xf32, #tpu.memory_space<hbm>>) dst(%arg8 : memref<32x64xf32, #tpu.memory_space<vmem>>)
      %parallel_loop3A = arith.constant 0 : i32
      %parallel_loop3A_132 = arith.constant 4 : i32
      %parallel_loop3A_133 = arith.constant 1 : i32
      scf.for %parallel_loop3A_150 = %parallel_loop3A to %parallel_loop3A_132 step %parallel_loop3A_133  : i32 {
        %parallel_loop3A_151 = arith.constant 0 : i32
        %parallel_loop3A_152 = vector.broadcast %parallel_loop3A_151 : i32 to vector<16xi32>
        %parallel_loop3A_153 = arith.constant 256 : i32
        %parallel_loop3A_154 = arith.muli %parallel_loop3A_150, %parallel_loop3A_153 : i32
        %parallel_loop3A_155 = vector.broadcast %parallel_loop3A_154 : i32 to vector<16xi32>
        %parallel_loop3A_156 = arith.addi %parallel_loop3A_152, %parallel_loop3A_155 : vector<16xi32>
        %parallel_loop3A_157 = arith.constant 16 : i32
        %parallel_loop3A_158 = arith.muli %parallel_loop3A_150, %parallel_loop3A_157 : i32
        %parallel_loop3A_159 = arith.constant 0 : i32
        %parallel_loop3A_160 = arith.index_cast %parallel_loop3A_159 : i32 to index
        %parallel_loop3A_161 = arith.index_cast %parallel_loop3A_158 : i32 to index
        %parallel_loop3A_162 = tpu.vector_load %arg8[%parallel_loop3A_160, %parallel_loop3A_161] {strides = array<i32>} : memref<32x64xf32, #tpu.memory_space<vmem>>, vector<16xf32>,
        %parallel_loop3A_163 = arith.constant 16 : i32
        %parallel_loop3A_164 = arith.muli %parallel_loop3A_150, %parallel_loop3A_163 : i32
        %parallel_loop3A_165 = arith.constant 16 : i32
        %parallel_loop3A_166 = arith.index_cast %parallel_loop3A_165 : i32 to index
        %parallel_loop3A_167 = arith.index_cast %parallel_loop3A_164 : i32 to index
        %parallel_loop3A_168 = tpu.vector_load %arg8[%parallel_loop3A_166, %parallel_loop3A_167] {strides = array<i32>} : memref<32x64xf32, #tpu.memory_space<vmem>>, vector<16xf32>,
        %parallel_loop3A_169 = tpu.pack_subelements %parallel_loop3A_162, %parallel_loop3A_168 {pack_format = #tpu.pack_format<interleaved>, positions = array<i32: 0, 1>} : vector<16xf32>, vector<16xf32> -> vector<32xbf16>
        %parallel_loop3A_170 = arith.addi %parallel_loop3A_156, %add3A_6 : vector<16xi32>
        %parallel_loop3A_171 = vector.bitcast %parallel_loop3A_169 : vector<32xbf16> to vector<16xi32>
        tpu.vector_store_idx %arg6[%parallel_loop3A_170], %parallel_loop3A_171 : memref<4096xi32, #tpu.memory_space<vmem>>[vector<16xi32>], vector<16xi32>,
        %parallel_loop3A_172 = arith.constant 16 : i32
        %parallel_loop3A_173 = arith.muli %parallel_loop3A_150, %parallel_loop3A_172 : i32
        %parallel_loop3A_174 = arith.constant 1 : i32
        %parallel_loop3A_175 = arith.index_cast %parallel_loop3A_174 : i32 to index
        %parallel_loop3A_176 = arith.index_cast %parallel_loop3A_173 : i32 to index
        %parallel_loop3A_177 = tpu.vector_load %arg8[%parallel_loop3A_175, %parallel_loop3A_176] {strides = array<i32>} : memref<32x64xf32, #tpu.memory_space<vmem>>, vector<16xf32>,
        %parallel_loop3A_178 = arith.constant 16 : i32
        %parallel_loop3A_179 = arith.muli %parallel_loop3A_150, %parallel_loop3A_178 : i32
        %parallel_loop3A_180 = arith.constant 17 : i32
        %parallel_loop3A_181 = arith.index_cast %parallel_loop3A_180 : i32 to index
        %parallel_loop3A_182 = arith.index_cast %parallel_loop3A_179 : i32 to index
        %parallel_loop3A_183 = tpu.vector_load %arg8[%parallel_loop3A_181, %parallel_loop3A_182] {strides = array<i32>} : memref<32x64xf32, #tpu.memory_space<vmem>>, vector<16xf32>,
        %parallel_loop3A_184 = tpu.pack_subelements %parallel_loop3A_177, %parallel_loop3A_183 {pack_format = #tpu.pack_format<interleaved>, positions = array<i32: 0, 1>} : vector<16xf32>, vector<16xf32> -> vector<32xbf16>
        %parallel_loop3A_185 = arith.addi %parallel_loop3A_156, %add3A_12 : vector<16xi32>
        %parallel_loop3A_186 = vector.bitcast %parallel_loop3A_184 : vector<32xbf16> to vector<16xi32>
        tpu.vector_store_idx %arg6[%parallel_loop3A_185], %parallel_loop3A_186 : memref<4096xi32, #tpu.memory_space<vmem>>[vector<16xi32>], vector<16xi32>,
        %parallel_loop3A_187 = arith.constant 16 : i32
        %parallel_loop3A_188 = arith.muli %parallel_loop3A_150, %parallel_loop3A_187 : i32
        %parallel_loop3A_189 = arith.constant 2 : i32
        %parallel_loop3A_190 = arith.index_cast %parallel_loop3A_189 : i32 to index
        %parallel_loop3A_191 = arith.index_cast %parallel_loop3A_188 : i32 to index
        %parallel_loop3A_192 = tpu.vector_load %arg8[%parallel_loop3A_190, %parallel_loop3A_191] {strides = array<i32>} : memref<32x64xf32, #tpu.memory_space<vmem>>, vector<16xf32>,
        %parallel_loop3A_193 = arith.constant 16 : i32
        %parallel_loop3A_194 = arith.muli %parallel_loop3A_150, %parallel_loop3A_193 : i32
        %parallel_loop3A_195 = arith.constant 18 : i32
        %parallel_loop3A_196 = arith.index_cast %parallel_loop3A_195 : i32 to index
        %parallel_loop3A_197 = arith.index_cast %parallel_loop3A_194 : i32 to index
        %parallel_loop3A_198 = tpu.vector_load %arg8[%parallel_loop3A_196, %parallel_loop3A_197] {strides = array<i32>} : memref<32x64xf32, #tpu.memory_space<vmem>>, vector<16xf32>,
        %parallel_loop3A_199 = tpu.pack_subelements %parallel_loop3A_192, %parallel_loop3A_198 {pack_format = #tpu.pack_format<interleaved>, positions = array<i32: 0, 1>} : vector<16xf32>, vector<16xf32> -> vector<32xbf16>
        %parallel_loop3A_200 = arith.addi %parallel_loop3A_156, %add3A_18 : vector<16xi32>
        %parallel_loop3A_201 = vector.bitcast %parallel_loop3A_199 : vector<32xbf16> to vector<16xi32>
        tpu.vector_store_idx %arg6[%parallel_loop3A_200], %parallel_loop3A_201 : memref<4096xi32, #tpu.memory_space<vmem>>[vector<16xi32>], vector<16xi32>,
        %parallel_loop3A_202 = arith.constant 16 : i32
        %parallel_loop3A_203 = arith.muli %parallel_loop3A_150, %parallel_loop3A_202 : i32
        %parallel_loop3A_204 = arith.constant 3 : i32
        %parallel_loop3A_205 = arith.index_cast %parallel_loop3A_204 : i32 to index
        %parallel_loop3A_206 = arith.index_cast %parallel_loop3A_203 : i32 to index
        %parallel_loop3A_207 = tpu.vector_load %arg8[%parallel_loop3A_205, %parallel_loop3A_206] {strides = array<i32>} : memref<32x64xf32, #tpu.memory_space<vmem>>, vector<16xf32>,
        %parallel_loop3A_208 = arith.constant 16 : i32
        %parallel_loop3A_209 = arith.muli %parallel_loop3A_150, %parallel_loop3A_208 : i32
        %parallel_loop3A_210 = arith.constant 19 : i32
        %parallel_loop3A_211 = arith.index_cast %parallel_loop3A_210 : i32 to index
        %parallel_loop3A_212 = arith.index_cast %parallel_loop3A_209 : i32 to index
        %parallel_loop3A_213 = tpu.vector_load %arg8[%parallel_loop3A_211, %parallel_loop3A_212] {strides = array<i32>} : memref<32x64xf32, #tpu.memory_space<vmem>>, vector<16xf32>,
        %parallel_loop3A_214 = tpu.pack_subelements %parallel_loop3A_207, %parallel_loop3A_213 {pack_format = #tpu.pack_format<interleaved>, positions = array<i32: 0, 1>} : vector<16xf32>, vector<16xf32> -> vector<32xbf16>
        %parallel_loop3A_215 = arith.addi %parallel_loop3A_156, %add3A_24 : vector<16xi32>
        %parallel_loop3A_216 = vector.bitcast %parallel_loop3A_214 : vector<32xbf16> to vector<16xi32>
        tpu.vector_store_idx %arg6[%parallel_loop3A_215], %parallel_loop3A_216 : memref<4096xi32, #tpu.memory_space<vmem>>[vector<16xi32>], vector<16xi32>,
        %parallel_loop3A_217 = arith.constant 16 : i32
        %parallel_loop3A_218 = arith.muli %parallel_loop3A_150, %parallel_loop3A_217 : i32
        %parallel_loop3A_219 = arith.constant 4 : i32
        %parallel_loop3A_220 = arith.index_cast %parallel_loop3A_219 : i32 to index
        %parallel_loop3A_221 = arith.index_cast %parallel_loop3A_218 : i32 to index
        %parallel_loop3A_222 = tpu.vector_load %arg8[%parallel_loop3A_220, %parallel_loop3A_221] {strides = array<i32>} : memref<32x64xf32, #tpu.memory_space<vmem>>, vector<16xf32>,
        %parallel_loop3A_223 = arith.constant 16 : i32
        %parallel_loop3A_224 = arith.muli %parallel_loop3A_150, %parallel_loop3A_223 : i32
        %parallel_loop3A_225 = arith.constant 20 : i32
        %parallel_loop3A_226 = arith.index_cast %parallel_loop3A_225 : i32 to index
        %parallel_loop3A_227 = arith.index_cast %parallel_loop3A_224 : i32 to index
        %parallel_loop3A_228 = tpu.vector_load %arg8[%parallel_loop3A_226, %parallel_loop3A_227] {strides = array<i32>} : memref<32x64xf32, #tpu.memory_space<vmem>>, vector<16xf32>,
        %parallel_loop3A_229 = tpu.pack_subelements %parallel_loop3A_222, %parallel_loop3A_228 {pack_format = #tpu.pack_format<interleaved>, positions = array<i32: 0, 1>} : vector<16xf32>, vector<16xf32> -> vector<32xbf16>
        %parallel_loop3A_230 = arith.addi %parallel_loop3A_156, %add3A_30 : vector<16xi32>
        %parallel_loop3A_231 = vector.bitcast %parallel_loop3A_229 : vector<32xbf16> to vector<16xi32>
        tpu.vector_store_idx %arg6[%parallel_loop3A_230], %parallel_loop3A_231 : memref<4096xi32, #tpu.memory_space<vmem>>[vector<16xi32>], vector<16xi32>,
        %parallel_loop3A_232 = arith.constant 16 : i32
        %parallel_loop3A_233 = arith.muli %parallel_loop3A_150, %parallel_loop3A_232 : i32
        %parallel_loop3A_234 = arith.constant 5 : i32
        %parallel_loop3A_235 = arith.index_cast %parallel_loop3A_234 : i32 to index
        %parallel_loop3A_236 = arith.index_cast %parallel_loop3A_233 : i32 to index
        %parallel_loop3A_237 = tpu.vector_load %arg8[%parallel_loop3A_235, %parallel_loop3A_236] {strides = array<i32>} : memref<32x64xf32, #tpu.memory_space<vmem>>, vector<16xf32>,
        %parallel_loop3A_238 = arith.constant 16 : i32
        %parallel_loop3A_239 = arith.muli %parallel_loop3A_150, %parallel_loop3A_238 : i32
        %parallel_loop3A_240 = arith.constant 21 : i32
        %parallel_loop3A_241 = arith.index_cast %parallel_loop3A_240 : i32 to index
        %parallel_loop3A_242 = arith.index_cast %parallel_loop3A_239 : i32 to index
        %parallel_loop3A_243 = tpu.vector_load %arg8[%parallel_loop3A_241, %parallel_loop3A_242] {strides = array<i32>} : memref<32x64xf32, #tpu.memory_space<vmem>>, vector<16xf32>,
        %parallel_loop3A_244 = tpu.pack_subelements %parallel_loop3A_237, %parallel_loop3A_243 {pack_format = #tpu.pack_format<interleaved>, positions = array<i32: 0, 1>} : vector<16xf32>, vector<16xf32> -> vector<32xbf16>
        %parallel_loop3A_245 = arith.addi %parallel_loop3A_156, %add3A_36 : vector<16xi32>
        %parallel_loop3A_246 = vector.bitcast %parallel_loop3A_244 : vector<32xbf16> to vector<16xi32>
        tpu.vector_store_idx %arg6[%parallel_loop3A_245], %parallel_loop3A_246 : memref<4096xi32, #tpu.memory_space<vmem>>[vector<16xi32>], vector<16xi32>,
        %parallel_loop3A_247 = arith.constant 16 : i32
        %parallel_loop3A_248 = arith.muli %parallel_loop3A_150, %parallel_loop3A_247 : i32
        %parallel_loop3A_249 = arith.constant 6 : i32
        %parallel_loop3A_250 = arith.index_cast %parallel_loop3A_249 : i32 to index
        %parallel_loop3A_251 = arith.index_cast %parallel_loop3A_248 : i32 to index
        %parallel_loop3A_252 = tpu.vector_load %arg8[%parallel_loop3A_250, %parallel_loop3A_251] {strides = array<i32>} : memref<32x64xf32, #tpu.memory_space<vmem>>, vector<16xf32>,
        %parallel_loop3A_253 = arith.constant 16 : i32
        %parallel_loop3A_254 = arith.muli %parallel_loop3A_150, %parallel_loop3A_253 : i32
        %parallel_loop3A_255 = arith.constant 22 : i32
        %parallel_loop3A_256 = arith.index_cast %parallel_loop3A_255 : i32 to index
        %parallel_loop3A_257 = arith.index_cast %parallel_loop3A_254 : i32 to index
        %parallel_loop3A_258 = tpu.vector_load %arg8[%parallel_loop3A_256, %parallel_loop3A_257] {strides = array<i32>} : memref<32x64xf32, #tpu.memory_space<vmem>>, vector<16xf32>,
        %parallel_loop3A_259 = tpu.pack_subelements %parallel_loop3A_252, %parallel_loop3A_258 {pack_format = #tpu.pack_format<interleaved>, positions = array<i32: 0, 1>} : vector<16xf32>, vector<16xf32> -> vector<32xbf16>
        %parallel_loop3A_260 = arith.addi %parallel_loop3A_156, %add3A_42 : vector<16xi32>
        %parallel_loop3A_261 = vector.bitcast %parallel_loop3A_259 : vector<32xbf16> to vector<16xi32>
        tpu.vector_store_idx %arg6[%parallel_loop3A_260], %parallel_loop3A_261 : memref<4096xi32, #tpu.memory_space<vmem>>[vector<16xi32>], vector<16xi32>,
        %parallel_loop3A_262 = arith.constant 16 : i32
        %parallel_loop3A_263 = arith.muli %parallel_loop3A_150, %parallel_loop3A_262 : i32
        %parallel_loop3A_264 = arith.constant 7 : i32
        %parallel_loop3A_265 = arith.index_cast %parallel_loop3A_264 : i32 to index
        %parallel_loop3A_266 = arith.index_cast %parallel_loop3A_263 : i32 to index
        %parallel_loop3A_267 = tpu.vector_load %arg8[%parallel_loop3A_265, %parallel_loop3A_266] {strides = array<i32>} : memref<32x64xf32, #tpu.memory_space<vmem>>, vector<16xf32>,
        %parallel_loop3A_268 = arith.constant 16 : i32
        %parallel_loop3A_269 = arith.muli %parallel_loop3A_150, %parallel_loop3A_268 : i32
        %parallel_loop3A_270 = arith.constant 23 : i32
        %parallel_loop3A_271 = arith.index_cast %parallel_loop3A_270 : i32 to index
        %parallel_loop3A_272 = arith.index_cast %parallel_loop3A_269 : i32 to index
        %parallel_loop3A_273 = tpu.vector_load %arg8[%parallel_loop3A_271, %parallel_loop3A_272] {strides = array<i32>} : memref<32x64xf32, #tpu.memory_space<vmem>>, vector<16xf32>,
        %parallel_loop3A_274 = tpu.pack_subelements %parallel_loop3A_267, %parallel_loop3A_273 {pack_format = #tpu.pack_format<interleaved>, positions = array<i32: 0, 1>} : vector<16xf32>, vector<16xf32> -> vector<32xbf16>
        %parallel_loop3A_275 = arith.addi %parallel_loop3A_156, %add3A_48 : vector<16xi32>
        %parallel_loop3A_276 = vector.bitcast %parallel_loop3A_274 : vector<32xbf16> to vector<16xi32>
        tpu.vector_store_idx %arg6[%parallel_loop3A_275], %parallel_loop3A_276 : memref<4096xi32, #tpu.memory_space<vmem>>[vector<16xi32>], vector<16xi32>,
        %parallel_loop3A_277 = arith.constant 16 : i32
        %parallel_loop3A_278 = arith.muli %parallel_loop3A_150, %parallel_loop3A_277 : i32
        %parallel_loop3A_279 = arith.constant 8 : i32
        %parallel_loop3A_280 = arith.index_cast %parallel_loop3A_279 : i32 to index
        %parallel_loop3A_281 = arith.index_cast %parallel_loop3A_278 : i32 to index
        %parallel_loop3A_282 = tpu.vector_load %arg8[%parallel_loop3A_280, %parallel_loop3A_281] {strides = array<i32>} : memref<32x64xf32, #tpu.memory_space<vmem>>, vector<16xf32>,
        %parallel_loop3A_283 = arith.constant 16 : i32
        %parallel_loop3A_284 = arith.muli %parallel_loop3A_150, %parallel_loop3A_283 : i32
        %parallel_loop3A_285 = arith.constant 24 : i32
        %parallel_loop3A_286 = arith.index_cast %parallel_loop3A_285 : i32 to index
        %parallel_loop3A_287 = arith.index_cast %parallel_loop3A_284 : i32 to index
        %parallel_loop3A_288 = tpu.vector_load %arg8[%parallel_loop3A_286, %parallel_loop3A_287] {strides = array<i32>} : memref<32x64xf32, #tpu.memory_space<vmem>>, vector<16xf32>,
        %parallel_loop3A_289 = tpu.pack_subelements %parallel_loop3A_282, %parallel_loop3A_288 {pack_format = #tpu.pack_format<interleaved>, positions = array<i32: 0, 1>} : vector<16xf32>, vector<16xf32> -> vector<32xbf16>
        %parallel_loop3A_290 = arith.addi %parallel_loop3A_156, %add3A_54 : vector<16xi32>
        %parallel_loop3A_291 = vector.bitcast %parallel_loop3A_289 : vector<32xbf16> to vector<16xi32>
        tpu.vector_store_idx %arg6[%parallel_loop3A_290], %parallel_loop3A_291 : memref<4096xi32, #tpu.memory_space<vmem>>[vector<16xi32>], vector<16xi32>,
        %parallel_loop3A_292 = arith.constant 16 : i32
        %parallel_loop3A_293 = arith.muli %parallel_loop3A_150, %parallel_loop3A_292 : i32
        %parallel_loop3A_294 = arith.constant 9 : i32
        %parallel_loop3A_295 = arith.index_cast %parallel_loop3A_294 : i32 to index
        %parallel_loop3A_296 = arith.index_cast %parallel_loop3A_293 : i32 to index
        %parallel_loop3A_297 = tpu.vector_load %arg8[%parallel_loop3A_295, %parallel_loop3A_296] {strides = array<i32>} : memref<32x64xf32, #tpu.memory_space<vmem>>, vector<16xf32>,
        %parallel_loop3A_298 = arith.constant 16 : i32
        %parallel_loop3A_299 = arith.muli %parallel_loop3A_150, %parallel_loop3A_298 : i32
        %parallel_loop3A_300 = arith.constant 25 : i32
        %parallel_loop3A_301 = arith.index_cast %parallel_loop3A_300 : i32 to index
        %parallel_loop3A_302 = arith.index_cast %parallel_loop3A_299 : i32 to index
        %parallel_loop3A_303 = tpu.vector_load %arg8[%parallel_loop3A_301, %parallel_loop3A_302] {strides = array<i32>} : memref<32x64xf32, #tpu.memory_space<vmem>>, vector<16xf32>,
        %parallel_loop3A_304 = tpu.pack_subelements %parallel_loop3A_297, %parallel_loop3A_303 {pack_format = #tpu.pack_format<interleaved>, positions = array<i32: 0, 1>} : vector<16xf32>, vector<16xf32> -> vector<32xbf16>
        %parallel_loop3A_305 = arith.addi %parallel_loop3A_156, %add3A_60 : vector<16xi32>
        %parallel_loop3A_306 = vector.bitcast %parallel_loop3A_304 : vector<32xbf16> to vector<16xi32>
        tpu.vector_store_idx %arg6[%parallel_loop3A_305], %parallel_loop3A_306 : memref<4096xi32, #tpu.memory_space<vmem>>[vector<16xi32>], vector<16xi32>,
        %parallel_loop3A_307 = arith.constant 16 : i32
        %parallel_loop3A_308 = arith.muli %parallel_loop3A_150, %parallel_loop3A_307 : i32
        %parallel_loop3A_309 = arith.constant 10 : i32
        %parallel_loop3A_310 = arith.index_cast %parallel_loop3A_309 : i32 to index
        %parallel_loop3A_311 = arith.index_cast %parallel_loop3A_308 : i32 to index
        %parallel_loop3A_312 = tpu.vector_load %arg8[%parallel_loop3A_310, %parallel_loop3A_311] {strides = array<i32>} : memref<32x64xf32, #tpu.memory_space<vmem>>, vector<16xf32>,
        %parallel_loop3A_313 = arith.constant 16 : i32
        %parallel_loop3A_314 = arith.muli %parallel_loop3A_150, %parallel_loop3A_313 : i32
        %parallel_loop3A_315 = arith.constant 26 : i32
        %parallel_loop3A_316 = arith.index_cast %parallel_loop3A_315 : i32 to index
        %parallel_loop3A_317 = arith.index_cast %parallel_loop3A_314 : i32 to index
        %parallel_loop3A_318 = tpu.vector_load %arg8[%parallel_loop3A_316, %parallel_loop3A_317] {strides = array<i32>} : memref<32x64xf32, #tpu.memory_space<vmem>>, vector<16xf32>,
        %parallel_loop3A_319 = tpu.pack_subelements %parallel_loop3A_312, %parallel_loop3A_318 {pack_format = #tpu.pack_format<interleaved>, positions = array<i32: 0, 1>} : vector<16xf32>, vector<16xf32> -> vector<32xbf16>
        %parallel_loop3A_320 = arith.addi %parallel_loop3A_156, %add3A_66 : vector<16xi32>
        %parallel_loop3A_321 = vector.bitcast %parallel_loop3A_319 : vector<32xbf16> to vector<16xi32>
        tpu.vector_store_idx %arg6[%parallel_loop3A_320], %parallel_loop3A_321 : memref<4096xi32, #tpu.memory_space<vmem>>[vector<16xi32>], vector<16xi32>,
        %parallel_loop3A_322 = arith.constant 16 : i32
        %parallel_loop3A_323 = arith.muli %parallel_loop3A_150, %parallel_loop3A_322 : i32
        %parallel_loop3A_324 = arith.constant 11 : i32
        %parallel_loop3A_325 = arith.index_cast %parallel_loop3A_324 : i32 to index
        %parallel_loop3A_326 = arith.index_cast %parallel_loop3A_323 : i32 to index
        %parallel_loop3A_327 = tpu.vector_load %arg8[%parallel_loop3A_325, %parallel_loop3A_326] {strides = array<i32>} : memref<32x64xf32, #tpu.memory_space<vmem>>, vector<16xf32>,
        %parallel_loop3A_328 = arith.constant 16 : i32
        %parallel_loop3A_329 = arith.muli %parallel_loop3A_150, %parallel_loop3A_328 : i32
        %parallel_loop3A_330 = arith.constant 27 : i32
        %parallel_loop3A_331 = arith.index_cast %parallel_loop3A_330 : i32 to index
        %parallel_loop3A_332 = arith.index_cast %parallel_loop3A_329 : i32 to index
        %parallel_loop3A_333 = tpu.vector_load %arg8[%parallel_loop3A_331, %parallel_loop3A_332] {strides = array<i32>} : memref<32x64xf32, #tpu.memory_space<vmem>>, vector<16xf32>,
        %parallel_loop3A_334 = tpu.pack_subelements %parallel_loop3A_327, %parallel_loop3A_333 {pack_format = #tpu.pack_format<interleaved>, positions = array<i32: 0, 1>} : vector<16xf32>, vector<16xf32> -> vector<32xbf16>
        %parallel_loop3A_335 = arith.addi %parallel_loop3A_156, %add3A_72 : vector<16xi32>
        %parallel_loop3A_336 = vector.bitcast %parallel_loop3A_334 : vector<32xbf16> to vector<16xi32>
        tpu.vector_store_idx %arg6[%parallel_loop3A_335], %parallel_loop3A_336 : memref<4096xi32, #tpu.memory_space<vmem>>[vector<16xi32>], vector<16xi32>,
        %parallel_loop3A_337 = arith.constant 16 : i32
        %parallel_loop3A_338 = arith.muli %parallel_loop3A_150, %parallel_loop3A_337 : i32
        %parallel_loop3A_339 = arith.constant 12 : i32
        %parallel_loop3A_340 = arith.index_cast %parallel_loop3A_339 : i32 to index
        %parallel_loop3A_341 = arith.index_cast %parallel_loop3A_338 : i32 to index
        %parallel_loop3A_342 = tpu.vector_load %arg8[%parallel_loop3A_340, %parallel_loop3A_341] {strides = array<i32>} : memref<32x64xf32, #tpu.memory_space<vmem>>, vector<16xf32>,
        %parallel_loop3A_343 = arith.constant 16 : i32
        %parallel_loop3A_344 = arith.muli %parallel_loop3A_150, %parallel_loop3A_343 : i32
        %parallel_loop3A_345 = arith.constant 28 : i32
        %parallel_loop3A_346 = arith.index_cast %parallel_loop3A_345 : i32 to index
        %parallel_loop3A_347 = arith.index_cast %parallel_loop3A_344 : i32 to index
        %parallel_loop3A_348 = tpu.vector_load %arg8[%parallel_loop3A_346, %parallel_loop3A_347] {strides = array<i32>} : memref<32x64xf32, #tpu.memory_space<vmem>>, vector<16xf32>,
        %parallel_loop3A_349 = tpu.pack_subelements %parallel_loop3A_342, %parallel_loop3A_348 {pack_format = #tpu.pack_format<interleaved>, positions = array<i32: 0, 1>} : vector<16xf32>, vector<16xf32> -> vector<32xbf16>
        %parallel_loop3A_350 = arith.addi %parallel_loop3A_156, %add3A_78 : vector<16xi32>
        %parallel_loop3A_351 = vector.bitcast %parallel_loop3A_349 : vector<32xbf16> to vector<16xi32>
        tpu.vector_store_idx %arg6[%parallel_loop3A_350], %parallel_loop3A_351 : memref<4096xi32, #tpu.memory_space<vmem>>[vector<16xi32>], vector<16xi32>,
        %parallel_loop3A_352 = arith.constant 16 : i32
        %parallel_loop3A_353 = arith.muli %parallel_loop3A_150, %parallel_loop3A_352 : i32
        %parallel_loop3A_354 = arith.constant 13 : i32
        %parallel_loop3A_355 = arith.index_cast %parallel_loop3A_354 : i32 to index
        %parallel_loop3A_356 = arith.index_cast %parallel_loop3A_353 : i32 to index
        %parallel_loop3A_357 = tpu.vector_load %arg8[%parallel_loop3A_355, %parallel_loop3A_356] {strides = array<i32>} : memref<32x64xf32, #tpu.memory_space<vmem>>, vector<16xf32>,
        %parallel_loop3A_358 = arith.constant 16 : i32
        %parallel_loop3A_359 = arith.muli %parallel_loop3A_150, %parallel_loop3A_358 : i32
        %parallel_loop3A_360 = arith.constant 29 : i32
        %parallel_loop3A_361 = arith.index_cast %parallel_loop3A_360 : i32 to index
        %parallel_loop3A_362 = arith.index_cast %parallel_loop3A_359 : i32 to index
        %parallel_loop3A_363 = tpu.vector_load %arg8[%parallel_loop3A_361, %parallel_loop3A_362] {strides = array<i32>} : memref<32x64xf32, #tpu.memory_space<vmem>>, vector<16xf32>,
        %parallel_loop3A_364 = tpu.pack_subelements %parallel_loop3A_357, %parallel_loop3A_363 {pack_format = #tpu.pack_format<interleaved>, positions = array<i32: 0, 1>} : vector<16xf32>, vector<16xf32> -> vector<32xbf16>
        %parallel_loop3A_365 = arith.addi %parallel_loop3A_156, %add3A_84 : vector<16xi32>
        %parallel_loop3A_366 = vector.bitcast %parallel_loop3A_364 : vector<32xbf16> to vector<16xi32>
        tpu.vector_store_idx %arg6[%parallel_loop3A_365], %parallel_loop3A_366 : memref<4096xi32, #tpu.memory_space<vmem>>[vector<16xi32>], vector<16xi32>,
        %parallel_loop3A_367 = arith.constant 16 : i32
        %parallel_loop3A_368 = arith.muli %parallel_loop3A_150, %parallel_loop3A_367 : i32
        %parallel_loop3A_369 = arith.constant 14 : i32
        %parallel_loop3A_370 = arith.index_cast %parallel_loop3A_369 : i32 to index
        %parallel_loop3A_371 = arith.index_cast %parallel_loop3A_368 : i32 to index
        %parallel_loop3A_372 = tpu.vector_load %arg8[%parallel_loop3A_370, %parallel_loop3A_371] {strides = array<i32>} : memref<32x64xf32, #tpu.memory_space<vmem>>, vector<16xf32>,
        %parallel_loop3A_373 = arith.constant 16 : i32
        %parallel_loop3A_374 = arith.muli %parallel_loop3A_150, %parallel_loop3A_373 : i32
        %parallel_loop3A_375 = arith.constant 30 : i32
        %parallel_loop3A_376 = arith.index_cast %parallel_loop3A_375 : i32 to index
        %parallel_loop3A_377 = arith.index_cast %parallel_loop3A_374 : i32 to index
        %parallel_loop3A_378 = tpu.vector_load %arg8[%parallel_loop3A_376, %parallel_loop3A_377] {strides = array<i32>} : memref<32x64xf32, #tpu.memory_space<vmem>>, vector<16xf32>,
        %parallel_loop3A_379 = tpu.pack_subelements %parallel_loop3A_372, %parallel_loop3A_378 {pack_format = #tpu.pack_format<interleaved>, positions = array<i32: 0, 1>} : vector<16xf32>, vector<16xf32> -> vector<32xbf16>
        %parallel_loop3A_380 = arith.addi %parallel_loop3A_156, %add3A_90 : vector<16xi32>
        %parallel_loop3A_381 = vector.bitcast %parallel_loop3A_379 : vector<32xbf16> to vector<16xi32>
        tpu.vector_store_idx %arg6[%parallel_loop3A_380], %parallel_loop3A_381 : memref<4096xi32, #tpu.memory_space<vmem>>[vector<16xi32>], vector<16xi32>,
        %parallel_loop3A_382 = arith.constant 16 : i32
        %parallel_loop3A_383 = arith.muli %parallel_loop3A_150, %parallel_loop3A_382 : i32
        %parallel_loop3A_384 = arith.constant 15 : i32
        %parallel_loop3A_385 = arith.index_cast %parallel_loop3A_384 : i32 to index
        %parallel_loop3A_386 = arith.index_cast %parallel_loop3A_383 : i32 to index
        %parallel_loop3A_387 = tpu.vector_load %arg8[%parallel_loop3A_385, %parallel_loop3A_386] {strides = array<i32>} : memref<32x64xf32, #tpu.memory_space<vmem>>, vector<16xf32>,
        %parallel_loop3A_388 = arith.constant 16 : i32
        %parallel_loop3A_389 = arith.muli %parallel_loop3A_150, %parallel_loop3A_388 : i32
        %parallel_loop3A_390 = arith.constant 31 : i32
        %parallel_loop3A_391 = arith.index_cast %parallel_loop3A_390 : i32 to index
        %parallel_loop3A_392 = arith.index_cast %parallel_loop3A_389 : i32 to index
        %parallel_loop3A_393 = tpu.vector_load %arg8[%parallel_loop3A_391, %parallel_loop3A_392] {strides = array<i32>} : memref<32x64xf32, #tpu.memory_space<vmem>>, vector<16xf32>,
        %parallel_loop3A_394 = tpu.pack_subelements %parallel_loop3A_387, %parallel_loop3A_393 {pack_format = #tpu.pack_format<interleaved>, positions = array<i32: 0, 1>} : vector<16xf32>, vector<16xf32> -> vector<32xbf16>
        %parallel_loop3A_395 = arith.addi %parallel_loop3A_156, %add3A_96 : vector<16xi32>
        %parallel_loop3A_396 = vector.bitcast %parallel_loop3A_394 : vector<32xbf16> to vector<16xi32>
        tpu.vector_store_idx %arg6[%parallel_loop3A_395], %parallel_loop3A_396 : memref<4096xi32, #tpu.memory_space<vmem>>[vector<16xi32>], vector<16xi32>,
      } {sc.loop_unroll_factor = 2 : i64, sc.parallel_access}
      %dma_start3A_134 = arith.constant 0 : i32
      %dma_start3A_135 = tpu.memref_slice %arg6[%dma_start3A_134] : memref<4096xi32, #tpu.memory_space<vmem>> -> memref<1024xi32, #tpu.memory_space<vmem>>
      %dma_start3A_136 = arith.constant 15998976 : i32
      %dma_start3A_137 = tpu.memref_slice %arg3[%dma_start3A_136] : memref<16000000xi32, #tpu.memory_space<hbm>> -> memref<1024xi32, #tpu.memory_space<hbm>>
      %dma_start3A_138 = arith.constant 15998976 : i32
      %dma_start3A_139 = tpu.memref_slice %arg3[%dma_start3A_138] : memref<16000000xi32, #tpu.memory_space<hbm>> -> memref<1024xi32, #tpu.memory_space<hbm>>
      %dma_start3A_140 = arith.constant 0 : i32
      %dma_start3A_141 = tpu.memref_slice %arg6[%dma_start3A_140] : memref<4096xi32, #tpu.memory_space<vmem>> -> memref<1024xi32, #tpu.memory_space<vmem>>
      tpu.enqueue_dma source(%dma_start3A_141 : memref<1024xi32, #tpu.memory_space<vmem>>) target(%dma_start3A_139 : memref<1024xi32, #tpu.memory_space<hbm>>) target_semaphore(%arg11 : memref<!tpu.dma_semaphore, #tpu.memory_space<semaphore_mem>>)
      %dma_wait3A_142 = arith.constant 0 : i32
      %dma_wait3A_143 = tpu.memref_slice %arg6[%dma_wait3A_142] : memref<4096xi32, #tpu.memory_space<vmem>> -> memref<1024xi32, #tpu.memory_space<vmem>>
      %dma_wait3A_144 = arith.constant 15998976 : i32
      %dma_wait3A_145 = tpu.memref_slice %arg3[%dma_wait3A_144] : memref<16000000xi32, #tpu.memory_space<hbm>> -> memref<1024xi32, #tpu.memory_space<hbm>>
      %dma_wait3A_146 = arith.constant 15998976 : i32
      %dma_wait3A_147 = tpu.memref_slice %arg3[%dma_wait3A_146] : memref<16000000xi32, #tpu.memory_space<hbm>> -> memref<1024xi32, #tpu.memory_space<hbm>>
      %dma_wait3A_148 = arith.constant 0 : i32
      %dma_wait3A_149 = tpu.memref_slice %arg6[%dma_wait3A_148] : memref<4096xi32, #tpu.memory_space<vmem>> -> memref<1024xi32, #tpu.memory_space<vmem>>
      tpu.wait_dma2 semaphore(%arg11 : memref<!tpu.dma_semaphore, #tpu.memory_space<semaphore_mem>>) src(%dma_wait3A_149 : memref<1024xi32, #tpu.memory_space<vmem>>) dst(%dma_wait3A_147 : memref<1024xi32, #tpu.memory_space<hbm>>)
    } else {
    }
    return
  }
}

#map = affine_map<(d0, d1) -> (0, 0)>
#map1 = affine_map<(d0, d1) -> (0)>
module attributes {stable_mosaic.version = 14 : i64} {
  func.func @_sc_classify(%arg0: i32, %arg1: i32, %arg2: memref<4096x200xi32, #tpu.memory_space<hbm>>, %arg3: memref<48xf32, #tpu.memory_space<hbm>>, %arg4: memref<1000000x16xi32, #tpu.memory_space<hbm>>, %arg5: memref<4096xf32, #tpu.memory_space<hbm>>, %arg6: memref<128x200xi32, #tpu.memory_space<vmem>>, %arg7: memref<104x16xi32, #tpu.memory_space<vmem>>, %arg8: memref<104x16xi32, #tpu.memory_space<vmem>>, %arg9: memref<104x16xi32, #tpu.memory_space<vmem>>, %arg10: memref<104x16xi32, #tpu.memory_space<vmem>>, %arg11: memref<96x16xi32, #tpu.memory_space<vmem>>, %arg12: memref<96x16xi32, #tpu.memory_space<vmem>>, %arg13: memref<96x16xi32, #tpu.memory_space<vmem>>, %arg14: memref<96x16xi32, #tpu.memory_space<vmem>>, %arg15: memref<128xf32, #tpu.memory_space<vmem>>, %arg16: memref<48xf32, #tpu.memory_space<vmem>>, %arg17: memref<!tpu.dma_semaphore, #tpu.memory_space<semaphore_mem>>, %arg18: memref<!tpu.dma_semaphore, #tpu.memory_space<semaphore_mem>>, %arg19: memref<!tpu.dma_semaphore, #tpu.memory_space<semaphore_mem>>, %arg20: memref<!tpu.dma_semaphore, #tpu.memory_space<semaphore_mem>>, %arg21: memref<!tpu.dma_semaphore, #tpu.memory_space<semaphore_mem>>, %arg22: memref<!tpu.dma_semaphore, #tpu.memory_space<semaphore_mem>>, %arg23: memref<!tpu.dma_semaphore, #tpu.memory_space<semaphore_mem>>, %arg24: memref<!tpu.dma_semaphore, #tpu.memory_space<semaphore_mem>>) attributes {dimension_semantics = [#tpu.dimension_semantics<core_parallel>, #tpu.dimension_semantics<subcore_parallel>], iteration_bounds = array<i64: 2, 16>, scalar_prefetch = 0 : i64, scratch_operands = 19 : i64, tpu.core_type = #tpu.core_type<sc_vector_subcore>, window_params = [{transform_indices = #map}, {transform_indices = #map1}, {transform_indices = #map}, {transform_indices = #map1}]} {
    %mul3A = arith.constant 2 : i32
    %mul3A_0 = arith.muli %arg1, %mul3A : i32
    %add3A = arith.addi %mul3A_0, %arg0 : i32
    %mul3A_1 = arith.constant 128 : i32
    %mul3A_2 = arith.muli %add3A, %mul3A_1 : i32
    "tpu.region"() ({
      %run_scoped3A = tpu.sem_alloc : memref<!tpu.dma_semaphore, #tpu.memory_space<semaphore_mem>>
      %dma_start3A_71 = arith.constant 0 : i32
      %dma_start3A_72 = tpu.memref_slice %arg2[%mul3A_2, %dma_start3A_71] : memref<4096x200xi32, #tpu.memory_space<hbm>> -> memref<128x200xi32, #tpu.memory_space<hbm>>
      %dma_start3A_73 = arith.constant 0 : i32
      %dma_start3A_74 = tpu.memref_slice %arg2[%mul3A_2, %dma_start3A_73] : memref<4096x200xi32, #tpu.memory_space<hbm>> -> memref<128x200xi32, #tpu.memory_space<hbm>>
      tpu.enqueue_dma source(%dma_start3A_74 : memref<128x200xi32, #tpu.memory_space<hbm>>) target(%arg6 : memref<128x200xi32, #tpu.memory_space<vmem>>) target_semaphore(%run_scoped3A : memref<!tpu.dma_semaphore, #tpu.memory_space<semaphore_mem>>)
      %dma_wait3A = arith.constant 0 : i32
      %dma_wait3A_75 = tpu.memref_slice %arg2[%mul3A_2, %dma_wait3A] : memref<4096x200xi32, #tpu.memory_space<hbm>> -> memref<128x200xi32, #tpu.memory_space<hbm>>
      %dma_wait3A_76 = arith.constant 0 : i32
      %dma_wait3A_77 = tpu.memref_slice %arg2[%mul3A_2, %dma_wait3A_76] : memref<4096x200xi32, #tpu.memory_space<hbm>> -> memref<128x200xi32, #tpu.memory_space<hbm>>
      tpu.wait_dma2 semaphore(%run_scoped3A : memref<!tpu.dma_semaphore, #tpu.memory_space<semaphore_mem>>) src(%dma_wait3A_77 : memref<128x200xi32, #tpu.memory_space<hbm>>) dst(%arg6 : memref<128x200xi32, #tpu.memory_space<vmem>>)
      tpu.yield
    }) : () -> ()
    "tpu.region"() ({
      %run_scoped3A = tpu.sem_alloc : memref<!tpu.dma_semaphore, #tpu.memory_space<semaphore_mem>>
      tpu.enqueue_dma source(%arg3 : memref<48xf32, #tpu.memory_space<hbm>>) target(%arg16 : memref<48xf32, #tpu.memory_space<vmem>>) target_semaphore(%run_scoped3A : memref<!tpu.dma_semaphore, #tpu.memory_space<semaphore_mem>>)
      tpu.wait_dma2 semaphore(%run_scoped3A : memref<!tpu.dma_semaphore, #tpu.memory_space<semaphore_mem>>) src(%arg3 : memref<48xf32, #tpu.memory_space<hbm>>) dst(%arg16 : memref<48xf32, #tpu.memory_space<vmem>>)
      tpu.yield
    }) : () -> ()
    %get3A = arith.constant 0 : index
    %get3A_3 = tpu.vector_load %arg16[%get3A] {strides = array<i32>} : memref<48xf32, #tpu.memory_space<vmem>>, vector<16xf32>,
    %get3A_4 = arith.constant 16 : index
    %get3A_5 = tpu.vector_load %arg16[%get3A_4] {strides = array<i32>} : memref<48xf32, #tpu.memory_space<vmem>>, vector<16xf32>,
    %get3A_6 = arith.constant 32 : index
    %get3A_7 = tpu.vector_load %arg16[%get3A_6] {strides = array<i32>} : memref<48xf32, #tpu.memory_space<vmem>>, vector<16xf32>,
    %slice3A = vector.extract_strided_slice %get3A_7 {offsets = [0], sizes = [1], strides = [1]} : vector<16xf32> to vector<1xf32>
    %squeeze3A = vector.extract %slice3A[0] : f32 from vector<1xf32>
    %broadcast_in_dim3A = arith.constant 0.000000e+00 : f32
    %broadcast_in_dim3A_8 = vector.broadcast %broadcast_in_dim3A : f32 to vector<16xf32>
    %broadcast_in_dim3A_9 = arith.constant 0.000000e+00 : bf16
    %broadcast_in_dim3A_10 = vector.broadcast %broadcast_in_dim3A_9 : bf16 to vector<32xbf16>
    %iota3A = tpu.iota {dimensions = array<i32: 0>} : vector<16xi32>
    %dma_start3A = arith.constant 0 : i32
    %dma_start3A_11 = arith.constant 0 : i32
    %dma_start3A_12 = tpu.memref_slice %arg6[%dma_start3A, %dma_start3A_11] : memref<128x200xi32, #tpu.memory_space<vmem>> -> memref<1x104xi32, #tpu.memory_space<vmem>>
    %dma_start3A_13 = tpu.memref_squeeze %dma_start3A_12 : memref<1x104xi32, #tpu.memory_space<vmem>> -> memref<104xi32, #tpu.memory_space<vmem>>
    %dma_start3A_14 = arith.constant 0 : i32
    %dma_start3A_15 = arith.constant 0 : i32
    %dma_start3A_16 = tpu.memref_slice %arg4[%dma_start3A_14, %dma_start3A_15] : memref<1000000x16xi32, #tpu.memory_space<hbm>> -> memref<1000000x16xi32, #tpu.memory_space<hbm>>
    tpu.enqueue_indirect_dma source(%dma_start3A_16 : memref<1000000x16xi32, #tpu.memory_space<hbm>>) target(%arg7 : memref<104x16xi32, #tpu.memory_space<vmem>>) offsets(%dma_start3A_13 : memref<104xi32, #tpu.memory_space<vmem>>) semaphore(%arg17 : memref<!tpu.dma_semaphore, #tpu.memory_space<semaphore_mem>>)
    %dma_start3A_17 = arith.constant 0 : i32
    %dma_start3A_18 = arith.constant 104 : i32
    %dma_start3A_19 = tpu.memref_slice %arg6[%dma_start3A_17, %dma_start3A_18] : memref<128x200xi32, #tpu.memory_space<vmem>> -> memref<1x96xi32, #tpu.memory_space<vmem>>
    %dma_start3A_20 = tpu.memref_squeeze %dma_start3A_19 : memref<1x96xi32, #tpu.memory_space<vmem>> -> memref<96xi32, #tpu.memory_space<vmem>>
    %dma_start3A_21 = arith.constant 0 : i32
    %dma_start3A_22 = arith.constant 0 : i32
    %dma_start3A_23 = tpu.memref_slice %arg4[%dma_start3A_21, %dma_start3A_22] : memref<1000000x16xi32, #tpu.memory_space<hbm>> -> memref<1000000x16xi32, #tpu.memory_space<hbm>>
    tpu.enqueue_indirect_dma source(%dma_start3A_23 : memref<1000000x16xi32, #tpu.memory_space<hbm>>) target(%arg11 : memref<96x16xi32, #tpu.memory_space<vmem>>) offsets(%dma_start3A_20 : memref<96xi32, #tpu.memory_space<vmem>>) semaphore(%arg21 : memref<!tpu.dma_semaphore, #tpu.memory_space<semaphore_mem>>)
    %dma_start3A_24 = arith.constant 1 : i32
    %dma_start3A_25 = arith.constant 0 : i32
    %dma_start3A_26 = tpu.memref_slice %arg6[%dma_start3A_24, %dma_start3A_25] : memref<128x200xi32, #tpu.memory_space<vmem>> -> memref<1x104xi32, #tpu.memory_space<vmem>>
    %dma_start3A_27 = tpu.memref_squeeze %dma_start3A_26 : memref<1x104xi32, #tpu.memory_space<vmem>> -> memref<104xi32, #tpu.memory_space<vmem>>
    %dma_start3A_28 = arith.constant 0 : i32
    %dma_start3A_29 = arith.constant 0 : i32
    %dma_start3A_30 = tpu.memref_slice %arg4[%dma_start3A_28, %dma_start3A_29] : memref<1000000x16xi32, #tpu.memory_space<hbm>> -> memref<1000000x16xi32, #tpu.memory_space<hbm>>
    tpu.enqueue_indirect_dma source(%dma_start3A_30 : memref<1000000x16xi32, #tpu.memory_space<hbm>>) target(%arg8 : memref<104x16xi32, #tpu.memory_space<vmem>>) offsets(%dma_start3A_27 : memref<104xi32, #tpu.memory_space<vmem>>) semaphore(%arg18 : memref<!tpu.dma_semaphore, #tpu.memory_space<semaphore_mem>>)
    %dma_start3A_31 = arith.constant 1 : i32
    %dma_start3A_32 = arith.constant 104 : i32
    %dma_start3A_33 = tpu.memref_slice %arg6[%dma_start3A_31, %dma_start3A_32] : memref<128x200xi32, #tpu.memory_space<vmem>> -> memref<1x96xi32, #tpu.memory_space<vmem>>
    %dma_start3A_34 = tpu.memref_squeeze %dma_start3A_33 : memref<1x96xi32, #tpu.memory_space<vmem>> -> memref<96xi32, #tpu.memory_space<vmem>>
    %dma_start3A_35 = arith.constant 0 : i32
    %dma_start3A_36 = arith.constant 0 : i32
    %dma_start3A_37 = tpu.memref_slice %arg4[%dma_start3A_35, %dma_start3A_36] : memref<1000000x16xi32, #tpu.memory_space<hbm>> -> memref<1000000x16xi32, #tpu.memory_space<hbm>>
    tpu.enqueue_indirect_dma source(%dma_start3A_37 : memref<1000000x16xi32, #tpu.memory_space<hbm>>) target(%arg12 : memref<96x16xi32, #tpu.memory_space<vmem>>) offsets(%dma_start3A_34 : memref<96xi32, #tpu.memory_space<vmem>>) semaphore(%arg22 : memref<!tpu.dma_semaphore, #tpu.memory_space<semaphore_mem>>)
    %dma_start3A_38 = arith.constant 2 : i32
    %dma_start3A_39 = arith.constant 0 : i32
    %dma_start3A_40 = tpu.memref_slice %arg6[%dma_start3A_38, %dma_start3A_39] : memref<128x200xi32, #tpu.memory_space<vmem>> -> memref<1x104xi32, #tpu.memory_space<vmem>>
    %dma_start3A_41 = tpu.memref_squeeze %dma_start3A_40 : memref<1x104xi32, #tpu.memory_space<vmem>> -> memref<104xi32, #tpu.memory_space<vmem>>
    %dma_start3A_42 = arith.constant 0 : i32
    %dma_start3A_43 = arith.constant 0 : i32
    %dma_start3A_44 = tpu.memref_slice %arg4[%dma_start3A_42, %dma_start3A_43] : memref<1000000x16xi32, #tpu.memory_space<hbm>> -> memref<1000000x16xi32, #tpu.memory_space<hbm>>
    tpu.enqueue_indirect_dma source(%dma_start3A_44 : memref<1000000x16xi32, #tpu.memory_space<hbm>>) target(%arg9 : memref<104x16xi32, #tpu.memory_space<vmem>>) offsets(%dma_start3A_41 : memref<104xi32, #tpu.memory_space<vmem>>) semaphore(%arg19 : memref<!tpu.dma_semaphore, #tpu.memory_space<semaphore_mem>>)
    %dma_start3A_45 = arith.constant 2 : i32
    %dma_start3A_46 = arith.constant 104 : i32
    %dma_start3A_47 = tpu.memref_slice %arg6[%dma_start3A_45, %dma_start3A_46] : memref<128x200xi32, #tpu.memory_space<vmem>> -> memref<1x96xi32, #tpu.memory_space<vmem>>
    %dma_start3A_48 = tpu.memref_squeeze %dma_start3A_47 : memref<1x96xi32, #tpu.memory_space<vmem>> -> memref<96xi32, #tpu.memory_space<vmem>>
    %dma_start3A_49 = arith.constant 0 : i32
    %dma_start3A_50 = arith.constant 0 : i32
    %dma_start3A_51 = tpu.memref_slice %arg4[%dma_start3A_49, %dma_start3A_50] : memref<1000000x16xi32, #tpu.memory_space<hbm>> -> memref<1000000x16xi32, #tpu.memory_space<hbm>>
    tpu.enqueue_indirect_dma source(%dma_start3A_51 : memref<1000000x16xi32, #tpu.memory_space<hbm>>) target(%arg13 : memref<96x16xi32, #tpu.memory_space<vmem>>) offsets(%dma_start3A_48 : memref<96xi32, #tpu.memory_space<vmem>>) semaphore(%arg23 : memref<!tpu.dma_semaphore, #tpu.memory_space<semaphore_mem>>)
    %dma_start3A_52 = arith.constant 3 : i32
    %dma_start3A_53 = arith.constant 0 : i32
    %dma_start3A_54 = tpu.memref_slice %arg6[%dma_start3A_52, %dma_start3A_53] : memref<128x200xi32, #tpu.memory_space<vmem>> -> memref<1x104xi32, #tpu.memory_space<vmem>>
    %dma_start3A_55 = tpu.memref_squeeze %dma_start3A_54 : memref<1x104xi32, #tpu.memory_space<vmem>> -> memref<104xi32, #tpu.memory_space<vmem>>
    %dma_start3A_56 = arith.constant 0 : i32
    %dma_start3A_57 = arith.constant 0 : i32
    %dma_start3A_58 = tpu.memref_slice %arg4[%dma_start3A_56, %dma_start3A_57] : memref<1000000x16xi32, #tpu.memory_space<hbm>> -> memref<1000000x16xi32, #tpu.memory_space<hbm>>
    tpu.enqueue_indirect_dma source(%dma_start3A_58 : memref<1000000x16xi32, #tpu.memory_space<hbm>>) target(%arg10 : memref<104x16xi32, #tpu.memory_space<vmem>>) offsets(%dma_start3A_55 : memref<104xi32, #tpu.memory_space<vmem>>) semaphore(%arg20 : memref<!tpu.dma_semaphore, #tpu.memory_space<semaphore_mem>>)
    %dma_start3A_59 = arith.constant 3 : i32
    %dma_start3A_60 = arith.constant 104 : i32
    %dma_start3A_61 = tpu.memref_slice %arg6[%dma_start3A_59, %dma_start3A_60] : memref<128x200xi32, #tpu.memory_space<vmem>> -> memref<1x96xi32, #tpu.memory_space<vmem>>
    %dma_start3A_62 = tpu.memref_squeeze %dma_start3A_61 : memref<1x96xi32, #tpu.memory_space<vmem>> -> memref<96xi32, #tpu.memory_space<vmem>>
    %dma_start3A_63 = arith.constant 0 : i32
    %dma_start3A_64 = arith.constant 0 : i32
    %dma_start3A_65 = tpu.memref_slice %arg4[%dma_start3A_63, %dma_start3A_64] : memref<1000000x16xi32, #tpu.memory_space<hbm>> -> memref<1000000x16xi32, #tpu.memory_space<hbm>>
    tpu.enqueue_indirect_dma source(%dma_start3A_65 : memref<1000000x16xi32, #tpu.memory_space<hbm>>) target(%arg14 : memref<96x16xi32, #tpu.memory_space<vmem>>) offsets(%dma_start3A_62 : memref<96xi32, #tpu.memory_space<vmem>>) semaphore(%arg24 : memref<!tpu.dma_semaphore, #tpu.memory_space<semaphore_mem>>)
    %scan3A = arith.constant 0 : i32
    %scan3A_66 = arith.constant 32 : i32
    %scan3A_67 = arith.addi %scan3A, %scan3A_66 : i32
    %scan3A_68 = arith.constant 1 : i32
    %scan3A_69 = scf.for %scan3A_71 = %scan3A to %scan3A_67 step %scan3A_68 iter_args(%scan3A_72 = %broadcast_in_dim3A_8) -> (vector<16xf32>)  : i32 {
      %mul3A_73 = arith.constant 4 : i32
      %mul3A_74 = arith.muli %scan3A_71, %mul3A_73 : i32
      %add3A_75 = arith.constant 0 : i32
      %add3A_76 = arith.addi %mul3A_74, %add3A_75 : i32
      %dma_wait3A = arith.constant 0 : i32
      %dma_wait3A_77 = tpu.memref_slice %arg6[%add3A_76, %dma_wait3A] : memref<128x200xi32, #tpu.memory_space<vmem>> -> memref<1x104xi32, #tpu.memory_space<vmem>>
      %dma_wait3A_78 = tpu.memref_squeeze %dma_wait3A_77 : memref<1x104xi32, #tpu.memory_space<vmem>> -> memref<104xi32, #tpu.memory_space<vmem>>
      %dma_wait3A_79 = arith.constant 0 : i32
      %dma_wait3A_80 = arith.constant 0 : i32
      %dma_wait3A_81 = tpu.memref_slice %arg4[%dma_wait3A_79, %dma_wait3A_80] : memref<1000000x16xi32, #tpu.memory_space<hbm>> -> memref<1000000x16xi32, #tpu.memory_space<hbm>>
      tpu.wait_indirect_dma semaphore(%arg17 : memref<!tpu.dma_semaphore, #tpu.memory_space<semaphore_mem>>) src(%dma_wait3A_81 : memref<1000000x16xi32, #tpu.memory_space<hbm>>) dst(%arg7 : memref<104x16xi32, #tpu.memory_space<vmem>>)
      %scan3A_82 = arith.constant 0 : i32
      %scan3A_83 = arith.constant 48 : i32
      %scan3A_84 = arith.addi %scan3A_82, %scan3A_83 : i32
      %scan3A_85 = arith.constant 8 : i32
      %scan3A_86:2 = scf.for %scan3A_744 = %scan3A_82 to %scan3A_84 step %scan3A_85 iter_args(%scan3A_745 = %broadcast_in_dim3A_10, %scan3A_746 = %broadcast_in_dim3A_10) -> (vector<32xbf16>, vector<32xbf16>)  : i32 {
        %mul3A_747 = arith.constant 2 : i32
        %mul3A_748 = arith.muli %scan3A_744, %mul3A_747 : i32
        %get3A_749 = arith.index_cast %mul3A_748 : i32 to index
        %get3A_750 = arith.constant 0 : index
        %get3A_751 = tpu.vector_load %arg7[%get3A_749, %get3A_750] {strides = array<i32>} : memref<104x16xi32, #tpu.memory_space<vmem>>, vector<16xi32>,
        %bitcast3A_752 = vector.bitcast %get3A_751 : vector<16xi32> to vector<32xbf16>
        %mul3A_753 = arith.constant 2 : i32
        %mul3A_754 = arith.muli %scan3A_744, %mul3A_753 : i32
        %add3A_755 = arith.constant 1 : i32
        %add3A_756 = arith.addi %mul3A_754, %add3A_755 : i32
        %get3A_757 = arith.index_cast %add3A_756 : i32 to index
        %get3A_758 = arith.constant 0 : index
        %get3A_759 = tpu.vector_load %arg7[%get3A_757, %get3A_758] {strides = array<i32>} : memref<104x16xi32, #tpu.memory_space<vmem>>, vector<16xi32>,
        %bitcast3A_760 = vector.bitcast %get3A_759 : vector<16xi32> to vector<32xbf16>
        %add3A_761 = arith.addf %scan3A_745, %bitcast3A_752 : vector<32xbf16>
        %add3A_762 = arith.addf %scan3A_746, %bitcast3A_760 : vector<32xbf16>
        %scan3A_763 = arith.constant 1 : i32
        %scan3A_764 = arith.addi %scan3A_744, %scan3A_763 : i32
        %mul3A_765 = arith.constant 2 : i32
        %mul3A_766 = arith.muli %scan3A_764, %mul3A_765 : i32
        %get3A_767 = arith.index_cast %mul3A_766 : i32 to index
        %get3A_768 = arith.constant 0 : index
        %get3A_769 = tpu.vector_load %arg7[%get3A_767, %get3A_768] {strides = array<i32>} : memref<104x16xi32, #tpu.memory_space<vmem>>, vector<16xi32>,
        %bitcast3A_770 = vector.bitcast %get3A_769 : vector<16xi32> to vector<32xbf16>
        %mul3A_771 = arith.constant 2 : i32
        %mul3A_772 = arith.muli %scan3A_764, %mul3A_771 : i32
        %add3A_773 = arith.constant 1 : i32
        %add3A_774 = arith.addi %mul3A_772, %add3A_773 : i32
        %get3A_775 = arith.index_cast %add3A_774 : i32 to index
        %get3A_776 = arith.constant 0 : index
        %get3A_777 = tpu.vector_load %arg7[%get3A_775, %get3A_776] {strides = array<i32>} : memref<104x16xi32, #tpu.memory_space<vmem>>, vector<16xi32>,
        %bitcast3A_778 = vector.bitcast %get3A_777 : vector<16xi32> to vector<32xbf16>
        %add3A_779 = arith.addf %add3A_761, %bitcast3A_770 : vector<32xbf16>
        %add3A_780 = arith.addf %add3A_762, %bitcast3A_778 : vector<32xbf16>
        %scan3A_781 = arith.constant 2 : i32
        %scan3A_782 = arith.addi %scan3A_744, %scan3A_781 : i32
        %mul3A_783 = arith.constant 2 : i32
        %mul3A_784 = arith.muli %scan3A_782, %mul3A_783 : i32
        %get3A_785 = arith.index_cast %mul3A_784 : i32 to index
        %get3A_786 = arith.constant 0 : index
        %get3A_787 = tpu.vector_load %arg7[%get3A_785, %get3A_786] {strides = array<i32>} : memref<104x16xi32, #tpu.memory_space<vmem>>, vector<16xi32>,
        %bitcast3A_788 = vector.bitcast %get3A_787 : vector<16xi32> to vector<32xbf16>
        %mul3A_789 = arith.constant 2 : i32
        %mul3A_790 = arith.muli %scan3A_782, %mul3A_789 : i32
        %add3A_791 = arith.constant 1 : i32
        %add3A_792 = arith.addi %mul3A_790, %add3A_791 : i32
        %get3A_793 = arith.index_cast %add3A_792 : i32 to index
        %get3A_794 = arith.constant 0 : index
        %get3A_795 = tpu.vector_load %arg7[%get3A_793, %get3A_794] {strides = array<i32>} : memref<104x16xi32, #tpu.memory_space<vmem>>, vector<16xi32>,
        %bitcast3A_796 = vector.bitcast %get3A_795 : vector<16xi32> to vector<32xbf16>
        %add3A_797 = arith.addf %add3A_779, %bitcast3A_788 : vector<32xbf16>
        %add3A_798 = arith.addf %add3A_780, %bitcast3A_796 : vector<32xbf16>
        %scan3A_799 = arith.constant 3 : i32
        %scan3A_800 = arith.addi %scan3A_744, %scan3A_799 : i32
        %mul3A_801 = arith.constant 2 : i32
        %mul3A_802 = arith.muli %scan3A_800, %mul3A_801 : i32
        %get3A_803 = arith.index_cast %mul3A_802 : i32 to index
        %get3A_804 = arith.constant 0 : index
        %get3A_805 = tpu.vector_load %arg7[%get3A_803, %get3A_804] {strides = array<i32>} : memref<104x16xi32, #tpu.memory_space<vmem>>, vector<16xi32>,
        %bitcast3A_806 = vector.bitcast %get3A_805 : vector<16xi32> to vector<32xbf16>
        %mul3A_807 = arith.constant 2 : i32
        %mul3A_808 = arith.muli %scan3A_800, %mul3A_807 : i32
        %add3A_809 = arith.constant 1 : i32
        %add3A_810 = arith.addi %mul3A_808, %add3A_809 : i32
        %get3A_811 = arith.index_cast %add3A_810 : i32 to index
        %get3A_812 = arith.constant 0 : index
        %get3A_813 = tpu.vector_load %arg7[%get3A_811, %get3A_812] {strides = array<i32>} : memref<104x16xi32, #tpu.memory_space<vmem>>, vector<16xi32>,
        %bitcast3A_814 = vector.bitcast %get3A_813 : vector<16xi32> to vector<32xbf16>
        %add3A_815 = arith.addf %add3A_797, %bitcast3A_806 : vector<32xbf16>
        %add3A_816 = arith.addf %add3A_798, %bitcast3A_814 : vector<32xbf16>
        %scan3A_817 = arith.constant 4 : i32
        %scan3A_818 = arith.addi %scan3A_744, %scan3A_817 : i32
        %mul3A_819 = arith.constant 2 : i32
        %mul3A_820 = arith.muli %scan3A_818, %mul3A_819 : i32
        %get3A_821 = arith.index_cast %mul3A_820 : i32 to index
        %get3A_822 = arith.constant 0 : index
        %get3A_823 = tpu.vector_load %arg7[%get3A_821, %get3A_822] {strides = array<i32>} : memref<104x16xi32, #tpu.memory_space<vmem>>, vector<16xi32>,
        %bitcast3A_824 = vector.bitcast %get3A_823 : vector<16xi32> to vector<32xbf16>
        %mul3A_825 = arith.constant 2 : i32
        %mul3A_826 = arith.muli %scan3A_818, %mul3A_825 : i32
        %add3A_827 = arith.constant 1 : i32
        %add3A_828 = arith.addi %mul3A_826, %add3A_827 : i32
        %get3A_829 = arith.index_cast %add3A_828 : i32 to index
        %get3A_830 = arith.constant 0 : index
        %get3A_831 = tpu.vector_load %arg7[%get3A_829, %get3A_830] {strides = array<i32>} : memref<104x16xi32, #tpu.memory_space<vmem>>, vector<16xi32>,
        %bitcast3A_832 = vector.bitcast %get3A_831 : vector<16xi32> to vector<32xbf16>
        %add3A_833 = arith.addf %add3A_815, %bitcast3A_824 : vector<32xbf16>
        %add3A_834 = arith.addf %add3A_816, %bitcast3A_832 : vector<32xbf16>
        %scan3A_835 = arith.constant 5 : i32
        %scan3A_836 = arith.addi %scan3A_744, %scan3A_835 : i32
        %mul3A_837 = arith.constant 2 : i32
        %mul3A_838 = arith.muli %scan3A_836, %mul3A_837 : i32
        %get3A_839 = arith.index_cast %mul3A_838 : i32 to index
        %get3A_840 = arith.constant 0 : index
        %get3A_841 = tpu.vector_load %arg7[%get3A_839, %get3A_840] {strides = array<i32>} : memref<104x16xi32, #tpu.memory_space<vmem>>, vector<16xi32>,
        %bitcast3A_842 = vector.bitcast %get3A_841 : vector<16xi32> to vector<32xbf16>
        %mul3A_843 = arith.constant 2 : i32
        %mul3A_844 = arith.muli %scan3A_836, %mul3A_843 : i32
        %add3A_845 = arith.constant 1 : i32
        %add3A_846 = arith.addi %mul3A_844, %add3A_845 : i32
        %get3A_847 = arith.index_cast %add3A_846 : i32 to index
        %get3A_848 = arith.constant 0 : index
        %get3A_849 = tpu.vector_load %arg7[%get3A_847, %get3A_848] {strides = array<i32>} : memref<104x16xi32, #tpu.memory_space<vmem>>, vector<16xi32>,
        %bitcast3A_850 = vector.bitcast %get3A_849 : vector<16xi32> to vector<32xbf16>
        %add3A_851 = arith.addf %add3A_833, %bitcast3A_842 : vector<32xbf16>
        %add3A_852 = arith.addf %add3A_834, %bitcast3A_850 : vector<32xbf16>
        %scan3A_853 = arith.constant 6 : i32
        %scan3A_854 = arith.addi %scan3A_744, %scan3A_853 : i32
        %mul3A_855 = arith.constant 2 : i32
        %mul3A_856 = arith.muli %scan3A_854, %mul3A_855 : i32
        %get3A_857 = arith.index_cast %mul3A_856 : i32 to index
        %get3A_858 = arith.constant 0 : index
        %get3A_859 = tpu.vector_load %arg7[%get3A_857, %get3A_858] {strides = array<i32>} : memref<104x16xi32, #tpu.memory_space<vmem>>, vector<16xi32>,
        %bitcast3A_860 = vector.bitcast %get3A_859 : vector<16xi32> to vector<32xbf16>
        %mul3A_861 = arith.constant 2 : i32
        %mul3A_862 = arith.muli %scan3A_854, %mul3A_861 : i32
        %add3A_863 = arith.constant 1 : i32
        %add3A_864 = arith.addi %mul3A_862, %add3A_863 : i32
        %get3A_865 = arith.index_cast %add3A_864 : i32 to index
        %get3A_866 = arith.constant 0 : index
        %get3A_867 = tpu.vector_load %arg7[%get3A_865, %get3A_866] {strides = array<i32>} : memref<104x16xi32, #tpu.memory_space<vmem>>, vector<16xi32>,
        %bitcast3A_868 = vector.bitcast %get3A_867 : vector<16xi32> to vector<32xbf16>
        %add3A_869 = arith.addf %add3A_851, %bitcast3A_860 : vector<32xbf16>
        %add3A_870 = arith.addf %add3A_852, %bitcast3A_868 : vector<32xbf16>
        %scan3A_871 = arith.constant 7 : i32
        %scan3A_872 = arith.addi %scan3A_744, %scan3A_871 : i32
        %mul3A_873 = arith.constant 2 : i32
        %mul3A_874 = arith.muli %scan3A_872, %mul3A_873 : i32
        %get3A_875 = arith.index_cast %mul3A_874 : i32 to index
        %get3A_876 = arith.constant 0 : index
        %get3A_877 = tpu.vector_load %arg7[%get3A_875, %get3A_876] {strides = array<i32>} : memref<104x16xi32, #tpu.memory_space<vmem>>, vector<16xi32>,
        %bitcast3A_878 = vector.bitcast %get3A_877 : vector<16xi32> to vector<32xbf16>
        %mul3A_879 = arith.constant 2 : i32
        %mul3A_880 = arith.muli %scan3A_872, %mul3A_879 : i32
        %add3A_881 = arith.constant 1 : i32
        %add3A_882 = arith.addi %mul3A_880, %add3A_881 : i32
        %get3A_883 = arith.index_cast %add3A_882 : i32 to index
        %get3A_884 = arith.constant 0 : index
        %get3A_885 = tpu.vector_load %arg7[%get3A_883, %get3A_884] {strides = array<i32>} : memref<104x16xi32, #tpu.memory_space<vmem>>, vector<16xi32>,
        %bitcast3A_886 = vector.bitcast %get3A_885 : vector<16xi32> to vector<32xbf16>
        %add3A_887 = arith.addf %add3A_869, %bitcast3A_878 : vector<32xbf16>
        %add3A_888 = arith.addf %add3A_870, %bitcast3A_886 : vector<32xbf16>
        scf.yield %add3A_887, %add3A_888 : vector<32xbf16>, vector<32xbf16>
      }
      %scan3A_87 = arith.constant 48 : i32
      %scan3A_88 = arith.addi %scan3A_82, %scan3A_87 : i32
      %mul3A_89 = arith.constant 2 : i32
      %mul3A_90 = arith.muli %scan3A_88, %mul3A_89 : i32
      %get3A_91 = arith.index_cast %mul3A_90 : i32 to index
      %get3A_92 = arith.constant 0 : index
      %get3A_93 = tpu.vector_load %arg7[%get3A_91, %get3A_92] {strides = array<i32>} : memref<104x16xi32, #tpu.memory_space<vmem>>, vector<16xi32>,
      %bitcast3A = vector.bitcast %get3A_93 : vector<16xi32> to vector<32xbf16>
      %mul3A_94 = arith.constant 2 : i32
      %mul3A_95 = arith.muli %scan3A_88, %mul3A_94 : i32
      %add3A_96 = arith.constant 1 : i32
      %add3A_97 = arith.addi %mul3A_95, %add3A_96 : i32
      %get3A_98 = arith.index_cast %add3A_97 : i32 to index
      %get3A_99 = arith.constant 0 : index
      %get3A_100 = tpu.vector_load %arg7[%get3A_98, %get3A_99] {strides = array<i32>} : memref<104x16xi32, #tpu.memory_space<vmem>>, vector<16xi32>,
      %bitcast3A_101 = vector.bitcast %get3A_100 : vector<16xi32> to vector<32xbf16>
      %add3A_102 = arith.addf %scan3A_86#0, %bitcast3A : vector<32xbf16>
      %add3A_103 = arith.addf %scan3A_86#1, %bitcast3A_101 : vector<32xbf16>
      %scan3A_104 = arith.constant 49 : i32
      %scan3A_105 = arith.addi %scan3A_82, %scan3A_104 : i32
      %mul3A_106 = arith.constant 2 : i32
      %mul3A_107 = arith.muli %scan3A_105, %mul3A_106 : i32
      %get3A_108 = arith.index_cast %mul3A_107 : i32 to index
      %get3A_109 = arith.constant 0 : index
      %get3A_110 = tpu.vector_load %arg7[%get3A_108, %get3A_109] {strides = array<i32>} : memref<104x16xi32, #tpu.memory_space<vmem>>, vector<16xi32>,
      %bitcast3A_111 = vector.bitcast %get3A_110 : vector<16xi32> to vector<32xbf16>
      %mul3A_112 = arith.constant 2 : i32
      %mul3A_113 = arith.muli %scan3A_105, %mul3A_112 : i32
      %add3A_114 = arith.constant 1 : i32
      %add3A_115 = arith.addi %mul3A_113, %add3A_114 : i32
      %get3A_116 = arith.index_cast %add3A_115 : i32 to index
      %get3A_117 = arith.constant 0 : index
      %get3A_118 = tpu.vector_load %arg7[%get3A_116, %get3A_117] {strides = array<i32>} : memref<104x16xi32, #tpu.memory_space<vmem>>, vector<16xi32>,
      %bitcast3A_119 = vector.bitcast %get3A_118 : vector<16xi32> to vector<32xbf16>
      %add3A_120 = arith.addf %add3A_102, %bitcast3A_111 : vector<32xbf16>
      %add3A_121 = arith.addf %add3A_103, %bitcast3A_119 : vector<32xbf16>
      %scan3A_122 = arith.constant 50 : i32
      %scan3A_123 = arith.addi %scan3A_82, %scan3A_122 : i32
      %mul3A_124 = arith.constant 2 : i32
      %mul3A_125 = arith.muli %scan3A_123, %mul3A_124 : i32
      %get3A_126 = arith.index_cast %mul3A_125 : i32 to index
      %get3A_127 = arith.constant 0 : index
      %get3A_128 = tpu.vector_load %arg7[%get3A_126, %get3A_127] {strides = array<i32>} : memref<104x16xi32, #tpu.memory_space<vmem>>, vector<16xi32>,
      %bitcast3A_129 = vector.bitcast %get3A_128 : vector<16xi32> to vector<32xbf16>
      %mul3A_130 = arith.constant 2 : i32
      %mul3A_131 = arith.muli %scan3A_123, %mul3A_130 : i32
      %add3A_132 = arith.constant 1 : i32
      %add3A_133 = arith.addi %mul3A_131, %add3A_132 : i32
      %get3A_134 = arith.index_cast %add3A_133 : i32 to index
      %get3A_135 = arith.constant 0 : index
      %get3A_136 = tpu.vector_load %arg7[%get3A_134, %get3A_135] {strides = array<i32>} : memref<104x16xi32, #tpu.memory_space<vmem>>, vector<16xi32>,
      %bitcast3A_137 = vector.bitcast %get3A_136 : vector<16xi32> to vector<32xbf16>
      %add3A_138 = arith.addf %add3A_120, %bitcast3A_129 : vector<32xbf16>
      %add3A_139 = arith.addf %add3A_121, %bitcast3A_137 : vector<32xbf16>
      %scan3A_140 = arith.constant 51 : i32
      %scan3A_141 = arith.addi %scan3A_82, %scan3A_140 : i32
      %mul3A_142 = arith.constant 2 : i32
      %mul3A_143 = arith.muli %scan3A_141, %mul3A_142 : i32
      %get3A_144 = arith.index_cast %mul3A_143 : i32 to index
      %get3A_145 = arith.constant 0 : index
      %get3A_146 = tpu.vector_load %arg7[%get3A_144, %get3A_145] {strides = array<i32>} : memref<104x16xi32, #tpu.memory_space<vmem>>, vector<16xi32>,
      %bitcast3A_147 = vector.bitcast %get3A_146 : vector<16xi32> to vector<32xbf16>
      %mul3A_148 = arith.constant 2 : i32
      %mul3A_149 = arith.muli %scan3A_141, %mul3A_148 : i32
      %add3A_150 = arith.constant 1 : i32
      %add3A_151 = arith.addi %mul3A_149, %add3A_150 : i32
      %get3A_152 = arith.index_cast %add3A_151 : i32 to index
      %get3A_153 = arith.constant 0 : index
      %get3A_154 = tpu.vector_load %arg7[%get3A_152, %get3A_153] {strides = array<i32>} : memref<104x16xi32, #tpu.memory_space<vmem>>, vector<16xi32>,
      %bitcast3A_155 = vector.bitcast %get3A_154 : vector<16xi32> to vector<32xbf16>
      %add3A_156 = arith.addf %add3A_138, %bitcast3A_147 : vector<32xbf16>
      %add3A_157 = arith.addf %add3A_139, %bitcast3A_155 : vector<32xbf16>
      %scan3A_158 = arith.constant 52 : i32
      %lt3A = arith.constant 31 : i32
      %lt3A_159 = arith.cmpi slt, %scan3A_71, %lt3A : i32
      %convert_element_type3A = arith.extui %lt3A_159 : i1 to i32
      %cond3A = arith.constant 0 : i32
      %cond3A_160 = arith.cmpi ne, %convert_element_type3A, %cond3A : i32
      scf.if %cond3A_160 {
        %add3A_744 = arith.constant 4 : i32
        %add3A_745 = arith.addi %add3A_76, %add3A_744 : i32
        %dma_start3A_746 = arith.constant 0 : i32
        %dma_start3A_747 = tpu.memref_slice %arg6[%add3A_745, %dma_start3A_746] : memref<128x200xi32, #tpu.memory_space<vmem>> -> memref<1x104xi32, #tpu.memory_space<vmem>>
        %dma_start3A_748 = tpu.memref_squeeze %dma_start3A_747 : memref<1x104xi32, #tpu.memory_space<vmem>> -> memref<104xi32, #tpu.memory_space<vmem>>
        %dma_start3A_749 = arith.constant 0 : i32
        %dma_start3A_750 = arith.constant 0 : i32
        %dma_start3A_751 = tpu.memref_slice %arg4[%dma_start3A_749, %dma_start3A_750] : memref<1000000x16xi32, #tpu.memory_space<hbm>> -> memref<1000000x16xi32, #tpu.memory_space<hbm>>
        tpu.enqueue_indirect_dma source(%dma_start3A_751 : memref<1000000x16xi32, #tpu.memory_space<hbm>>) target(%arg7 : memref<104x16xi32, #tpu.memory_space<vmem>>) offsets(%dma_start3A_748 : memref<104xi32, #tpu.memory_space<vmem>>) semaphore(%arg17 : memref<!tpu.dma_semaphore, #tpu.memory_space<semaphore_mem>>)
      } else {
      }
      %dma_wait3A_161 = arith.constant 104 : i32
      %dma_wait3A_162 = tpu.memref_slice %arg6[%add3A_76, %dma_wait3A_161] : memref<128x200xi32, #tpu.memory_space<vmem>> -> memref<1x96xi32, #tpu.memory_space<vmem>>
      %dma_wait3A_163 = tpu.memref_squeeze %dma_wait3A_162 : memref<1x96xi32, #tpu.memory_space<vmem>> -> memref<96xi32, #tpu.memory_space<vmem>>
      %dma_wait3A_164 = arith.constant 0 : i32
      %dma_wait3A_165 = arith.constant 0 : i32
      %dma_wait3A_166 = tpu.memref_slice %arg4[%dma_wait3A_164, %dma_wait3A_165] : memref<1000000x16xi32, #tpu.memory_space<hbm>> -> memref<1000000x16xi32, #tpu.memory_space<hbm>>
      tpu.wait_indirect_dma semaphore(%arg21 : memref<!tpu.dma_semaphore, #tpu.memory_space<semaphore_mem>>) src(%dma_wait3A_166 : memref<1000000x16xi32, #tpu.memory_space<hbm>>) dst(%arg11 : memref<96x16xi32, #tpu.memory_space<vmem>>)
      %scan3A_167 = arith.constant 0 : i32
      %scan3A_168 = arith.constant 48 : i32
      %scan3A_169 = arith.addi %scan3A_167, %scan3A_168 : i32
      %scan3A_170 = arith.constant 8 : i32
      %scan3A_171:2 = scf.for %scan3A_744 = %scan3A_167 to %scan3A_169 step %scan3A_170 iter_args(%scan3A_745 = %add3A_156, %scan3A_746 = %add3A_157) -> (vector<32xbf16>, vector<32xbf16>)  : i32 {
        %mul3A_747 = arith.constant 2 : i32
        %mul3A_748 = arith.muli %scan3A_744, %mul3A_747 : i32
        %get3A_749 = arith.index_cast %mul3A_748 : i32 to index
        %get3A_750 = arith.constant 0 : index
        %get3A_751 = tpu.vector_load %arg11[%get3A_749, %get3A_750] {strides = array<i32>} : memref<96x16xi32, #tpu.memory_space<vmem>>, vector<16xi32>,
        %bitcast3A_752 = vector.bitcast %get3A_751 : vector<16xi32> to vector<32xbf16>
        %mul3A_753 = arith.constant 2 : i32
        %mul3A_754 = arith.muli %scan3A_744, %mul3A_753 : i32
        %add3A_755 = arith.constant 1 : i32
        %add3A_756 = arith.addi %mul3A_754, %add3A_755 : i32
        %get3A_757 = arith.index_cast %add3A_756 : i32 to index
        %get3A_758 = arith.constant 0 : index
        %get3A_759 = tpu.vector_load %arg11[%get3A_757, %get3A_758] {strides = array<i32>} : memref<96x16xi32, #tpu.memory_space<vmem>>, vector<16xi32>,
        %bitcast3A_760 = vector.bitcast %get3A_759 : vector<16xi32> to vector<32xbf16>
        %add3A_761 = arith.addf %scan3A_745, %bitcast3A_752 : vector<32xbf16>
        %add3A_762 = arith.addf %scan3A_746, %bitcast3A_760 : vector<32xbf16>
        %scan3A_763 = arith.constant 1 : i32
        %scan3A_764 = arith.addi %scan3A_744, %scan3A_763 : i32
        %mul3A_765 = arith.constant 2 : i32
        %mul3A_766 = arith.muli %scan3A_764, %mul3A_765 : i32
        %get3A_767 = arith.index_cast %mul3A_766 : i32 to index
        %get3A_768 = arith.constant 0 : index
        %get3A_769 = tpu.vector_load %arg11[%get3A_767, %get3A_768] {strides = array<i32>} : memref<96x16xi32, #tpu.memory_space<vmem>>, vector<16xi32>,
        %bitcast3A_770 = vector.bitcast %get3A_769 : vector<16xi32> to vector<32xbf16>
        %mul3A_771 = arith.constant 2 : i32
        %mul3A_772 = arith.muli %scan3A_764, %mul3A_771 : i32
        %add3A_773 = arith.constant 1 : i32
        %add3A_774 = arith.addi %mul3A_772, %add3A_773 : i32
        %get3A_775 = arith.index_cast %add3A_774 : i32 to index
        %get3A_776 = arith.constant 0 : index
        %get3A_777 = tpu.vector_load %arg11[%get3A_775, %get3A_776] {strides = array<i32>} : memref<96x16xi32, #tpu.memory_space<vmem>>, vector<16xi32>,
        %bitcast3A_778 = vector.bitcast %get3A_777 : vector<16xi32> to vector<32xbf16>
        %add3A_779 = arith.addf %add3A_761, %bitcast3A_770 : vector<32xbf16>
        %add3A_780 = arith.addf %add3A_762, %bitcast3A_778 : vector<32xbf16>
        %scan3A_781 = arith.constant 2 : i32
        %scan3A_782 = arith.addi %scan3A_744, %scan3A_781 : i32
        %mul3A_783 = arith.constant 2 : i32
        %mul3A_784 = arith.muli %scan3A_782, %mul3A_783 : i32
        %get3A_785 = arith.index_cast %mul3A_784 : i32 to index
        %get3A_786 = arith.constant 0 : index
        %get3A_787 = tpu.vector_load %arg11[%get3A_785, %get3A_786] {strides = array<i32>} : memref<96x16xi32, #tpu.memory_space<vmem>>, vector<16xi32>,
        %bitcast3A_788 = vector.bitcast %get3A_787 : vector<16xi32> to vector<32xbf16>
        %mul3A_789 = arith.constant 2 : i32
        %mul3A_790 = arith.muli %scan3A_782, %mul3A_789 : i32
        %add3A_791 = arith.constant 1 : i32
        %add3A_792 = arith.addi %mul3A_790, %add3A_791 : i32
        %get3A_793 = arith.index_cast %add3A_792 : i32 to index
        %get3A_794 = arith.constant 0 : index
        %get3A_795 = tpu.vector_load %arg11[%get3A_793, %get3A_794] {strides = array<i32>} : memref<96x16xi32, #tpu.memory_space<vmem>>, vector<16xi32>,
        %bitcast3A_796 = vector.bitcast %get3A_795 : vector<16xi32> to vector<32xbf16>
        %add3A_797 = arith.addf %add3A_779, %bitcast3A_788 : vector<32xbf16>
        %add3A_798 = arith.addf %add3A_780, %bitcast3A_796 : vector<32xbf16>
        %scan3A_799 = arith.constant 3 : i32
        %scan3A_800 = arith.addi %scan3A_744, %scan3A_799 : i32
        %mul3A_801 = arith.constant 2 : i32
        %mul3A_802 = arith.muli %scan3A_800, %mul3A_801 : i32
        %get3A_803 = arith.index_cast %mul3A_802 : i32 to index
        %get3A_804 = arith.constant 0 : index
        %get3A_805 = tpu.vector_load %arg11[%get3A_803, %get3A_804] {strides = array<i32>} : memref<96x16xi32, #tpu.memory_space<vmem>>, vector<16xi32>,
        %bitcast3A_806 = vector.bitcast %get3A_805 : vector<16xi32> to vector<32xbf16>
        %mul3A_807 = arith.constant 2 : i32
        %mul3A_808 = arith.muli %scan3A_800, %mul3A_807 : i32
        %add3A_809 = arith.constant 1 : i32
        %add3A_810 = arith.addi %mul3A_808, %add3A_809 : i32
        %get3A_811 = arith.index_cast %add3A_810 : i32 to index
        %get3A_812 = arith.constant 0 : index
        %get3A_813 = tpu.vector_load %arg11[%get3A_811, %get3A_812] {strides = array<i32>} : memref<96x16xi32, #tpu.memory_space<vmem>>, vector<16xi32>,
        %bitcast3A_814 = vector.bitcast %get3A_813 : vector<16xi32> to vector<32xbf16>
        %add3A_815 = arith.addf %add3A_797, %bitcast3A_806 : vector<32xbf16>
        %add3A_816 = arith.addf %add3A_798, %bitcast3A_814 : vector<32xbf16>
        %scan3A_817 = arith.constant 4 : i32
        %scan3A_818 = arith.addi %scan3A_744, %scan3A_817 : i32
        %mul3A_819 = arith.constant 2 : i32
        %mul3A_820 = arith.muli %scan3A_818, %mul3A_819 : i32
        %get3A_821 = arith.index_cast %mul3A_820 : i32 to index
        %get3A_822 = arith.constant 0 : index
        %get3A_823 = tpu.vector_load %arg11[%get3A_821, %get3A_822] {strides = array<i32>} : memref<96x16xi32, #tpu.memory_space<vmem>>, vector<16xi32>,
        %bitcast3A_824 = vector.bitcast %get3A_823 : vector<16xi32> to vector<32xbf16>
        %mul3A_825 = arith.constant 2 : i32
        %mul3A_826 = arith.muli %scan3A_818, %mul3A_825 : i32
        %add3A_827 = arith.constant 1 : i32
        %add3A_828 = arith.addi %mul3A_826, %add3A_827 : i32
        %get3A_829 = arith.index_cast %add3A_828 : i32 to index
        %get3A_830 = arith.constant 0 : index
        %get3A_831 = tpu.vector_load %arg11[%get3A_829, %get3A_830] {strides = array<i32>} : memref<96x16xi32, #tpu.memory_space<vmem>>, vector<16xi32>,
        %bitcast3A_832 = vector.bitcast %get3A_831 : vector<16xi32> to vector<32xbf16>
        %add3A_833 = arith.addf %add3A_815, %bitcast3A_824 : vector<32xbf16>
        %add3A_834 = arith.addf %add3A_816, %bitcast3A_832 : vector<32xbf16>
        %scan3A_835 = arith.constant 5 : i32
        %scan3A_836 = arith.addi %scan3A_744, %scan3A_835 : i32
        %mul3A_837 = arith.constant 2 : i32
        %mul3A_838 = arith.muli %scan3A_836, %mul3A_837 : i32
        %get3A_839 = arith.index_cast %mul3A_838 : i32 to index
        %get3A_840 = arith.constant 0 : index
        %get3A_841 = tpu.vector_load %arg11[%get3A_839, %get3A_840] {strides = array<i32>} : memref<96x16xi32, #tpu.memory_space<vmem>>, vector<16xi32>,
        %bitcast3A_842 = vector.bitcast %get3A_841 : vector<16xi32> to vector<32xbf16>
        %mul3A_843 = arith.constant 2 : i32
        %mul3A_844 = arith.muli %scan3A_836, %mul3A_843 : i32
        %add3A_845 = arith.constant 1 : i32
        %add3A_846 = arith.addi %mul3A_844, %add3A_845 : i32
        %get3A_847 = arith.index_cast %add3A_846 : i32 to index
        %get3A_848 = arith.constant 0 : index
        %get3A_849 = tpu.vector_load %arg11[%get3A_847, %get3A_848] {strides = array<i32>} : memref<96x16xi32, #tpu.memory_space<vmem>>, vector<16xi32>,
        %bitcast3A_850 = vector.bitcast %get3A_849 : vector<16xi32> to vector<32xbf16>
        %add3A_851 = arith.addf %add3A_833, %bitcast3A_842 : vector<32xbf16>
        %add3A_852 = arith.addf %add3A_834, %bitcast3A_850 : vector<32xbf16>
        %scan3A_853 = arith.constant 6 : i32
        %scan3A_854 = arith.addi %scan3A_744, %scan3A_853 : i32
        %mul3A_855 = arith.constant 2 : i32
        %mul3A_856 = arith.muli %scan3A_854, %mul3A_855 : i32
        %get3A_857 = arith.index_cast %mul3A_856 : i32 to index
        %get3A_858 = arith.constant 0 : index
        %get3A_859 = tpu.vector_load %arg11[%get3A_857, %get3A_858] {strides = array<i32>} : memref<96x16xi32, #tpu.memory_space<vmem>>, vector<16xi32>,
        %bitcast3A_860 = vector.bitcast %get3A_859 : vector<16xi32> to vector<32xbf16>
        %mul3A_861 = arith.constant 2 : i32
        %mul3A_862 = arith.muli %scan3A_854, %mul3A_861 : i32
        %add3A_863 = arith.constant 1 : i32
        %add3A_864 = arith.addi %mul3A_862, %add3A_863 : i32
        %get3A_865 = arith.index_cast %add3A_864 : i32 to index
        %get3A_866 = arith.constant 0 : index
        %get3A_867 = tpu.vector_load %arg11[%get3A_865, %get3A_866] {strides = array<i32>} : memref<96x16xi32, #tpu.memory_space<vmem>>, vector<16xi32>,
        %bitcast3A_868 = vector.bitcast %get3A_867 : vector<16xi32> to vector<32xbf16>
        %add3A_869 = arith.addf %add3A_851, %bitcast3A_860 : vector<32xbf16>
        %add3A_870 = arith.addf %add3A_852, %bitcast3A_868 : vector<32xbf16>
        %scan3A_871 = arith.constant 7 : i32
        %scan3A_872 = arith.addi %scan3A_744, %scan3A_871 : i32
        %mul3A_873 = arith.constant 2 : i32
        %mul3A_874 = arith.muli %scan3A_872, %mul3A_873 : i32
        %get3A_875 = arith.index_cast %mul3A_874 : i32 to index
        %get3A_876 = arith.constant 0 : index
        %get3A_877 = tpu.vector_load %arg11[%get3A_875, %get3A_876] {strides = array<i32>} : memref<96x16xi32, #tpu.memory_space<vmem>>, vector<16xi32>,
        %bitcast3A_878 = vector.bitcast %get3A_877 : vector<16xi32> to vector<32xbf16>
        %mul3A_879 = arith.constant 2 : i32
        %mul3A_880 = arith.muli %scan3A_872, %mul3A_879 : i32
        %add3A_881 = arith.constant 1 : i32
        %add3A_882 = arith.addi %mul3A_880, %add3A_881 : i32
        %get3A_883 = arith.index_cast %add3A_882 : i32 to index
        %get3A_884 = arith.constant 0 : index
        %get3A_885 = tpu.vector_load %arg11[%get3A_883, %get3A_884] {strides = array<i32>} : memref<96x16xi32, #tpu.memory_space<vmem>>, vector<16xi32>,
        %bitcast3A_886 = vector.bitcast %get3A_885 : vector<16xi32> to vector<32xbf16>
        %add3A_887 = arith.addf %add3A_869, %bitcast3A_878 : vector<32xbf16>
        %add3A_888 = arith.addf %add3A_870, %bitcast3A_886 : vector<32xbf16>
        scf.yield %add3A_887, %add3A_888 : vector<32xbf16>, vector<32xbf16>
      }
      %scan3A_172 = arith.constant 48 : i32
      %lt3A_173 = arith.constant 31 : i32
      %lt3A_174 = arith.cmpi slt, %scan3A_71, %lt3A_173 : i32
      %convert_element_type3A_175 = arith.extui %lt3A_174 : i1 to i32
      %cond3A_176 = arith.constant 0 : i32
      %cond3A_177 = arith.cmpi ne, %convert_element_type3A_175, %cond3A_176 : i32
      scf.if %cond3A_177 {
        %add3A_744 = arith.constant 4 : i32
        %add3A_745 = arith.addi %add3A_76, %add3A_744 : i32
        %dma_start3A_746 = arith.constant 104 : i32
        %dma_start3A_747 = tpu.memref_slice %arg6[%add3A_745, %dma_start3A_746] : memref<128x200xi32, #tpu.memory_space<vmem>> -> memref<1x96xi32, #tpu.memory_space<vmem>>
        %dma_start3A_748 = tpu.memref_squeeze %dma_start3A_747 : memref<1x96xi32, #tpu.memory_space<vmem>> -> memref<96xi32, #tpu.memory_space<vmem>>
        %dma_start3A_749 = arith.constant 0 : i32
        %dma_start3A_750 = arith.constant 0 : i32
        %dma_start3A_751 = tpu.memref_slice %arg4[%dma_start3A_749, %dma_start3A_750] : memref<1000000x16xi32, #tpu.memory_space<hbm>> -> memref<1000000x16xi32, #tpu.memory_space<hbm>>
        tpu.enqueue_indirect_dma source(%dma_start3A_751 : memref<1000000x16xi32, #tpu.memory_space<hbm>>) target(%arg11 : memref<96x16xi32, #tpu.memory_space<vmem>>) offsets(%dma_start3A_748 : memref<96xi32, #tpu.memory_space<vmem>>) semaphore(%arg21 : memref<!tpu.dma_semaphore, #tpu.memory_space<semaphore_mem>>)
      } else {
      }
      %unpack3A = tpu.unpack_subelements %scan3A_171#0, 0 {pack_format = #tpu.pack_format<interleaved>} : vector<32xbf16> -> vector<16xf32>
      %unpack3A_178 = tpu.unpack_subelements %scan3A_171#0, 1 {pack_format = #tpu.pack_format<interleaved>} : vector<32xbf16> -> vector<16xf32>
      %unpack3A_179 = tpu.unpack_subelements %scan3A_171#1, 0 {pack_format = #tpu.pack_format<interleaved>} : vector<32xbf16> -> vector<16xf32>
      %unpack3A_180 = tpu.unpack_subelements %scan3A_171#1, 1 {pack_format = #tpu.pack_format<interleaved>} : vector<32xbf16> -> vector<16xf32>
      %add3A_181 = arith.addf %unpack3A, %unpack3A_179 : vector<16xf32>
      %add3A_182 = arith.addf %unpack3A_178, %unpack3A_180 : vector<16xf32>
      %mul3A_183 = arith.mulf %add3A_181, %get3A_3 : vector<16xf32>
      %reduce_sum3A = arith.constant true
      %reduce_sum3A_184 = vector.broadcast %reduce_sum3A : i1 to vector<16xi1>
      %reduce_sum3A_185 = tpu.scan <sum>, %mul3A_183 masked %reduce_sum3A_184 : vector<16xf32>, vector<16xi1> -> vector<16xf32>
      %reduce_sum3A_186 = vector.extract %reduce_sum3A_185[15] : f32 from vector<16xf32>
      %mul3A_187 = arith.mulf %add3A_182, %get3A_5 : vector<16xf32>
      %reduce_sum3A_188 = arith.constant true
      %reduce_sum3A_189 = vector.broadcast %reduce_sum3A_188 : i1 to vector<16xi1>
      %reduce_sum3A_190 = tpu.scan <sum>, %mul3A_187 masked %reduce_sum3A_189 : vector<16xf32>, vector<16xi1> -> vector<16xf32>
      %reduce_sum3A_191 = vector.extract %reduce_sum3A_190[15] : f32 from vector<16xf32>
      %add3A_192 = arith.addf %reduce_sum3A_186, %reduce_sum3A_191 : f32
      %mul3A_193 = arith.constant 5.000000e-03 : f32
      %mul3A_194 = arith.mulf %add3A_192, %mul3A_193 : f32
      %add3A_195 = arith.addf %mul3A_194, %squeeze3A : f32
      %jit3A = arith.constant 16 : i32
      %eq3A = arith.constant 0 : i32
      %eq3A_196 = arith.cmpi eq, %jit3A, %eq3A : i32
      %jit3A_197 = arith.constant 1 : i32
      %select_n3A = arith.select %eq3A_196, %jit3A_197, %jit3A : i32
      %rem3A = arith.remsi %add3A_76, %select_n3A : i32
      %ne3A = arith.constant 0 : i32
      %ne3A_198 = arith.cmpi ne, %rem3A, %ne3A : i32
      %lt3A_199 = arith.constant 0 : i32
      %lt3A_200 = arith.cmpi slt, %rem3A, %lt3A_199 : i32
      %lt3A_201 = arith.constant 0 : i32
      %lt3A_202 = arith.cmpi slt, %select_n3A, %lt3A_201 : i32
      %ne3A_203 = arith.xori %lt3A_200, %lt3A_202 : i1
      %and3A = arith.andi %ne3A_203, %ne3A_198 : i1
      %add3A_204 = arith.addi %rem3A, %select_n3A : i32
      %select_n3A_205 = arith.select %and3A, %add3A_204, %rem3A : i32
      %eq3A_206 = vector.broadcast %select_n3A_205 : i32 to vector<16xi32>
      %eq3A_207 = arith.cmpi eq, %iota3A, %eq3A_206 : vector<16xi32>
      %broadcast_in_dim3A_208 = vector.broadcast %add3A_195 : f32 to vector<16xf32>
      %select_n3A_209 = arith.select %eq3A_207, %broadcast_in_dim3A_208, %scan3A_72 : vector<16xi1>, vector<16xf32>
      %jit3A_210 = arith.constant 16 : i32
      %eq3A_211 = arith.constant 0 : i32
      %eq3A_212 = arith.cmpi eq, %jit3A_210, %eq3A_211 : i32
      %jit3A_213 = arith.constant 1 : i32
      %select_n3A_214 = arith.select %eq3A_212, %jit3A_213, %jit3A_210 : i32
      %rem3A_215 = arith.remsi %add3A_76, %select_n3A_214 : i32
      %ne3A_216 = arith.constant 0 : i32
      %ne3A_217 = arith.cmpi ne, %rem3A_215, %ne3A_216 : i32
      %lt3A_218 = arith.constant 0 : i32
      %lt3A_219 = arith.cmpi slt, %rem3A_215, %lt3A_218 : i32
      %lt3A_220 = arith.constant 0 : i32
      %lt3A_221 = arith.cmpi slt, %select_n3A_214, %lt3A_220 : i32
      %ne3A_222 = arith.xori %lt3A_219, %lt3A_221 : i1
      %and3A_223 = arith.andi %ne3A_222, %ne3A_217 : i1
      %add3A_224 = arith.addi %rem3A_215, %select_n3A_214 : i32
      %select_n3A_225 = arith.select %and3A_223, %add3A_224, %rem3A_215 : i32
      %eq3A_226 = arith.constant 15 : i32
      %eq3A_227 = arith.cmpi eq, %select_n3A_225, %eq3A_226 : i32
      %convert_element_type3A_228 = arith.extui %eq3A_227 : i1 to i32
      %cond3A_229 = arith.constant 0 : i32
      %cond3A_230 = arith.cmpi ne, %convert_element_type3A_228, %cond3A_229 : i32
      scf.if %cond3A_230 {
        %neg3A = arith.constant 0.000000e+00 : f32
        %neg3A_744 = vector.broadcast %neg3A : f32 to vector<16xf32>
        %neg3A_745 = arith.subf %neg3A_744, %select_n3A_209 : vector<16xf32>
        %exp3A = math.exp %neg3A_745 : vector<16xf32>
        %add3A_746 = arith.constant 1.000000e+00 : f32
        %add3A_747 = vector.broadcast %add3A_746 : f32 to vector<16xf32>
        %add3A_748 = arith.addf %add3A_747, %exp3A : vector<16xf32>
        %div3A = arith.constant 1.000000e+00 : f32
        %div3A_749 = vector.broadcast %div3A : f32 to vector<16xf32>
        %div3A_750 = arith.divf %div3A_749, %add3A_748 : vector<16xf32>
        %jit3A_751 = arith.constant 16 : i32
        %div3A_752 = arith.divsi %add3A_76, %jit3A_751 : i32
        %sign3A = arith.constant 0 : i32
        %sign3A_753 = arith.cmpi sgt, %add3A_76, %sign3A : i32
        %sign3A_754 = arith.extui %sign3A_753 : i1 to i32
        %sign3A_755 = arith.constant 0 : i32
        %sign3A_756 = arith.cmpi slt, %add3A_76, %sign3A_755 : i32
        %sign3A_757 = arith.extui %sign3A_756 : i1 to i32
        %sign3A_758 = arith.subi %sign3A_754, %sign3A_757 : i32
        %sign3A_759 = arith.constant 0 : i32
        %sign3A_760 = arith.cmpi sgt, %jit3A_751, %sign3A_759 : i32
        %sign3A_761 = arith.extui %sign3A_760 : i1 to i32
        %sign3A_762 = arith.constant 0 : i32
        %sign3A_763 = arith.cmpi slt, %jit3A_751, %sign3A_762 : i32
        %sign3A_764 = arith.extui %sign3A_763 : i1 to i32
        %sign3A_765 = arith.subi %sign3A_761, %sign3A_764 : i32
        %ne3A_766 = arith.cmpi ne, %sign3A_758, %sign3A_765 : i32
        %rem3A_767 = arith.remsi %add3A_76, %jit3A_751 : i32
        %ne3A_768 = arith.constant 0 : i32
        %ne3A_769 = arith.cmpi ne, %rem3A_767, %ne3A_768 : i32
        %and3A_770 = arith.andi %ne3A_766, %ne3A_769 : i1
        %sub3A = arith.constant 1 : i32
        %sub3A_771 = arith.subi %div3A_752, %sub3A : i32
        %select_n3A_772 = arith.select %and3A_770, %sub3A_771, %div3A_752 : i32
        %mul3A_773 = arith.constant 16 : i32
        %mul3A_774 = arith.muli %select_n3A_772, %mul3A_773 : i32
        %swap3A = arith.index_cast %mul3A_774 : i32 to index
        %swap3A_775 = tpu.vector_load %arg15[%swap3A] {strides = array<i32>} : memref<128xf32, #tpu.memory_space<vmem>>, vector<16xf32>,
        tpu.vector_store %arg15[%swap3A], %div3A_750 {strides = array<i32>} : memref<128xf32, #tpu.memory_space<vmem>>, vector<16xf32>,
      } else {
      }
      %mul3A_231 = arith.constant 4 : i32
      %mul3A_232 = arith.muli %scan3A_71, %mul3A_231 : i32
      %add3A_233 = arith.constant 1 : i32
      %add3A_234 = arith.addi %mul3A_232, %add3A_233 : i32
      %dma_wait3A_235 = arith.constant 0 : i32
      %dma_wait3A_236 = tpu.memref_slice %arg6[%add3A_234, %dma_wait3A_235] : memref<128x200xi32, #tpu.memory_space<vmem>> -> memref<1x104xi32, #tpu.memory_space<vmem>>
      %dma_wait3A_237 = tpu.memref_squeeze %dma_wait3A_236 : memref<1x104xi32, #tpu.memory_space<vmem>> -> memref<104xi32, #tpu.memory_space<vmem>>
      %dma_wait3A_238 = arith.constant 0 : i32
      %dma_wait3A_239 = arith.constant 0 : i32
      %dma_wait3A_240 = tpu.memref_slice %arg4[%dma_wait3A_238, %dma_wait3A_239] : memref<1000000x16xi32, #tpu.memory_space<hbm>> -> memref<1000000x16xi32, #tpu.memory_space<hbm>>
      tpu.wait_indirect_dma semaphore(%arg18 : memref<!tpu.dma_semaphore, #tpu.memory_space<semaphore_mem>>) src(%dma_wait3A_240 : memref<1000000x16xi32, #tpu.memory_space<hbm>>) dst(%arg8 : memref<104x16xi32, #tpu.memory_space<vmem>>)
      %scan3A_241 = arith.constant 0 : i32
      %scan3A_242 = arith.constant 48 : i32
      %scan3A_243 = arith.addi %scan3A_241, %scan3A_242 : i32
      %scan3A_244 = arith.constant 8 : i32
      %scan3A_245:2 = scf.for %scan3A_744 = %scan3A_241 to %scan3A_243 step %scan3A_244 iter_args(%scan3A_745 = %broadcast_in_dim3A_10, %scan3A_746 = %broadcast_in_dim3A_10) -> (vector<32xbf16>, vector<32xbf16>)  : i32 {
        %mul3A_747 = arith.constant 2 : i32
        %mul3A_748 = arith.muli %scan3A_744, %mul3A_747 : i32
        %get3A_749 = arith.index_cast %mul3A_748 : i32 to index
        %get3A_750 = arith.constant 0 : index
        %get3A_751 = tpu.vector_load %arg8[%get3A_749, %get3A_750] {strides = array<i32>} : memref<104x16xi32, #tpu.memory_space<vmem>>, vector<16xi32>,
        %bitcast3A_752 = vector.bitcast %get3A_751 : vector<16xi32> to vector<32xbf16>
        %mul3A_753 = arith.constant 2 : i32
        %mul3A_754 = arith.muli %scan3A_744, %mul3A_753 : i32
        %add3A_755 = arith.constant 1 : i32
        %add3A_756 = arith.addi %mul3A_754, %add3A_755 : i32
        %get3A_757 = arith.index_cast %add3A_756 : i32 to index
        %get3A_758 = arith.constant 0 : index
        %get3A_759 = tpu.vector_load %arg8[%get3A_757, %get3A_758] {strides = array<i32>} : memref<104x16xi32, #tpu.memory_space<vmem>>, vector<16xi32>,
        %bitcast3A_760 = vector.bitcast %get3A_759 : vector<16xi32> to vector<32xbf16>
        %add3A_761 = arith.addf %scan3A_745, %bitcast3A_752 : vector<32xbf16>
        %add3A_762 = arith.addf %scan3A_746, %bitcast3A_760 : vector<32xbf16>
        %scan3A_763 = arith.constant 1 : i32
        %scan3A_764 = arith.addi %scan3A_744, %scan3A_763 : i32
        %mul3A_765 = arith.constant 2 : i32
        %mul3A_766 = arith.muli %scan3A_764, %mul3A_765 : i32
        %get3A_767 = arith.index_cast %mul3A_766 : i32 to index
        %get3A_768 = arith.constant 0 : index
        %get3A_769 = tpu.vector_load %arg8[%get3A_767, %get3A_768] {strides = array<i32>} : memref<104x16xi32, #tpu.memory_space<vmem>>, vector<16xi32>,
        %bitcast3A_770 = vector.bitcast %get3A_769 : vector<16xi32> to vector<32xbf16>
        %mul3A_771 = arith.constant 2 : i32
        %mul3A_772 = arith.muli %scan3A_764, %mul3A_771 : i32
        %add3A_773 = arith.constant 1 : i32
        %add3A_774 = arith.addi %mul3A_772, %add3A_773 : i32
        %get3A_775 = arith.index_cast %add3A_774 : i32 to index
        %get3A_776 = arith.constant 0 : index
        %get3A_777 = tpu.vector_load %arg8[%get3A_775, %get3A_776] {strides = array<i32>} : memref<104x16xi32, #tpu.memory_space<vmem>>, vector<16xi32>,
        %bitcast3A_778 = vector.bitcast %get3A_777 : vector<16xi32> to vector<32xbf16>
        %add3A_779 = arith.addf %add3A_761, %bitcast3A_770 : vector<32xbf16>
        %add3A_780 = arith.addf %add3A_762, %bitcast3A_778 : vector<32xbf16>
        %scan3A_781 = arith.constant 2 : i32
        %scan3A_782 = arith.addi %scan3A_744, %scan3A_781 : i32
        %mul3A_783 = arith.constant 2 : i32
        %mul3A_784 = arith.muli %scan3A_782, %mul3A_783 : i32
        %get3A_785 = arith.index_cast %mul3A_784 : i32 to index
        %get3A_786 = arith.constant 0 : index
        %get3A_787 = tpu.vector_load %arg8[%get3A_785, %get3A_786] {strides = array<i32>} : memref<104x16xi32, #tpu.memory_space<vmem>>, vector<16xi32>,
        %bitcast3A_788 = vector.bitcast %get3A_787 : vector<16xi32> to vector<32xbf16>
        %mul3A_789 = arith.constant 2 : i32
        %mul3A_790 = arith.muli %scan3A_782, %mul3A_789 : i32
        %add3A_791 = arith.constant 1 : i32
        %add3A_792 = arith.addi %mul3A_790, %add3A_791 : i32
        %get3A_793 = arith.index_cast %add3A_792 : i32 to index
        %get3A_794 = arith.constant 0 : index
        %get3A_795 = tpu.vector_load %arg8[%get3A_793, %get3A_794] {strides = array<i32>} : memref<104x16xi32, #tpu.memory_space<vmem>>, vector<16xi32>,
        %bitcast3A_796 = vector.bitcast %get3A_795 : vector<16xi32> to vector<32xbf16>
        %add3A_797 = arith.addf %add3A_779, %bitcast3A_788 : vector<32xbf16>
        %add3A_798 = arith.addf %add3A_780, %bitcast3A_796 : vector<32xbf16>
        %scan3A_799 = arith.constant 3 : i32
        %scan3A_800 = arith.addi %scan3A_744, %scan3A_799 : i32
        %mul3A_801 = arith.constant 2 : i32
        %mul3A_802 = arith.muli %scan3A_800, %mul3A_801 : i32
        %get3A_803 = arith.index_cast %mul3A_802 : i32 to index
        %get3A_804 = arith.constant 0 : index
        %get3A_805 = tpu.vector_load %arg8[%get3A_803, %get3A_804] {strides = array<i32>} : memref<104x16xi32, #tpu.memory_space<vmem>>, vector<16xi32>,
        %bitcast3A_806 = vector.bitcast %get3A_805 : vector<16xi32> to vector<32xbf16>
        %mul3A_807 = arith.constant 2 : i32
        %mul3A_808 = arith.muli %scan3A_800, %mul3A_807 : i32
        %add3A_809 = arith.constant 1 : i32
        %add3A_810 = arith.addi %mul3A_808, %add3A_809 : i32
        %get3A_811 = arith.index_cast %add3A_810 : i32 to index
        %get3A_812 = arith.constant 0 : index
        %get3A_813 = tpu.vector_load %arg8[%get3A_811, %get3A_812] {strides = array<i32>} : memref<104x16xi32, #tpu.memory_space<vmem>>, vector<16xi32>,
        %bitcast3A_814 = vector.bitcast %get3A_813 : vector<16xi32> to vector<32xbf16>
        %add3A_815 = arith.addf %add3A_797, %bitcast3A_806 : vector<32xbf16>
        %add3A_816 = arith.addf %add3A_798, %bitcast3A_814 : vector<32xbf16>
        %scan3A_817 = arith.constant 4 : i32
        %scan3A_818 = arith.addi %scan3A_744, %scan3A_817 : i32
        %mul3A_819 = arith.constant 2 : i32
        %mul3A_820 = arith.muli %scan3A_818, %mul3A_819 : i32
        %get3A_821 = arith.index_cast %mul3A_820 : i32 to index
        %get3A_822 = arith.constant 0 : index
        %get3A_823 = tpu.vector_load %arg8[%get3A_821, %get3A_822] {strides = array<i32>} : memref<104x16xi32, #tpu.memory_space<vmem>>, vector<16xi32>,
        %bitcast3A_824 = vector.bitcast %get3A_823 : vector<16xi32> to vector<32xbf16>
        %mul3A_825 = arith.constant 2 : i32
        %mul3A_826 = arith.muli %scan3A_818, %mul3A_825 : i32
        %add3A_827 = arith.constant 1 : i32
        %add3A_828 = arith.addi %mul3A_826, %add3A_827 : i32
        %get3A_829 = arith.index_cast %add3A_828 : i32 to index
        %get3A_830 = arith.constant 0 : index
        %get3A_831 = tpu.vector_load %arg8[%get3A_829, %get3A_830] {strides = array<i32>} : memref<104x16xi32, #tpu.memory_space<vmem>>, vector<16xi32>,
        %bitcast3A_832 = vector.bitcast %get3A_831 : vector<16xi32> to vector<32xbf16>
        %add3A_833 = arith.addf %add3A_815, %bitcast3A_824 : vector<32xbf16>
        %add3A_834 = arith.addf %add3A_816, %bitcast3A_832 : vector<32xbf16>
        %scan3A_835 = arith.constant 5 : i32
        %scan3A_836 = arith.addi %scan3A_744, %scan3A_835 : i32
        %mul3A_837 = arith.constant 2 : i32
        %mul3A_838 = arith.muli %scan3A_836, %mul3A_837 : i32
        %get3A_839 = arith.index_cast %mul3A_838 : i32 to index
        %get3A_840 = arith.constant 0 : index
        %get3A_841 = tpu.vector_load %arg8[%get3A_839, %get3A_840] {strides = array<i32>} : memref<104x16xi32, #tpu.memory_space<vmem>>, vector<16xi32>,
        %bitcast3A_842 = vector.bitcast %get3A_841 : vector<16xi32> to vector<32xbf16>
        %mul3A_843 = arith.constant 2 : i32
        %mul3A_844 = arith.muli %scan3A_836, %mul3A_843 : i32
        %add3A_845 = arith.constant 1 : i32
        %add3A_846 = arith.addi %mul3A_844, %add3A_845 : i32
        %get3A_847 = arith.index_cast %add3A_846 : i32 to index
        %get3A_848 = arith.constant 0 : index
        %get3A_849 = tpu.vector_load %arg8[%get3A_847, %get3A_848] {strides = array<i32>} : memref<104x16xi32, #tpu.memory_space<vmem>>, vector<16xi32>,
        %bitcast3A_850 = vector.bitcast %get3A_849 : vector<16xi32> to vector<32xbf16>
        %add3A_851 = arith.addf %add3A_833, %bitcast3A_842 : vector<32xbf16>
        %add3A_852 = arith.addf %add3A_834, %bitcast3A_850 : vector<32xbf16>
        %scan3A_853 = arith.constant 6 : i32
        %scan3A_854 = arith.addi %scan3A_744, %scan3A_853 : i32
        %mul3A_855 = arith.constant 2 : i32
        %mul3A_856 = arith.muli %scan3A_854, %mul3A_855 : i32
        %get3A_857 = arith.index_cast %mul3A_856 : i32 to index
        %get3A_858 = arith.constant 0 : index
        %get3A_859 = tpu.vector_load %arg8[%get3A_857, %get3A_858] {strides = array<i32>} : memref<104x16xi32, #tpu.memory_space<vmem>>, vector<16xi32>,
        %bitcast3A_860 = vector.bitcast %get3A_859 : vector<16xi32> to vector<32xbf16>
        %mul3A_861 = arith.constant 2 : i32
        %mul3A_862 = arith.muli %scan3A_854, %mul3A_861 : i32
        %add3A_863 = arith.constant 1 : i32
        %add3A_864 = arith.addi %mul3A_862, %add3A_863 : i32
        %get3A_865 = arith.index_cast %add3A_864 : i32 to index
        %get3A_866 = arith.constant 0 : index
        %get3A_867 = tpu.vector_load %arg8[%get3A_865, %get3A_866] {strides = array<i32>} : memref<104x16xi32, #tpu.memory_space<vmem>>, vector<16xi32>,
        %bitcast3A_868 = vector.bitcast %get3A_867 : vector<16xi32> to vector<32xbf16>
        %add3A_869 = arith.addf %add3A_851, %bitcast3A_860 : vector<32xbf16>
        %add3A_870 = arith.addf %add3A_852, %bitcast3A_868 : vector<32xbf16>
        %scan3A_871 = arith.constant 7 : i32
        %scan3A_872 = arith.addi %scan3A_744, %scan3A_871 : i32
        %mul3A_873 = arith.constant 2 : i32
        %mul3A_874 = arith.muli %scan3A_872, %mul3A_873 : i32
        %get3A_875 = arith.index_cast %mul3A_874 : i32 to index
        %get3A_876 = arith.constant 0 : index
        %get3A_877 = tpu.vector_load %arg8[%get3A_875, %get3A_876] {strides = array<i32>} : memref<104x16xi32, #tpu.memory_space<vmem>>, vector<16xi32>,
        %bitcast3A_878 = vector.bitcast %get3A_877 : vector<16xi32> to vector<32xbf16>
        %mul3A_879 = arith.constant 2 : i32
        %mul3A_880 = arith.muli %scan3A_872, %mul3A_879 : i32
        %add3A_881 = arith.constant 1 : i32
        %add3A_882 = arith.addi %mul3A_880, %add3A_881 : i32
        %get3A_883 = arith.index_cast %add3A_882 : i32 to index
        %get3A_884 = arith.constant 0 : index
        %get3A_885 = tpu.vector_load %arg8[%get3A_883, %get3A_884] {strides = array<i32>} : memref<104x16xi32, #tpu.memory_space<vmem>>, vector<16xi32>,
        %bitcast3A_886 = vector.bitcast %get3A_885 : vector<16xi32> to vector<32xbf16>
        %add3A_887 = arith.addf %add3A_869, %bitcast3A_878 : vector<32xbf16>
        %add3A_888 = arith.addf %add3A_870, %bitcast3A_886 : vector<32xbf16>
        scf.yield %add3A_887, %add3A_888 : vector<32xbf16>, vector<32xbf16>
      }
      %scan3A_246 = arith.constant 48 : i32
      %scan3A_247 = arith.addi %scan3A_241, %scan3A_246 : i32
      %mul3A_248 = arith.constant 2 : i32
      %mul3A_249 = arith.muli %scan3A_247, %mul3A_248 : i32
      %get3A_250 = arith.index_cast %mul3A_249 : i32 to index
      %get3A_251 = arith.constant 0 : index
      %get3A_252 = tpu.vector_load %arg8[%get3A_250, %get3A_251] {strides = array<i32>} : memref<104x16xi32, #tpu.memory_space<vmem>>, vector<16xi32>,
      %bitcast3A_253 = vector.bitcast %get3A_252 : vector<16xi32> to vector<32xbf16>
      %mul3A_254 = arith.constant 2 : i32
      %mul3A_255 = arith.muli %scan3A_247, %mul3A_254 : i32
      %add3A_256 = arith.constant 1 : i32
      %add3A_257 = arith.addi %mul3A_255, %add3A_256 : i32
      %get3A_258 = arith.index_cast %add3A_257 : i32 to index
      %get3A_259 = arith.constant 0 : index
      %get3A_260 = tpu.vector_load %arg8[%get3A_258, %get3A_259] {strides = array<i32>} : memref<104x16xi32, #tpu.memory_space<vmem>>, vector<16xi32>,
      %bitcast3A_261 = vector.bitcast %get3A_260 : vector<16xi32> to vector<32xbf16>
      %add3A_262 = arith.addf %scan3A_245#0, %bitcast3A_253 : vector<32xbf16>
      %add3A_263 = arith.addf %scan3A_245#1, %bitcast3A_261 : vector<32xbf16>
      %scan3A_264 = arith.constant 49 : i32
      %scan3A_265 = arith.addi %scan3A_241, %scan3A_264 : i32
      %mul3A_266 = arith.constant 2 : i32
      %mul3A_267 = arith.muli %scan3A_265, %mul3A_266 : i32
      %get3A_268 = arith.index_cast %mul3A_267 : i32 to index
      %get3A_269 = arith.constant 0 : index
      %get3A_270 = tpu.vector_load %arg8[%get3A_268, %get3A_269] {strides = array<i32>} : memref<104x16xi32, #tpu.memory_space<vmem>>, vector<16xi32>,
      %bitcast3A_271 = vector.bitcast %get3A_270 : vector<16xi32> to vector<32xbf16>
      %mul3A_272 = arith.constant 2 : i32
      %mul3A_273 = arith.muli %scan3A_265, %mul3A_272 : i32
      %add3A_274 = arith.constant 1 : i32
      %add3A_275 = arith.addi %mul3A_273, %add3A_274 : i32
      %get3A_276 = arith.index_cast %add3A_275 : i32 to index
      %get3A_277 = arith.constant 0 : index
      %get3A_278 = tpu.vector_load %arg8[%get3A_276, %get3A_277] {strides = array<i32>} : memref<104x16xi32, #tpu.memory_space<vmem>>, vector<16xi32>,
      %bitcast3A_279 = vector.bitcast %get3A_278 : vector<16xi32> to vector<32xbf16>
      %add3A_280 = arith.addf %add3A_262, %bitcast3A_271 : vector<32xbf16>
      %add3A_281 = arith.addf %add3A_263, %bitcast3A_279 : vector<32xbf16>
      %scan3A_282 = arith.constant 50 : i32
      %scan3A_283 = arith.addi %scan3A_241, %scan3A_282 : i32
      %mul3A_284 = arith.constant 2 : i32
      %mul3A_285 = arith.muli %scan3A_283, %mul3A_284 : i32
      %get3A_286 = arith.index_cast %mul3A_285 : i32 to index
      %get3A_287 = arith.constant 0 : index
      %get3A_288 = tpu.vector_load %arg8[%get3A_286, %get3A_287] {strides = array<i32>} : memref<104x16xi32, #tpu.memory_space<vmem>>, vector<16xi32>,
      %bitcast3A_289 = vector.bitcast %get3A_288 : vector<16xi32> to vector<32xbf16>
      %mul3A_290 = arith.constant 2 : i32
      %mul3A_291 = arith.muli %scan3A_283, %mul3A_290 : i32
      %add3A_292 = arith.constant 1 : i32
      %add3A_293 = arith.addi %mul3A_291, %add3A_292 : i32
      %get3A_294 = arith.index_cast %add3A_293 : i32 to index
      %get3A_295 = arith.constant 0 : index
      %get3A_296 = tpu.vector_load %arg8[%get3A_294, %get3A_295] {strides = array<i32>} : memref<104x16xi32, #tpu.memory_space<vmem>>, vector<16xi32>,
      %bitcast3A_297 = vector.bitcast %get3A_296 : vector<16xi32> to vector<32xbf16>
      %add3A_298 = arith.addf %add3A_280, %bitcast3A_289 : vector<32xbf16>
      %add3A_299 = arith.addf %add3A_281, %bitcast3A_297 : vector<32xbf16>
      %scan3A_300 = arith.constant 51 : i32
      %scan3A_301 = arith.addi %scan3A_241, %scan3A_300 : i32
      %mul3A_302 = arith.constant 2 : i32
      %mul3A_303 = arith.muli %scan3A_301, %mul3A_302 : i32
      %get3A_304 = arith.index_cast %mul3A_303 : i32 to index
      %get3A_305 = arith.constant 0 : index
      %get3A_306 = tpu.vector_load %arg8[%get3A_304, %get3A_305] {strides = array<i32>} : memref<104x16xi32, #tpu.memory_space<vmem>>, vector<16xi32>,
      %bitcast3A_307 = vector.bitcast %get3A_306 : vector<16xi32> to vector<32xbf16>
      %mul3A_308 = arith.constant 2 : i32
      %mul3A_309 = arith.muli %scan3A_301, %mul3A_308 : i32
      %add3A_310 = arith.constant 1 : i32
      %add3A_311 = arith.addi %mul3A_309, %add3A_310 : i32
      %get3A_312 = arith.index_cast %add3A_311 : i32 to index
      %get3A_313 = arith.constant 0 : index
      %get3A_314 = tpu.vector_load %arg8[%get3A_312, %get3A_313] {strides = array<i32>} : memref<104x16xi32, #tpu.memory_space<vmem>>, vector<16xi32>,
      %bitcast3A_315 = vector.bitcast %get3A_314 : vector<16xi32> to vector<32xbf16>
      %add3A_316 = arith.addf %add3A_298, %bitcast3A_307 : vector<32xbf16>
      %add3A_317 = arith.addf %add3A_299, %bitcast3A_315 : vector<32xbf16>
      %scan3A_318 = arith.constant 52 : i32
      %lt3A_319 = arith.constant 31 : i32
      %lt3A_320 = arith.cmpi slt, %scan3A_71, %lt3A_319 : i32
      %convert_element_type3A_321 = arith.extui %lt3A_320 : i1 to i32
      %cond3A_322 = arith.constant 0 : i32
      %cond3A_323 = arith.cmpi ne, %convert_element_type3A_321, %cond3A_322 : i32
      scf.if %cond3A_323 {
        %add3A_744 = arith.constant 4 : i32
        %add3A_745 = arith.addi %add3A_234, %add3A_744 : i32
        %dma_start3A_746 = arith.constant 0 : i32
        %dma_start3A_747 = tpu.memref_slice %arg6[%add3A_745, %dma_start3A_746] : memref<128x200xi32, #tpu.memory_space<vmem>> -> memref<1x104xi32, #tpu.memory_space<vmem>>
        %dma_start3A_748 = tpu.memref_squeeze %dma_start3A_747 : memref<1x104xi32, #tpu.memory_space<vmem>> -> memref<104xi32, #tpu.memory_space<vmem>>
        %dma_start3A_749 = arith.constant 0 : i32
        %dma_start3A_750 = arith.constant 0 : i32
        %dma_start3A_751 = tpu.memref_slice %arg4[%dma_start3A_749, %dma_start3A_750] : memref<1000000x16xi32, #tpu.memory_space<hbm>> -> memref<1000000x16xi32, #tpu.memory_space<hbm>>
        tpu.enqueue_indirect_dma source(%dma_start3A_751 : memref<1000000x16xi32, #tpu.memory_space<hbm>>) target(%arg8 : memref<104x16xi32, #tpu.memory_space<vmem>>) offsets(%dma_start3A_748 : memref<104xi32, #tpu.memory_space<vmem>>) semaphore(%arg18 : memref<!tpu.dma_semaphore, #tpu.memory_space<semaphore_mem>>)
      } else {
      }
      %dma_wait3A_324 = arith.constant 104 : i32
      %dma_wait3A_325 = tpu.memref_slice %arg6[%add3A_234, %dma_wait3A_324] : memref<128x200xi32, #tpu.memory_space<vmem>> -> memref<1x96xi32, #tpu.memory_space<vmem>>
      %dma_wait3A_326 = tpu.memref_squeeze %dma_wait3A_325 : memref<1x96xi32, #tpu.memory_space<vmem>> -> memref<96xi32, #tpu.memory_space<vmem>>
      %dma_wait3A_327 = arith.constant 0 : i32
      %dma_wait3A_328 = arith.constant 0 : i32
      %dma_wait3A_329 = tpu.memref_slice %arg4[%dma_wait3A_327, %dma_wait3A_328] : memref<1000000x16xi32, #tpu.memory_space<hbm>> -> memref<1000000x16xi32, #tpu.memory_space<hbm>>
      tpu.wait_indirect_dma semaphore(%arg22 : memref<!tpu.dma_semaphore, #tpu.memory_space<semaphore_mem>>) src(%dma_wait3A_329 : memref<1000000x16xi32, #tpu.memory_space<hbm>>) dst(%arg12 : memref<96x16xi32, #tpu.memory_space<vmem>>)
      %scan3A_330 = arith.constant 0 : i32
      %scan3A_331 = arith.constant 48 : i32
      %scan3A_332 = arith.addi %scan3A_330, %scan3A_331 : i32
      %scan3A_333 = arith.constant 8 : i32
      %scan3A_334:2 = scf.for %scan3A_744 = %scan3A_330 to %scan3A_332 step %scan3A_333 iter_args(%scan3A_745 = %add3A_316, %scan3A_746 = %add3A_317) -> (vector<32xbf16>, vector<32xbf16>)  : i32 {
        %mul3A_747 = arith.constant 2 : i32
        %mul3A_748 = arith.muli %scan3A_744, %mul3A_747 : i32
        %get3A_749 = arith.index_cast %mul3A_748 : i32 to index
        %get3A_750 = arith.constant 0 : index
        %get3A_751 = tpu.vector_load %arg12[%get3A_749, %get3A_750] {strides = array<i32>} : memref<96x16xi32, #tpu.memory_space<vmem>>, vector<16xi32>,
        %bitcast3A_752 = vector.bitcast %get3A_751 : vector<16xi32> to vector<32xbf16>
        %mul3A_753 = arith.constant 2 : i32
        %mul3A_754 = arith.muli %scan3A_744, %mul3A_753 : i32
        %add3A_755 = arith.constant 1 : i32
        %add3A_756 = arith.addi %mul3A_754, %add3A_755 : i32
        %get3A_757 = arith.index_cast %add3A_756 : i32 to index
        %get3A_758 = arith.constant 0 : index
        %get3A_759 = tpu.vector_load %arg12[%get3A_757, %get3A_758] {strides = array<i32>} : memref<96x16xi32, #tpu.memory_space<vmem>>, vector<16xi32>,
        %bitcast3A_760 = vector.bitcast %get3A_759 : vector<16xi32> to vector<32xbf16>
        %add3A_761 = arith.addf %scan3A_745, %bitcast3A_752 : vector<32xbf16>
        %add3A_762 = arith.addf %scan3A_746, %bitcast3A_760 : vector<32xbf16>
        %scan3A_763 = arith.constant 1 : i32
        %scan3A_764 = arith.addi %scan3A_744, %scan3A_763 : i32
        %mul3A_765 = arith.constant 2 : i32
        %mul3A_766 = arith.muli %scan3A_764, %mul3A_765 : i32
        %get3A_767 = arith.index_cast %mul3A_766 : i32 to index
        %get3A_768 = arith.constant 0 : index
        %get3A_769 = tpu.vector_load %arg12[%get3A_767, %get3A_768] {strides = array<i32>} : memref<96x16xi32, #tpu.memory_space<vmem>>, vector<16xi32>,
        %bitcast3A_770 = vector.bitcast %get3A_769 : vector<16xi32> to vector<32xbf16>
        %mul3A_771 = arith.constant 2 : i32
        %mul3A_772 = arith.muli %scan3A_764, %mul3A_771 : i32
        %add3A_773 = arith.constant 1 : i32
        %add3A_774 = arith.addi %mul3A_772, %add3A_773 : i32
        %get3A_775 = arith.index_cast %add3A_774 : i32 to index
        %get3A_776 = arith.constant 0 : index
        %get3A_777 = tpu.vector_load %arg12[%get3A_775, %get3A_776] {strides = array<i32>} : memref<96x16xi32, #tpu.memory_space<vmem>>, vector<16xi32>,
        %bitcast3A_778 = vector.bitcast %get3A_777 : vector<16xi32> to vector<32xbf16>
        %add3A_779 = arith.addf %add3A_761, %bitcast3A_770 : vector<32xbf16>
        %add3A_780 = arith.addf %add3A_762, %bitcast3A_778 : vector<32xbf16>
        %scan3A_781 = arith.constant 2 : i32
        %scan3A_782 = arith.addi %scan3A_744, %scan3A_781 : i32
        %mul3A_783 = arith.constant 2 : i32
        %mul3A_784 = arith.muli %scan3A_782, %mul3A_783 : i32
        %get3A_785 = arith.index_cast %mul3A_784 : i32 to index
        %get3A_786 = arith.constant 0 : index
        %get3A_787 = tpu.vector_load %arg12[%get3A_785, %get3A_786] {strides = array<i32>} : memref<96x16xi32, #tpu.memory_space<vmem>>, vector<16xi32>,
        %bitcast3A_788 = vector.bitcast %get3A_787 : vector<16xi32> to vector<32xbf16>
        %mul3A_789 = arith.constant 2 : i32
        %mul3A_790 = arith.muli %scan3A_782, %mul3A_789 : i32
        %add3A_791 = arith.constant 1 : i32
        %add3A_792 = arith.addi %mul3A_790, %add3A_791 : i32
        %get3A_793 = arith.index_cast %add3A_792 : i32 to index
        %get3A_794 = arith.constant 0 : index
        %get3A_795 = tpu.vector_load %arg12[%get3A_793, %get3A_794] {strides = array<i32>} : memref<96x16xi32, #tpu.memory_space<vmem>>, vector<16xi32>,
        %bitcast3A_796 = vector.bitcast %get3A_795 : vector<16xi32> to vector<32xbf16>
        %add3A_797 = arith.addf %add3A_779, %bitcast3A_788 : vector<32xbf16>
        %add3A_798 = arith.addf %add3A_780, %bitcast3A_796 : vector<32xbf16>
        %scan3A_799 = arith.constant 3 : i32
        %scan3A_800 = arith.addi %scan3A_744, %scan3A_799 : i32
        %mul3A_801 = arith.constant 2 : i32
        %mul3A_802 = arith.muli %scan3A_800, %mul3A_801 : i32
        %get3A_803 = arith.index_cast %mul3A_802 : i32 to index
        %get3A_804 = arith.constant 0 : index
        %get3A_805 = tpu.vector_load %arg12[%get3A_803, %get3A_804] {strides = array<i32>} : memref<96x16xi32, #tpu.memory_space<vmem>>, vector<16xi32>,
        %bitcast3A_806 = vector.bitcast %get3A_805 : vector<16xi32> to vector<32xbf16>
        %mul3A_807 = arith.constant 2 : i32
        %mul3A_808 = arith.muli %scan3A_800, %mul3A_807 : i32
        %add3A_809 = arith.constant 1 : i32
        %add3A_810 = arith.addi %mul3A_808, %add3A_809 : i32
        %get3A_811 = arith.index_cast %add3A_810 : i32 to index
        %get3A_812 = arith.constant 0 : index
        %get3A_813 = tpu.vector_load %arg12[%get3A_811, %get3A_812] {strides = array<i32>} : memref<96x16xi32, #tpu.memory_space<vmem>>, vector<16xi32>,
        %bitcast3A_814 = vector.bitcast %get3A_813 : vector<16xi32> to vector<32xbf16>
        %add3A_815 = arith.addf %add3A_797, %bitcast3A_806 : vector<32xbf16>
        %add3A_816 = arith.addf %add3A_798, %bitcast3A_814 : vector<32xbf16>
        %scan3A_817 = arith.constant 4 : i32
        %scan3A_818 = arith.addi %scan3A_744, %scan3A_817 : i32
        %mul3A_819 = arith.constant 2 : i32
        %mul3A_820 = arith.muli %scan3A_818, %mul3A_819 : i32
        %get3A_821 = arith.index_cast %mul3A_820 : i32 to index
        %get3A_822 = arith.constant 0 : index
        %get3A_823 = tpu.vector_load %arg12[%get3A_821, %get3A_822] {strides = array<i32>} : memref<96x16xi32, #tpu.memory_space<vmem>>, vector<16xi32>,
        %bitcast3A_824 = vector.bitcast %get3A_823 : vector<16xi32> to vector<32xbf16>
        %mul3A_825 = arith.constant 2 : i32
        %mul3A_826 = arith.muli %scan3A_818, %mul3A_825 : i32
        %add3A_827 = arith.constant 1 : i32
        %add3A_828 = arith.addi %mul3A_826, %add3A_827 : i32
        %get3A_829 = arith.index_cast %add3A_828 : i32 to index
        %get3A_830 = arith.constant 0 : index
        %get3A_831 = tpu.vector_load %arg12[%get3A_829, %get3A_830] {strides = array<i32>} : memref<96x16xi32, #tpu.memory_space<vmem>>, vector<16xi32>,
        %bitcast3A_832 = vector.bitcast %get3A_831 : vector<16xi32> to vector<32xbf16>
        %add3A_833 = arith.addf %add3A_815, %bitcast3A_824 : vector<32xbf16>
        %add3A_834 = arith.addf %add3A_816, %bitcast3A_832 : vector<32xbf16>
        %scan3A_835 = arith.constant 5 : i32
        %scan3A_836 = arith.addi %scan3A_744, %scan3A_835 : i32
        %mul3A_837 = arith.constant 2 : i32
        %mul3A_838 = arith.muli %scan3A_836, %mul3A_837 : i32
        %get3A_839 = arith.index_cast %mul3A_838 : i32 to index
        %get3A_840 = arith.constant 0 : index
        %get3A_841 = tpu.vector_load %arg12[%get3A_839, %get3A_840] {strides = array<i32>} : memref<96x16xi32, #tpu.memory_space<vmem>>, vector<16xi32>,
        %bitcast3A_842 = vector.bitcast %get3A_841 : vector<16xi32> to vector<32xbf16>
        %mul3A_843 = arith.constant 2 : i32
        %mul3A_844 = arith.muli %scan3A_836, %mul3A_843 : i32
        %add3A_845 = arith.constant 1 : i32
        %add3A_846 = arith.addi %mul3A_844, %add3A_845 : i32
        %get3A_847 = arith.index_cast %add3A_846 : i32 to index
        %get3A_848 = arith.constant 0 : index
        %get3A_849 = tpu.vector_load %arg12[%get3A_847, %get3A_848] {strides = array<i32>} : memref<96x16xi32, #tpu.memory_space<vmem>>, vector<16xi32>,
        %bitcast3A_850 = vector.bitcast %get3A_849 : vector<16xi32> to vector<32xbf16>
        %add3A_851 = arith.addf %add3A_833, %bitcast3A_842 : vector<32xbf16>
        %add3A_852 = arith.addf %add3A_834, %bitcast3A_850 : vector<32xbf16>
        %scan3A_853 = arith.constant 6 : i32
        %scan3A_854 = arith.addi %scan3A_744, %scan3A_853 : i32
        %mul3A_855 = arith.constant 2 : i32
        %mul3A_856 = arith.muli %scan3A_854, %mul3A_855 : i32
        %get3A_857 = arith.index_cast %mul3A_856 : i32 to index
        %get3A_858 = arith.constant 0 : index
        %get3A_859 = tpu.vector_load %arg12[%get3A_857, %get3A_858] {strides = array<i32>} : memref<96x16xi32, #tpu.memory_space<vmem>>, vector<16xi32>,
        %bitcast3A_860 = vector.bitcast %get3A_859 : vector<16xi32> to vector<32xbf16>
        %mul3A_861 = arith.constant 2 : i32
        %mul3A_862 = arith.muli %scan3A_854, %mul3A_861 : i32
        %add3A_863 = arith.constant 1 : i32
        %add3A_864 = arith.addi %mul3A_862, %add3A_863 : i32
        %get3A_865 = arith.index_cast %add3A_864 : i32 to index
        %get3A_866 = arith.constant 0 : index
        %get3A_867 = tpu.vector_load %arg12[%get3A_865, %get3A_866] {strides = array<i32>} : memref<96x16xi32, #tpu.memory_space<vmem>>, vector<16xi32>,
        %bitcast3A_868 = vector.bitcast %get3A_867 : vector<16xi32> to vector<32xbf16>
        %add3A_869 = arith.addf %add3A_851, %bitcast3A_860 : vector<32xbf16>
        %add3A_870 = arith.addf %add3A_852, %bitcast3A_868 : vector<32xbf16>
        %scan3A_871 = arith.constant 7 : i32
        %scan3A_872 = arith.addi %scan3A_744, %scan3A_871 : i32
        %mul3A_873 = arith.constant 2 : i32
        %mul3A_874 = arith.muli %scan3A_872, %mul3A_873 : i32
        %get3A_875 = arith.index_cast %mul3A_874 : i32 to index
        %get3A_876 = arith.constant 0 : index
        %get3A_877 = tpu.vector_load %arg12[%get3A_875, %get3A_876] {strides = array<i32>} : memref<96x16xi32, #tpu.memory_space<vmem>>, vector<16xi32>,
        %bitcast3A_878 = vector.bitcast %get3A_877 : vector<16xi32> to vector<32xbf16>
        %mul3A_879 = arith.constant 2 : i32
        %mul3A_880 = arith.muli %scan3A_872, %mul3A_879 : i32
        %add3A_881 = arith.constant 1 : i32
        %add3A_882 = arith.addi %mul3A_880, %add3A_881 : i32
        %get3A_883 = arith.index_cast %add3A_882 : i32 to index
        %get3A_884 = arith.constant 0 : index
        %get3A_885 = tpu.vector_load %arg12[%get3A_883, %get3A_884] {strides = array<i32>} : memref<96x16xi32, #tpu.memory_space<vmem>>, vector<16xi32>,
        %bitcast3A_886 = vector.bitcast %get3A_885 : vector<16xi32> to vector<32xbf16>
        %add3A_887 = arith.addf %add3A_869, %bitcast3A_878 : vector<32xbf16>
        %add3A_888 = arith.addf %add3A_870, %bitcast3A_886 : vector<32xbf16>
        scf.yield %add3A_887, %add3A_888 : vector<32xbf16>, vector<32xbf16>
      }
      %scan3A_335 = arith.constant 48 : i32
      %lt3A_336 = arith.constant 31 : i32
      %lt3A_337 = arith.cmpi slt, %scan3A_71, %lt3A_336 : i32
      %convert_element_type3A_338 = arith.extui %lt3A_337 : i1 to i32
      %cond3A_339 = arith.constant 0 : i32
      %cond3A_340 = arith.cmpi ne, %convert_element_type3A_338, %cond3A_339 : i32
      scf.if %cond3A_340 {
        %add3A_744 = arith.constant 4 : i32
        %add3A_745 = arith.addi %add3A_234, %add3A_744 : i32
        %dma_start3A_746 = arith.constant 104 : i32
        %dma_start3A_747 = tpu.memref_slice %arg6[%add3A_745, %dma_start3A_746] : memref<128x200xi32, #tpu.memory_space<vmem>> -> memref<1x96xi32, #tpu.memory_space<vmem>>
        %dma_start3A_748 = tpu.memref_squeeze %dma_start3A_747 : memref<1x96xi32, #tpu.memory_space<vmem>> -> memref<96xi32, #tpu.memory_space<vmem>>
        %dma_start3A_749 = arith.constant 0 : i32
        %dma_start3A_750 = arith.constant 0 : i32
        %dma_start3A_751 = tpu.memref_slice %arg4[%dma_start3A_749, %dma_start3A_750] : memref<1000000x16xi32, #tpu.memory_space<hbm>> -> memref<1000000x16xi32, #tpu.memory_space<hbm>>
        tpu.enqueue_indirect_dma source(%dma_start3A_751 : memref<1000000x16xi32, #tpu.memory_space<hbm>>) target(%arg12 : memref<96x16xi32, #tpu.memory_space<vmem>>) offsets(%dma_start3A_748 : memref<96xi32, #tpu.memory_space<vmem>>) semaphore(%arg22 : memref<!tpu.dma_semaphore, #tpu.memory_space<semaphore_mem>>)
      } else {
      }
      %unpack3A_341 = tpu.unpack_subelements %scan3A_334#0, 0 {pack_format = #tpu.pack_format<interleaved>} : vector<32xbf16> -> vector<16xf32>
      %unpack3A_342 = tpu.unpack_subelements %scan3A_334#0, 1 {pack_format = #tpu.pack_format<interleaved>} : vector<32xbf16> -> vector<16xf32>
      %unpack3A_343 = tpu.unpack_subelements %scan3A_334#1, 0 {pack_format = #tpu.pack_format<interleaved>} : vector<32xbf16> -> vector<16xf32>
      %unpack3A_344 = tpu.unpack_subelements %scan3A_334#1, 1 {pack_format = #tpu.pack_format<interleaved>} : vector<32xbf16> -> vector<16xf32>
      %add3A_345 = arith.addf %unpack3A_341, %unpack3A_343 : vector<16xf32>
      %add3A_346 = arith.addf %unpack3A_342, %unpack3A_344 : vector<16xf32>
      %mul3A_347 = arith.mulf %add3A_345, %get3A_3 : vector<16xf32>
      %reduce_sum3A_348 = arith.constant true
      %reduce_sum3A_349 = vector.broadcast %reduce_sum3A_348 : i1 to vector<16xi1>
      %reduce_sum3A_350 = tpu.scan <sum>, %mul3A_347 masked %reduce_sum3A_349 : vector<16xf32>, vector<16xi1> -> vector<16xf32>
      %reduce_sum3A_351 = vector.extract %reduce_sum3A_350[15] : f32 from vector<16xf32>
      %mul3A_352 = arith.mulf %add3A_346, %get3A_5 : vector<16xf32>
      %reduce_sum3A_353 = arith.constant true
      %reduce_sum3A_354 = vector.broadcast %reduce_sum3A_353 : i1 to vector<16xi1>
      %reduce_sum3A_355 = tpu.scan <sum>, %mul3A_352 masked %reduce_sum3A_354 : vector<16xf32>, vector<16xi1> -> vector<16xf32>
      %reduce_sum3A_356 = vector.extract %reduce_sum3A_355[15] : f32 from vector<16xf32>
      %add3A_357 = arith.addf %reduce_sum3A_351, %reduce_sum3A_356 : f32
      %mul3A_358 = arith.constant 5.000000e-03 : f32
      %mul3A_359 = arith.mulf %add3A_357, %mul3A_358 : f32
      %add3A_360 = arith.addf %mul3A_359, %squeeze3A : f32
      %jit3A_361 = arith.constant 16 : i32
      %eq3A_362 = arith.constant 0 : i32
      %eq3A_363 = arith.cmpi eq, %jit3A_361, %eq3A_362 : i32
      %jit3A_364 = arith.constant 1 : i32
      %select_n3A_365 = arith.select %eq3A_363, %jit3A_364, %jit3A_361 : i32
      %rem3A_366 = arith.remsi %add3A_234, %select_n3A_365 : i32
      %ne3A_367 = arith.constant 0 : i32
      %ne3A_368 = arith.cmpi ne, %rem3A_366, %ne3A_367 : i32
      %lt3A_369 = arith.constant 0 : i32
      %lt3A_370 = arith.cmpi slt, %rem3A_366, %lt3A_369 : i32
      %lt3A_371 = arith.constant 0 : i32
      %lt3A_372 = arith.cmpi slt, %select_n3A_365, %lt3A_371 : i32
      %ne3A_373 = arith.xori %lt3A_370, %lt3A_372 : i1
      %and3A_374 = arith.andi %ne3A_373, %ne3A_368 : i1
      %add3A_375 = arith.addi %rem3A_366, %select_n3A_365 : i32
      %select_n3A_376 = arith.select %and3A_374, %add3A_375, %rem3A_366 : i32
      %eq3A_377 = vector.broadcast %select_n3A_376 : i32 to vector<16xi32>
      %eq3A_378 = arith.cmpi eq, %iota3A, %eq3A_377 : vector<16xi32>
      %broadcast_in_dim3A_379 = vector.broadcast %add3A_360 : f32 to vector<16xf32>
      %select_n3A_380 = arith.select %eq3A_378, %broadcast_in_dim3A_379, %select_n3A_209 : vector<16xi1>, vector<16xf32>
      %jit3A_381 = arith.constant 16 : i32
      %eq3A_382 = arith.constant 0 : i32
      %eq3A_383 = arith.cmpi eq, %jit3A_381, %eq3A_382 : i32
      %jit3A_384 = arith.constant 1 : i32
      %select_n3A_385 = arith.select %eq3A_383, %jit3A_384, %jit3A_381 : i32
      %rem3A_386 = arith.remsi %add3A_234, %select_n3A_385 : i32
      %ne3A_387 = arith.constant 0 : i32
      %ne3A_388 = arith.cmpi ne, %rem3A_386, %ne3A_387 : i32
      %lt3A_389 = arith.constant 0 : i32
      %lt3A_390 = arith.cmpi slt, %rem3A_386, %lt3A_389 : i32
      %lt3A_391 = arith.constant 0 : i32
      %lt3A_392 = arith.cmpi slt, %select_n3A_385, %lt3A_391 : i32
      %ne3A_393 = arith.xori %lt3A_390, %lt3A_392 : i1
      %and3A_394 = arith.andi %ne3A_393, %ne3A_388 : i1
      %add3A_395 = arith.addi %rem3A_386, %select_n3A_385 : i32
      %select_n3A_396 = arith.select %and3A_394, %add3A_395, %rem3A_386 : i32
      %eq3A_397 = arith.constant 15 : i32
      %eq3A_398 = arith.cmpi eq, %select_n3A_396, %eq3A_397 : i32
      %convert_element_type3A_399 = arith.extui %eq3A_398 : i1 to i32
      %cond3A_400 = arith.constant 0 : i32
      %cond3A_401 = arith.cmpi ne, %convert_element_type3A_399, %cond3A_400 : i32
      scf.if %cond3A_401 {
        %neg3A = arith.constant 0.000000e+00 : f32
        %neg3A_744 = vector.broadcast %neg3A : f32 to vector<16xf32>
        %neg3A_745 = arith.subf %neg3A_744, %select_n3A_380 : vector<16xf32>
        %exp3A = math.exp %neg3A_745 : vector<16xf32>
        %add3A_746 = arith.constant 1.000000e+00 : f32
        %add3A_747 = vector.broadcast %add3A_746 : f32 to vector<16xf32>
        %add3A_748 = arith.addf %add3A_747, %exp3A : vector<16xf32>
        %div3A = arith.constant 1.000000e+00 : f32
        %div3A_749 = vector.broadcast %div3A : f32 to vector<16xf32>
        %div3A_750 = arith.divf %div3A_749, %add3A_748 : vector<16xf32>
        %jit3A_751 = arith.constant 16 : i32
        %div3A_752 = arith.divsi %add3A_234, %jit3A_751 : i32
        %sign3A = arith.constant 0 : i32
        %sign3A_753 = arith.cmpi sgt, %add3A_234, %sign3A : i32
        %sign3A_754 = arith.extui %sign3A_753 : i1 to i32
        %sign3A_755 = arith.constant 0 : i32
        %sign3A_756 = arith.cmpi slt, %add3A_234, %sign3A_755 : i32
        %sign3A_757 = arith.extui %sign3A_756 : i1 to i32
        %sign3A_758 = arith.subi %sign3A_754, %sign3A_757 : i32
        %sign3A_759 = arith.constant 0 : i32
        %sign3A_760 = arith.cmpi sgt, %jit3A_751, %sign3A_759 : i32
        %sign3A_761 = arith.extui %sign3A_760 : i1 to i32
        %sign3A_762 = arith.constant 0 : i32
        %sign3A_763 = arith.cmpi slt, %jit3A_751, %sign3A_762 : i32
        %sign3A_764 = arith.extui %sign3A_763 : i1 to i32
        %sign3A_765 = arith.subi %sign3A_761, %sign3A_764 : i32
        %ne3A_766 = arith.cmpi ne, %sign3A_758, %sign3A_765 : i32
        %rem3A_767 = arith.remsi %add3A_234, %jit3A_751 : i32
        %ne3A_768 = arith.constant 0 : i32
        %ne3A_769 = arith.cmpi ne, %rem3A_767, %ne3A_768 : i32
        %and3A_770 = arith.andi %ne3A_766, %ne3A_769 : i1
        %sub3A = arith.constant 1 : i32
        %sub3A_771 = arith.subi %div3A_752, %sub3A : i32
        %select_n3A_772 = arith.select %and3A_770, %sub3A_771, %div3A_752 : i32
        %mul3A_773 = arith.constant 16 : i32
        %mul3A_774 = arith.muli %select_n3A_772, %mul3A_773 : i32
        %swap3A = arith.index_cast %mul3A_774 : i32 to index
        %swap3A_775 = tpu.vector_load %arg15[%swap3A] {strides = array<i32>} : memref<128xf32, #tpu.memory_space<vmem>>, vector<16xf32>,
        tpu.vector_store %arg15[%swap3A], %div3A_750 {strides = array<i32>} : memref<128xf32, #tpu.memory_space<vmem>>, vector<16xf32>,
      } else {
      }
      %mul3A_402 = arith.constant 4 : i32
      %mul3A_403 = arith.muli %scan3A_71, %mul3A_402 : i32
      %add3A_404 = arith.constant 2 : i32
      %add3A_405 = arith.addi %mul3A_403, %add3A_404 : i32
      %dma_wait3A_406 = arith.constant 0 : i32
      %dma_wait3A_407 = tpu.memref_slice %arg6[%add3A_405, %dma_wait3A_406] : memref<128x200xi32, #tpu.memory_space<vmem>> -> memref<1x104xi32, #tpu.memory_space<vmem>>
      %dma_wait3A_408 = tpu.memref_squeeze %dma_wait3A_407 : memref<1x104xi32, #tpu.memory_space<vmem>> -> memref<104xi32, #tpu.memory_space<vmem>>
      %dma_wait3A_409 = arith.constant 0 : i32
      %dma_wait3A_410 = arith.constant 0 : i32
      %dma_wait3A_411 = tpu.memref_slice %arg4[%dma_wait3A_409, %dma_wait3A_410] : memref<1000000x16xi32, #tpu.memory_space<hbm>> -> memref<1000000x16xi32, #tpu.memory_space<hbm>>
      tpu.wait_indirect_dma semaphore(%arg19 : memref<!tpu.dma_semaphore, #tpu.memory_space<semaphore_mem>>) src(%dma_wait3A_411 : memref<1000000x16xi32, #tpu.memory_space<hbm>>) dst(%arg9 : memref<104x16xi32, #tpu.memory_space<vmem>>)
      %scan3A_412 = arith.constant 0 : i32
      %scan3A_413 = arith.constant 48 : i32
      %scan3A_414 = arith.addi %scan3A_412, %scan3A_413 : i32
      %scan3A_415 = arith.constant 8 : i32
      %scan3A_416:2 = scf.for %scan3A_744 = %scan3A_412 to %scan3A_414 step %scan3A_415 iter_args(%scan3A_745 = %broadcast_in_dim3A_10, %scan3A_746 = %broadcast_in_dim3A_10) -> (vector<32xbf16>, vector<32xbf16>)  : i32 {
        %mul3A_747 = arith.constant 2 : i32
        %mul3A_748 = arith.muli %scan3A_744, %mul3A_747 : i32
        %get3A_749 = arith.index_cast %mul3A_748 : i32 to index
        %get3A_750 = arith.constant 0 : index
        %get3A_751 = tpu.vector_load %arg9[%get3A_749, %get3A_750] {strides = array<i32>} : memref<104x16xi32, #tpu.memory_space<vmem>>, vector<16xi32>,
        %bitcast3A_752 = vector.bitcast %get3A_751 : vector<16xi32> to vector<32xbf16>
        %mul3A_753 = arith.constant 2 : i32
        %mul3A_754 = arith.muli %scan3A_744, %mul3A_753 : i32
        %add3A_755 = arith.constant 1 : i32
        %add3A_756 = arith.addi %mul3A_754, %add3A_755 : i32
        %get3A_757 = arith.index_cast %add3A_756 : i32 to index
        %get3A_758 = arith.constant 0 : index
        %get3A_759 = tpu.vector_load %arg9[%get3A_757, %get3A_758] {strides = array<i32>} : memref<104x16xi32, #tpu.memory_space<vmem>>, vector<16xi32>,
        %bitcast3A_760 = vector.bitcast %get3A_759 : vector<16xi32> to vector<32xbf16>
        %add3A_761 = arith.addf %scan3A_745, %bitcast3A_752 : vector<32xbf16>
        %add3A_762 = arith.addf %scan3A_746, %bitcast3A_760 : vector<32xbf16>
        %scan3A_763 = arith.constant 1 : i32
        %scan3A_764 = arith.addi %scan3A_744, %scan3A_763 : i32
        %mul3A_765 = arith.constant 2 : i32
        %mul3A_766 = arith.muli %scan3A_764, %mul3A_765 : i32
        %get3A_767 = arith.index_cast %mul3A_766 : i32 to index
        %get3A_768 = arith.constant 0 : index
        %get3A_769 = tpu.vector_load %arg9[%get3A_767, %get3A_768] {strides = array<i32>} : memref<104x16xi32, #tpu.memory_space<vmem>>, vector<16xi32>,
        %bitcast3A_770 = vector.bitcast %get3A_769 : vector<16xi32> to vector<32xbf16>
        %mul3A_771 = arith.constant 2 : i32
        %mul3A_772 = arith.muli %scan3A_764, %mul3A_771 : i32
        %add3A_773 = arith.constant 1 : i32
        %add3A_774 = arith.addi %mul3A_772, %add3A_773 : i32
        %get3A_775 = arith.index_cast %add3A_774 : i32 to index
        %get3A_776 = arith.constant 0 : index
        %get3A_777 = tpu.vector_load %arg9[%get3A_775, %get3A_776] {strides = array<i32>} : memref<104x16xi32, #tpu.memory_space<vmem>>, vector<16xi32>,
        %bitcast3A_778 = vector.bitcast %get3A_777 : vector<16xi32> to vector<32xbf16>
        %add3A_779 = arith.addf %add3A_761, %bitcast3A_770 : vector<32xbf16>
        %add3A_780 = arith.addf %add3A_762, %bitcast3A_778 : vector<32xbf16>
        %scan3A_781 = arith.constant 2 : i32
        %scan3A_782 = arith.addi %scan3A_744, %scan3A_781 : i32
        %mul3A_783 = arith.constant 2 : i32
        %mul3A_784 = arith.muli %scan3A_782, %mul3A_783 : i32
        %get3A_785 = arith.index_cast %mul3A_784 : i32 to index
        %get3A_786 = arith.constant 0 : index
        %get3A_787 = tpu.vector_load %arg9[%get3A_785, %get3A_786] {strides = array<i32>} : memref<104x16xi32, #tpu.memory_space<vmem>>, vector<16xi32>,
        %bitcast3A_788 = vector.bitcast %get3A_787 : vector<16xi32> to vector<32xbf16>
        %mul3A_789 = arith.constant 2 : i32
        %mul3A_790 = arith.muli %scan3A_782, %mul3A_789 : i32
        %add3A_791 = arith.constant 1 : i32
        %add3A_792 = arith.addi %mul3A_790, %add3A_791 : i32
        %get3A_793 = arith.index_cast %add3A_792 : i32 to index
        %get3A_794 = arith.constant 0 : index
        %get3A_795 = tpu.vector_load %arg9[%get3A_793, %get3A_794] {strides = array<i32>} : memref<104x16xi32, #tpu.memory_space<vmem>>, vector<16xi32>,
        %bitcast3A_796 = vector.bitcast %get3A_795 : vector<16xi32> to vector<32xbf16>
        %add3A_797 = arith.addf %add3A_779, %bitcast3A_788 : vector<32xbf16>
        %add3A_798 = arith.addf %add3A_780, %bitcast3A_796 : vector<32xbf16>
        %scan3A_799 = arith.constant 3 : i32
        %scan3A_800 = arith.addi %scan3A_744, %scan3A_799 : i32
        %mul3A_801 = arith.constant 2 : i32
        %mul3A_802 = arith.muli %scan3A_800, %mul3A_801 : i32
        %get3A_803 = arith.index_cast %mul3A_802 : i32 to index
        %get3A_804 = arith.constant 0 : index
        %get3A_805 = tpu.vector_load %arg9[%get3A_803, %get3A_804] {strides = array<i32>} : memref<104x16xi32, #tpu.memory_space<vmem>>, vector<16xi32>,
        %bitcast3A_806 = vector.bitcast %get3A_805 : vector<16xi32> to vector<32xbf16>
        %mul3A_807 = arith.constant 2 : i32
        %mul3A_808 = arith.muli %scan3A_800, %mul3A_807 : i32
        %add3A_809 = arith.constant 1 : i32
        %add3A_810 = arith.addi %mul3A_808, %add3A_809 : i32
        %get3A_811 = arith.index_cast %add3A_810 : i32 to index
        %get3A_812 = arith.constant 0 : index
        %get3A_813 = tpu.vector_load %arg9[%get3A_811, %get3A_812] {strides = array<i32>} : memref<104x16xi32, #tpu.memory_space<vmem>>, vector<16xi32>,
        %bitcast3A_814 = vector.bitcast %get3A_813 : vector<16xi32> to vector<32xbf16>
        %add3A_815 = arith.addf %add3A_797, %bitcast3A_806 : vector<32xbf16>
        %add3A_816 = arith.addf %add3A_798, %bitcast3A_814 : vector<32xbf16>
        %scan3A_817 = arith.constant 4 : i32
        %scan3A_818 = arith.addi %scan3A_744, %scan3A_817 : i32
        %mul3A_819 = arith.constant 2 : i32
        %mul3A_820 = arith.muli %scan3A_818, %mul3A_819 : i32
        %get3A_821 = arith.index_cast %mul3A_820 : i32 to index
        %get3A_822 = arith.constant 0 : index
        %get3A_823 = tpu.vector_load %arg9[%get3A_821, %get3A_822] {strides = array<i32>} : memref<104x16xi32, #tpu.memory_space<vmem>>, vector<16xi32>,
        %bitcast3A_824 = vector.bitcast %get3A_823 : vector<16xi32> to vector<32xbf16>
        %mul3A_825 = arith.constant 2 : i32
        %mul3A_826 = arith.muli %scan3A_818, %mul3A_825 : i32
        %add3A_827 = arith.constant 1 : i32
        %add3A_828 = arith.addi %mul3A_826, %add3A_827 : i32
        %get3A_829 = arith.index_cast %add3A_828 : i32 to index
        %get3A_830 = arith.constant 0 : index
        %get3A_831 = tpu.vector_load %arg9[%get3A_829, %get3A_830] {strides = array<i32>} : memref<104x16xi32, #tpu.memory_space<vmem>>, vector<16xi32>,
        %bitcast3A_832 = vector.bitcast %get3A_831 : vector<16xi32> to vector<32xbf16>
        %add3A_833 = arith.addf %add3A_815, %bitcast3A_824 : vector<32xbf16>
        %add3A_834 = arith.addf %add3A_816, %bitcast3A_832 : vector<32xbf16>
        %scan3A_835 = arith.constant 5 : i32
        %scan3A_836 = arith.addi %scan3A_744, %scan3A_835 : i32
        %mul3A_837 = arith.constant 2 : i32
        %mul3A_838 = arith.muli %scan3A_836, %mul3A_837 : i32
        %get3A_839 = arith.index_cast %mul3A_838 : i32 to index
        %get3A_840 = arith.constant 0 : index
        %get3A_841 = tpu.vector_load %arg9[%get3A_839, %get3A_840] {strides = array<i32>} : memref<104x16xi32, #tpu.memory_space<vmem>>, vector<16xi32>,
        %bitcast3A_842 = vector.bitcast %get3A_841 : vector<16xi32> to vector<32xbf16>
        %mul3A_843 = arith.constant 2 : i32
        %mul3A_844 = arith.muli %scan3A_836, %mul3A_843 : i32
        %add3A_845 = arith.constant 1 : i32
        %add3A_846 = arith.addi %mul3A_844, %add3A_845 : i32
        %get3A_847 = arith.index_cast %add3A_846 : i32 to index
        %get3A_848 = arith.constant 0 : index
        %get3A_849 = tpu.vector_load %arg9[%get3A_847, %get3A_848] {strides = array<i32>} : memref<104x16xi32, #tpu.memory_space<vmem>>, vector<16xi32>,
        %bitcast3A_850 = vector.bitcast %get3A_849 : vector<16xi32> to vector<32xbf16>
        %add3A_851 = arith.addf %add3A_833, %bitcast3A_842 : vector<32xbf16>
        %add3A_852 = arith.addf %add3A_834, %bitcast3A_850 : vector<32xbf16>
        %scan3A_853 = arith.constant 6 : i32
        %scan3A_854 = arith.addi %scan3A_744, %scan3A_853 : i32
        %mul3A_855 = arith.constant 2 : i32
        %mul3A_856 = arith.muli %scan3A_854, %mul3A_855 : i32
        %get3A_857 = arith.index_cast %mul3A_856 : i32 to index
        %get3A_858 = arith.constant 0 : index
        %get3A_859 = tpu.vector_load %arg9[%get3A_857, %get3A_858] {strides = array<i32>} : memref<104x16xi32, #tpu.memory_space<vmem>>, vector<16xi32>,
        %bitcast3A_860 = vector.bitcast %get3A_859 : vector<16xi32> to vector<32xbf16>
        %mul3A_861 = arith.constant 2 : i32
        %mul3A_862 = arith.muli %scan3A_854, %mul3A_861 : i32
        %add3A_863 = arith.constant 1 : i32
        %add3A_864 = arith.addi %mul3A_862, %add3A_863 : i32
        %get3A_865 = arith.index_cast %add3A_864 : i32 to index
        %get3A_866 = arith.constant 0 : index
        %get3A_867 = tpu.vector_load %arg9[%get3A_865, %get3A_866] {strides = array<i32>} : memref<104x16xi32, #tpu.memory_space<vmem>>, vector<16xi32>,
        %bitcast3A_868 = vector.bitcast %get3A_867 : vector<16xi32> to vector<32xbf16>
        %add3A_869 = arith.addf %add3A_851, %bitcast3A_860 : vector<32xbf16>
        %add3A_870 = arith.addf %add3A_852, %bitcast3A_868 : vector<32xbf16>
        %scan3A_871 = arith.constant 7 : i32
        %scan3A_872 = arith.addi %scan3A_744, %scan3A_871 : i32
        %mul3A_873 = arith.constant 2 : i32
        %mul3A_874 = arith.muli %scan3A_872, %mul3A_873 : i32
        %get3A_875 = arith.index_cast %mul3A_874 : i32 to index
        %get3A_876 = arith.constant 0 : index
        %get3A_877 = tpu.vector_load %arg9[%get3A_875, %get3A_876] {strides = array<i32>} : memref<104x16xi32, #tpu.memory_space<vmem>>, vector<16xi32>,
        %bitcast3A_878 = vector.bitcast %get3A_877 : vector<16xi32> to vector<32xbf16>
        %mul3A_879 = arith.constant 2 : i32
        %mul3A_880 = arith.muli %scan3A_872, %mul3A_879 : i32
        %add3A_881 = arith.constant 1 : i32
        %add3A_882 = arith.addi %mul3A_880, %add3A_881 : i32
        %get3A_883 = arith.index_cast %add3A_882 : i32 to index
        %get3A_884 = arith.constant 0 : index
        %get3A_885 = tpu.vector_load %arg9[%get3A_883, %get3A_884] {strides = array<i32>} : memref<104x16xi32, #tpu.memory_space<vmem>>, vector<16xi32>,
        %bitcast3A_886 = vector.bitcast %get3A_885 : vector<16xi32> to vector<32xbf16>
        %add3A_887 = arith.addf %add3A_869, %bitcast3A_878 : vector<32xbf16>
        %add3A_888 = arith.addf %add3A_870, %bitcast3A_886 : vector<32xbf16>
        scf.yield %add3A_887, %add3A_888 : vector<32xbf16>, vector<32xbf16>
      }
      %scan3A_417 = arith.constant 48 : i32
      %scan3A_418 = arith.addi %scan3A_412, %scan3A_417 : i32
      %mul3A_419 = arith.constant 2 : i32
      %mul3A_420 = arith.muli %scan3A_418, %mul3A_419 : i32
      %get3A_421 = arith.index_cast %mul3A_420 : i32 to index
      %get3A_422 = arith.constant 0 : index
      %get3A_423 = tpu.vector_load %arg9[%get3A_421, %get3A_422] {strides = array<i32>} : memref<104x16xi32, #tpu.memory_space<vmem>>, vector<16xi32>,
      %bitcast3A_424 = vector.bitcast %get3A_423 : vector<16xi32> to vector<32xbf16>
      %mul3A_425 = arith.constant 2 : i32
      %mul3A_426 = arith.muli %scan3A_418, %mul3A_425 : i32
      %add3A_427 = arith.constant 1 : i32
      %add3A_428 = arith.addi %mul3A_426, %add3A_427 : i32
      %get3A_429 = arith.index_cast %add3A_428 : i32 to index
      %get3A_430 = arith.constant 0 : index
      %get3A_431 = tpu.vector_load %arg9[%get3A_429, %get3A_430] {strides = array<i32>} : memref<104x16xi32, #tpu.memory_space<vmem>>, vector<16xi32>,
      %bitcast3A_432 = vector.bitcast %get3A_431 : vector<16xi32> to vector<32xbf16>
      %add3A_433 = arith.addf %scan3A_416#0, %bitcast3A_424 : vector<32xbf16>
      %add3A_434 = arith.addf %scan3A_416#1, %bitcast3A_432 : vector<32xbf16>
      %scan3A_435 = arith.constant 49 : i32
      %scan3A_436 = arith.addi %scan3A_412, %scan3A_435 : i32
      %mul3A_437 = arith.constant 2 : i32
      %mul3A_438 = arith.muli %scan3A_436, %mul3A_437 : i32
      %get3A_439 = arith.index_cast %mul3A_438 : i32 to index
      %get3A_440 = arith.constant 0 : index
      %get3A_441 = tpu.vector_load %arg9[%get3A_439, %get3A_440] {strides = array<i32>} : memref<104x16xi32, #tpu.memory_space<vmem>>, vector<16xi32>,
      %bitcast3A_442 = vector.bitcast %get3A_441 : vector<16xi32> to vector<32xbf16>
      %mul3A_443 = arith.constant 2 : i32
      %mul3A_444 = arith.muli %scan3A_436, %mul3A_443 : i32
      %add3A_445 = arith.constant 1 : i32
      %add3A_446 = arith.addi %mul3A_444, %add3A_445 : i32
      %get3A_447 = arith.index_cast %add3A_446 : i32 to index
      %get3A_448 = arith.constant 0 : index
      %get3A_449 = tpu.vector_load %arg9[%get3A_447, %get3A_448] {strides = array<i32>} : memref<104x16xi32, #tpu.memory_space<vmem>>, vector<16xi32>,
      %bitcast3A_450 = vector.bitcast %get3A_449 : vector<16xi32> to vector<32xbf16>
      %add3A_451 = arith.addf %add3A_433, %bitcast3A_442 : vector<32xbf16>
      %add3A_452 = arith.addf %add3A_434, %bitcast3A_450 : vector<32xbf16>
      %scan3A_453 = arith.constant 50 : i32
      %scan3A_454 = arith.addi %scan3A_412, %scan3A_453 : i32
      %mul3A_455 = arith.constant 2 : i32
      %mul3A_456 = arith.muli %scan3A_454, %mul3A_455 : i32
      %get3A_457 = arith.index_cast %mul3A_456 : i32 to index
      %get3A_458 = arith.constant 0 : index
      %get3A_459 = tpu.vector_load %arg9[%get3A_457, %get3A_458] {strides = array<i32>} : memref<104x16xi32, #tpu.memory_space<vmem>>, vector<16xi32>,
      %bitcast3A_460 = vector.bitcast %get3A_459 : vector<16xi32> to vector<32xbf16>
      %mul3A_461 = arith.constant 2 : i32
      %mul3A_462 = arith.muli %scan3A_454, %mul3A_461 : i32
      %add3A_463 = arith.constant 1 : i32
      %add3A_464 = arith.addi %mul3A_462, %add3A_463 : i32
      %get3A_465 = arith.index_cast %add3A_464 : i32 to index
      %get3A_466 = arith.constant 0 : index
      %get3A_467 = tpu.vector_load %arg9[%get3A_465, %get3A_466] {strides = array<i32>} : memref<104x16xi32, #tpu.memory_space<vmem>>, vector<16xi32>,
      %bitcast3A_468 = vector.bitcast %get3A_467 : vector<16xi32> to vector<32xbf16>
      %add3A_469 = arith.addf %add3A_451, %bitcast3A_460 : vector<32xbf16>
      %add3A_470 = arith.addf %add3A_452, %bitcast3A_468 : vector<32xbf16>
      %scan3A_471 = arith.constant 51 : i32
      %scan3A_472 = arith.addi %scan3A_412, %scan3A_471 : i32
      %mul3A_473 = arith.constant 2 : i32
      %mul3A_474 = arith.muli %scan3A_472, %mul3A_473 : i32
      %get3A_475 = arith.index_cast %mul3A_474 : i32 to index
      %get3A_476 = arith.constant 0 : index
      %get3A_477 = tpu.vector_load %arg9[%get3A_475, %get3A_476] {strides = array<i32>} : memref<104x16xi32, #tpu.memory_space<vmem>>, vector<16xi32>,
      %bitcast3A_478 = vector.bitcast %get3A_477 : vector<16xi32> to vector<32xbf16>
      %mul3A_479 = arith.constant 2 : i32
      %mul3A_480 = arith.muli %scan3A_472, %mul3A_479 : i32
      %add3A_481 = arith.constant 1 : i32
      %add3A_482 = arith.addi %mul3A_480, %add3A_481 : i32
      %get3A_483 = arith.index_cast %add3A_482 : i32 to index
      %get3A_484 = arith.constant 0 : index
      %get3A_485 = tpu.vector_load %arg9[%get3A_483, %get3A_484] {strides = array<i32>} : memref<104x16xi32, #tpu.memory_space<vmem>>, vector<16xi32>,
      %bitcast3A_486 = vector.bitcast %get3A_485 : vector<16xi32> to vector<32xbf16>
      %add3A_487 = arith.addf %add3A_469, %bitcast3A_478 : vector<32xbf16>
      %add3A_488 = arith.addf %add3A_470, %bitcast3A_486 : vector<32xbf16>
      %scan3A_489 = arith.constant 52 : i32
      %lt3A_490 = arith.constant 31 : i32
      %lt3A_491 = arith.cmpi slt, %scan3A_71, %lt3A_490 : i32
      %convert_element_type3A_492 = arith.extui %lt3A_491 : i1 to i32
      %cond3A_493 = arith.constant 0 : i32
      %cond3A_494 = arith.cmpi ne, %convert_element_type3A_492, %cond3A_493 : i32
      scf.if %cond3A_494 {
        %add3A_744 = arith.constant 4 : i32
        %add3A_745 = arith.addi %add3A_405, %add3A_744 : i32
        %dma_start3A_746 = arith.constant 0 : i32
        %dma_start3A_747 = tpu.memref_slice %arg6[%add3A_745, %dma_start3A_746] : memref<128x200xi32, #tpu.memory_space<vmem>> -> memref<1x104xi32, #tpu.memory_space<vmem>>
        %dma_start3A_748 = tpu.memref_squeeze %dma_start3A_747 : memref<1x104xi32, #tpu.memory_space<vmem>> -> memref<104xi32, #tpu.memory_space<vmem>>
        %dma_start3A_749 = arith.constant 0 : i32
        %dma_start3A_750 = arith.constant 0 : i32
        %dma_start3A_751 = tpu.memref_slice %arg4[%dma_start3A_749, %dma_start3A_750] : memref<1000000x16xi32, #tpu.memory_space<hbm>> -> memref<1000000x16xi32, #tpu.memory_space<hbm>>
        tpu.enqueue_indirect_dma source(%dma_start3A_751 : memref<1000000x16xi32, #tpu.memory_space<hbm>>) target(%arg9 : memref<104x16xi32, #tpu.memory_space<vmem>>) offsets(%dma_start3A_748 : memref<104xi32, #tpu.memory_space<vmem>>) semaphore(%arg19 : memref<!tpu.dma_semaphore, #tpu.memory_space<semaphore_mem>>)
      } else {
      }
      %dma_wait3A_495 = arith.constant 104 : i32
      %dma_wait3A_496 = tpu.memref_slice %arg6[%add3A_405, %dma_wait3A_495] : memref<128x200xi32, #tpu.memory_space<vmem>> -> memref<1x96xi32, #tpu.memory_space<vmem>>
      %dma_wait3A_497 = tpu.memref_squeeze %dma_wait3A_496 : memref<1x96xi32, #tpu.memory_space<vmem>> -> memref<96xi32, #tpu.memory_space<vmem>>
      %dma_wait3A_498 = arith.constant 0 : i32
      %dma_wait3A_499 = arith.constant 0 : i32
      %dma_wait3A_500 = tpu.memref_slice %arg4[%dma_wait3A_498, %dma_wait3A_499] : memref<1000000x16xi32, #tpu.memory_space<hbm>> -> memref<1000000x16xi32, #tpu.memory_space<hbm>>
      tpu.wait_indirect_dma semaphore(%arg23 : memref<!tpu.dma_semaphore, #tpu.memory_space<semaphore_mem>>) src(%dma_wait3A_500 : memref<1000000x16xi32, #tpu.memory_space<hbm>>) dst(%arg13 : memref<96x16xi32, #tpu.memory_space<vmem>>)
      %scan3A_501 = arith.constant 0 : i32
      %scan3A_502 = arith.constant 48 : i32
      %scan3A_503 = arith.addi %scan3A_501, %scan3A_502 : i32
      %scan3A_504 = arith.constant 8 : i32
      %scan3A_505:2 = scf.for %scan3A_744 = %scan3A_501 to %scan3A_503 step %scan3A_504 iter_args(%scan3A_745 = %add3A_487, %scan3A_746 = %add3A_488) -> (vector<32xbf16>, vector<32xbf16>)  : i32 {
        %mul3A_747 = arith.constant 2 : i32
        %mul3A_748 = arith.muli %scan3A_744, %mul3A_747 : i32
        %get3A_749 = arith.index_cast %mul3A_748 : i32 to index
        %get3A_750 = arith.constant 0 : index
        %get3A_751 = tpu.vector_load %arg13[%get3A_749, %get3A_750] {strides = array<i32>} : memref<96x16xi32, #tpu.memory_space<vmem>>, vector<16xi32>,
        %bitcast3A_752 = vector.bitcast %get3A_751 : vector<16xi32> to vector<32xbf16>
        %mul3A_753 = arith.constant 2 : i32
        %mul3A_754 = arith.muli %scan3A_744, %mul3A_753 : i32
        %add3A_755 = arith.constant 1 : i32
        %add3A_756 = arith.addi %mul3A_754, %add3A_755 : i32
        %get3A_757 = arith.index_cast %add3A_756 : i32 to index
        %get3A_758 = arith.constant 0 : index
        %get3A_759 = tpu.vector_load %arg13[%get3A_757, %get3A_758] {strides = array<i32>} : memref<96x16xi32, #tpu.memory_space<vmem>>, vector<16xi32>,
        %bitcast3A_760 = vector.bitcast %get3A_759 : vector<16xi32> to vector<32xbf16>
        %add3A_761 = arith.addf %scan3A_745, %bitcast3A_752 : vector<32xbf16>
        %add3A_762 = arith.addf %scan3A_746, %bitcast3A_760 : vector<32xbf16>
        %scan3A_763 = arith.constant 1 : i32
        %scan3A_764 = arith.addi %scan3A_744, %scan3A_763 : i32
        %mul3A_765 = arith.constant 2 : i32
        %mul3A_766 = arith.muli %scan3A_764, %mul3A_765 : i32
        %get3A_767 = arith.index_cast %mul3A_766 : i32 to index
        %get3A_768 = arith.constant 0 : index
        %get3A_769 = tpu.vector_load %arg13[%get3A_767, %get3A_768] {strides = array<i32>} : memref<96x16xi32, #tpu.memory_space<vmem>>, vector<16xi32>,
        %bitcast3A_770 = vector.bitcast %get3A_769 : vector<16xi32> to vector<32xbf16>
        %mul3A_771 = arith.constant 2 : i32
        %mul3A_772 = arith.muli %scan3A_764, %mul3A_771 : i32
        %add3A_773 = arith.constant 1 : i32
        %add3A_774 = arith.addi %mul3A_772, %add3A_773 : i32
        %get3A_775 = arith.index_cast %add3A_774 : i32 to index
        %get3A_776 = arith.constant 0 : index
        %get3A_777 = tpu.vector_load %arg13[%get3A_775, %get3A_776] {strides = array<i32>} : memref<96x16xi32, #tpu.memory_space<vmem>>, vector<16xi32>,
        %bitcast3A_778 = vector.bitcast %get3A_777 : vector<16xi32> to vector<32xbf16>
        %add3A_779 = arith.addf %add3A_761, %bitcast3A_770 : vector<32xbf16>
        %add3A_780 = arith.addf %add3A_762, %bitcast3A_778 : vector<32xbf16>
        %scan3A_781 = arith.constant 2 : i32
        %scan3A_782 = arith.addi %scan3A_744, %scan3A_781 : i32
        %mul3A_783 = arith.constant 2 : i32
        %mul3A_784 = arith.muli %scan3A_782, %mul3A_783 : i32
        %get3A_785 = arith.index_cast %mul3A_784 : i32 to index
        %get3A_786 = arith.constant 0 : index
        %get3A_787 = tpu.vector_load %arg13[%get3A_785, %get3A_786] {strides = array<i32>} : memref<96x16xi32, #tpu.memory_space<vmem>>, vector<16xi32>,
        %bitcast3A_788 = vector.bitcast %get3A_787 : vector<16xi32> to vector<32xbf16>
        %mul3A_789 = arith.constant 2 : i32
        %mul3A_790 = arith.muli %scan3A_782, %mul3A_789 : i32
        %add3A_791 = arith.constant 1 : i32
        %add3A_792 = arith.addi %mul3A_790, %add3A_791 : i32
        %get3A_793 = arith.index_cast %add3A_792 : i32 to index
        %get3A_794 = arith.constant 0 : index
        %get3A_795 = tpu.vector_load %arg13[%get3A_793, %get3A_794] {strides = array<i32>} : memref<96x16xi32, #tpu.memory_space<vmem>>, vector<16xi32>,
        %bitcast3A_796 = vector.bitcast %get3A_795 : vector<16xi32> to vector<32xbf16>
        %add3A_797 = arith.addf %add3A_779, %bitcast3A_788 : vector<32xbf16>
        %add3A_798 = arith.addf %add3A_780, %bitcast3A_796 : vector<32xbf16>
        %scan3A_799 = arith.constant 3 : i32
        %scan3A_800 = arith.addi %scan3A_744, %scan3A_799 : i32
        %mul3A_801 = arith.constant 2 : i32
        %mul3A_802 = arith.muli %scan3A_800, %mul3A_801 : i32
        %get3A_803 = arith.index_cast %mul3A_802 : i32 to index
        %get3A_804 = arith.constant 0 : index
        %get3A_805 = tpu.vector_load %arg13[%get3A_803, %get3A_804] {strides = array<i32>} : memref<96x16xi32, #tpu.memory_space<vmem>>, vector<16xi32>,
        %bitcast3A_806 = vector.bitcast %get3A_805 : vector<16xi32> to vector<32xbf16>
        %mul3A_807 = arith.constant 2 : i32
        %mul3A_808 = arith.muli %scan3A_800, %mul3A_807 : i32
        %add3A_809 = arith.constant 1 : i32
        %add3A_810 = arith.addi %mul3A_808, %add3A_809 : i32
        %get3A_811 = arith.index_cast %add3A_810 : i32 to index
        %get3A_812 = arith.constant 0 : index
        %get3A_813 = tpu.vector_load %arg13[%get3A_811, %get3A_812] {strides = array<i32>} : memref<96x16xi32, #tpu.memory_space<vmem>>, vector<16xi32>,
        %bitcast3A_814 = vector.bitcast %get3A_813 : vector<16xi32> to vector<32xbf16>
        %add3A_815 = arith.addf %add3A_797, %bitcast3A_806 : vector<32xbf16>
        %add3A_816 = arith.addf %add3A_798, %bitcast3A_814 : vector<32xbf16>
        %scan3A_817 = arith.constant 4 : i32
        %scan3A_818 = arith.addi %scan3A_744, %scan3A_817 : i32
        %mul3A_819 = arith.constant 2 : i32
        %mul3A_820 = arith.muli %scan3A_818, %mul3A_819 : i32
        %get3A_821 = arith.index_cast %mul3A_820 : i32 to index
        %get3A_822 = arith.constant 0 : index
        %get3A_823 = tpu.vector_load %arg13[%get3A_821, %get3A_822] {strides = array<i32>} : memref<96x16xi32, #tpu.memory_space<vmem>>, vector<16xi32>,
        %bitcast3A_824 = vector.bitcast %get3A_823 : vector<16xi32> to vector<32xbf16>
        %mul3A_825 = arith.constant 2 : i32
        %mul3A_826 = arith.muli %scan3A_818, %mul3A_825 : i32
        %add3A_827 = arith.constant 1 : i32
        %add3A_828 = arith.addi %mul3A_826, %add3A_827 : i32
        %get3A_829 = arith.index_cast %add3A_828 : i32 to index
        %get3A_830 = arith.constant 0 : index
        %get3A_831 = tpu.vector_load %arg13[%get3A_829, %get3A_830] {strides = array<i32>} : memref<96x16xi32, #tpu.memory_space<vmem>>, vector<16xi32>,
        %bitcast3A_832 = vector.bitcast %get3A_831 : vector<16xi32> to vector<32xbf16>
        %add3A_833 = arith.addf %add3A_815, %bitcast3A_824 : vector<32xbf16>
        %add3A_834 = arith.addf %add3A_816, %bitcast3A_832 : vector<32xbf16>
        %scan3A_835 = arith.constant 5 : i32
        %scan3A_836 = arith.addi %scan3A_744, %scan3A_835 : i32
        %mul3A_837 = arith.constant 2 : i32
        %mul3A_838 = arith.muli %scan3A_836, %mul3A_837 : i32
        %get3A_839 = arith.index_cast %mul3A_838 : i32 to index
        %get3A_840 = arith.constant 0 : index
        %get3A_841 = tpu.vector_load %arg13[%get3A_839, %get3A_840] {strides = array<i32>} : memref<96x16xi32, #tpu.memory_space<vmem>>, vector<16xi32>,
        %bitcast3A_842 = vector.bitcast %get3A_841 : vector<16xi32> to vector<32xbf16>
        %mul3A_843 = arith.constant 2 : i32
        %mul3A_844 = arith.muli %scan3A_836, %mul3A_843 : i32
        %add3A_845 = arith.constant 1 : i32
        %add3A_846 = arith.addi %mul3A_844, %add3A_845 : i32
        %get3A_847 = arith.index_cast %add3A_846 : i32 to index
        %get3A_848 = arith.constant 0 : index
        %get3A_849 = tpu.vector_load %arg13[%get3A_847, %get3A_848] {strides = array<i32>} : memref<96x16xi32, #tpu.memory_space<vmem>>, vector<16xi32>,
        %bitcast3A_850 = vector.bitcast %get3A_849 : vector<16xi32> to vector<32xbf16>
        %add3A_851 = arith.addf %add3A_833, %bitcast3A_842 : vector<32xbf16>
        %add3A_852 = arith.addf %add3A_834, %bitcast3A_850 : vector<32xbf16>
        %scan3A_853 = arith.constant 6 : i32
        %scan3A_854 = arith.addi %scan3A_744, %scan3A_853 : i32
        %mul3A_855 = arith.constant 2 : i32
        %mul3A_856 = arith.muli %scan3A_854, %mul3A_855 : i32
        %get3A_857 = arith.index_cast %mul3A_856 : i32 to index
        %get3A_858 = arith.constant 0 : index
        %get3A_859 = tpu.vector_load %arg13[%get3A_857, %get3A_858] {strides = array<i32>} : memref<96x16xi32, #tpu.memory_space<vmem>>, vector<16xi32>,
        %bitcast3A_860 = vector.bitcast %get3A_859 : vector<16xi32> to vector<32xbf16>
        %mul3A_861 = arith.constant 2 : i32
        %mul3A_862 = arith.muli %scan3A_854, %mul3A_861 : i32
        %add3A_863 = arith.constant 1 : i32
        %add3A_864 = arith.addi %mul3A_862, %add3A_863 : i32
        %get3A_865 = arith.index_cast %add3A_864 : i32 to index
        %get3A_866 = arith.constant 0 : index
        %get3A_867 = tpu.vector_load %arg13[%get3A_865, %get3A_866] {strides = array<i32>} : memref<96x16xi32, #tpu.memory_space<vmem>>, vector<16xi32>,
        %bitcast3A_868 = vector.bitcast %get3A_867 : vector<16xi32> to vector<32xbf16>
        %add3A_869 = arith.addf %add3A_851, %bitcast3A_860 : vector<32xbf16>
        %add3A_870 = arith.addf %add3A_852, %bitcast3A_868 : vector<32xbf16>
        %scan3A_871 = arith.constant 7 : i32
        %scan3A_872 = arith.addi %scan3A_744, %scan3A_871 : i32
        %mul3A_873 = arith.constant 2 : i32
        %mul3A_874 = arith.muli %scan3A_872, %mul3A_873 : i32
        %get3A_875 = arith.index_cast %mul3A_874 : i32 to index
        %get3A_876 = arith.constant 0 : index
        %get3A_877 = tpu.vector_load %arg13[%get3A_875, %get3A_876] {strides = array<i32>} : memref<96x16xi32, #tpu.memory_space<vmem>>, vector<16xi32>,
        %bitcast3A_878 = vector.bitcast %get3A_877 : vector<16xi32> to vector<32xbf16>
        %mul3A_879 = arith.constant 2 : i32
        %mul3A_880 = arith.muli %scan3A_872, %mul3A_879 : i32
        %add3A_881 = arith.constant 1 : i32
        %add3A_882 = arith.addi %mul3A_880, %add3A_881 : i32
        %get3A_883 = arith.index_cast %add3A_882 : i32 to index
        %get3A_884 = arith.constant 0 : index
        %get3A_885 = tpu.vector_load %arg13[%get3A_883, %get3A_884] {strides = array<i32>} : memref<96x16xi32, #tpu.memory_space<vmem>>, vector<16xi32>,
        %bitcast3A_886 = vector.bitcast %get3A_885 : vector<16xi32> to vector<32xbf16>
        %add3A_887 = arith.addf %add3A_869, %bitcast3A_878 : vector<32xbf16>
        %add3A_888 = arith.addf %add3A_870, %bitcast3A_886 : vector<32xbf16>
        scf.yield %add3A_887, %add3A_888 : vector<32xbf16>, vector<32xbf16>
      }
      %scan3A_506 = arith.constant 48 : i32
      %lt3A_507 = arith.constant 31 : i32
      %lt3A_508 = arith.cmpi slt, %scan3A_71, %lt3A_507 : i32
      %convert_element_type3A_509 = arith.extui %lt3A_508 : i1 to i32
      %cond3A_510 = arith.constant 0 : i32
      %cond3A_511 = arith.cmpi ne, %convert_element_type3A_509, %cond3A_510 : i32
      scf.if %cond3A_511 {
        %add3A_744 = arith.constant 4 : i32
        %add3A_745 = arith.addi %add3A_405, %add3A_744 : i32
        %dma_start3A_746 = arith.constant 104 : i32
        %dma_start3A_747 = tpu.memref_slice %arg6[%add3A_745, %dma_start3A_746] : memref<128x200xi32, #tpu.memory_space<vmem>> -> memref<1x96xi32, #tpu.memory_space<vmem>>
        %dma_start3A_748 = tpu.memref_squeeze %dma_start3A_747 : memref<1x96xi32, #tpu.memory_space<vmem>> -> memref<96xi32, #tpu.memory_space<vmem>>
        %dma_start3A_749 = arith.constant 0 : i32
        %dma_start3A_750 = arith.constant 0 : i32
        %dma_start3A_751 = tpu.memref_slice %arg4[%dma_start3A_749, %dma_start3A_750] : memref<1000000x16xi32, #tpu.memory_space<hbm>> -> memref<1000000x16xi32, #tpu.memory_space<hbm>>
        tpu.enqueue_indirect_dma source(%dma_start3A_751 : memref<1000000x16xi32, #tpu.memory_space<hbm>>) target(%arg13 : memref<96x16xi32, #tpu.memory_space<vmem>>) offsets(%dma_start3A_748 : memref<96xi32, #tpu.memory_space<vmem>>) semaphore(%arg23 : memref<!tpu.dma_semaphore, #tpu.memory_space<semaphore_mem>>)
      } else {
      }
      %unpack3A_512 = tpu.unpack_subelements %scan3A_505#0, 0 {pack_format = #tpu.pack_format<interleaved>} : vector<32xbf16> -> vector<16xf32>
      %unpack3A_513 = tpu.unpack_subelements %scan3A_505#0, 1 {pack_format = #tpu.pack_format<interleaved>} : vector<32xbf16> -> vector<16xf32>
      %unpack3A_514 = tpu.unpack_subelements %scan3A_505#1, 0 {pack_format = #tpu.pack_format<interleaved>} : vector<32xbf16> -> vector<16xf32>
      %unpack3A_515 = tpu.unpack_subelements %scan3A_505#1, 1 {pack_format = #tpu.pack_format<interleaved>} : vector<32xbf16> -> vector<16xf32>
      %add3A_516 = arith.addf %unpack3A_512, %unpack3A_514 : vector<16xf32>
      %add3A_517 = arith.addf %unpack3A_513, %unpack3A_515 : vector<16xf32>
      %mul3A_518 = arith.mulf %add3A_516, %get3A_3 : vector<16xf32>
      %reduce_sum3A_519 = arith.constant true
      %reduce_sum3A_520 = vector.broadcast %reduce_sum3A_519 : i1 to vector<16xi1>
      %reduce_sum3A_521 = tpu.scan <sum>, %mul3A_518 masked %reduce_sum3A_520 : vector<16xf32>, vector<16xi1> -> vector<16xf32>
      %reduce_sum3A_522 = vector.extract %reduce_sum3A_521[15] : f32 from vector<16xf32>
      %mul3A_523 = arith.mulf %add3A_517, %get3A_5 : vector<16xf32>
      %reduce_sum3A_524 = arith.constant true
      %reduce_sum3A_525 = vector.broadcast %reduce_sum3A_524 : i1 to vector<16xi1>
      %reduce_sum3A_526 = tpu.scan <sum>, %mul3A_523 masked %reduce_sum3A_525 : vector<16xf32>, vector<16xi1> -> vector<16xf32>
      %reduce_sum3A_527 = vector.extract %reduce_sum3A_526[15] : f32 from vector<16xf32>
      %add3A_528 = arith.addf %reduce_sum3A_522, %reduce_sum3A_527 : f32
      %mul3A_529 = arith.constant 5.000000e-03 : f32
      %mul3A_530 = arith.mulf %add3A_528, %mul3A_529 : f32
      %add3A_531 = arith.addf %mul3A_530, %squeeze3A : f32
      %jit3A_532 = arith.constant 16 : i32
      %eq3A_533 = arith.constant 0 : i32
      %eq3A_534 = arith.cmpi eq, %jit3A_532, %eq3A_533 : i32
      %jit3A_535 = arith.constant 1 : i32
      %select_n3A_536 = arith.select %eq3A_534, %jit3A_535, %jit3A_532 : i32
      %rem3A_537 = arith.remsi %add3A_405, %select_n3A_536 : i32
      %ne3A_538 = arith.constant 0 : i32
      %ne3A_539 = arith.cmpi ne, %rem3A_537, %ne3A_538 : i32
      %lt3A_540 = arith.constant 0 : i32
      %lt3A_541 = arith.cmpi slt, %rem3A_537, %lt3A_540 : i32
      %lt3A_542 = arith.constant 0 : i32
      %lt3A_543 = arith.cmpi slt, %select_n3A_536, %lt3A_542 : i32
      %ne3A_544 = arith.xori %lt3A_541, %lt3A_543 : i1
      %and3A_545 = arith.andi %ne3A_544, %ne3A_539 : i1
      %add3A_546 = arith.addi %rem3A_537, %select_n3A_536 : i32
      %select_n3A_547 = arith.select %and3A_545, %add3A_546, %rem3A_537 : i32
      %eq3A_548 = vector.broadcast %select_n3A_547 : i32 to vector<16xi32>
      %eq3A_549 = arith.cmpi eq, %iota3A, %eq3A_548 : vector<16xi32>
      %broadcast_in_dim3A_550 = vector.broadcast %add3A_531 : f32 to vector<16xf32>
      %select_n3A_551 = arith.select %eq3A_549, %broadcast_in_dim3A_550, %select_n3A_380 : vector<16xi1>, vector<16xf32>
      %jit3A_552 = arith.constant 16 : i32
      %eq3A_553 = arith.constant 0 : i32
      %eq3A_554 = arith.cmpi eq, %jit3A_552, %eq3A_553 : i32
      %jit3A_555 = arith.constant 1 : i32
      %select_n3A_556 = arith.select %eq3A_554, %jit3A_555, %jit3A_552 : i32
      %rem3A_557 = arith.remsi %add3A_405, %select_n3A_556 : i32
      %ne3A_558 = arith.constant 0 : i32
      %ne3A_559 = arith.cmpi ne, %rem3A_557, %ne3A_558 : i32
      %lt3A_560 = arith.constant 0 : i32
      %lt3A_561 = arith.cmpi slt, %rem3A_557, %lt3A_560 : i32
      %lt3A_562 = arith.constant 0 : i32
      %lt3A_563 = arith.cmpi slt, %select_n3A_556, %lt3A_562 : i32
      %ne3A_564 = arith.xori %lt3A_561, %lt3A_563 : i1
      %and3A_565 = arith.andi %ne3A_564, %ne3A_559 : i1
      %add3A_566 = arith.addi %rem3A_557, %select_n3A_556 : i32
      %select_n3A_567 = arith.select %and3A_565, %add3A_566, %rem3A_557 : i32
      %eq3A_568 = arith.constant 15 : i32
      %eq3A_569 = arith.cmpi eq, %select_n3A_567, %eq3A_568 : i32
      %convert_element_type3A_570 = arith.extui %eq3A_569 : i1 to i32
      %cond3A_571 = arith.constant 0 : i32
      %cond3A_572 = arith.cmpi ne, %convert_element_type3A_570, %cond3A_571 : i32
      scf.if %cond3A_572 {
        %neg3A = arith.constant 0.000000e+00 : f32
        %neg3A_744 = vector.broadcast %neg3A : f32 to vector<16xf32>
        %neg3A_745 = arith.subf %neg3A_744, %select_n3A_551 : vector<16xf32>
        %exp3A = math.exp %neg3A_745 : vector<16xf32>
        %add3A_746 = arith.constant 1.000000e+00 : f32
        %add3A_747 = vector.broadcast %add3A_746 : f32 to vector<16xf32>
        %add3A_748 = arith.addf %add3A_747, %exp3A : vector<16xf32>
        %div3A = arith.constant 1.000000e+00 : f32
        %div3A_749 = vector.broadcast %div3A : f32 to vector<16xf32>
        %div3A_750 = arith.divf %div3A_749, %add3A_748 : vector<16xf32>
        %jit3A_751 = arith.constant 16 : i32
        %div3A_752 = arith.divsi %add3A_405, %jit3A_751 : i32
        %sign3A = arith.constant 0 : i32
        %sign3A_753 = arith.cmpi sgt, %add3A_405, %sign3A : i32
        %sign3A_754 = arith.extui %sign3A_753 : i1 to i32
        %sign3A_755 = arith.constant 0 : i32
        %sign3A_756 = arith.cmpi slt, %add3A_405, %sign3A_755 : i32
        %sign3A_757 = arith.extui %sign3A_756 : i1 to i32
        %sign3A_758 = arith.subi %sign3A_754, %sign3A_757 : i32
        %sign3A_759 = arith.constant 0 : i32
        %sign3A_760 = arith.cmpi sgt, %jit3A_751, %sign3A_759 : i32
        %sign3A_761 = arith.extui %sign3A_760 : i1 to i32
        %sign3A_762 = arith.constant 0 : i32
        %sign3A_763 = arith.cmpi slt, %jit3A_751, %sign3A_762 : i32
        %sign3A_764 = arith.extui %sign3A_763 : i1 to i32
        %sign3A_765 = arith.subi %sign3A_761, %sign3A_764 : i32
        %ne3A_766 = arith.cmpi ne, %sign3A_758, %sign3A_765 : i32
        %rem3A_767 = arith.remsi %add3A_405, %jit3A_751 : i32
        %ne3A_768 = arith.constant 0 : i32
        %ne3A_769 = arith.cmpi ne, %rem3A_767, %ne3A_768 : i32
        %and3A_770 = arith.andi %ne3A_766, %ne3A_769 : i1
        %sub3A = arith.constant 1 : i32
        %sub3A_771 = arith.subi %div3A_752, %sub3A : i32
        %select_n3A_772 = arith.select %and3A_770, %sub3A_771, %div3A_752 : i32
        %mul3A_773 = arith.constant 16 : i32
        %mul3A_774 = arith.muli %select_n3A_772, %mul3A_773 : i32
        %swap3A = arith.index_cast %mul3A_774 : i32 to index
        %swap3A_775 = tpu.vector_load %arg15[%swap3A] {strides = array<i32>} : memref<128xf32, #tpu.memory_space<vmem>>, vector<16xf32>,
        tpu.vector_store %arg15[%swap3A], %div3A_750 {strides = array<i32>} : memref<128xf32, #tpu.memory_space<vmem>>, vector<16xf32>,
      } else {
      }
      %mul3A_573 = arith.constant 4 : i32
      %mul3A_574 = arith.muli %scan3A_71, %mul3A_573 : i32
      %add3A_575 = arith.constant 3 : i32
      %add3A_576 = arith.addi %mul3A_574, %add3A_575 : i32
      %dma_wait3A_577 = arith.constant 0 : i32
      %dma_wait3A_578 = tpu.memref_slice %arg6[%add3A_576, %dma_wait3A_577] : memref<128x200xi32, #tpu.memory_space<vmem>> -> memref<1x104xi32, #tpu.memory_space<vmem>>
      %dma_wait3A_579 = tpu.memref_squeeze %dma_wait3A_578 : memref<1x104xi32, #tpu.memory_space<vmem>> -> memref<104xi32, #tpu.memory_space<vmem>>
      %dma_wait3A_580 = arith.constant 0 : i32
      %dma_wait3A_581 = arith.constant 0 : i32
      %dma_wait3A_582 = tpu.memref_slice %arg4[%dma_wait3A_580, %dma_wait3A_581] : memref<1000000x16xi32, #tpu.memory_space<hbm>> -> memref<1000000x16xi32, #tpu.memory_space<hbm>>
      tpu.wait_indirect_dma semaphore(%arg20 : memref<!tpu.dma_semaphore, #tpu.memory_space<semaphore_mem>>) src(%dma_wait3A_582 : memref<1000000x16xi32, #tpu.memory_space<hbm>>) dst(%arg10 : memref<104x16xi32, #tpu.memory_space<vmem>>)
      %scan3A_583 = arith.constant 0 : i32
      %scan3A_584 = arith.constant 48 : i32
      %scan3A_585 = arith.addi %scan3A_583, %scan3A_584 : i32
      %scan3A_586 = arith.constant 8 : i32
      %scan3A_587:2 = scf.for %scan3A_744 = %scan3A_583 to %scan3A_585 step %scan3A_586 iter_args(%scan3A_745 = %broadcast_in_dim3A_10, %scan3A_746 = %broadcast_in_dim3A_10) -> (vector<32xbf16>, vector<32xbf16>)  : i32 {
        %mul3A_747 = arith.constant 2 : i32
        %mul3A_748 = arith.muli %scan3A_744, %mul3A_747 : i32
        %get3A_749 = arith.index_cast %mul3A_748 : i32 to index
        %get3A_750 = arith.constant 0 : index
        %get3A_751 = tpu.vector_load %arg10[%get3A_749, %get3A_750] {strides = array<i32>} : memref<104x16xi32, #tpu.memory_space<vmem>>, vector<16xi32>,
        %bitcast3A_752 = vector.bitcast %get3A_751 : vector<16xi32> to vector<32xbf16>
        %mul3A_753 = arith.constant 2 : i32
        %mul3A_754 = arith.muli %scan3A_744, %mul3A_753 : i32
        %add3A_755 = arith.constant 1 : i32
        %add3A_756 = arith.addi %mul3A_754, %add3A_755 : i32
        %get3A_757 = arith.index_cast %add3A_756 : i32 to index
        %get3A_758 = arith.constant 0 : index
        %get3A_759 = tpu.vector_load %arg10[%get3A_757, %get3A_758] {strides = array<i32>} : memref<104x16xi32, #tpu.memory_space<vmem>>, vector<16xi32>,
        %bitcast3A_760 = vector.bitcast %get3A_759 : vector<16xi32> to vector<32xbf16>
        %add3A_761 = arith.addf %scan3A_745, %bitcast3A_752 : vector<32xbf16>
        %add3A_762 = arith.addf %scan3A_746, %bitcast3A_760 : vector<32xbf16>
        %scan3A_763 = arith.constant 1 : i32
        %scan3A_764 = arith.addi %scan3A_744, %scan3A_763 : i32
        %mul3A_765 = arith.constant 2 : i32
        %mul3A_766 = arith.muli %scan3A_764, %mul3A_765 : i32
        %get3A_767 = arith.index_cast %mul3A_766 : i32 to index
        %get3A_768 = arith.constant 0 : index
        %get3A_769 = tpu.vector_load %arg10[%get3A_767, %get3A_768] {strides = array<i32>} : memref<104x16xi32, #tpu.memory_space<vmem>>, vector<16xi32>,
        %bitcast3A_770 = vector.bitcast %get3A_769 : vector<16xi32> to vector<32xbf16>
        %mul3A_771 = arith.constant 2 : i32
        %mul3A_772 = arith.muli %scan3A_764, %mul3A_771 : i32
        %add3A_773 = arith.constant 1 : i32
        %add3A_774 = arith.addi %mul3A_772, %add3A_773 : i32
        %get3A_775 = arith.index_cast %add3A_774 : i32 to index
        %get3A_776 = arith.constant 0 : index
        %get3A_777 = tpu.vector_load %arg10[%get3A_775, %get3A_776] {strides = array<i32>} : memref<104x16xi32, #tpu.memory_space<vmem>>, vector<16xi32>,
        %bitcast3A_778 = vector.bitcast %get3A_777 : vector<16xi32> to vector<32xbf16>
        %add3A_779 = arith.addf %add3A_761, %bitcast3A_770 : vector<32xbf16>
        %add3A_780 = arith.addf %add3A_762, %bitcast3A_778 : vector<32xbf16>
        %scan3A_781 = arith.constant 2 : i32
        %scan3A_782 = arith.addi %scan3A_744, %scan3A_781 : i32
        %mul3A_783 = arith.constant 2 : i32
        %mul3A_784 = arith.muli %scan3A_782, %mul3A_783 : i32
        %get3A_785 = arith.index_cast %mul3A_784 : i32 to index
        %get3A_786 = arith.constant 0 : index
        %get3A_787 = tpu.vector_load %arg10[%get3A_785, %get3A_786] {strides = array<i32>} : memref<104x16xi32, #tpu.memory_space<vmem>>, vector<16xi32>,
        %bitcast3A_788 = vector.bitcast %get3A_787 : vector<16xi32> to vector<32xbf16>
        %mul3A_789 = arith.constant 2 : i32
        %mul3A_790 = arith.muli %scan3A_782, %mul3A_789 : i32
        %add3A_791 = arith.constant 1 : i32
        %add3A_792 = arith.addi %mul3A_790, %add3A_791 : i32
        %get3A_793 = arith.index_cast %add3A_792 : i32 to index
        %get3A_794 = arith.constant 0 : index
        %get3A_795 = tpu.vector_load %arg10[%get3A_793, %get3A_794] {strides = array<i32>} : memref<104x16xi32, #tpu.memory_space<vmem>>, vector<16xi32>,
        %bitcast3A_796 = vector.bitcast %get3A_795 : vector<16xi32> to vector<32xbf16>
        %add3A_797 = arith.addf %add3A_779, %bitcast3A_788 : vector<32xbf16>
        %add3A_798 = arith.addf %add3A_780, %bitcast3A_796 : vector<32xbf16>
        %scan3A_799 = arith.constant 3 : i32
        %scan3A_800 = arith.addi %scan3A_744, %scan3A_799 : i32
        %mul3A_801 = arith.constant 2 : i32
        %mul3A_802 = arith.muli %scan3A_800, %mul3A_801 : i32
        %get3A_803 = arith.index_cast %mul3A_802 : i32 to index
        %get3A_804 = arith.constant 0 : index
        %get3A_805 = tpu.vector_load %arg10[%get3A_803, %get3A_804] {strides = array<i32>} : memref<104x16xi32, #tpu.memory_space<vmem>>, vector<16xi32>,
        %bitcast3A_806 = vector.bitcast %get3A_805 : vector<16xi32> to vector<32xbf16>
        %mul3A_807 = arith.constant 2 : i32
        %mul3A_808 = arith.muli %scan3A_800, %mul3A_807 : i32
        %add3A_809 = arith.constant 1 : i32
        %add3A_810 = arith.addi %mul3A_808, %add3A_809 : i32
        %get3A_811 = arith.index_cast %add3A_810 : i32 to index
        %get3A_812 = arith.constant 0 : index
        %get3A_813 = tpu.vector_load %arg10[%get3A_811, %get3A_812] {strides = array<i32>} : memref<104x16xi32, #tpu.memory_space<vmem>>, vector<16xi32>,
        %bitcast3A_814 = vector.bitcast %get3A_813 : vector<16xi32> to vector<32xbf16>
        %add3A_815 = arith.addf %add3A_797, %bitcast3A_806 : vector<32xbf16>
        %add3A_816 = arith.addf %add3A_798, %bitcast3A_814 : vector<32xbf16>
        %scan3A_817 = arith.constant 4 : i32
        %scan3A_818 = arith.addi %scan3A_744, %scan3A_817 : i32
        %mul3A_819 = arith.constant 2 : i32
        %mul3A_820 = arith.muli %scan3A_818, %mul3A_819 : i32
        %get3A_821 = arith.index_cast %mul3A_820 : i32 to index
        %get3A_822 = arith.constant 0 : index
        %get3A_823 = tpu.vector_load %arg10[%get3A_821, %get3A_822] {strides = array<i32>} : memref<104x16xi32, #tpu.memory_space<vmem>>, vector<16xi32>,
        %bitcast3A_824 = vector.bitcast %get3A_823 : vector<16xi32> to vector<32xbf16>
        %mul3A_825 = arith.constant 2 : i32
        %mul3A_826 = arith.muli %scan3A_818, %mul3A_825 : i32
        %add3A_827 = arith.constant 1 : i32
        %add3A_828 = arith.addi %mul3A_826, %add3A_827 : i32
        %get3A_829 = arith.index_cast %add3A_828 : i32 to index
        %get3A_830 = arith.constant 0 : index
        %get3A_831 = tpu.vector_load %arg10[%get3A_829, %get3A_830] {strides = array<i32>} : memref<104x16xi32, #tpu.memory_space<vmem>>, vector<16xi32>,
        %bitcast3A_832 = vector.bitcast %get3A_831 : vector<16xi32> to vector<32xbf16>
        %add3A_833 = arith.addf %add3A_815, %bitcast3A_824 : vector<32xbf16>
        %add3A_834 = arith.addf %add3A_816, %bitcast3A_832 : vector<32xbf16>
        %scan3A_835 = arith.constant 5 : i32
        %scan3A_836 = arith.addi %scan3A_744, %scan3A_835 : i32
        %mul3A_837 = arith.constant 2 : i32
        %mul3A_838 = arith.muli %scan3A_836, %mul3A_837 : i32
        %get3A_839 = arith.index_cast %mul3A_838 : i32 to index
        %get3A_840 = arith.constant 0 : index
        %get3A_841 = tpu.vector_load %arg10[%get3A_839, %get3A_840] {strides = array<i32>} : memref<104x16xi32, #tpu.memory_space<vmem>>, vector<16xi32>,
        %bitcast3A_842 = vector.bitcast %get3A_841 : vector<16xi32> to vector<32xbf16>
        %mul3A_843 = arith.constant 2 : i32
        %mul3A_844 = arith.muli %scan3A_836, %mul3A_843 : i32
        %add3A_845 = arith.constant 1 : i32
        %add3A_846 = arith.addi %mul3A_844, %add3A_845 : i32
        %get3A_847 = arith.index_cast %add3A_846 : i32 to index
        %get3A_848 = arith.constant 0 : index
        %get3A_849 = tpu.vector_load %arg10[%get3A_847, %get3A_848] {strides = array<i32>} : memref<104x16xi32, #tpu.memory_space<vmem>>, vector<16xi32>,
        %bitcast3A_850 = vector.bitcast %get3A_849 : vector<16xi32> to vector<32xbf16>
        %add3A_851 = arith.addf %add3A_833, %bitcast3A_842 : vector<32xbf16>
        %add3A_852 = arith.addf %add3A_834, %bitcast3A_850 : vector<32xbf16>
        %scan3A_853 = arith.constant 6 : i32
        %scan3A_854 = arith.addi %scan3A_744, %scan3A_853 : i32
        %mul3A_855 = arith.constant 2 : i32
        %mul3A_856 = arith.muli %scan3A_854, %mul3A_855 : i32
        %get3A_857 = arith.index_cast %mul3A_856 : i32 to index
        %get3A_858 = arith.constant 0 : index
        %get3A_859 = tpu.vector_load %arg10[%get3A_857, %get3A_858] {strides = array<i32>} : memref<104x16xi32, #tpu.memory_space<vmem>>, vector<16xi32>,
        %bitcast3A_860 = vector.bitcast %get3A_859 : vector<16xi32> to vector<32xbf16>
        %mul3A_861 = arith.constant 2 : i32
        %mul3A_862 = arith.muli %scan3A_854, %mul3A_861 : i32
        %add3A_863 = arith.constant 1 : i32
        %add3A_864 = arith.addi %mul3A_862, %add3A_863 : i32
        %get3A_865 = arith.index_cast %add3A_864 : i32 to index
        %get3A_866 = arith.constant 0 : index
        %get3A_867 = tpu.vector_load %arg10[%get3A_865, %get3A_866] {strides = array<i32>} : memref<104x16xi32, #tpu.memory_space<vmem>>, vector<16xi32>,
        %bitcast3A_868 = vector.bitcast %get3A_867 : vector<16xi32> to vector<32xbf16>
        %add3A_869 = arith.addf %add3A_851, %bitcast3A_860 : vector<32xbf16>
        %add3A_870 = arith.addf %add3A_852, %bitcast3A_868 : vector<32xbf16>
        %scan3A_871 = arith.constant 7 : i32
        %scan3A_872 = arith.addi %scan3A_744, %scan3A_871 : i32
        %mul3A_873 = arith.constant 2 : i32
        %mul3A_874 = arith.muli %scan3A_872, %mul3A_873 : i32
        %get3A_875 = arith.index_cast %mul3A_874 : i32 to index
        %get3A_876 = arith.constant 0 : index
        %get3A_877 = tpu.vector_load %arg10[%get3A_875, %get3A_876] {strides = array<i32>} : memref<104x16xi32, #tpu.memory_space<vmem>>, vector<16xi32>,
        %bitcast3A_878 = vector.bitcast %get3A_877 : vector<16xi32> to vector<32xbf16>
        %mul3A_879 = arith.constant 2 : i32
        %mul3A_880 = arith.muli %scan3A_872, %mul3A_879 : i32
        %add3A_881 = arith.constant 1 : i32
        %add3A_882 = arith.addi %mul3A_880, %add3A_881 : i32
        %get3A_883 = arith.index_cast %add3A_882 : i32 to index
        %get3A_884 = arith.constant 0 : index
        %get3A_885 = tpu.vector_load %arg10[%get3A_883, %get3A_884] {strides = array<i32>} : memref<104x16xi32, #tpu.memory_space<vmem>>, vector<16xi32>,
        %bitcast3A_886 = vector.bitcast %get3A_885 : vector<16xi32> to vector<32xbf16>
        %add3A_887 = arith.addf %add3A_869, %bitcast3A_878 : vector<32xbf16>
        %add3A_888 = arith.addf %add3A_870, %bitcast3A_886 : vector<32xbf16>
        scf.yield %add3A_887, %add3A_888 : vector<32xbf16>, vector<32xbf16>
      }
      %scan3A_588 = arith.constant 48 : i32
      %scan3A_589 = arith.addi %scan3A_583, %scan3A_588 : i32
      %mul3A_590 = arith.constant 2 : i32
      %mul3A_591 = arith.muli %scan3A_589, %mul3A_590 : i32
      %get3A_592 = arith.index_cast %mul3A_591 : i32 to index
      %get3A_593 = arith.constant 0 : index
      %get3A_594 = tpu.vector_load %arg10[%get3A_592, %get3A_593] {strides = array<i32>} : memref<104x16xi32, #tpu.memory_space<vmem>>, vector<16xi32>,
      %bitcast3A_595 = vector.bitcast %get3A_594 : vector<16xi32> to vector<32xbf16>
      %mul3A_596 = arith.constant 2 : i32
      %mul3A_597 = arith.muli %scan3A_589, %mul3A_596 : i32
      %add3A_598 = arith.constant 1 : i32
      %add3A_599 = arith.addi %mul3A_597, %add3A_598 : i32
      %get3A_600 = arith.index_cast %add3A_599 : i32 to index
      %get3A_601 = arith.constant 0 : index
      %get3A_602 = tpu.vector_load %arg10[%get3A_600, %get3A_601] {strides = array<i32>} : memref<104x16xi32, #tpu.memory_space<vmem>>, vector<16xi32>,
      %bitcast3A_603 = vector.bitcast %get3A_602 : vector<16xi32> to vector<32xbf16>
      %add3A_604 = arith.addf %scan3A_587#0, %bitcast3A_595 : vector<32xbf16>
      %add3A_605 = arith.addf %scan3A_587#1, %bitcast3A_603 : vector<32xbf16>
      %scan3A_606 = arith.constant 49 : i32
      %scan3A_607 = arith.addi %scan3A_583, %scan3A_606 : i32
      %mul3A_608 = arith.constant 2 : i32
      %mul3A_609 = arith.muli %scan3A_607, %mul3A_608 : i32
      %get3A_610 = arith.index_cast %mul3A_609 : i32 to index
      %get3A_611 = arith.constant 0 : index
      %get3A_612 = tpu.vector_load %arg10[%get3A_610, %get3A_611] {strides = array<i32>} : memref<104x16xi32, #tpu.memory_space<vmem>>, vector<16xi32>,
      %bitcast3A_613 = vector.bitcast %get3A_612 : vector<16xi32> to vector<32xbf16>
      %mul3A_614 = arith.constant 2 : i32
      %mul3A_615 = arith.muli %scan3A_607, %mul3A_614 : i32
      %add3A_616 = arith.constant 1 : i32
      %add3A_617 = arith.addi %mul3A_615, %add3A_616 : i32
      %get3A_618 = arith.index_cast %add3A_617 : i32 to index
      %get3A_619 = arith.constant 0 : index
      %get3A_620 = tpu.vector_load %arg10[%get3A_618, %get3A_619] {strides = array<i32>} : memref<104x16xi32, #tpu.memory_space<vmem>>, vector<16xi32>,
      %bitcast3A_621 = vector.bitcast %get3A_620 : vector<16xi32> to vector<32xbf16>
      %add3A_622 = arith.addf %add3A_604, %bitcast3A_613 : vector<32xbf16>
      %add3A_623 = arith.addf %add3A_605, %bitcast3A_621 : vector<32xbf16>
      %scan3A_624 = arith.constant 50 : i32
      %scan3A_625 = arith.addi %scan3A_583, %scan3A_624 : i32
      %mul3A_626 = arith.constant 2 : i32
      %mul3A_627 = arith.muli %scan3A_625, %mul3A_626 : i32
      %get3A_628 = arith.index_cast %mul3A_627 : i32 to index
      %get3A_629 = arith.constant 0 : index
      %get3A_630 = tpu.vector_load %arg10[%get3A_628, %get3A_629] {strides = array<i32>} : memref<104x16xi32, #tpu.memory_space<vmem>>, vector<16xi32>,
      %bitcast3A_631 = vector.bitcast %get3A_630 : vector<16xi32> to vector<32xbf16>
      %mul3A_632 = arith.constant 2 : i32
      %mul3A_633 = arith.muli %scan3A_625, %mul3A_632 : i32
      %add3A_634 = arith.constant 1 : i32
      %add3A_635 = arith.addi %mul3A_633, %add3A_634 : i32
      %get3A_636 = arith.index_cast %add3A_635 : i32 to index
      %get3A_637 = arith.constant 0 : index
      %get3A_638 = tpu.vector_load %arg10[%get3A_636, %get3A_637] {strides = array<i32>} : memref<104x16xi32, #tpu.memory_space<vmem>>, vector<16xi32>,
      %bitcast3A_639 = vector.bitcast %get3A_638 : vector<16xi32> to vector<32xbf16>
      %add3A_640 = arith.addf %add3A_622, %bitcast3A_631 : vector<32xbf16>
      %add3A_641 = arith.addf %add3A_623, %bitcast3A_639 : vector<32xbf16>
      %scan3A_642 = arith.constant 51 : i32
      %scan3A_643 = arith.addi %scan3A_583, %scan3A_642 : i32
      %mul3A_644 = arith.constant 2 : i32
      %mul3A_645 = arith.muli %scan3A_643, %mul3A_644 : i32
      %get3A_646 = arith.index_cast %mul3A_645 : i32 to index
      %get3A_647 = arith.constant 0 : index
      %get3A_648 = tpu.vector_load %arg10[%get3A_646, %get3A_647] {strides = array<i32>} : memref<104x16xi32, #tpu.memory_space<vmem>>, vector<16xi32>,
      %bitcast3A_649 = vector.bitcast %get3A_648 : vector<16xi32> to vector<32xbf16>
      %mul3A_650 = arith.constant 2 : i32
      %mul3A_651 = arith.muli %scan3A_643, %mul3A_650 : i32
      %add3A_652 = arith.constant 1 : i32
      %add3A_653 = arith.addi %mul3A_651, %add3A_652 : i32
      %get3A_654 = arith.index_cast %add3A_653 : i32 to index
      %get3A_655 = arith.constant 0 : index
      %get3A_656 = tpu.vector_load %arg10[%get3A_654, %get3A_655] {strides = array<i32>} : memref<104x16xi32, #tpu.memory_space<vmem>>, vector<16xi32>,
      %bitcast3A_657 = vector.bitcast %get3A_656 : vector<16xi32> to vector<32xbf16>
      %add3A_658 = arith.addf %add3A_640, %bitcast3A_649 : vector<32xbf16>
      %add3A_659 = arith.addf %add3A_641, %bitcast3A_657 : vector<32xbf16>
      %scan3A_660 = arith.constant 52 : i32
      %lt3A_661 = arith.constant 31 : i32
      %lt3A_662 = arith.cmpi slt, %scan3A_71, %lt3A_661 : i32
      %convert_element_type3A_663 = arith.extui %lt3A_662 : i1 to i32
      %cond3A_664 = arith.constant 0 : i32
      %cond3A_665 = arith.cmpi ne, %convert_element_type3A_663, %cond3A_664 : i32
      scf.if %cond3A_665 {
        %add3A_744 = arith.constant 4 : i32
        %add3A_745 = arith.addi %add3A_576, %add3A_744 : i32
        %dma_start3A_746 = arith.constant 0 : i32
        %dma_start3A_747 = tpu.memref_slice %arg6[%add3A_745, %dma_start3A_746] : memref<128x200xi32, #tpu.memory_space<vmem>> -> memref<1x104xi32, #tpu.memory_space<vmem>>
        %dma_start3A_748 = tpu.memref_squeeze %dma_start3A_747 : memref<1x104xi32, #tpu.memory_space<vmem>> -> memref<104xi32, #tpu.memory_space<vmem>>
        %dma_start3A_749 = arith.constant 0 : i32
        %dma_start3A_750 = arith.constant 0 : i32
        %dma_start3A_751 = tpu.memref_slice %arg4[%dma_start3A_749, %dma_start3A_750] : memref<1000000x16xi32, #tpu.memory_space<hbm>> -> memref<1000000x16xi32, #tpu.memory_space<hbm>>
        tpu.enqueue_indirect_dma source(%dma_start3A_751 : memref<1000000x16xi32, #tpu.memory_space<hbm>>) target(%arg10 : memref<104x16xi32, #tpu.memory_space<vmem>>) offsets(%dma_start3A_748 : memref<104xi32, #tpu.memory_space<vmem>>) semaphore(%arg20 : memref<!tpu.dma_semaphore, #tpu.memory_space<semaphore_mem>>)
      } else {
      }
      %dma_wait3A_666 = arith.constant 104 : i32
      %dma_wait3A_667 = tpu.memref_slice %arg6[%add3A_576, %dma_wait3A_666] : memref<128x200xi32, #tpu.memory_space<vmem>> -> memref<1x96xi32, #tpu.memory_space<vmem>>
      %dma_wait3A_668 = tpu.memref_squeeze %dma_wait3A_667 : memref<1x96xi32, #tpu.memory_space<vmem>> -> memref<96xi32, #tpu.memory_space<vmem>>
      %dma_wait3A_669 = arith.constant 0 : i32
      %dma_wait3A_670 = arith.constant 0 : i32
      %dma_wait3A_671 = tpu.memref_slice %arg4[%dma_wait3A_669, %dma_wait3A_670] : memref<1000000x16xi32, #tpu.memory_space<hbm>> -> memref<1000000x16xi32, #tpu.memory_space<hbm>>
      tpu.wait_indirect_dma semaphore(%arg24 : memref<!tpu.dma_semaphore, #tpu.memory_space<semaphore_mem>>) src(%dma_wait3A_671 : memref<1000000x16xi32, #tpu.memory_space<hbm>>) dst(%arg14 : memref<96x16xi32, #tpu.memory_space<vmem>>)
      %scan3A_672 = arith.constant 0 : i32
      %scan3A_673 = arith.constant 48 : i32
      %scan3A_674 = arith.addi %scan3A_672, %scan3A_673 : i32
      %scan3A_675 = arith.constant 8 : i32
      %scan3A_676:2 = scf.for %scan3A_744 = %scan3A_672 to %scan3A_674 step %scan3A_675 iter_args(%scan3A_745 = %add3A_658, %scan3A_746 = %add3A_659) -> (vector<32xbf16>, vector<32xbf16>)  : i32 {
        %mul3A_747 = arith.constant 2 : i32
        %mul3A_748 = arith.muli %scan3A_744, %mul3A_747 : i32
        %get3A_749 = arith.index_cast %mul3A_748 : i32 to index
        %get3A_750 = arith.constant 0 : index
        %get3A_751 = tpu.vector_load %arg14[%get3A_749, %get3A_750] {strides = array<i32>} : memref<96x16xi32, #tpu.memory_space<vmem>>, vector<16xi32>,
        %bitcast3A_752 = vector.bitcast %get3A_751 : vector<16xi32> to vector<32xbf16>
        %mul3A_753 = arith.constant 2 : i32
        %mul3A_754 = arith.muli %scan3A_744, %mul3A_753 : i32
        %add3A_755 = arith.constant 1 : i32
        %add3A_756 = arith.addi %mul3A_754, %add3A_755 : i32
        %get3A_757 = arith.index_cast %add3A_756 : i32 to index
        %get3A_758 = arith.constant 0 : index
        %get3A_759 = tpu.vector_load %arg14[%get3A_757, %get3A_758] {strides = array<i32>} : memref<96x16xi32, #tpu.memory_space<vmem>>, vector<16xi32>,
        %bitcast3A_760 = vector.bitcast %get3A_759 : vector<16xi32> to vector<32xbf16>
        %add3A_761 = arith.addf %scan3A_745, %bitcast3A_752 : vector<32xbf16>
        %add3A_762 = arith.addf %scan3A_746, %bitcast3A_760 : vector<32xbf16>
        %scan3A_763 = arith.constant 1 : i32
        %scan3A_764 = arith.addi %scan3A_744, %scan3A_763 : i32
        %mul3A_765 = arith.constant 2 : i32
        %mul3A_766 = arith.muli %scan3A_764, %mul3A_765 : i32
        %get3A_767 = arith.index_cast %mul3A_766 : i32 to index
        %get3A_768 = arith.constant 0 : index
        %get3A_769 = tpu.vector_load %arg14[%get3A_767, %get3A_768] {strides = array<i32>} : memref<96x16xi32, #tpu.memory_space<vmem>>, vector<16xi32>,
        %bitcast3A_770 = vector.bitcast %get3A_769 : vector<16xi32> to vector<32xbf16>
        %mul3A_771 = arith.constant 2 : i32
        %mul3A_772 = arith.muli %scan3A_764, %mul3A_771 : i32
        %add3A_773 = arith.constant 1 : i32
        %add3A_774 = arith.addi %mul3A_772, %add3A_773 : i32
        %get3A_775 = arith.index_cast %add3A_774 : i32 to index
        %get3A_776 = arith.constant 0 : index
        %get3A_777 = tpu.vector_load %arg14[%get3A_775, %get3A_776] {strides = array<i32>} : memref<96x16xi32, #tpu.memory_space<vmem>>, vector<16xi32>,
        %bitcast3A_778 = vector.bitcast %get3A_777 : vector<16xi32> to vector<32xbf16>
        %add3A_779 = arith.addf %add3A_761, %bitcast3A_770 : vector<32xbf16>
        %add3A_780 = arith.addf %add3A_762, %bitcast3A_778 : vector<32xbf16>
        %scan3A_781 = arith.constant 2 : i32
        %scan3A_782 = arith.addi %scan3A_744, %scan3A_781 : i32
        %mul3A_783 = arith.constant 2 : i32
        %mul3A_784 = arith.muli %scan3A_782, %mul3A_783 : i32
        %get3A_785 = arith.index_cast %mul3A_784 : i32 to index
        %get3A_786 = arith.constant 0 : index
        %get3A_787 = tpu.vector_load %arg14[%get3A_785, %get3A_786] {strides = array<i32>} : memref<96x16xi32, #tpu.memory_space<vmem>>, vector<16xi32>,
        %bitcast3A_788 = vector.bitcast %get3A_787 : vector<16xi32> to vector<32xbf16>
        %mul3A_789 = arith.constant 2 : i32
        %mul3A_790 = arith.muli %scan3A_782, %mul3A_789 : i32
        %add3A_791 = arith.constant 1 : i32
        %add3A_792 = arith.addi %mul3A_790, %add3A_791 : i32
        %get3A_793 = arith.index_cast %add3A_792 : i32 to index
        %get3A_794 = arith.constant 0 : index
        %get3A_795 = tpu.vector_load %arg14[%get3A_793, %get3A_794] {strides = array<i32>} : memref<96x16xi32, #tpu.memory_space<vmem>>, vector<16xi32>,
        %bitcast3A_796 = vector.bitcast %get3A_795 : vector<16xi32> to vector<32xbf16>
        %add3A_797 = arith.addf %add3A_779, %bitcast3A_788 : vector<32xbf16>
        %add3A_798 = arith.addf %add3A_780, %bitcast3A_796 : vector<32xbf16>
        %scan3A_799 = arith.constant 3 : i32
        %scan3A_800 = arith.addi %scan3A_744, %scan3A_799 : i32
        %mul3A_801 = arith.constant 2 : i32
        %mul3A_802 = arith.muli %scan3A_800, %mul3A_801 : i32
        %get3A_803 = arith.index_cast %mul3A_802 : i32 to index
        %get3A_804 = arith.constant 0 : index
        %get3A_805 = tpu.vector_load %arg14[%get3A_803, %get3A_804] {strides = array<i32>} : memref<96x16xi32, #tpu.memory_space<vmem>>, vector<16xi32>,
        %bitcast3A_806 = vector.bitcast %get3A_805 : vector<16xi32> to vector<32xbf16>
        %mul3A_807 = arith.constant 2 : i32
        %mul3A_808 = arith.muli %scan3A_800, %mul3A_807 : i32
        %add3A_809 = arith.constant 1 : i32
        %add3A_810 = arith.addi %mul3A_808, %add3A_809 : i32
        %get3A_811 = arith.index_cast %add3A_810 : i32 to index
        %get3A_812 = arith.constant 0 : index
        %get3A_813 = tpu.vector_load %arg14[%get3A_811, %get3A_812] {strides = array<i32>} : memref<96x16xi32, #tpu.memory_space<vmem>>, vector<16xi32>,
        %bitcast3A_814 = vector.bitcast %get3A_813 : vector<16xi32> to vector<32xbf16>
        %add3A_815 = arith.addf %add3A_797, %bitcast3A_806 : vector<32xbf16>
        %add3A_816 = arith.addf %add3A_798, %bitcast3A_814 : vector<32xbf16>
        %scan3A_817 = arith.constant 4 : i32
        %scan3A_818 = arith.addi %scan3A_744, %scan3A_817 : i32
        %mul3A_819 = arith.constant 2 : i32
        %mul3A_820 = arith.muli %scan3A_818, %mul3A_819 : i32
        %get3A_821 = arith.index_cast %mul3A_820 : i32 to index
        %get3A_822 = arith.constant 0 : index
        %get3A_823 = tpu.vector_load %arg14[%get3A_821, %get3A_822] {strides = array<i32>} : memref<96x16xi32, #tpu.memory_space<vmem>>, vector<16xi32>,
        %bitcast3A_824 = vector.bitcast %get3A_823 : vector<16xi32> to vector<32xbf16>
        %mul3A_825 = arith.constant 2 : i32
        %mul3A_826 = arith.muli %scan3A_818, %mul3A_825 : i32
        %add3A_827 = arith.constant 1 : i32
        %add3A_828 = arith.addi %mul3A_826, %add3A_827 : i32
        %get3A_829 = arith.index_cast %add3A_828 : i32 to index
        %get3A_830 = arith.constant 0 : index
        %get3A_831 = tpu.vector_load %arg14[%get3A_829, %get3A_830] {strides = array<i32>} : memref<96x16xi32, #tpu.memory_space<vmem>>, vector<16xi32>,
        %bitcast3A_832 = vector.bitcast %get3A_831 : vector<16xi32> to vector<32xbf16>
        %add3A_833 = arith.addf %add3A_815, %bitcast3A_824 : vector<32xbf16>
        %add3A_834 = arith.addf %add3A_816, %bitcast3A_832 : vector<32xbf16>
        %scan3A_835 = arith.constant 5 : i32
        %scan3A_836 = arith.addi %scan3A_744, %scan3A_835 : i32
        %mul3A_837 = arith.constant 2 : i32
        %mul3A_838 = arith.muli %scan3A_836, %mul3A_837 : i32
        %get3A_839 = arith.index_cast %mul3A_838 : i32 to index
        %get3A_840 = arith.constant 0 : index
        %get3A_841 = tpu.vector_load %arg14[%get3A_839, %get3A_840] {strides = array<i32>} : memref<96x16xi32, #tpu.memory_space<vmem>>, vector<16xi32>,
        %bitcast3A_842 = vector.bitcast %get3A_841 : vector<16xi32> to vector<32xbf16>
        %mul3A_843 = arith.constant 2 : i32
        %mul3A_844 = arith.muli %scan3A_836, %mul3A_843 : i32
        %add3A_845 = arith.constant 1 : i32
        %add3A_846 = arith.addi %mul3A_844, %add3A_845 : i32
        %get3A_847 = arith.index_cast %add3A_846 : i32 to index
        %get3A_848 = arith.constant 0 : index
        %get3A_849 = tpu.vector_load %arg14[%get3A_847, %get3A_848] {strides = array<i32>} : memref<96x16xi32, #tpu.memory_space<vmem>>, vector<16xi32>,
        %bitcast3A_850 = vector.bitcast %get3A_849 : vector<16xi32> to vector<32xbf16>
        %add3A_851 = arith.addf %add3A_833, %bitcast3A_842 : vector<32xbf16>
        %add3A_852 = arith.addf %add3A_834, %bitcast3A_850 : vector<32xbf16>
        %scan3A_853 = arith.constant 6 : i32
        %scan3A_854 = arith.addi %scan3A_744, %scan3A_853 : i32
        %mul3A_855 = arith.constant 2 : i32
        %mul3A_856 = arith.muli %scan3A_854, %mul3A_855 : i32
        %get3A_857 = arith.index_cast %mul3A_856 : i32 to index
        %get3A_858 = arith.constant 0 : index
        %get3A_859 = tpu.vector_load %arg14[%get3A_857, %get3A_858] {strides = array<i32>} : memref<96x16xi32, #tpu.memory_space<vmem>>, vector<16xi32>,
        %bitcast3A_860 = vector.bitcast %get3A_859 : vector<16xi32> to vector<32xbf16>
        %mul3A_861 = arith.constant 2 : i32
        %mul3A_862 = arith.muli %scan3A_854, %mul3A_861 : i32
        %add3A_863 = arith.constant 1 : i32
        %add3A_864 = arith.addi %mul3A_862, %add3A_863 : i32
        %get3A_865 = arith.index_cast %add3A_864 : i32 to index
        %get3A_866 = arith.constant 0 : index
        %get3A_867 = tpu.vector_load %arg14[%get3A_865, %get3A_866] {strides = array<i32>} : memref<96x16xi32, #tpu.memory_space<vmem>>, vector<16xi32>,
        %bitcast3A_868 = vector.bitcast %get3A_867 : vector<16xi32> to vector<32xbf16>
        %add3A_869 = arith.addf %add3A_851, %bitcast3A_860 : vector<32xbf16>
        %add3A_870 = arith.addf %add3A_852, %bitcast3A_868 : vector<32xbf16>
        %scan3A_871 = arith.constant 7 : i32
        %scan3A_872 = arith.addi %scan3A_744, %scan3A_871 : i32
        %mul3A_873 = arith.constant 2 : i32
        %mul3A_874 = arith.muli %scan3A_872, %mul3A_873 : i32
        %get3A_875 = arith.index_cast %mul3A_874 : i32 to index
        %get3A_876 = arith.constant 0 : index
        %get3A_877 = tpu.vector_load %arg14[%get3A_875, %get3A_876] {strides = array<i32>} : memref<96x16xi32, #tpu.memory_space<vmem>>, vector<16xi32>,
        %bitcast3A_878 = vector.bitcast %get3A_877 : vector<16xi32> to vector<32xbf16>
        %mul3A_879 = arith.constant 2 : i32
        %mul3A_880 = arith.muli %scan3A_872, %mul3A_879 : i32
        %add3A_881 = arith.constant 1 : i32
        %add3A_882 = arith.addi %mul3A_880, %add3A_881 : i32
        %get3A_883 = arith.index_cast %add3A_882 : i32 to index
        %get3A_884 = arith.constant 0 : index
        %get3A_885 = tpu.vector_load %arg14[%get3A_883, %get3A_884] {strides = array<i32>} : memref<96x16xi32, #tpu.memory_space<vmem>>, vector<16xi32>,
        %bitcast3A_886 = vector.bitcast %get3A_885 : vector<16xi32> to vector<32xbf16>
        %add3A_887 = arith.addf %add3A_869, %bitcast3A_878 : vector<32xbf16>
        %add3A_888 = arith.addf %add3A_870, %bitcast3A_886 : vector<32xbf16>
        scf.yield %add3A_887, %add3A_888 : vector<32xbf16>, vector<32xbf16>
      }
      %scan3A_677 = arith.constant 48 : i32
      %lt3A_678 = arith.constant 31 : i32
      %lt3A_679 = arith.cmpi slt, %scan3A_71, %lt3A_678 : i32
      %convert_element_type3A_680 = arith.extui %lt3A_679 : i1 to i32
      %cond3A_681 = arith.constant 0 : i32
      %cond3A_682 = arith.cmpi ne, %convert_element_type3A_680, %cond3A_681 : i32
      scf.if %cond3A_682 {
        %add3A_744 = arith.constant 4 : i32
        %add3A_745 = arith.addi %add3A_576, %add3A_744 : i32
        %dma_start3A_746 = arith.constant 104 : i32
        %dma_start3A_747 = tpu.memref_slice %arg6[%add3A_745, %dma_start3A_746] : memref<128x200xi32, #tpu.memory_space<vmem>> -> memref<1x96xi32, #tpu.memory_space<vmem>>
        %dma_start3A_748 = tpu.memref_squeeze %dma_start3A_747 : memref<1x96xi32, #tpu.memory_space<vmem>> -> memref<96xi32, #tpu.memory_space<vmem>>
        %dma_start3A_749 = arith.constant 0 : i32
        %dma_start3A_750 = arith.constant 0 : i32
        %dma_start3A_751 = tpu.memref_slice %arg4[%dma_start3A_749, %dma_start3A_750] : memref<1000000x16xi32, #tpu.memory_space<hbm>> -> memref<1000000x16xi32, #tpu.memory_space<hbm>>
        tpu.enqueue_indirect_dma source(%dma_start3A_751 : memref<1000000x16xi32, #tpu.memory_space<hbm>>) target(%arg14 : memref<96x16xi32, #tpu.memory_space<vmem>>) offsets(%dma_start3A_748 : memref<96xi32, #tpu.memory_space<vmem>>) semaphore(%arg24 : memref<!tpu.dma_semaphore, #tpu.memory_space<semaphore_mem>>)
      } else {
      }
      %unpack3A_683 = tpu.unpack_subelements %scan3A_676#0, 0 {pack_format = #tpu.pack_format<interleaved>} : vector<32xbf16> -> vector<16xf32>
      %unpack3A_684 = tpu.unpack_subelements %scan3A_676#0, 1 {pack_format = #tpu.pack_format<interleaved>} : vector<32xbf16> -> vector<16xf32>
      %unpack3A_685 = tpu.unpack_subelements %scan3A_676#1, 0 {pack_format = #tpu.pack_format<interleaved>} : vector<32xbf16> -> vector<16xf32>
      %unpack3A_686 = tpu.unpack_subelements %scan3A_676#1, 1 {pack_format = #tpu.pack_format<interleaved>} : vector<32xbf16> -> vector<16xf32>
      %add3A_687 = arith.addf %unpack3A_683, %unpack3A_685 : vector<16xf32>
      %add3A_688 = arith.addf %unpack3A_684, %unpack3A_686 : vector<16xf32>
      %mul3A_689 = arith.mulf %add3A_687, %get3A_3 : vector<16xf32>
      %reduce_sum3A_690 = arith.constant true
      %reduce_sum3A_691 = vector.broadcast %reduce_sum3A_690 : i1 to vector<16xi1>
      %reduce_sum3A_692 = tpu.scan <sum>, %mul3A_689 masked %reduce_sum3A_691 : vector<16xf32>, vector<16xi1> -> vector<16xf32>
      %reduce_sum3A_693 = vector.extract %reduce_sum3A_692[15] : f32 from vector<16xf32>
      %mul3A_694 = arith.mulf %add3A_688, %get3A_5 : vector<16xf32>
      %reduce_sum3A_695 = arith.constant true
      %reduce_sum3A_696 = vector.broadcast %reduce_sum3A_695 : i1 to vector<16xi1>
      %reduce_sum3A_697 = tpu.scan <sum>, %mul3A_694 masked %reduce_sum3A_696 : vector<16xf32>, vector<16xi1> -> vector<16xf32>
      %reduce_sum3A_698 = vector.extract %reduce_sum3A_697[15] : f32 from vector<16xf32>
      %add3A_699 = arith.addf %reduce_sum3A_693, %reduce_sum3A_698 : f32
      %mul3A_700 = arith.constant 5.000000e-03 : f32
      %mul3A_701 = arith.mulf %add3A_699, %mul3A_700 : f32
      %add3A_702 = arith.addf %mul3A_701, %squeeze3A : f32
      %jit3A_703 = arith.constant 16 : i32
      %eq3A_704 = arith.constant 0 : i32
      %eq3A_705 = arith.cmpi eq, %jit3A_703, %eq3A_704 : i32
      %jit3A_706 = arith.constant 1 : i32
      %select_n3A_707 = arith.select %eq3A_705, %jit3A_706, %jit3A_703 : i32
      %rem3A_708 = arith.remsi %add3A_576, %select_n3A_707 : i32
      %ne3A_709 = arith.constant 0 : i32
      %ne3A_710 = arith.cmpi ne, %rem3A_708, %ne3A_709 : i32
      %lt3A_711 = arith.constant 0 : i32
      %lt3A_712 = arith.cmpi slt, %rem3A_708, %lt3A_711 : i32
      %lt3A_713 = arith.constant 0 : i32
      %lt3A_714 = arith.cmpi slt, %select_n3A_707, %lt3A_713 : i32
      %ne3A_715 = arith.xori %lt3A_712, %lt3A_714 : i1
      %and3A_716 = arith.andi %ne3A_715, %ne3A_710 : i1
      %add3A_717 = arith.addi %rem3A_708, %select_n3A_707 : i32
      %select_n3A_718 = arith.select %and3A_716, %add3A_717, %rem3A_708 : i32
      %eq3A_719 = vector.broadcast %select_n3A_718 : i32 to vector<16xi32>
      %eq3A_720 = arith.cmpi eq, %iota3A, %eq3A_719 : vector<16xi32>
      %broadcast_in_dim3A_721 = vector.broadcast %add3A_702 : f32 to vector<16xf32>
      %select_n3A_722 = arith.select %eq3A_720, %broadcast_in_dim3A_721, %select_n3A_551 : vector<16xi1>, vector<16xf32>
      %jit3A_723 = arith.constant 16 : i32
      %eq3A_724 = arith.constant 0 : i32
      %eq3A_725 = arith.cmpi eq, %jit3A_723, %eq3A_724 : i32
      %jit3A_726 = arith.constant 1 : i32
      %select_n3A_727 = arith.select %eq3A_725, %jit3A_726, %jit3A_723 : i32
      %rem3A_728 = arith.remsi %add3A_576, %select_n3A_727 : i32
      %ne3A_729 = arith.constant 0 : i32
      %ne3A_730 = arith.cmpi ne, %rem3A_728, %ne3A_729 : i32
      %lt3A_731 = arith.constant 0 : i32
      %lt3A_732 = arith.cmpi slt, %rem3A_728, %lt3A_731 : i32
      %lt3A_733 = arith.constant 0 : i32
      %lt3A_734 = arith.cmpi slt, %select_n3A_727, %lt3A_733 : i32
      %ne3A_735 = arith.xori %lt3A_732, %lt3A_734 : i1
      %and3A_736 = arith.andi %ne3A_735, %ne3A_730 : i1
      %add3A_737 = arith.addi %rem3A_728, %select_n3A_727 : i32
      %select_n3A_738 = arith.select %and3A_736, %add3A_737, %rem3A_728 : i32
      %eq3A_739 = arith.constant 15 : i32
      %eq3A_740 = arith.cmpi eq, %select_n3A_738, %eq3A_739 : i32
      %convert_element_type3A_741 = arith.extui %eq3A_740 : i1 to i32
      %cond3A_742 = arith.constant 0 : i32
      %cond3A_743 = arith.cmpi ne, %convert_element_type3A_741, %cond3A_742 : i32
      scf.if %cond3A_743 {
        %neg3A = arith.constant 0.000000e+00 : f32
        %neg3A_744 = vector.broadcast %neg3A : f32 to vector<16xf32>
        %neg3A_745 = arith.subf %neg3A_744, %select_n3A_722 : vector<16xf32>
        %exp3A = math.exp %neg3A_745 : vector<16xf32>
        %add3A_746 = arith.constant 1.000000e+00 : f32
        %add3A_747 = vector.broadcast %add3A_746 : f32 to vector<16xf32>
        %add3A_748 = arith.addf %add3A_747, %exp3A : vector<16xf32>
        %div3A = arith.constant 1.000000e+00 : f32
        %div3A_749 = vector.broadcast %div3A : f32 to vector<16xf32>
        %div3A_750 = arith.divf %div3A_749, %add3A_748 : vector<16xf32>
        %jit3A_751 = arith.constant 16 : i32
        %div3A_752 = arith.divsi %add3A_576, %jit3A_751 : i32
        %sign3A = arith.constant 0 : i32
        %sign3A_753 = arith.cmpi sgt, %add3A_576, %sign3A : i32
        %sign3A_754 = arith.extui %sign3A_753 : i1 to i32
        %sign3A_755 = arith.constant 0 : i32
        %sign3A_756 = arith.cmpi slt, %add3A_576, %sign3A_755 : i32
        %sign3A_757 = arith.extui %sign3A_756 : i1 to i32
        %sign3A_758 = arith.subi %sign3A_754, %sign3A_757 : i32
        %sign3A_759 = arith.constant 0 : i32
        %sign3A_760 = arith.cmpi sgt, %jit3A_751, %sign3A_759 : i32
        %sign3A_761 = arith.extui %sign3A_760 : i1 to i32
        %sign3A_762 = arith.constant 0 : i32
        %sign3A_763 = arith.cmpi slt, %jit3A_751, %sign3A_762 : i32
        %sign3A_764 = arith.extui %sign3A_763 : i1 to i32
        %sign3A_765 = arith.subi %sign3A_761, %sign3A_764 : i32
        %ne3A_766 = arith.cmpi ne, %sign3A_758, %sign3A_765 : i32
        %rem3A_767 = arith.remsi %add3A_576, %jit3A_751 : i32
        %ne3A_768 = arith.constant 0 : i32
        %ne3A_769 = arith.cmpi ne, %rem3A_767, %ne3A_768 : i32
        %and3A_770 = arith.andi %ne3A_766, %ne3A_769 : i1
        %sub3A = arith.constant 1 : i32
        %sub3A_771 = arith.subi %div3A_752, %sub3A : i32
        %select_n3A_772 = arith.select %and3A_770, %sub3A_771, %div3A_752 : i32
        %mul3A_773 = arith.constant 16 : i32
        %mul3A_774 = arith.muli %select_n3A_772, %mul3A_773 : i32
        %swap3A = arith.index_cast %mul3A_774 : i32 to index
        %swap3A_775 = tpu.vector_load %arg15[%swap3A] {strides = array<i32>} : memref<128xf32, #tpu.memory_space<vmem>>, vector<16xf32>,
        tpu.vector_store %arg15[%swap3A], %div3A_750 {strides = array<i32>} : memref<128xf32, #tpu.memory_space<vmem>>, vector<16xf32>,
      } else {
      }
      scf.yield %select_n3A_722 : vector<16xf32>
    }
    %scan3A_70 = arith.constant 32 : i32
    "tpu.region"() ({
      %run_scoped3A = tpu.sem_alloc : memref<!tpu.dma_semaphore, #tpu.memory_space<semaphore_mem>>
      %dma_start3A_71 = tpu.memref_slice %arg5[%mul3A_2] : memref<4096xf32, #tpu.memory_space<hbm>> -> memref<128xf32, #tpu.memory_space<hbm>>
      %dma_start3A_72 = tpu.memref_slice %arg5[%mul3A_2] : memref<4096xf32, #tpu.memory_space<hbm>> -> memref<128xf32, #tpu.memory_space<hbm>>
      tpu.enqueue_dma source(%arg15 : memref<128xf32, #tpu.memory_space<vmem>>) target(%dma_start3A_72 : memref<128xf32, #tpu.memory_space<hbm>>) target_semaphore(%run_scoped3A : memref<!tpu.dma_semaphore, #tpu.memory_space<semaphore_mem>>)
      %dma_wait3A = tpu.memref_slice %arg5[%mul3A_2] : memref<4096xf32, #tpu.memory_space<hbm>> -> memref<128xf32, #tpu.memory_space<hbm>>
      %dma_wait3A_73 = tpu.memref_slice %arg5[%mul3A_2] : memref<4096xf32, #tpu.memory_space<hbm>> -> memref<128xf32, #tpu.memory_space<hbm>>
      tpu.wait_dma2 semaphore(%run_scoped3A : memref<!tpu.dma_semaphore, #tpu.memory_space<semaphore_mem>>) src(%arg15 : memref<128xf32, #tpu.memory_space<vmem>>) dst(%dma_wait3A_73 : memref<128xf32, #tpu.memory_space<hbm>>)
      tpu.yield
    }) : () -> ()
    return
  }
}

</mosaic_0001>

<sc_bundles>
// kernel: kernel.4.cloned.1.call-start
scs
__scs_entry_jumppad:
0x0: {  	(pc) =	sbr.rel $0x88, $3  }
0x1: {  	(tag) =	ssettag $0x0;
	lr =	simm.s32 $0x1  }
0x2: {  	[smem:$0x3F9D] =	sst lr;
	_ =	strace $0xD0000000  }
0x3: {  	_ = 	snop  }
0x4: {  	_ = 	snop  }
0x5: {  	_ = 	snop  }
0x6: {  	_ = 	snop  }
0x7: {  	_ = 	snop  }
__scs_overlays_trampoline_lowered:
0x8: {  	[smem:$0x3FAC] =	sst s0  }
0x9: {  	[smem:$0x3FAD] =	sst s1  }
0xa: {  	[smem:$0x3FAE] =	sst s2  }
0xb: {  	[smem:$0x3FAF] =	sst s3  }
0xc: {  	[smem:$0x3FB0] =	sst s4  }
0xd: {  	[smem:$0x3FB1] =	sst s5  }
0xe: {  	[smem:$0x3FB2] =	sst s6  }
0xf: {  	[smem:$0x3FB3] =	sst s7  }
0x10: {  	[smem:$0x3FB4] =	sst s8  }
0x11: {  	[smem:$0x3FB5] =	sst s9;
	s0 =	simm.s32 @!p0 $0x0  }
0x12: {  	s1 =	sld [smem:$0x3F9B];
	s0 =	simm.s32 @p0 $0x1  }
0x13: {  	[smem:$0x3FB6] =	sst s0;
	s0 =	simm.s32 @!p1 $0x0  }
0x14: {  	s2 =	sld [smem:$0x3F9A];
	s0 =	simm.s32 @p1 $0x1  }
0x15: {  	[smem:$0x3FB7] =	sst s0;
	s0 =	simm.s32 @!p2 $0x0  }
0x16: {  	s3 =	sld [smem:$0x3FDB];
	s0 =	simm.s32 @p2 $0x1  }
0x17: {  	s4 =	simm.s32 $0x1BF5;
	[smem:$0x3FB9] =	sst s0  }
0x18: {  	s0 =	sld [smem:$0x3F9C];
	_ =	swait.ge [sflag:s4], $0x0  }
0x19: {  	s7 =	sld [smem:$0x3F9D]  }
0x1a: {  	s8 =	sadd.s32 $0xFFFFE003, lr  }
0x1b: {  	s9 =	sadd.s32 $0xFFFFFEF7, lr;
	s5 =	simm.s32 $0xFFFFFFFF;
	p2 =	slt.u32 s8, $0xFFFFF086  }
0x1c: {  	p1 =	slt.u32 s9, $0xF7A;
	s5 =	simm.s32 @!p2 $0x0  }
0x1d: {  	s5 =	simm.s32 @p1 $0x1;
	p0 =	seq.s32 s7, s2  }
0x1e: {  	s7 =	smul.u32 @!p0 $0xF7A, s2;
	p2 =	seq.s32 @!p0 s5, $0x0  }
0x1f: {  	s9 =	smul.u32 $0xF7A, s1;
	s8 =	simm.s32 @!p0 $0x1BF5;
	p2 =	por !p2, p0  }
0x20: {  	[sflag:s8] =	ssyncset.s32 @!p0 $0xFFFFF086;
	s6 =	sadd.s32 @!p0 s3, s7;
	s7 =	simm.s32 @!p0 $0x108  }
0x21: {  	s3 =	sadd.s32 s3, s9;
	s6 =	sadd.s32 @!p0 $0x88, s6;
	s7 =	simm.s32 @p2 $0x1082  }
0x22: {  	[simem:s7], [sflag:s8] =	dma.local @!p0 [hbm:s6], $0xF7A  }
0x23: {  	s9 =	sor.u32 $0xD0000000, s2;
	s6 =	simm.s32 $0x108;
	_ =	swait.ge @!p0 [sflag:s8], $0x0  }
0x24: {  	s3 =	sadd.s32 $0x88, s3;
	s6 =	simm.s32 @!p1 $0x1082;
	[sflag:s4] =	ssyncset.s32 $0xFFFFF086  }
0x25: {  	[simem:s6], [sflag:s4] =	dma.local [hbm:s3], $0xF7A  }
0x26: {  	[smem:$0x3F9D] =	sst s1;
	(tag) =	ssettag s2;
	_ =	strace s9  }
0x27: {  	s1 =	sld [smem:$0x3FAD]  }
0x28: {  	s2 =	sld [smem:$0x3FAE]  }
0x29: {  	s4 =	sld [smem:$0x3FB0]  }
0x2a: {  	p0 =	seq.s32 s5, $0x0;
	s5 =	sld [smem:$0x3FB1]  }
0x2b: {  	s6 =	sld [smem:$0x3FB2]  }
0x2c: {  	s7 =	sld [smem:$0x3FB3]  }
0x2d: {  	s3 =	simm.s32 $0x108;
	s8 =	sld [smem:$0x3FB4]  }
0x2e: {  	s3 =	simm.s32 @!p0 $0x1082;
	s9 =	sld [smem:$0x3FB5]  }
0x2f: {  	lr =	sadd.s32 s0, s3;
	s0 =	sld [smem:$0x3FAC]  }
0x30: {  	s3 =	sld [smem:$0x3FAF]  }
0x31: {  	[smem:$0x3FB8] =	sst s10  }
0x32: {  	s10 =	sld [smem:$0x3FB6];
	_ =	sdelay $0x3  }
0x33: {  	p0 =	seq.s32 s10, $0x1;
	s10 =	sld [smem:$0x3FB8];
	_ =	sdelay $0x3  }
0x34: {  	[smem:$0x3FB8] =	sst s10  }
0x35: {  	s10 =	sld [smem:$0x3FB7];
	_ =	sdelay $0x3  }
0x36: {  	p1 =	seq.s32 s10, $0x1;
	s10 =	sld [smem:$0x3FB8];
	_ =	sdelay $0x3  }
0x37: {  	[smem:$0x3FB8] =	sst s10  }
0x38: {  	s10 =	sld [smem:$0x3FB9]  }
0x39: {  	_ = 	snop;
	(pc) =	sbr.ind lr, $3  }
0x3a: {  	_ = 	snop  }
0x3b: {  	_ = 	snop  }
0x3c: {  	p2 =	seq.s32 s10, $0x1;
	s10 =	sld [smem:$0x3FB8]  }
0x3d: {  	_ =	shalt  }
0x3e: {  	_ =	shalt  }
0x3f: {  	_ =	shalt  }
0x40: {  	_ =	shalt  }
0x41: {  	_ =	shalt  }
0x42: {  	_ =	shalt  }
0x43: {  	_ =	shalt  }
0x44: {  	_ =	shalt  }
0x45: {  	_ =	shalt  }
0x46: {  	_ =	shalt  }
0x47: {  	_ =	shalt  }
0x48: {  	_ =	shalt  }
0x49: {  	_ =	shalt  }
0x4a: {  	_ =	shalt  }
0x4b: {  	_ =	shalt  }
0x4c: {  	_ =	shalt  }
0x4d: {  	_ =	shalt  }
0x4e: {  	_ =	shalt  }
0x4f: {  	_ =	shalt  }
0x50: {  	_ =	shalt  }
0x51: {  	_ =	shalt  }
0x52: {  	_ =	shalt  }
0x53: {  	_ =	shalt  }
0x54: {  	_ =	shalt  }
0x55: {  	_ =	shalt  }
0x56: {  	_ =	shalt  }
0x57: {  	_ =	shalt  }
0x58: {  	_ =	shalt  }
0x59: {  	_ =	shalt  }
0x5a: {  	_ =	shalt  }
0x5b: {  	_ =	shalt  }
0x5c: {  	_ =	shalt  }
0x5d: {  	_ =	shalt  }
0x5e: {  	_ =	shalt  }
0x5f: {  	_ =	shalt  }
0x60: {  	_ =	shalt  }
0x61: {  	_ =	shalt  }
0x62: {  	_ =	shalt  }
0x63: {  	_ =	shalt  }
0x64: {  	_ =	shalt  }
0x65: {  	_ =	shalt  }
0x66: {  	_ =	shalt  }
0x67: {  	_ =	shalt  }
0x68: {  	_ =	shalt  }
0x69: {  	_ =	shalt  }
0x6a: {  	_ =	shalt  }
0x6b: {  	_ =	shalt  }
0x6c: {  	_ =	shalt  }
0x6d: {  	_ =	shalt  }
0x6e: {  	_ =	shalt  }
0x6f: {  	_ =	shalt  }
0x70: {  	_ =	shalt  }
0x71: {  	_ =	shalt  }
0x72: {  	_ =	shalt  }
0x73: {  	_ =	shalt  }
0x74: {  	_ =	shalt  }
0x75: {  	_ =	shalt  }
0x76: {  	_ =	shalt  }
0x77: {  	_ =	shalt  }
0x78: {  	_ =	shalt  }
0x79: {  	_ =	shalt  }
0x7a: {  	_ =	shalt  }
0x7b: {  	_ =	shalt  }
0x7c: {  	_ =	shalt  }
0x7d: {  	_ =	shalt  }
0x7e: {  	_ =	shalt  }
0x7f: {  	_ =	shalt  }
0x80: {  	_ =	shalt  }
0x81: {  	_ =	shalt  }
0x82: {  	_ =	shalt  }
0x83: {  	_ =	shalt  }
0x84: {  	_ =	shalt  }
0x85: {  	_ =	shalt  }
0x86: {  	_ =	shalt  }
0x87: {  	_ =	shalt  }
.Lfunc_end0:
.L_simem_size_0:
called_computation_lowered:
.L_overlay_start_0:
0x88: {  	s2 =	sld [smem:$0x3FD9]  }
0x89: {  	s3 =	sld [smem:$0x3FFE];
	_ =	sdelay $0x1  }
0x8a: {  	s1 =	srdreg.scid  }
0x8b: {  	s0 =	sand.u32 $0x1, s1  }
0x8c: {  	s17 =	sshll.u32 s0, $0xA;
	s2 =	sadd.s32 s3, s2  }
0x8d: {  	s2 =	sadd.s32 s2, s17  }
0x8e: {  	[smem:$0x3FC4] =	sst s2  }
0x8f: {  	_ = 	snop  }
0x90: {  	s2 =	sld [smem:$0x3FC8];
	(tm) =	ssettm $0x1  }
0x91: {  	s18 =	sld [smem:$0x3FFB];
	_ =	sdelay $0x3  }
0x92: {  	_ =	strace s18  }
0x93: {  	s3 =	sld [smem:$0x3FFC];
	_ =	sdelay $0x3  }
0x94: {  	_ =	strace s3  }
0x95: {  	s3 =	sld [smem:$0x3FFD];
	_ =	sdelay $0x3  }
0x96: {  	_ =	strace s3  }
0x97: {  	_ =	strace $0x8FFFFFFF  }
0x98: {  	s19 =	sld [smem:$0x3FDB];
	_ =	sdelay $0x1  }
0x99: {  	s4 =	simm.s32 $_scs_section_size  }
0x9a: {  	s5 =	simm.s32 $_size__tile_overlayer_lowered;
	s6 =	simm.s32 $_tile_overlayer_lowered  }
0x9b: {  	s22 =	simm.s32 $0x1BFF;
	s21 =	sshll.u32 s6, $0x1;
	s3 =	sadd.s32 s4, s19  }
0x9c: {  	s7 =	simm.s32 $0x0;
	s20 =	sshll.u32 s5, $0x1;
	s5 =	sadd.s32 s21, s3  }
0x9d: {  	[timem:s7], [sflag:s22] =	dma.local [hbm:s5], s20  }
0x9e: {  	_ =	swait.ge [sflag:s22], s20  }
0x9f: {  	s4 =	ssub.s32 $0x0, s20;
	[sflag:s22] =	ssyncset.done $0x0  }
0xa0: {  	[sflag:s22] =	ssyncadd.s32 s4;
	_ =	sdelay $0x1  }
0xa1: {  	s23 =	simm.s32 $0x1B8B  }
0xa2: {  	_ =	swait.ge [sflag:s23], $0x1  }
0xa3: {  	[sflag:s23] =	ssyncset.done $0x0  }
0xa4: {  	s25 =	simm.s32 $0x1B8E;
	s24 =	sld [smem:$0x3FFE];
	[sflag:s23] =	ssyncadd.s32 $0xFFFFFFFF  }
0xa5: {  	s26 =	simm.s32 $execute0_lowered;
	[smem:$0x3FD2] =	sst s25  }
0xa6: {  	s5 =	sshll.u32 s26, $0x1;
	_ =	strace $0x80000046;
	[dreg:$0x1] =	wrdreg $0xFFFFFFFF  }
0xa7: {  	s28 =	simm.s32 $_size_execute0_lowered;
	s3 =	sadd.s32 s3, s5;
	[dreg:$0x0] =	wrdreg $0x0  }
0xa8: {  	s5 =	sshll.u32 s28, $0x1;
	[dreg:$0x2] =	wrdreg s3  }
0xa9: {  	[dreg:$0x3] =	wrdreg s5  }
0xaa: {  	[dreg:$0x4] =	wrdreg $0xC0  }
0xab: {  	_ =	task [dreg:s7], $0x5FFFF  }
0xac: {  	[dreg:$0x1] =	wrdreg $0xFFFFFFFF  }
0xad: {  	[dreg:$0x0] =	wrdreg $0x60  }
0xae: {  	[dreg:$0x2] =	wrdreg s2  }
0xaf: {  	[dreg:$0x3] =	wrdreg s24  }
0xb0: {  	[dreg:$0x4] =	wrdreg $0x9  }
0xb1: {  	_ =	task.clear_ibuf [dreg:s7], $0x5FFFF;
	_ =	strace $0x90000046  }
0xb2: {  	s29 =	simm.s32 $0x9;
	_ =	strace $0x80000048  }
0xb3: {  	_ =	swait.ge [sflag:s29], $0x1  }
0xb4: {  	[sflag:s29] =	ssyncadd.s32 $0xFFFFFFFF  }
0xb5: {  	_ =	strace $0x90000048  }
0xb6: {  	_ =	sfence  }
0xb7: {  	s30 =	sld [smem:$0x0];
	_ =	sdelay $0x2  }
0xb8: {  	s31 =	sshll.u32 s1, $0xD;
	s1 =	sshrl.u32 s1, $0x2  }
0xb9: {  	s3 =	sand.u32 $0x4000, s31;
	s1 =	sadd.s32 s1, s30  }
0xba: {  	s0 =	sor.u32 s3, s0;
	s1 =	sshll.u32 s1, $0x11  }
0xbb: {  	s0 =	sor.u32 s1, s0  }
0xbc: {  	s0 =	sadd.s32 $0x8F2B, s0  }
0xbd: {  	[sflag:s0] =	ssyncadd.remote.s32 $0x1  }
0xbe: {  	_ =	sfence.sel $0xFFFF  }
0xbf: {  	[dreg:$0x0] =	wrdreg $0xFFFFFFFF;
	(pc) =	sbr.abs _section_cstart, $3  }
0xc0: {  	[dreg:$0x1] =	wrdreg $0xFFFFFFFF  }
0xc1: {  	_ =	task.clear_ibuf [dreg:s7], $0x2FFFF;
	_ =	strace $0x9FFFFFFF  }
0xc2: {  	(tm) =	ssettm $0x7FFFFFFF  }
0xc3: {  	_ =	shalt  }
tec
execute0_lowered:
.L_overlay_start_1:
0x0: {  	(tag) =	ssettag $0x1  }
0x1: {  	s2 =	rddreg [dreg:$0x0]  }
0x2: {  	s0 =	rddreg [dreg:$0x1];
	s18 =	simm.s32 $0x0;
	s1 =	srdreg.scid  }
0x3: {  	s5 =	stileid.u32;
	s15 =	simm.s32 $0x1;
	[smem:$0x7FF] =	sst s18  }
0x4: {  	s1 =	sand.u32 $0x1, s1;
	s4 =	sshll.u32 s5, $0x1;
	s3 =	sadd.s32 $0xC00, s0  }
0x5: {  	s30 =	sadd.s32 $0xF4200, s2;
	s0 =	sadd.s32 $0x1E9000, s0;
	_ =	strace $0x80000047  }
0x6: {  	s6 =	ssub.s32 $0x2, s1;
	s4 =	sor.u32 s1, s4;
	[dreg:$0x8] =	wrdreg s30  }
0x7: {  	v0 =	vlaneseq.u32;
	s1 =	sor.u32 $0xF40, s1;
	[dreg:$0x9] =	wrdreg s0;
	s7 =	sshrl.u32 s6, $0x1  }
0x8: {  	v0 =	vmul.u32 $0x10, v0;
	s28 =	sshll.u32 s4, $0x8;
	s29 =	sshll.u32 s1, $0x8;
	s1 =	sshll.u32 s1, $0x9  }
0x9: {  	s8 =	sor.u32 $0x40, s4;
	[dreg:$0x3] =	wrdreg s4;
	s6 =	ssub.s32 s6, s7  }
.Ltmp0:
0xa: {  	v1 =	vor.u32 $0x1, v0;
	v2 =	vor.u32 $0x2, v0;
	v3 =	vor.u32 $0x3, v0;
	s7 =	sadd.s32 s2, s28;
	[dreg:$0x5] =	wrdreg s8;
	(pc) =	sbr.rel .LBB2_1-.Ltmp0, $4  }
0xb: {  	s16 =	simm.s32 $0x4000;
	v4 =	vor.u32 $0x4, v0;
	v5 =	vor.u32 $0x5, v0;
	v6 =	vor.u32 $0x6, v0;
	s1 =	sadd.s32 s3, s1;
	[dreg:$0x4] =	wrdreg s7  }
0xc: {  	s19 =	simm.s32 $0x5000;
	v7 =	vor.u32 $0x7, v0;
	v8 =	vor.u32 $0x8, v0;
	v9 =	vor.u32 $0x9, v0;
	s7 =	sadd.s32 s2, s29;
	[dreg:$0x7] =	wrdreg s1  }
0xd: {  	p0 =	sne.s32 s5, $0x0;
	v10 =	vor.u32 $0xA, v0;
	v11 =	vor.u32 $0xB, v0;
	v12 =	vor.u32 $0xC, v0;
	s31 =	smax.u32 s6, $0x1;
	[dreg:$0x6] =	wrdreg s7  }
0xe: {  	p1 =	sne.s32 s4, $0x2;
	v13 =	vor.u32 $0xD, v0;
	v14 =	vor.u32 $0xE, v0;
	v15 =	vor.u32 $0xF, v0;
	s1 =	simm.s32 $0x0;
	[dreg:$0xa] =	wrdreg s31  }
.LBB2_19:
0xf: {  	s1 =	sadd.s32 $0x1, s1;
	s0 =	rddreg [dreg:$0xa]  }
0x10: {  	p2 =	sne.s32 s1, s0  }
.Ltmp1:
0x11: {  	_ = 	snop;
	(pc) =	sbr.rel @!p2 .LBB2_20-.Ltmp1, $1  }
0x12: {  	_ =	sdelay $0x3  }
.LBB2_1:
0x13: {  	[dreg:$0xb] =	wrdreg s1  }
0x14: {  	s0 =	rddreg [dreg:$0x4]  }
0x15: {  	s31 =	simm.s32 $0x800;
	s2 =	simm.s32 $0x7A1400;
	s25 =	simm.s32 $0x0  }
0x16: {  	[tilespmem:s18], [sflag:$0x1] =	stream.strided.gather [hbm4b:s0+s31], $0x2000, s2, s31, $0x38;
	[tilespmem:$0x7000] =	vst v63  }
.LBB2_2:
0x17: {  	s28 =	sshll.u32 s25, $0x6;
	s0 =	rddreg [dreg:$0x3]  }
0x18: {  	s29 =	sor.u32 s0, s28  }
0x19: {  	s26 =	sor.u32 $0x20, s29  }
0x1a: {  	s12 =	sshll.u32 s26, $0x8  }
0x1b: {  	s1 =	rddreg [dreg:$0x0];
	s13 =	simm.s32 $0x800;
	s0 =	sand.u32 $0x1FFFFF00, s12  }
0x1c: {  	s2 =	simm.s32 $0x7A1400;
	s4 =	simm.s32 $0x2000;
	s0 =	sadd.s32 s1, s0  }
0x1d: {  	[tilespmem:s4], [sflag:$0x2] =	stream.strided.gather [hbm4b:s0+s13], $0x2000, s2, s13, $0x38;
	[tilespmem:$0x7000] =	vst v63  }
0x1e: {  	_ =	swait.ge [sflag:s15], $0x2000  }
0x1f: {  	p2 =	seq.s32 s25, $0x0;
	[sflag:s15] =	ssyncset.done $0x0  }
0x20: {  	s5 =	simm.s32 @!p2 $0x3;
	[sflag:s15] =	ssyncadd.s32 $0xFFFFE000  }
0x21: {  	s1 =	simm.s32 $0x10;
	s0 =	simm.s32 $0x0;
	_ =	swait.ge @!p2 [sflag:s5], $0x1000  }
0x22: {  	s10 =	sand.u32 $0x70, s1;
	s23 =	sand.u32 $0x400, s0;
	[sflag:s5] =	ssyncset.done @!p2 $0x0  }
0x23: {  	s9 =	sor.u32 $0x1000, s23;
	s8 =	sor.u32 s10, s23;
	[sflag:s5] =	ssyncadd.s32 @!p2 $0xFFFFF000  }
0x24: {  	s14 =	sor.u32 s10, s9;
	v16 =	vld [tilespmem:s8+$0x0]  }
0x25: {  	s30 =	simm.s32 $0x100;
	s6 =	simm.s32 $0x0;
	v17 =	vld [tilespmem:s14+$0x0]  }
0x26: {  	v18 =	vor.u32 s30, v0;
	s5 =	sand.u32 $0x60, s6  }
0x27: {  	s7 =	sor.u32 s5, s23  }
0x28: {  	s9 =	sor.u32 s5, s9;
	v19 =	vld [tilespmem:s7+$0x0]  }
0x29: {  	s11 =	simm.s32 $0x0;
	v20 =	vld [tilespmem:s9+$0x0]  }
0x2a: {  	v21 =	vor.u32 s11, v0;
	v16 =	vpack.i.f32.bf16 v17, v16  }
0x2b: {  	s17 =	sor.u32 $0x1080, s23;
	[tilespmem:v18+s16+$0x0] =	vst.idx.msk $0xffff, v16  }
0x2c: {  	s14 =	sor.u32 s10, s17;
	v16 =	vld [tilespmem:s8+$0x80]  }
0x2d: {  	v17 =	vld [tilespmem:s14+$0x0]  }
0x2e: {  	v18 =	vpack.i.f32.bf16 v20, v19;
	v19 =	vor.u32 s30, v1  }
0x2f: {  	[tilespmem:v21+s16+$0x0] =	vst.idx.msk $0xffff, v18  }
0x30: {  	s9 =	sor.u32 s5, s17;
	v18 =	vld [tilespmem:s7+$0x80]  }
0x31: {  	v20 =	vld [tilespmem:s9+$0x0]  }
0x32: {  	v21 =	vor.u32 s11, v1;
	v16 =	vpack.i.f32.bf16 v17, v16  }
0x33: {  	s18 =	sor.u32 $0x1100, s23;
	[tilespmem:v19+s16+$0x0] =	vst.idx.msk $0xffff, v16  }
0x34: {  	s20 =	sor.u32 s10, s18;
	v16 =	vld [tilespmem:s8+$0x100]  }
0x35: {  	v17 =	vld [tilespmem:s20+$0x0]  }
0x36: {  	v18 =	vpack.i.f32.bf16 v20, v18;
	v19 =	vor.u32 s30, v2  }
0x37: {  	[tilespmem:v21+s16+$0x0] =	vst.idx.msk $0xffff, v18  }
0x38: {  	s9 =	sor.u32 s5, s18;
	v18 =	vld [tilespmem:s7+$0x100]  }
0x39: {  	v20 =	vld [tilespmem:s9+$0x0]  }
0x3a: {  	v21 =	vor.u32 s11, v2;
	v16 =	vpack.i.f32.bf16 v17, v16  }
0x3b: {  	s21 =	sor.u32 $0x1180, s23;
	[tilespmem:v19+s16+$0x0] =	vst.idx.msk $0xffff, v16  }
0x3c: {  	s22 =	sor.u32 s10, s21;
	v16 =	vld [tilespmem:s8+$0x180]  }
0x3d: {  	v17 =	vld [tilespmem:s22+$0x0]  }
0x3e: {  	v18 =	vpack.i.f32.bf16 v20, v18;
	v19 =	vor.u32 s30, v3  }
0x3f: {  	[tilespmem:v21+s16+$0x0] =	vst.idx.msk $0xffff, v18  }
0x40: {  	s9 =	sor.u32 s5, s21;
	v18 =	vld [tilespmem:s7+$0x180]  }
0x41: {  	v20 =	vld [tilespmem:s9+$0x0]  }
0x42: {  	v21 =	vor.u32 s11, v3;
	v16 =	vpack.i.f32.bf16 v17, v16  }
0x43: {  	s24 =	sor.u32 $0x1200, s23;
	[tilespmem:v19+s16+$0x0] =	vst.idx.msk $0xffff, v16  }
0x44: {  	s2 =	sor.u32 s10, s24;
	v16 =	vld [tilespmem:s8+$0x200]  }
0x45: {  	v17 =	vld [tilespmem:s2+$0x0]  }
0x46: {  	v18 =	vpack.i.f32.bf16 v20, v18;
	v19 =	vor.u32 s30, v4  }
0x47: {  	[tilespmem:v21+s16+$0x0] =	vst.idx.msk $0xffff, v18  }
0x48: {  	s9 =	sor.u32 s5, s24;
	v18 =	vld [tilespmem:s7+$0x200]  }
0x49: {  	v20 =	vld [tilespmem:s9+$0x0]  }
0x4a: {  	v21 =	vor.u32 s11, v4;
	v16 =	vpack.i.f32.bf16 v17, v16  }
0x4b: {  	s4 =	sor.u32 $0x1280, s23;
	[tilespmem:v19+s16+$0x0] =	vst.idx.msk $0xffff, v16  }
0x4c: {  	s12 =	sor.u32 s10, s4;
	v16 =	vld [tilespmem:s8+$0x280]  }
0x4d: {  	v17 =	vld [tilespmem:s12+$0x0]  }
0x4e: {  	v18 =	vpack.i.f32.bf16 v20, v18;
	v19 =	vor.u32 s30, v5  }
0x4f: {  	s13 =	sand.u32 $0x7, s0;
	[tilespmem:v21+s16+$0x0] =	vst.idx.msk $0xffff, v18  }
0x50: {  	s9 =	sor.u32 s5, s4;
	s8 =	sshll.u32 s13, $0x4;
	v18 =	vld [tilespmem:s7+$0x280]  }
0x51: {  	s14 =	sadd.s32 $0x0, s8;
	v20 =	vld [tilespmem:s9+$0x0]  }
0x52: {  	v21 =	vor.u32 s11, v5;
	s7 =	sadd.s32 $0x10, s14;
	v16 =	vpack.i.f32.bf16 v17, v16  }
0x53: {  	s17 =	sor.u32 $0x1300, s23;
	s7 =	sor.u32 $0x300, s7;
	[tilespmem:v19+s16+$0x0] =	vst.idx.msk $0xffff, v16  }
0x54: {  	s18 =	sand.u32 $0x3, s0;
	s20 =	sor.u32 s10, s17;
	v16 =	vld [tilespmem:s7+$0x0]  }
0x55: {  	s9 =	sshll.u32 s18, $0x5;
	v17 =	vld [tilespmem:s20+$0x0]  }
0x56: {  	s21 =	sadd.s32 $0x0, s9;
	v18 =	vpack.i.f32.bf16 v20, v18;
	v19 =	vor.u32 s30, v6  }
0x57: {  	s7 =	sor.u32 $0x300, s21;
	[tilespmem:v21+s16+$0x0] =	vst.idx.msk $0xffff, v18  }
0x58: {  	s8 =	sor.u32 s5, s17;
	v18 =	vld [tilespmem:s7+$0x0]  }
0x59: {  	v20 =	vld [tilespmem:s8+$0x0]  }
0x5a: {  	s1 =	sor.u32 s1, s0;
	v21 =	vor.u32 s11, v6;
	v16 =	vpack.i.f32.bf16 v17, v16  }
0x5b: {  	s1 =	sor.u32 $0x380, s1;
	s22 =	sor.u32 $0x1380, s23;
	[tilespmem:v19+s16+$0x0] =	vst.idx.msk $0xffff, v16  }
0x5c: {  	s24 =	sor.u32 s10, s22;
	v16 =	vld [tilespmem:s1+$0x0]  }
0x5d: {  	v17 =	vld [tilespmem:s24+$0x0]  }
0x5e: {  	s0 =	sor.u32 s6, s0;
	v18 =	vpack.i.f32.bf16 v20, v18;
	v19 =	vor.u32 s30, v7  }
0x5f: {  	s0 =	sor.u32 $0x380, s0;
	s7 =	simm.s32 $0x30;
	s8 =	simm.s32 $0x100;
	[tilespmem:v21+s16+$0x0] =	vst.idx.msk $0xffff, v18  }
0x60: {  	s2 =	sor.u32 s5, s22;
	s21 =	sand.u32 $0x400, s8;
	v18 =	vld [tilespmem:s0+$0x0];
	s0 =	sand.u32 $0x70, s7  }
0x61: {  	s4 =	sor.u32 $0x1000, s21;
	v20 =	vld [tilespmem:s2+$0x0];
	s9 =	sor.u32 s0, s21  }
0x62: {  	s31 =	simm.s32 $0x300;
	s20 =	sor.u32 $0x800, s23;
	v21 =	vor.u32 s11, v7;
	s12 =	sor.u32 s0, s4;
	v16 =	vpack.i.f32.bf16 v17, v16;
	v17 =	vld [tilespmem:s9+$0x0]  }
0x63: {  	s14 =	simm.s32 $0x20;
	s13 =	sor.u32 s10, s20;
	s24 =	sor.u32 $0x1800, s23;
	[tilespmem:v19+s16+$0x0] =	vst.idx.msk $0xffff, v16;
	v16 =	vld [tilespmem:s12+$0x0]  }
0x64: {  	s22 =	sand.u32 $0x60, s14;
	v19 =	vor.u32 s31, v0;
	s12 =	sor.u32 s10, s24;
	v22 =	vld [tilespmem:s13+$0x0]  }
0x65: {  	s1 =	sor.u32 s22, s21;
	v23 =	vld [tilespmem:s12+$0x0]  }
0x66: {  	v24 =	vor.u32 s30, v8;
	s17 =	sor.u32 s22, s4;
	v18 =	vpack.i.f32.bf16 v20, v18;
	v20 =	vld [tilespmem:s1+$0x0]  }
0x67: {  	s6 =	simm.s32 $0x200;
	s20 =	sor.u32 s5, s20;
	[tilespmem:v21+s16+$0x0] =	vst.idx.msk $0xffff, v18;
	v18 =	vld [tilespmem:s17+$0x0]  }
0x68: {  	s18 =	sor.u32 s5, s24;
	v21 =	vor.u32 s6, v0;
	v16 =	vpack.i.f32.bf16 v16, v17;
	v17 =	vld [tilespmem:s20+$0x0]  }
0x69: {  	s24 =	sor.u32 $0x1080, s21;
	[tilespmem:v19+s16+$0x0] =	vst.idx.msk $0xffff, v16;
	v16 =	vld [tilespmem:s18+$0x0]  }
0x6a: {  	s17 =	sor.u32 s0, s24;
	v19 =	vor.u32 s11, v8;
	s18 =	sor.u32 $0x880, s23;
	v22 =	vpack.i.f32.bf16 v23, v22;
	v25 =	vld [tilespmem:s9+$0x80]  }
0x6b: {  	s2 =	sor.u32 $0x1880, s23;
	v23 =	vld [tilespmem:s17+$0x0];
	[tilespmem:v24+s16+$0x0] =	vst.idx.msk $0xffff, v22;
	s13 =	sor.u32 s10, s18  }
0x6c: {  	s4 =	sor.u32 s10, s2;
	v18 =	vpack.i.f32.bf16 v18, v20;
	v20 =	vor.u32 s31, v1;
	v22 =	vld [tilespmem:s13+$0x0]  }
0x6d: {  	[tilespmem:v21+s16+$0x0] =	vst.idx.msk $0xffff, v18;
	v18 =	vld [tilespmem:s4+$0x0]  }
0x6e: {  	s17 =	sor.u32 s22, s24;
	v21 =	vld [tilespmem:s1+$0x80];
	v16 =	vpack.i.f32.bf16 v16, v17;
	v17 =	vor.u32 s30, v9  }
0x6f: {  	s18 =	sor.u32 s5, s18;
	v24 =	vld [tilespmem:s17+$0x0];
	[tilespmem:v19+s16+$0x0] =	vst.idx.msk $0xffff, v16  }
0x70: {  	s12 =	sor.u32 s5, s2;
	v16 =	vor.u32 s6, v1;
	v19 =	vpack.i.f32.bf16 v23, v25;
	v23 =	vld [tilespmem:s18+$0x0]  }
0x71: {  	s20 =	sor.u32 $0x1100, s21;
	[tilespmem:v20+s16+$0x0] =	vst.idx.msk $0xffff, v19;
	v19 =	vld [tilespmem:s12+$0x0]  }
0x72: {  	s2 =	sor.u32 $0x900, s23;
	s24 =	sor.u32 s0, s20;
	v20 =	vor.u32 s11, v9;
	v18 =	vpack.i.f32.bf16 v18, v22;
	v25 =	vld [tilespmem:s9+$0x100]  }
0x73: {  	s4 =	sor.u32 $0x1900, s23;
	s17 =	sor.u32 s10, s2;
	v22 =	vld [tilespmem:s24+$0x0];
	[tilespmem:v17+s16+$0x0] =	vst.idx.msk $0xffff, v18  }
0x74: {  	s18 =	sor.u32 s10, s4;
	v17 =	vpack.i.f32.bf16 v24, v21;
	v18 =	vor.u32 s31, v2;
	v21 =	vld [tilespmem:s17+$0x0]  }
0x75: {  	[tilespmem:v16+s16+$0x0] =	vst.idx.msk $0xffff, v17;
	v16 =	vld [tilespmem:s18+$0x0]  }
0x76: {  	s13 =	sor.u32 s22, s20;
	v17 =	vld [tilespmem:s1+$0x100];
	v19 =	vpack.i.f32.bf16 v19, v23;
	v23 =	vor.u32 s30, v10  }
0x77: {  	s20 =	sor.u32 s5, s2;
	v24 =	vld [tilespmem:s13+$0x0];
	[tilespmem:v20+s16+$0x0] =	vst.idx.msk $0xffff, v19  }
0x78: {  	s12 =	sor.u32 s5, s4;
	v19 =	vor.u32 s6, v2;
	v20 =	vpack.i.f32.bf16 v22, v25;
	v22 =	vld [tilespmem:s20+$0x0]  }
0x79: {  	s20 =	sor.u32 $0x1180, s21;
	[tilespmem:v18+s16+$0x0] =	vst.idx.msk $0xffff, v20;
	v18 =	vld [tilespmem:s12+$0x0]  }
0x7a: {  	s2 =	sor.u32 $0x980, s23;
	v20 =	vor.u32 s11, v10;
	s24 =	sor.u32 s0, s20;
	v25 =	vld [tilespmem:s9+$0x180];
	v16 =	vpack.i.f32.bf16 v16, v21  }
0x7b: {  	s4 =	sor.u32 $0x1980, s23;
	s17 =	sor.u32 s10, s2;
	v21 =	vld [tilespmem:s24+$0x0];
	[tilespmem:v23+s16+$0x0] =	vst.idx.msk $0xffff, v16  }
0x7c: {  	s18 =	sor.u32 s10, s4;
	v16 =	vpack.i.f32.bf16 v24, v17;
	v17 =	vor.u32 s31, v3;
	v23 =	vld [tilespmem:s17+$0x0]  }
0x7d: {  	[tilespmem:v19+s16+$0x0] =	vst.idx.msk $0xffff, v16;
	v16 =	vld [tilespmem:s18+$0x0]  }
0x7e: {  	s13 =	sor.u32 s22, s20;
	v19 =	vld [tilespmem:s1+$0x180];
	v18 =	vpack.i.f32.bf16 v18, v22;
	v22 =	vor.u32 s30, v11  }
0x7f: {  	s20 =	sor.u32 s5, s2;
	v24 =	vld [tilespmem:s13+$0x0];
	[tilespmem:v20+s16+$0x0] =	vst.idx.msk $0xffff, v18  }
0x80: {  	s12 =	sor.u32 s5, s4;
	v18 =	vor.u32 s6, v3;
	v20 =	vpack.i.f32.bf16 v21, v25;
	v21 =	vld [tilespmem:s20+$0x0]  }
0x81: {  	s20 =	sor.u32 $0x1200, s21;
	[tilespmem:v17+s16+$0x0] =	vst.idx.msk $0xffff, v20;
	v17 =	vld [tilespmem:s12+$0x0]  }
0x82: {  	s2 =	sor.u32 $0xA00, s23;
	v20 =	vor.u32 s11, v11;
	v25 =	vld [tilespmem:s9+$0x200];
	s24 =	sor.u32 s0, s20;
	v16 =	vpack.i.f32.bf16 v16, v23  }
0x83: {  	s4 =	sor.u32 $0x1A00, s23;
	s17 =	sor.u32 s10, s2;
	v23 =	vld [tilespmem:s24+$0x0];
	[tilespmem:v22+s16+$0x0] =	vst.idx.msk $0xffff, v16  }
0x84: {  	s18 =	sor.u32 s10, s4;
	v16 =	vpack.i.f32.bf16 v24, v19;
	v19 =	vor.u32 s31, v4;
	v22 =	vld [tilespmem:s17+$0x0]  }
0x85: {  	[tilespmem:v18+s16+$0x0] =	vst.idx.msk $0xffff, v16;
	v16 =	vld [tilespmem:s18+$0x0]  }
0x86: {  	s13 =	sor.u32 s22, s20;
	v18 =	vld [tilespmem:s1+$0x200];
	v17 =	vpack.i.f32.bf16 v17, v21;
	v21 =	vor.u32 s30, v12  }
0x87: {  	s20 =	sor.u32 s5, s2;
	v24 =	vld [tilespmem:s13+$0x0];
	[tilespmem:v20+s16+$0x0] =	vst.idx.msk $0xffff, v17  }
0x88: {  	s12 =	sor.u32 s5, s4;
	v17 =	vor.u32 s6, v4;
	v20 =	vpack.i.f32.bf16 v23, v25;
	v23 =	vld [tilespmem:s20+$0x0]  }
0x89: {  	s13 =	sor.u32 $0x1280, s21;
	[tilespmem:v19+s16+$0x0] =	vst.idx.msk $0xffff, v20;
	v19 =	vld [tilespmem:s12+$0x0]  }
0x8a: {  	s2 =	sor.u32 $0xA80, s23;
	s24 =	sor.u32 s0, s13;
	v20 =	vor.u32 s11, v12;
	v25 =	vld [tilespmem:s9+$0x280];
	v16 =	vpack.i.f32.bf16 v16, v22  }
0x8b: {  	s4 =	sor.u32 s10, s2;
	s20 =	sor.u32 $0x1A80, s23;
	v22 =	vld [tilespmem:s24+$0x0];
	[tilespmem:v21+s16+$0x0] =	vst.idx.msk $0xffff, v16  }
0x8c: {  	s17 =	sor.u32 s10, s20;
	s9 =	simm.s32 $0x2;
	v16 =	vpack.i.f32.bf16 v24, v18;
	v18 =	vor.u32 s31, v5;
	v21 =	vld [tilespmem:s4+$0x0]  }
0x8d: {  	s18 =	sand.u32 $0x7, s9;
	v24 =	vld [tilespmem:s17+$0x0];
	[tilespmem:v17+s16+$0x0] =	vst.idx.msk $0xffff, v16  }
0x8e: {  	s13 =	sor.u32 s22, s13;
	s24 =	sshll.u32 s18, $0x4;
	v16 =	vld [tilespmem:s1+$0x280];
	v17 =	vpack.i.f32.bf16 v19, v23;
	v19 =	vor.u32 s30, v13  }
0x8f: {  	s2 =	sor.u32 s5, s2;
	s4 =	sadd.s32 $0x100, s24;
	v23 =	vld [tilespmem:s13+$0x0];
	[tilespmem:v20+s16+$0x0] =	vst.idx.msk $0xffff, v17  }
0x90: {  	s17 =	sor.u32 s5, s20;
	s12 =	sadd.s32 $0x10, s4;
	v17 =	vor.u32 s6, v5;
	v20 =	vpack.i.f32.bf16 v22, v25;
	v22 =	vld [tilespmem:s2+$0x0]  }
0x91: {  	s18 =	simm.s32 $0x1;
	s20 =	sor.u32 $0x1300, s21;
	s12 =	sor.u32 $0x300, s12;
	[tilespmem:v18+s16+$0x0] =	vst.idx.msk $0xffff, v20;
	v18 =	vld [tilespmem:s17+$0x0]  }
0x92: {  	s1 =	sand.u32 $0x3, s18;
	s24 =	sor.u32 s0, s20;
	v20 =	vor.u32 s11, v13;
	s2 =	sor.u32 $0xB00, s23;
	v25 =	vld [tilespmem:s12+$0x0];
	v21 =	vpack.i.f32.bf16 v24, v21  }
0x93: {  	s1 =	sshll.u32 s1, $0x5;
	s4 =	sor.u32 $0x1B00, s23;
	v24 =	vld [tilespmem:s24+$0x0];
	s17 =	sor.u32 s10, s2;
	[tilespmem:v19+s16+$0x0] =	vst.idx.msk $0xffff, v21  }
0x94: {  	s1 =	sadd.s32 $0x100, s1;
	s18 =	sor.u32 s10, s4;
	v16 =	vpack.i.f32.bf16 v23, v16;
	v19 =	vor.u32 s31, v6;
	v21 =	vld [tilespmem:s17+$0x0]  }
0x95: {  	s1 =	sor.u32 $0x300, s1;
	v23 =	vld [tilespmem:s18+$0x0];
	[tilespmem:v17+s16+$0x0] =	vst.idx.msk $0xffff, v16  }
0x96: {  	s20 =	sor.u32 s22, s20;
	v27 =	vld [tilespmem:s1+$0x0];
	v16 =	vpack.i.f32.bf16 v18, v22;
	v18 =	vor.u32 s30, v14  }
0x97: {  	s24 =	sor.u32 s5, s2;
	v33 =	vld [tilespmem:s20+$0x0];
	[tilespmem:v20+s16+$0x0] =	vst.idx.msk $0xffff, v16  }
0x98: {  	v34 =	vor.u32 s6, v6;
	s12 =	sor.u32 s5, s4;
	s2 =	sor.u32 s7, s8;
	v20 =	vpack.i.f32.bf16 v24, v25;
	v29 =	vld [tilespmem:s24+$0x0]  }
0x99: {  	v26 =	vor.u32 s6, v7;
	s4 =	sor.u32 $0x1380, s21;
	v17 =	vor.u32 s11, v14;
	s1 =	sor.u32 $0x380, s2;
	v30 =	vld [tilespmem:s12+$0x0];
	[tilespmem:v19+s16+$0x0] =	vst.idx.msk $0xffff, v20  }
0x9a: {  	s18 =	sor.u32 s0, s4;
	s20 =	sor.u32 $0xB80, s23;
	v22 =	vor.u32 s6, v10;
	v16 =	vor.u32 s11, v15;
	s24 =	sor.u32 $0x1B80, s23;
	v31 =	vld [tilespmem:s1+$0x0];
	v19 =	vpack.i.f32.bf16 v23, v21  }
0x9b: {  	s17 =	sor.u32 s14, s8;
	v25 =	vor.u32 s6, v8;
	s13 =	sor.u32 s10, s20;
	v24 =	vor.u32 s6, v14;
	s14 =	sor.u32 s5, s24;
	v20 =	vor.u32 s6, v12;
	v32 =	vld [tilespmem:s18+$0x0];
	[tilespmem:v18+s16+$0x0] =	vst.idx.msk $0xffff, v19  }
0x9c: {  	s10 =	sor.u32 s10, s24;
	s24 =	sor.u32 $0x380, s17;
	v23 =	vor.u32 s6, v9;
	v21 =	vor.u32 s6, v11;
	s1 =	sor.u32 s5, s20;
	v27 =	vpack.i.f32.bf16 v33, v27;
	v28 =	vld [tilespmem:s13+$0x0]  }
0x9d: {  	s5 =	simm.s32 $0x2;
	v19 =	vor.u32 s6, v13;
	v18 =	vor.u32 s6, v15;
	s6 =	sor.u32 s22, s4;
	v33 =	vor.u32 s31, v7;
	[tilespmem:v34+s16+$0x0] =	vst.idx.msk $0xffff, v27;
	v27 =	vld [tilespmem:s10+$0x0];
	s10 =	simm.s32 $0x2  }
.LBB2_3:
0x9e: {  	s11 =	sand.u32 $0x3, s10;
	v34 =	vld [tilespmem:s24+$0x0];
	v29 =	vpack.i.f32.bf16 v30, v29;
	v30 =	vor.u32 s30, v15;
	s30 =	smov.u32 s31  }
0x9f: {  	s7 =	sadd.s32 $0x20, s7;
	s8 =	sadd.s32 $0x100, s8;
	s12 =	sshll.u32 s11, $0x5;
	v35 =	vld [tilespmem:s6+$0x0];
	[tilespmem:v17+s16+$0x0] =	vst.idx.msk $0xffff, v29;
	v17 =	vmov v24  }
0xa0: {  	s6 =	sadd.s32 $0xFFFFFFF0, s7;
	s23 =	sand.u32 $0x400, s8;
	s11 =	sand.u32 $0x70, s7;
	v36 =	vld [tilespmem:s1+$0x0]  }
0xa1: {  	s20 =	sand.u32 $0x60, s6;
	s13 =	sor.u32 $0x1000, s23;
	s1 =	sor.u32 s11, s23;
	v24 =	vpack.i.f32.bf16 v32, v31;
	v37 =	vld [tilespmem:s14+$0x0]  }
0xa2: {  	s4 =	sor.u32 $0x800, s21;
	s14 =	sor.u32 s20, s23;
	s24 =	sor.u32 s11, s13;
	v29 =	vld [tilespmem:s1+$0x0];
	[tilespmem:v33+s16+$0x0] =	vst.idx.msk $0xffff, v24;
	v24 =	vpack.i.f32.bf16 v27, v28  }
0xa3: {  	s2 =	sor.u32 $0x1800, s21;
	s31 =	sadd.s32 $0x200, s31;
	v31 =	vld [tilespmem:s24+$0x0];
	s24 =	sor.u32 s0, s4;
	[tilespmem:v30+s16+$0x0] =	vst.idx.msk $0xffff, v24  }
0xa4: {  	s18 =	sadd.s32 $0xFFFFFF00, s31;
	s13 =	sor.u32 s20, s13;
	v24 =	vor.u32 s31, v0;
	v27 =	vpack.i.f32.bf16 v35, v34;
	v35 =	vld [tilespmem:s24+$0x0];
	s24 =	sor.u32 s0, s2  }
0xa5: {  	v38 =	vor.u32 s18, v0;
	v39 =	vor.u32 s18, v1;
	s12 =	sadd.s32 s12, s8;
	s17 =	sor.u32 s6, s8;
	s4 =	sor.u32 s22, s4;
	v34 =	vor.u32 s18, v2;
	[tilespmem:v26+s16+$0x0] =	vst.idx.msk $0xffff, v27;
	v40 =	vld [tilespmem:s24+$0x0]  }
0xa6: {  	v42 =	vor.u32 s30, v8;
	v32 =	vor.u32 s18, v3;
	s6 =	sor.u32 $0x300, s12;
	v30 =	vor.u32 s18, v4;
	s2 =	sor.u32 s22, s2;
	s24 =	sor.u32 $0x380, s17;
	v41 =	vld [tilespmem:s14+$0x0]  }
0xa7: {  	v28 =	vor.u32 s18, v5;
	v27 =	vor.u32 s18, v6;
	v26 =	vor.u32 s18, v7;
	v43 =	vld [tilespmem:s13+$0x0]  }
0xa8: {  	v44 =	vor.u32 s18, v8;
	v45 =	vor.u32 s18, v9;
	v29 =	vpack.i.f32.bf16 v31, v29;
	v46 =	vld [tilespmem:s4+$0x0]  }
0xa9: {  	v47 =	vor.u32 s18, v10;
	v33 =	vor.u32 s18, v11;
	s4 =	sor.u32 $0x1080, s23;
	v31 =	vor.u32 s18, v12;
	[tilespmem:v24+s16+$0x0] =	vst.idx.msk $0xffff, v29;
	v48 =	vld [tilespmem:s2+$0x0]  }
0xaa: {  	s12 =	sor.u32 $0x880, s21;
	s2 =	sor.u32 s20, s4;
	v29 =	vor.u32 s18, v13;
	v24 =	vor.u32 s18, v14;
	s4 =	sor.u32 s11, s4;
	v49 =	vld [tilespmem:s1+$0x80];
	v35 =	vpack.i.f32.bf16 v40, v35  }
0xab: {  	s13 =	sor.u32 $0x1880, s21;
	v40 =	vor.u32 s18, v15;
	v50 =	vld [tilespmem:s4+$0x0];
	s4 =	sor.u32 s22, s12;
	[tilespmem:v42+s16+$0x0] =	vst.idx.msk $0xffff, v35;
	s12 =	sor.u32 s0, s12;
	v35 =	vpack.i.f32.bf16 v37, v36  }
0xac: {  	s17 =	sor.u32 s22, s13;
	v37 =	vor.u32 s31, v1;
	v36 =	vpack.i.f32.bf16 v43, v41;
	v41 =	vld [tilespmem:s12+$0x0];
	s12 =	sor.u32 s0, s13;
	[tilespmem:v16+s16+$0x0] =	vst.idx.msk $0xffff, v35;
	v16 =	vmovc v18;
	v18 =	vmov v40  }
0xad: {  	[tilespmem:v38+s16+$0x0] =	vst.idx.msk $0xffff, v36;
	v35 =	vld [tilespmem:s12+$0x0]  }
0xae: {  	v40 =	vor.u32 s30, v9;
	v36 =	vld [tilespmem:s14+$0x80];
	v38 =	vpack.i.f32.bf16 v48, v46  }
0xaf: {  	v42 =	vld [tilespmem:s2+$0x0];
	[tilespmem:v25+s16+$0x0] =	vst.idx.msk $0xffff, v38;
	v25 =	vmov v44  }
0xb0: {  	v38 =	vpack.i.f32.bf16 v50, v49;
	v43 =	vld [tilespmem:s4+$0x0]  }
0xb1: {  	s5 =	sadd.s32 $0x2, s5;
	s2 =	sor.u32 $0x1100, s23;
	[tilespmem:v37+s16+$0x0] =	vst.idx.msk $0xffff, v38;
	v37 =	vld [tilespmem:s17+$0x0]  }
0xb2: {  	p3 =	slt.u32 s5, $0xE;
	s12 =	sor.u32 $0x900, s21;
	s4 =	sor.u32 s11, s2;
	v38 =	vld [tilespmem:s1+$0x100];
	v35 =	vpack.i.f32.bf16 v35, v41  }
0xb3: {  	s13 =	sor.u32 s0, s12;
	s2 =	sor.u32 s20, s2;
	v41 =	vld [tilespmem:s4+$0x0];
	s4 =	sor.u32 $0x1900, s21;
	[tilespmem:v40+s16+$0x0] =	vst.idx.msk $0xffff, v35  }
0xb4: {  	s12 =	sor.u32 s22, s12;
	v35 =	vpack.i.f32.bf16 v42, v36;
	v36 =	vor.u32 s31, v2;
	s17 =	sor.u32 s22, s4;
	v40 =	vld [tilespmem:s13+$0x0];
	s4 =	sor.u32 s0, s4  }
0xb5: {  	[tilespmem:v39+s16+$0x0] =	vst.idx.msk $0xffff, v35;
	v35 =	vld [tilespmem:s4+$0x0]  }
0xb6: {  	v42 =	vor.u32 s30, v10;
	v39 =	vld [tilespmem:s14+$0x100];
	v37 =	vpack.i.f32.bf16 v37, v43  }
0xb7: {  	v43 =	vld [tilespmem:s2+$0x0];
	[tilespmem:v23+s16+$0x0] =	vst.idx.msk $0xffff, v37;
	v23 =	vmov v45  }
0xb8: {  	v37 =	vpack.i.f32.bf16 v41, v38;
	v38 =	vld [tilespmem:s12+$0x0]  }
0xb9: {  	s2 =	sor.u32 $0x1180, s23;
	[tilespmem:v36+s16+$0x0] =	vst.idx.msk $0xffff, v37;
	v36 =	vld [tilespmem:s17+$0x0]  }
0xba: {  	s4 =	sor.u32 s20, s2;
	s2 =	sor.u32 s11, s2;
	s12 =	sor.u32 $0x980, s21;
	v37 =	vld [tilespmem:s1+$0x180];
	v35 =	vpack.i.f32.bf16 v35, v40  }
0xbb: {  	s13 =	sor.u32 $0x1980, s21;
	v40 =	vld [tilespmem:s2+$0x0];
	s2 =	sor.u32 s22, s12;
	[tilespmem:v42+s16+$0x0] =	vst.idx.msk $0xffff, v35;
	s12 =	sor.u32 s0, s12  }
0xbc: {  	s17 =	sor.u32 s22, s13;
	v35 =	vpack.i.f32.bf16 v43, v39;
	v39 =	vor.u32 s31, v3;
	v41 =	vld [tilespmem:s12+$0x0];
	s12 =	sor.u32 s0, s13  }
0xbd: {  	[tilespmem:v34+s16+$0x0] =	vst.idx.msk $0xffff, v35;
	v34 =	vld [tilespmem:s12+$0x0]  }
0xbe: {  	v35 =	vld [tilespmem:s14+$0x180];
	v36 =	vpack.i.f32.bf16 v36, v38;
	v38 =	vor.u32 s30, v11  }
0xbf: {  	v42 =	vld [tilespmem:s4+$0x0];
	[tilespmem:v22+s16+$0x0] =	vst.idx.msk $0xffff, v36;
	v22 =	vmov v47  }
0xc0: {  	v36 =	vpack.i.f32.bf16 v40, v37;
	v37 =	vld [tilespmem:s2+$0x0]  }
0xc1: {  	s2 =	sor.u32 $0x1200, s23;
	[tilespmem:v39+s16+$0x0] =	vst.idx.msk $0xffff, v36;
	v36 =	vld [tilespmem:s17+$0x0]  }
0xc2: {  	s12 =	sor.u32 $0xA00, s21;
	s4 =	sor.u32 s20, s2;
	s2 =	sor.u32 s11, s2;
	v39 =	vld [tilespmem:s1+$0x200];
	v34 =	vpack.i.f32.bf16 v34, v41  }
0xc3: {  	s13 =	sor.u32 $0x1A00, s21;
	v40 =	vld [tilespmem:s2+$0x0];
	s2 =	sor.u32 s22, s12;
	[tilespmem:v38+s16+$0x0] =	vst.idx.msk $0xffff, v34;
	s12 =	sor.u32 s0, s12  }
0xc4: {  	s17 =	sor.u32 s22, s13;
	v34 =	vpack.i.f32.bf16 v42, v35;
	v35 =	vor.u32 s31, v4;
	v38 =	vld [tilespmem:s12+$0x0];
	s12 =	sor.u32 s0, s13  }
0xc5: {  	[tilespmem:v32+s16+$0x0] =	vst.idx.msk $0xffff, v34;
	v32 =	vld [tilespmem:s12+$0x0]  }
0xc6: {  	v34 =	vld [tilespmem:s14+$0x200];
	v36 =	vpack.i.f32.bf16 v36, v37;
	v37 =	vor.u32 s30, v12  }
0xc7: {  	v41 =	vld [tilespmem:s4+$0x0];
	[tilespmem:v21+s16+$0x0] =	vst.idx.msk $0xffff, v36;
	v21 =	vmov v33  }
0xc8: {  	v33 =	vpack.i.f32.bf16 v40, v39;
	v36 =	vld [tilespmem:s2+$0x0]  }
0xc9: {  	s2 =	sor.u32 $0x1280, s23;
	[tilespmem:v35+s16+$0x0] =	vst.idx.msk $0xffff, v33;
	v33 =	vld [tilespmem:s17+$0x0]  }
0xca: {  	s4 =	sor.u32 s20, s2;
	v35 =	vld [tilespmem:s1+$0x280];
	s1 =	sor.u32 s11, s2;
	s2 =	sor.u32 $0xA80, s21;
	v32 =	vpack.i.f32.bf16 v32, v38  }
0xcb: {  	s12 =	sor.u32 $0x1A80, s21;
	v38 =	vld [tilespmem:s1+$0x0];
	s1 =	sor.u32 s22, s2;
	[tilespmem:v37+s16+$0x0] =	vst.idx.msk $0xffff, v32;
	s2 =	sor.u32 s0, s2  }
0xcc: {  	s9 =	sadd.s32 $0x2, s9;
	s13 =	sor.u32 s22, s12;
	v32 =	vpack.i.f32.bf16 v41, v34;
	v34 =	vor.u32 s31, v5;
	v37 =	vld [tilespmem:s2+$0x0];
	s2 =	sor.u32 s0, s12  }
0xcd: {  	s12 =	sand.u32 $0x7, s9;
	[tilespmem:v30+s16+$0x0] =	vst.idx.msk $0xffff, v32;
	v30 =	vld [tilespmem:s2+$0x0]  }
0xce: {  	s2 =	sshll.u32 s12, $0x4;
	v32 =	vld [tilespmem:s14+$0x280];
	v33 =	vpack.i.f32.bf16 v33, v36;
	v36 =	vor.u32 s30, v13  }
0xcf: {  	s2 =	sadd.s32 s8, s2;
	v39 =	vld [tilespmem:s4+$0x0];
	[tilespmem:v20+s16+$0x0] =	vst.idx.msk $0xffff, v33;
	v20 =	vmov v31  }
0xd0: {  	s2 =	sadd.s32 $0x10, s2;
	v31 =	vpack.i.f32.bf16 v38, v35;
	v33 =	vld [tilespmem:s1+$0x0]  }
0xd1: {  	s1 =	sor.u32 $0x1300, s23;
	s2 =	sor.u32 $0x300, s2;
	[tilespmem:v34+s16+$0x0] =	vst.idx.msk $0xffff, v31;
	v31 =	vld [tilespmem:s13+$0x0]  }
0xd2: {  	s4 =	sor.u32 s20, s1;
	s1 =	sor.u32 s11, s1;
	v34 =	vld [tilespmem:s2+$0x0];
	s2 =	sor.u32 $0xB00, s21;
	v30 =	vpack.i.f32.bf16 v30, v37  }
0xd3: {  	s12 =	sor.u32 $0x1B00, s21;
	v35 =	vld [tilespmem:s1+$0x0];
	s1 =	sor.u32 s22, s2;
	[tilespmem:v36+s16+$0x0] =	vst.idx.msk $0xffff, v30;
	s2 =	sor.u32 s0, s2  }
0xd4: {  	s13 =	sor.u32 s22, s12;
	v30 =	vpack.i.f32.bf16 v39, v32;
	v32 =	vor.u32 s31, v6;
	v36 =	vld [tilespmem:s2+$0x0];
	s2 =	sor.u32 s0, s12  }
0xd5: {  	[tilespmem:v28+s16+$0x0] =	vst.idx.msk $0xffff, v30;
	v28 =	vld [tilespmem:s2+$0x0]  }
0xd6: {  	v37 =	vld [tilespmem:s6+$0x0];
	v30 =	vpack.i.f32.bf16 v31, v33;
	v33 =	vor.u32 s30, v14  }
0xd7: {  	v38 =	vld [tilespmem:s4+$0x0];
	[tilespmem:v19+s16+$0x0] =	vst.idx.msk $0xffff, v30;
	v19 =	vmov v29  }
0xd8: {  	s2 =	sor.u32 s7, s8;
	v30 =	vpack.i.f32.bf16 v35, v34;
	v29 =	vld [tilespmem:s1+$0x0]  }
.Ltmp2:
0xd9: {  	s2 =	sor.u32 $0x380, s2;
	s1 =	sor.u32 $0x1380, s23;
	[tilespmem:v32+s16+$0x0] =	vst.idx.msk $0xffff, v30;
	v30 =	vld [tilespmem:s13+$0x0];
	(pc) =	sbr.rel @p3 .LBB2_3-.Ltmp2, $4  }
0xda: {  	s6 =	sor.u32 s20, s1;
	s1 =	sor.u32 s11, s1;
	v31 =	vld [tilespmem:s2+$0x0];
	s2 =	sor.u32 $0xB80, s21;
	v28 =	vpack.i.f32.bf16 v28, v36  }
0xdb: {  	s4 =	sor.u32 $0x1B80, s21;
	v32 =	vld [tilespmem:s1+$0x0];
	s1 =	sor.u32 s22, s2;
	[tilespmem:v33+s16+$0x0] =	vst.idx.msk $0xffff, v28;
	s2 =	sor.u32 s0, s2  }
0xdc: {  	s14 =	sor.u32 s22, s4;
	s21 =	smov.u32 s23;
	s0 =	sor.u32 s0, s4;
	v33 =	vpack.i.f32.bf16 v38, v37;
	v28 =	vld [tilespmem:s2+$0x0]  }
0xdd: {  	s10 =	sadd.s32 $0x1, s10;
	s22 =	smov.u32 s20;
	[tilespmem:v27+s16+$0x0] =	vst.idx.msk $0xffff, v33;
	v33 =	vor.u32 s31, v7;
	v27 =	vld [tilespmem:s0+$0x0];
	s0 =	smov.u32 s11  }
0xde: {  	v34 =	vld [tilespmem:s24+$0x0]  }
0xdf: {  	v35 =	vld [tilespmem:s6+$0x0];
	_ =	sdelay $0x2  }
0xe0: {  	s2 =	sor.u32 $0x800, s21;
	v31 =	vpack.i.f32.bf16 v32, v31  }
0xe1: {  	s4 =	sor.u32 $0x1800, s21;
	s5 =	sor.u32 s0, s2;
	[tilespmem:v33+s16+$0x0] =	vst.idx.msk $0xffff, v31  }
0xe2: {  	s24 =	sor.u32 s0, s4;
	v55 =	vld [tilespmem:s5+$0x0];
	v54 =	vpack.i.f32.bf16 v35, v34  }
0xe3: {  	s2 =	sor.u32 s22, s2;
	v56 =	vld [tilespmem:s24+$0x0];
	[tilespmem:v26+s16+$0x0] =	vst.idx.msk $0xffff, v54  }
0xe4: {  	v57 =	vor.u32 s31, v8;
	s4 =	sor.u32 s22, s4;
	v58 =	vld [tilespmem:s2+$0x0]  }
0xe5: {  	v59 =	vld [tilespmem:s4+$0x0];
	_ =	sdelay $0x2  }
0xe6: {  	s4 =	sor.u32 $0x880, s21;
	v26 =	vpack.i.f32.bf16 v56, v55  }
0xe7: {  	s6 =	sor.u32 $0x1880, s21;
	s7 =	sor.u32 s0, s4;
	[tilespmem:v57+s16+$0x0] =	vst.idx.msk $0xffff, v26  }
0xe8: {  	s8 =	sor.u32 s0, s6;
	v26 =	vld [tilespmem:s7+$0x0];
	v60 =	vpack.i.f32.bf16 v59, v58  }
0xe9: {  	s2 =	sor.u32 s22, s4;
	v61 =	vld [tilespmem:s8+$0x0];
	[tilespmem:v25+s16+$0x0] =	vst.idx.msk $0xffff, v60  }
0xea: {  	v62 =	vor.u32 s31, v9;
	s4 =	sor.u32 s22, s6;
	v31 =	vld [tilespmem:s2+$0x0]  }
0xeb: {  	v63 =	vld [tilespmem:s4+$0x0];
	_ =	sdelay $0x2  }
0xec: {  	s9 =	sor.u32 $0x900, s21;
	v26 =	vpack.i.f32.bf16 v61, v26  }
0xed: {  	s10 =	sor.u32 $0x1900, s21;
	s11 =	sor.u32 s0, s9;
	[tilespmem:v62+s16+$0x0] =	vst.idx.msk $0xffff, v26  }
0xee: {  	s12 =	sor.u32 s0, s10;
	v25 =	vld [tilespmem:s11+$0x0];
	v36 =	vpack.i.f32.bf16 v63, v31  }
0xef: {  	s2 =	sor.u32 s22, s9;
	v37 =	vld [tilespmem:s12+$0x0];
	[tilespmem:v23+s16+$0x0] =	vst.idx.msk $0xffff, v36  }
0xf0: {  	v38 =	vor.u32 s31, v10;
	s4 =	sor.u32 s22, s10;
	v26 =	vld [tilespmem:s2+$0x0]  }
0xf1: {  	v39 =	vld [tilespmem:s4+$0x0];
	_ =	sdelay $0x2  }
0xf2: {  	s13 =	sor.u32 $0x980, s21;
	v25 =	vpack.i.f32.bf16 v37, v25  }
0xf3: {  	s17 =	sor.u32 $0x1980, s21;
	s18 =	sor.u32 s0, s13;
	[tilespmem:v38+s16+$0x0] =	vst.idx.msk $0xffff, v25  }
0xf4: {  	s20 =	sor.u32 s0, s17;
	v23 =	vld [tilespmem:s18+$0x0];
	v40 =	vpack.i.f32.bf16 v39, v26  }
0xf5: {  	s2 =	sor.u32 s22, s13;
	v41 =	vld [tilespmem:s20+$0x0];
	[tilespmem:v22+s16+$0x0] =	vst.idx.msk $0xffff, v40  }
0xf6: {  	v42 =	vor.u32 s31, v11;
	s4 =	sor.u32 s22, s17;
	v25 =	vld [tilespmem:s2+$0x0]  }
0xf7: {  	v43 =	vld [tilespmem:s4+$0x0];
	_ =	sdelay $0x2  }
0xf8: {  	s23 =	sor.u32 $0xA00, s21;
	v23 =	vpack.i.f32.bf16 v41, v23  }
0xf9: {  	s24 =	sor.u32 $0x1A00, s21;
	s6 =	sor.u32 s0, s23;
	[tilespmem:v42+s16+$0x0] =	vst.idx.msk $0xffff, v23  }
0xfa: {  	s7 =	sor.u32 s0, s24;
	v22 =	vld [tilespmem:s6+$0x0];
	v44 =	vpack.i.f32.bf16 v43, v25  }
0xfb: {  	s2 =	sor.u32 s22, s23;
	v45 =	vld [tilespmem:s7+$0x0];
	[tilespmem:v21+s16+$0x0] =	vst.idx.msk $0xffff, v44  }
0xfc: {  	v46 =	vor.u32 s31, v12;
	s4 =	sor.u32 s22, s24;
	v23 =	vld [tilespmem:s2+$0x0]  }
0xfd: {  	v47 =	vld [tilespmem:s4+$0x0];
	_ =	sdelay $0x2  }
0xfe: {  	s8 =	sor.u32 $0xA80, s21;
	v22 =	vpack.i.f32.bf16 v45, v22  }
0xff: {  	s9 =	sor.u32 $0x1A80, s21;
	s10 =	sor.u32 s0, s8;
	[tilespmem:v46+s16+$0x0] =	vst.idx.msk $0xffff, v22  }
0x100: {  	s11 =	sor.u32 s0, s9;
	v21 =	vld [tilespmem:s10+$0x0];
	v48 =	vpack.i.f32.bf16 v47, v23  }
0x101: {  	s2 =	sor.u32 s22, s8;
	v49 =	vld [tilespmem:s11+$0x0];
	[tilespmem:v20+s16+$0x0] =	vst.idx.msk $0xffff, v48  }
0x102: {  	v50 =	vor.u32 s31, v13;
	s4 =	sor.u32 s22, s9;
	v22 =	vld [tilespmem:s2+$0x0]  }
0x103: {  	v51 =	vld [tilespmem:s4+$0x0];
	_ =	sdelay $0x2  }
0x104: {  	s12 =	sor.u32 $0xB00, s21;
	v21 =	vpack.i.f32.bf16 v49, v21  }
0x105: {  	s13 =	sor.u32 $0x1B00, s21;
	s17 =	sor.u32 s0, s12;
	[tilespmem:v50+s16+$0x0] =	vst.idx.msk $0xffff, v21  }
0x106: {  	s18 =	sor.u32 s0, s13;
	v20 =	vld [tilespmem:s17+$0x0];
	v52 =	vpack.i.f32.bf16 v51, v22  }
0x107: {  	s2 =	sor.u32 s22, s12;
	v53 =	vld [tilespmem:s18+$0x0];
	[tilespmem:v19+s16+$0x0] =	vst.idx.msk $0xffff, v52  }
0x108: {  	v54 =	vor.u32 s31, v14;
	s4 =	sor.u32 s22, s13;
	v21 =	vld [tilespmem:s2+$0x0]  }
0x109: {  	v55 =	vld [tilespmem:s4+$0x0]  }
0x10a: {  	v56 =	vpack.i.f32.bf16 v30, v29  }
0x10b: {  	[tilespmem:v17+s16+$0x0] =	vst.idx.msk $0xffff, v56  }
0x10c: {  	v17 =	vld [tilespmem:s1+$0x0];
	s20 =	sor.u32 $0xB80, s21;
	v20 =	vpack.i.f32.bf16 v53, v20  }
0x10d: {  	v57 =	vld [tilespmem:s14+$0x0];
	s21 =	sor.u32 $0x1B80, s21;
	s23 =	sor.u32 s0, s20;
	[tilespmem:v54+s16+$0x0] =	vst.idx.msk $0xffff, v20  }
0x10e: {  	s24 =	sor.u32 s0, s21;
	v19 =	vld [tilespmem:s23+$0x0];
	v58 =	vpack.i.f32.bf16 v55, v21  }
0x10f: {  	s1 =	sor.u32 s22, s20;
	v60 =	vld [tilespmem:s24+$0x0];
	[tilespmem:v24+s16+$0x0] =	vst.idx.msk $0xffff, v58  }
0x110: {  	v59 =	vor.u32 s30, v15;
	s30 =	sor.u32 s22, s21;
	v20 =	vld [tilespmem:s1+$0x0]  }
0x111: {  	v61 =	vor.u32 s31, v15;
	v62 =	vld [tilespmem:s30+$0x0];
	_ =	sdelay $0x1  }
0x112: {  	p3 =	sne.s32 s25, $0x3C;
	v17 =	vpack.i.f32.bf16 v57, v17  }
.Ltmp3:
0x113: {  	[tilespmem:v16+s16+$0x0] =	vst.idx.msk $0xffff, v17;
	v63 =	vpack.i.f32.bf16 v27, v28;
	(pc) =	sbr.rel @p3 .LBB2_6-.Ltmp3, $4  }
0x114: {  	[tilespmem:v59+s16+$0x0] =	vst.idx.msk $0xffff, v63;
	v16 =	vpack.i.f32.bf16 v60, v19  }
0x115: {  	s31 =	sshll.u32 s29, $0x9;
	[tilespmem:v61+s16+$0x0] =	vst.idx.msk $0xffff, v16;
	v16 =	vpack.i.f32.bf16 v62, v20  }
0x116: {  	s0 =	sadd.s32 s3, s31;
	s18 =	simm.s32 $0x0;
	[tilespmem:v18+s16+$0x0] =	vst.idx.msk $0xffff, v16  }
0x117: {  	[hbm4b:s0+s18] =	stream.linear.scatter [tilespmem:s16], [sflag:$0x3], $0x1000, $0x38;
	[tilespmem:$0x7000] =	vst v63  }
.Ltmp4:
0x118: {  	(pc) =	sbr.rel .LBB2_7-.Ltmp4, $4  }
0x119: {  	s0 =	simm.s32 $0x2  }
0x11a: {  	_ =	swait.ge [sflag:s0], $0x2000  }
0x11b: {  	[sflag:s0] =	ssyncset.done $0x0  }
0x11c: {  	[sflag:s0] =	ssyncadd.s32 $0xFFFFE000  }
.LBB2_6:
0x11d: {  	s0 =	rddreg [dreg:$0x5]  }
0x11e: {  	s1 =	rddreg [dreg:$0x0];
	s0 =	sadd.s32 s0, s28  }
0x11f: {  	s30 =	simm.s32 $0x800;
	s2 =	simm.s32 $0x7A1400;
	s0 =	sshll.u32 s0, $0x8  }
.Ltmp5:
0x120: {  	s31 =	simm.s32 $0x2;
	s0 =	sadd.s32 s1, s0;
	(pc) =	sbr.rel @p2 .LBB2_8-.Ltmp5, $4  }
0x121: {  	[tilespmem:s18], [sflag:$0x1] =	stream.strided.gather [hbm4b:s0+s30], $0x2000, s2, s30, $0x38;
	[tilespmem:$0x7000] =	vst v63  }
0x122: {  	_ =	swait.ge [sflag:s31], $0x2000  }
0x123: {  	[sflag:s31] =	ssyncset.done $0x0  }
0x124: {  	[sflag:s31] =	ssyncadd.s32 $0xFFFFE000  }
.LBB2_7:
0x125: {  	s0 =	simm.s32 $0x4  }
0x126: {  	_ =	swait.ge [sflag:s0], $0x1000  }
0x127: {  	[sflag:s0] =	ssyncset.done $0x0  }
0x128: {  	[sflag:s0] =	ssyncadd.s32 $0xFFFFF000  }
.LBB2_8:
0x129: {  	s0 =	simm.s32 $0x0  }
0x12a: {  	s1 =	simm.s32 $0x10;
	s10 =	sand.u32 $0x400, s0  }
0x12b: {  	s30 =	sand.u32 $0x70, s1;
	s2 =	sor.u32 $0x2000, s10  }
0x12c: {  	s4 =	sor.u32 $0x3000, s10;
	s8 =	sor.u32 s30, s2  }
0x12d: {  	s6 =	simm.s32 $0x0;
	s5 =	sor.u32 s30, s4;
	v16 =	vld [tilespmem:s8+$0x0]  }
0x12e: {  	s28 =	simm.s32 $0x100;
	s23 =	sand.u32 $0x60, s6;
	v17 =	vld [tilespmem:s5+$0x0]  }
0x12f: {  	v18 =	vor.u32 s28, v0;
	s7 =	sor.u32 s23, s2  }
0x130: {  	s22 =	sor.u32 s23, s4;
	v19 =	vld [tilespmem:s7+$0x0]  }
0x131: {  	s5 =	simm.s32 $0x0;
	v20 =	vld [tilespmem:s22+$0x0]  }
0x132: {  	v21 =	vor.u32 s5, v0  }
0x133: {  	v16 =	vpack.i.f32.bf16 v17, v16  }
0x134: {  	s24 =	sor.u32 $0x3080, s10;
	[tilespmem:v18+s19+$0x0] =	vst.idx.msk $0xffff, v16  }
0x135: {  	s9 =	sor.u32 s30, s24;
	v16 =	vld [tilespmem:s8+$0x80]  }
0x136: {  	v18 =	vpack.i.f32.bf16 v20, v19;
	v17 =	vld [tilespmem:s9+$0x0]  }
0x137: {  	v19 =	vor.u32 s28, v1;
	[tilespmem:v21+s19+$0x0] =	vst.idx.msk $0xffff, v18  }
0x138: {  	s2 =	sor.u32 s23, s24;
	v18 =	vld [tilespmem:s7+$0x80]  }
0x139: {  	v20 =	vld [tilespmem:s2+$0x0]  }
0x13a: {  	v21 =	vor.u32 s5, v1  }
0x13b: {  	v16 =	vpack.i.f32.bf16 v17, v16  }
0x13c: {  	s11 =	sor.u32 $0x3100, s10;
	[tilespmem:v19+s19+$0x0] =	vst.idx.msk $0xffff, v16  }
0x13d: {  	s12 =	sor.u32 s30, s11;
	v16 =	vld [tilespmem:s8+$0x100]  }
0x13e: {  	v18 =	vpack.i.f32.bf16 v20, v18;
	v17 =	vld [tilespmem:s12+$0x0]  }
0x13f: {  	v19 =	vor.u32 s28, v2;
	[tilespmem:v21+s19+$0x0] =	vst.idx.msk $0xffff, v18  }
0x140: {  	s2 =	sor.u32 s23, s11;
	v18 =	vld [tilespmem:s7+$0x100]  }
0x141: {  	v20 =	vld [tilespmem:s2+$0x0]  }
0x142: {  	v21 =	vor.u32 s5, v2  }
0x143: {  	v16 =	vpack.i.f32.bf16 v17, v16  }
0x144: {  	s13 =	sor.u32 $0x3180, s10;
	[tilespmem:v19+s19+$0x0] =	vst.idx.msk $0xffff, v16  }
0x145: {  	s14 =	sor.u32 s30, s13;
	v16 =	vld [tilespmem:s8+$0x180]  }
0x146: {  	v18 =	vpack.i.f32.bf16 v20, v18;
	v17 =	vld [tilespmem:s14+$0x0]  }
0x147: {  	v19 =	vor.u32 s28, v3;
	[tilespmem:v21+s19+$0x0] =	vst.idx.msk $0xffff, v18  }
0x148: {  	s2 =	sor.u32 s23, s13;
	v18 =	vld [tilespmem:s7+$0x180]  }
0x149: {  	v20 =	vld [tilespmem:s2+$0x0]  }
0x14a: {  	v21 =	vor.u32 s5, v3  }
0x14b: {  	v16 =	vpack.i.f32.bf16 v17, v16  }
0x14c: {  	s17 =	sor.u32 $0x3200, s10;
	[tilespmem:v19+s19+$0x0] =	vst.idx.msk $0xffff, v16  }
0x14d: {  	s20 =	sor.u32 s30, s17;
	v16 =	vld [tilespmem:s8+$0x200]  }
0x14e: {  	v18 =	vpack.i.f32.bf16 v20, v18;
	v17 =	vld [tilespmem:s20+$0x0]  }
0x14f: {  	v19 =	vor.u32 s28, v4;
	[tilespmem:v21+s19+$0x0] =	vst.idx.msk $0xffff, v18  }
0x150: {  	s2 =	sor.u32 s23, s17;
	v18 =	vld [tilespmem:s7+$0x200]  }
0x151: {  	v20 =	vld [tilespmem:s2+$0x0]  }
0x152: {  	v21 =	vor.u32 s5, v4  }
0x153: {  	v16 =	vpack.i.f32.bf16 v17, v16  }
0x154: {  	s21 =	sor.u32 $0x3280, s10;
	[tilespmem:v19+s19+$0x0] =	vst.idx.msk $0xffff, v16  }
0x155: {  	s22 =	sor.u32 s30, s21;
	v16 =	vld [tilespmem:s8+$0x280]  }
0x156: {  	v18 =	vpack.i.f32.bf16 v20, v18;
	v17 =	vld [tilespmem:s22+$0x0]  }
0x157: {  	v19 =	vor.u32 s28, v5;
	[tilespmem:v21+s19+$0x0] =	vst.idx.msk $0xffff, v18  }
0x158: {  	s24 =	sand.u32 $0x7, s0;
	s2 =	sor.u32 s23, s21;
	v18 =	vld [tilespmem:s7+$0x280]  }
0x159: {  	s4 =	sshll.u32 s24, $0x4;
	v20 =	vld [tilespmem:s2+$0x0]  }
0x15a: {  	s4 =	sadd.s32 $0x0, s4;
	v21 =	vor.u32 s5, v5  }
0x15b: {  	s7 =	sadd.s32 $0x10, s4;
	v16 =	vpack.i.f32.bf16 v17, v16  }
0x15c: {  	s9 =	sand.u32 $0x3, s0;
	s8 =	sor.u32 $0x3300, s10;
	s2 =	sor.u32 $0x300, s7;
	[tilespmem:v19+s19+$0x0] =	vst.idx.msk $0xffff, v16  }
0x15d: {  	s11 =	sor.u32 s30, s8;
	s7 =	sshll.u32 s9, $0x5;
	v16 =	vld [tilespmem:s2+$0x2000]  }
0x15e: {  	s12 =	sadd.s32 $0x0, s7;
	v18 =	vpack.i.f32.bf16 v20, v18;
	v17 =	vld [tilespmem:s11+$0x0]  }
0x15f: {  	v19 =	vor.u32 s28, v6;
	s2 =	sor.u32 $0x300, s12;
	[tilespmem:v21+s19+$0x0] =	vst.idx.msk $0xffff, v18  }
0x160: {  	s4 =	sor.u32 s23, s8;
	v18 =	vld [tilespmem:s2+$0x2000]  }
0x161: {  	v20 =	vld [tilespmem:s4+$0x0]  }
0x162: {  	v21 =	vor.u32 s5, v6  }
0x163: {  	s1 =	sor.u32 s1, s0;
	v16 =	vpack.i.f32.bf16 v17, v16  }
0x164: {  	s1 =	sor.u32 $0x380, s1;
	s13 =	sor.u32 $0x3380, s10;
	[tilespmem:v19+s19+$0x0] =	vst.idx.msk $0xffff, v16  }
0x165: {  	s14 =	sor.u32 s30, s13;
	v16 =	vld [tilespmem:s1+$0x2000]  }
0x166: {  	s0 =	sor.u32 s6, s0;
	v18 =	vpack.i.f32.bf16 v20, v18;
	v17 =	vld [tilespmem:s14+$0x0]  }
0x167: {  	s0 =	sor.u32 $0x380, s0;
	s22 =	simm.s32 $0x100;
	v19 =	vor.u32 s28, v7;
	[tilespmem:v21+s19+$0x0] =	vst.idx.msk $0xffff, v18  }
0x168: {  	s17 =	sor.u32 s23, s13;
	s29 =	sand.u32 $0x400, s22;
	s7 =	simm.s32 $0x30;
	v18 =	vld [tilespmem:s0+$0x2000]  }
0x169: {  	s20 =	sor.u32 $0x2000, s29;
	s0 =	sand.u32 $0x70, s7;
	v20 =	vld [tilespmem:s17+$0x0]  }
0x16a: {  	s24 =	sor.u32 $0x3000, s29;
	v21 =	vor.u32 s5, v7;
	s9 =	sor.u32 s0, s20  }
0x16b: {  	s13 =	sor.u32 $0x3800, s10;
	s12 =	sor.u32 $0x2800, s10;
	s8 =	sor.u32 s0, s24;
	v16 =	vpack.i.f32.bf16 v17, v16;
	v17 =	vld [tilespmem:s9+$0x0]  }
0x16c: {  	s11 =	sor.u32 s30, s12;
	s1 =	simm.s32 $0x20;
	[tilespmem:v19+s19+$0x0] =	vst.idx.msk $0xffff, v16;
	v16 =	vld [tilespmem:s8+$0x0];
	s8 =	simm.s32 $0x300  }
0x16d: {  	s14 =	sor.u32 s30, s13;
	s21 =	sand.u32 $0x60, s1;
	v19 =	vor.u32 s8, v0;
	v22 =	vld [tilespmem:s11+$0x0]  }
0x16e: {  	s17 =	sor.u32 s21, s24;
	v18 =	vpack.i.f32.bf16 v20, v18;
	v23 =	vld [tilespmem:s14+$0x0]  }
0x16f: {  	v24 =	vor.u32 s28, v8;
	s11 =	sor.u32 s21, s20;
	[tilespmem:v21+s19+$0x0] =	vst.idx.msk $0xffff, v18;
	v18 =	vld [tilespmem:s17+$0x0]  }
0x170: {  	s6 =	simm.s32 $0x200;
	s20 =	sor.u32 s23, s12;
	v20 =	vld [tilespmem:s11+$0x0]  }
0x171: {  	s24 =	sor.u32 s23, s13;
	v21 =	vor.u32 s6, v0;
	v16 =	vpack.i.f32.bf16 v16, v17;
	v17 =	vld [tilespmem:s20+$0x0]  }
0x172: {  	s12 =	sor.u32 $0x3080, s29;
	[tilespmem:v19+s19+$0x0] =	vst.idx.msk $0xffff, v16;
	v16 =	vld [tilespmem:s24+$0x0]  }
0x173: {  	s14 =	sor.u32 $0x2880, s10;
	s13 =	sor.u32 s0, s12;
	v19 =	vor.u32 s5, v8;
	v22 =	vpack.i.f32.bf16 v23, v22;
	v25 =	vld [tilespmem:s9+$0x80]  }
0x174: {  	s17 =	sor.u32 $0x3880, s10;
	s20 =	sor.u32 s30, s14;
	v23 =	vld [tilespmem:s13+$0x0];
	[tilespmem:v24+s19+$0x0] =	vst.idx.msk $0xffff, v22  }
0x175: {  	s24 =	sor.u32 s30, s17;
	v18 =	vpack.i.f32.bf16 v18, v20;
	v20 =	vor.u32 s8, v1;
	v22 =	vld [tilespmem:s20+$0x0]  }
0x176: {  	[tilespmem:v21+s19+$0x0] =	vst.idx.msk $0xffff, v18;
	v18 =	vld [tilespmem:s24+$0x0]  }
0x177: {  	s4 =	sor.u32 s21, s12;
	v21 =	vld [tilespmem:s11+$0x80];
	v16 =	vpack.i.f32.bf16 v16, v17;
	v17 =	vor.u32 s28, v9  }
0x178: {  	s12 =	sor.u32 s23, s14;
	v24 =	vld [tilespmem:s4+$0x0];
	[tilespmem:v19+s19+$0x0] =	vst.idx.msk $0xffff, v16  }
0x179: {  	s2 =	sor.u32 s23, s17;
	v16 =	vor.u32 s6, v1;
	v19 =	vpack.i.f32.bf16 v23, v25;
	v23 =	vld [tilespmem:s12+$0x0]  }
0x17a: {  	s12 =	sor.u32 $0x3100, s29;
	[tilespmem:v20+s19+$0x0] =	vst.idx.msk $0xffff, v19;
	v19 =	vld [tilespmem:s2+$0x0]  }
0x17b: {  	s14 =	sor.u32 $0x2900, s10;
	v20 =	vor.u32 s5, v9;
	v18 =	vpack.i.f32.bf16 v18, v22;
	v25 =	vld [tilespmem:s9+$0x100];
	s13 =	sor.u32 s0, s12  }
0x17c: {  	s17 =	sor.u32 $0x3900, s10;
	s20 =	sor.u32 s30, s14;
	v22 =	vld [tilespmem:s13+$0x0];
	[tilespmem:v17+s19+$0x0] =	vst.idx.msk $0xffff, v18  }
0x17d: {  	s24 =	sor.u32 s30, s17;
	v17 =	vpack.i.f32.bf16 v24, v21;
	v18 =	vor.u32 s8, v2;
	v21 =	vld [tilespmem:s20+$0x0]  }
0x17e: {  	[tilespmem:v16+s19+$0x0] =	vst.idx.msk $0xffff, v17;
	v16 =	vld [tilespmem:s24+$0x0]  }
0x17f: {  	s4 =	sor.u32 s21, s12;
	v17 =	vld [tilespmem:s11+$0x100];
	v19 =	vpack.i.f32.bf16 v19, v23;
	v23 =	vor.u32 s28, v10  }
0x180: {  	s12 =	sor.u32 s23, s14;
	v24 =	vld [tilespmem:s4+$0x0];
	[tilespmem:v20+s19+$0x0] =	vst.idx.msk $0xffff, v19  }
0x181: {  	s2 =	sor.u32 s23, s17;
	v19 =	vor.u32 s6, v2;
	v20 =	vpack.i.f32.bf16 v22, v25;
	v22 =	vld [tilespmem:s12+$0x0]  }
0x182: {  	s12 =	sor.u32 $0x3180, s29;
	[tilespmem:v18+s19+$0x0] =	vst.idx.msk $0xffff, v20;
	v18 =	vld [tilespmem:s2+$0x0]  }
0x183: {  	s14 =	sor.u32 $0x2980, s10;
	v20 =	vor.u32 s5, v10;
	s13 =	sor.u32 s0, s12;
	v25 =	vld [tilespmem:s9+$0x180];
	v16 =	vpack.i.f32.bf16 v16, v21  }
0x184: {  	s17 =	sor.u32 $0x3980, s10;
	s20 =	sor.u32 s30, s14;
	v21 =	vld [tilespmem:s13+$0x0];
	[tilespmem:v23+s19+$0x0] =	vst.idx.msk $0xffff, v16  }
0x185: {  	s24 =	sor.u32 s30, s17;
	v16 =	vpack.i.f32.bf16 v24, v17;
	v17 =	vor.u32 s8, v3;
	v23 =	vld [tilespmem:s20+$0x0]  }
0x186: {  	[tilespmem:v19+s19+$0x0] =	vst.idx.msk $0xffff, v16;
	v16 =	vld [tilespmem:s24+$0x0]  }
0x187: {  	s4 =	sor.u32 s21, s12;
	v19 =	vld [tilespmem:s11+$0x180];
	v18 =	vpack.i.f32.bf16 v18, v22;
	v22 =	vor.u32 s28, v11  }
0x188: {  	s12 =	sor.u32 s23, s14;
	v24 =	vld [tilespmem:s4+$0x0];
	[tilespmem:v20+s19+$0x0] =	vst.idx.msk $0xffff, v18  }
0x189: {  	s2 =	sor.u32 s23, s17;
	v18 =	vor.u32 s6, v3;
	v20 =	vpack.i.f32.bf16 v21, v25;
	v21 =	vld [tilespmem:s12+$0x0]  }
0x18a: {  	s12 =	sor.u32 $0x3200, s29;
	[tilespmem:v17+s19+$0x0] =	vst.idx.msk $0xffff, v20;
	v17 =	vld [tilespmem:s2+$0x0]  }
0x18b: {  	s24 =	sor.u32 $0x2A00, s10;
	v20 =	vor.u32 s5, v11;
	v25 =	vld [tilespmem:s9+$0x200];
	s20 =	sor.u32 s0, s12;
	v16 =	vpack.i.f32.bf16 v16, v23  }
0x18c: {  	s14 =	sor.u32 $0x3A00, s10;
	s17 =	sor.u32 s30, s24;
	v23 =	vld [tilespmem:s20+$0x0];
	[tilespmem:v22+s19+$0x0] =	vst.idx.msk $0xffff, v16  }
0x18d: {  	s20 =	sor.u32 s30, s14;
	v16 =	vpack.i.f32.bf16 v24, v19;
	v19 =	vor.u32 s8, v4;
	v22 =	vld [tilespmem:s17+$0x0]  }
0x18e: {  	[tilespmem:v18+s19+$0x0] =	vst.idx.msk $0xffff, v16;
	v16 =	vld [tilespmem:s20+$0x0]  }
0x18f: {  	s4 =	sor.u32 s21, s12;
	v18 =	vld [tilespmem:s11+$0x200];
	v17 =	vpack.i.f32.bf16 v17, v21;
	v21 =	vor.u32 s28, v12  }
0x190: {  	s12 =	sor.u32 s23, s24;
	v24 =	vld [tilespmem:s4+$0x0];
	[tilespmem:v20+s19+$0x0] =	vst.idx.msk $0xffff, v17  }
0x191: {  	s2 =	sor.u32 s23, s14;
	v17 =	vor.u32 s6, v4;
	v20 =	vpack.i.f32.bf16 v23, v25;
	v23 =	vld [tilespmem:s12+$0x0]  }
0x192: {  	s24 =	sor.u32 $0x3280, s29;
	[tilespmem:v19+s19+$0x0] =	vst.idx.msk $0xffff, v20;
	v19 =	vld [tilespmem:s2+$0x0]  }
0x193: {  	s14 =	sor.u32 s0, s24;
	s12 =	sor.u32 $0x2A80, s10;
	v20 =	vor.u32 s5, v12;
	v25 =	vld [tilespmem:s9+$0x280];
	v16 =	vpack.i.f32.bf16 v16, v22  }
0x194: {  	s2 =	sor.u32 $0x3A80, s10;
	s17 =	sor.u32 s30, s12;
	v22 =	vld [tilespmem:s14+$0x0];
	[tilespmem:v21+s19+$0x0] =	vst.idx.msk $0xffff, v16  }
0x195: {  	s20 =	sor.u32 s30, s2;
	s9 =	simm.s32 $0x2;
	v16 =	vpack.i.f32.bf16 v24, v18;
	v18 =	vor.u32 s8, v5;
	v21 =	vld [tilespmem:s17+$0x0]  }
0x196: {  	s14 =	sand.u32 $0x7, s9;
	[tilespmem:v17+s19+$0x0] =	vst.idx.msk $0xffff, v16;
	v16 =	vld [tilespmem:s20+$0x0]  }
0x197: {  	s4 =	sor.u32 s21, s24;
	s24 =	sshll.u32 s14, $0x4;
	v17 =	vld [tilespmem:s11+$0x280];
	v19 =	vpack.i.f32.bf16 v19, v23;
	v23 =	vor.u32 s28, v13  }
0x198: {  	s14 =	sor.u32 s23, s12;
	s17 =	sadd.s32 $0x100, s24;
	v24 =	vld [tilespmem:s4+$0x0];
	[tilespmem:v20+s19+$0x0] =	vst.idx.msk $0xffff, v19  }
0x199: {  	s2 =	sor.u32 s23, s2;
	s20 =	sadd.s32 $0x10, s17;
	v19 =	vor.u32 s6, v5;
	v20 =	vpack.i.f32.bf16 v22, v25;
	v22 =	vld [tilespmem:s14+$0x0]  }
0x19a: {  	s12 =	sor.u32 $0x3300, s29;
	s24 =	simm.s32 $0x1;
	s4 =	sor.u32 $0x300, s20;
	[tilespmem:v18+s19+$0x0] =	vst.idx.msk $0xffff, v20;
	v18 =	vld [tilespmem:s2+$0x0]  }
0x19b: {  	s13 =	sor.u32 s0, s12;
	s11 =	sand.u32 $0x3, s24;
	v20 =	vor.u32 s5, v13;
	s14 =	sor.u32 $0x2B00, s10;
	v25 =	vld [tilespmem:s4+$0x2000];
	v16 =	vpack.i.f32.bf16 v16, v21  }
0x19c: {  	s17 =	sor.u32 $0x3B00, s10;
	s2 =	sshll.u32 s11, $0x5;
	v21 =	vld [tilespmem:s13+$0x0];
	s20 =	sor.u32 s30, s14;
	[tilespmem:v23+s19+$0x0] =	vst.idx.msk $0xffff, v16  }
0x19d: {  	s24 =	sor.u32 s30, s17;
	s2 =	sadd.s32 $0x100, s2;
	v16 =	vpack.i.f32.bf16 v24, v17;
	v23 =	vor.u32 s8, v6;
	v24 =	vld [tilespmem:s20+$0x0]  }
0x19e: {  	s2 =	sor.u32 $0x300, s2;
	[tilespmem:v19+s19+$0x0] =	vst.idx.msk $0xffff, v16;
	v19 =	vld [tilespmem:s24+$0x0]  }
0x19f: {  	s12 =	sor.u32 s21, s12;
	v29 =	vld [tilespmem:s2+$0x2000];
	v16 =	vpack.i.f32.bf16 v18, v22;
	v18 =	vor.u32 s28, v14  }
0x1a0: {  	s31 =	simm.s32 $0x2;
	v27 =	vor.u32 s6, v6;
	s1 =	sor.u32 s1, s22;
	s2 =	sor.u32 s23, s14;
	v33 =	vld [tilespmem:s12+$0x0];
	[tilespmem:v20+s19+$0x0] =	vst.idx.msk $0xffff, v16  }
0x1a1: {  	s13 =	sor.u32 $0x3380, s29;
	v17 =	vor.u32 s5, v14;
	s12 =	sor.u32 s7, s22;
	v16 =	vor.u32 s5, v15;
	s5 =	sor.u32 s23, s17;
	v20 =	vpack.i.f32.bf16 v21, v25;
	v28 =	vld [tilespmem:s2+$0x0]  }
0x1a2: {  	v26 =	vor.u32 s6, v7;
	s11 =	sor.u32 $0x380, s1;
	s20 =	sor.u32 s0, s13;
	v22 =	vor.u32 s6, v10;
	s4 =	sor.u32 $0x380, s12;
	v30 =	vld [tilespmem:s5+$0x0];
	[tilespmem:v23+s19+$0x0] =	vst.idx.msk $0xffff, v20  }
0x1a3: {  	s24 =	sor.u32 $0x3B80, s10;
	s14 =	sor.u32 s21, s13;
	v25 =	vor.u32 s6, v8;
	s17 =	sor.u32 $0x2B80, s10;
	v21 =	vor.u32 s6, v11;
	v31 =	vld [tilespmem:s4+$0x2000];
	v24 =	vpack.i.f32.bf16 v19, v24  }
0x1a4: {  	s10 =	sor.u32 s30, s24;
	s1 =	sor.u32 s23, s17;
	s2 =	sor.u32 s30, s17;
	v23 =	vor.u32 s6, v9;
	v20 =	vor.u32 s6, v12;
	v19 =	vor.u32 s6, v13;
	v32 =	vld [tilespmem:s20+$0x0];
	[tilespmem:v18+s19+$0x0] =	vst.idx.msk $0xffff, v24  }
0x1a5: {  	s5 =	simm.s32 $0x2;
	s30 =	simm.s32 $0x300;
	v24 =	vor.u32 s6, v14;
	v18 =	vor.u32 s6, v15;
	v33 =	vpack.i.f32.bf16 v33, v29;
	s6 =	sor.u32 s23, s24;
	v29 =	vld [tilespmem:s2+$0x0]  }
.LBB2_9:
0x1a6: {  	s2 =	sand.u32 $0x3, s5;
	[tilespmem:v27+s19+$0x0] =	vst.idx.msk $0xffff, v33;
	v27 =	vor.u32 s8, v7;
	v33 =	vld [tilespmem:s10+$0x0];
	s23 =	smov.u32 s29;
	s10 =	smov.u32 s0  }
0x1a7: {  	s22 =	sadd.s32 $0x100, s22;
	s20 =	smov.u32 s21;
	s0 =	sshll.u32 s2, $0x5;
	v34 =	vld [tilespmem:s11+$0x2000];
	v28 =	vpack.i.f32.bf16 v30, v28;
	v30 =	vor.u32 s28, v15  }
0x1a8: {  	s7 =	sadd.s32 $0x20, s7;
	s29 =	sand.u32 $0x400, s22;
	s2 =	sadd.s32 s0, s22;
	v35 =	vld [tilespmem:s14+$0x0];
	[tilespmem:v17+s19+$0x0] =	vst.idx.msk $0xffff, v28;
	v17 =	vmov v24  }
0x1a9: {  	s4 =	sadd.s32 $0xFFFFFFF0, s7;
	s11 =	sor.u32 $0x2000, s29;
	s0 =	sand.u32 $0x70, s7;
	v36 =	vld [tilespmem:s1+$0x0]  }
0x1aa: {  	s21 =	sand.u32 $0x60, s4;
	s1 =	sor.u32 $0x3000, s29;
	s14 =	sor.u32 s0, s11;
	v24 =	vpack.i.f32.bf16 v32, v31;
	v37 =	vld [tilespmem:s6+$0x0]  }
0x1ab: {  	s12 =	sor.u32 $0x2800, s23;
	s6 =	sor.u32 s21, s11;
	s11 =	sor.u32 s0, s1;
	v31 =	vld [tilespmem:s14+$0x0];
	[tilespmem:v27+s19+$0x0] =	vst.idx.msk $0xffff, v24;
	v24 =	vpack.i.f32.bf16 v33, v29  }
0x1ac: {  	s8 =	sadd.s32 $0x200, s8;
	s13 =	sor.u32 $0x3800, s23;
	v29 =	vld [tilespmem:s11+$0x0];
	s11 =	sor.u32 s10, s12;
	[tilespmem:v30+s19+$0x0] =	vst.idx.msk $0xffff, v24  }
0x1ad: {  	s17 =	sadd.s32 $0xFFFFFF00, s8;
	s1 =	sor.u32 s21, s1;
	v24 =	vor.u32 s8, v0;
	v27 =	vpack.i.f32.bf16 v35, v34;
	v35 =	vld [tilespmem:s11+$0x0];
	s11 =	sor.u32 s10, s13  }
0x1ae: {  	v38 =	vor.u32 s17, v0;
	v39 =	vor.u32 s17, v1;
	s24 =	sor.u32 $0x300, s2;
	s2 =	sor.u32 s4, s22;
	s4 =	sor.u32 s20, s12;
	v34 =	vor.u32 s17, v2;
	[tilespmem:v26+s19+$0x0] =	vst.idx.msk $0xffff, v27;
	v40 =	vld [tilespmem:s11+$0x0]  }
0x1af: {  	v42 =	vor.u32 s30, v8;
	s28 =	smov.u32 s30;
	v32 =	vor.u32 s17, v3;
	v30 =	vor.u32 s17, v4;
	s11 =	sor.u32 $0x380, s2;
	s2 =	sor.u32 s20, s13;
	v41 =	vld [tilespmem:s6+$0x0]  }
0x1b0: {  	s30 =	smov.u32 s8;
	v28 =	vor.u32 s17, v5;
	v27 =	vor.u32 s17, v6;
	v26 =	vor.u32 s17, v7;
	v43 =	vld [tilespmem:s1+$0x0]  }
0x1b1: {  	v44 =	vor.u32 s17, v8;
	v45 =	vor.u32 s17, v9;
	v29 =	vpack.i.f32.bf16 v29, v31;
	v46 =	vld [tilespmem:s4+$0x0]  }
0x1b2: {  	v47 =	vor.u32 s17, v10;
	v33 =	vor.u32 s17, v11;
	s1 =	sor.u32 $0x3080, s29;
	v31 =	vor.u32 s17, v12;
	[tilespmem:v24+s19+$0x0] =	vst.idx.msk $0xffff, v29;
	v48 =	vld [tilespmem:s2+$0x0]  }
0x1b3: {  	s4 =	sor.u32 $0x2880, s23;
	s2 =	sor.u32 s21, s1;
	v29 =	vor.u32 s17, v13;
	v24 =	vor.u32 s17, v14;
	s1 =	sor.u32 s0, s1;
	v49 =	vld [tilespmem:s14+$0x80];
	v35 =	vpack.i.f32.bf16 v40, v35  }
0x1b4: {  	s12 =	sor.u32 $0x3880, s23;
	v40 =	vor.u32 s17, v15;
	v50 =	vld [tilespmem:s1+$0x0];
	s1 =	sor.u32 s20, s4;
	[tilespmem:v42+s19+$0x0] =	vst.idx.msk $0xffff, v35;
	s4 =	sor.u32 s10, s4;
	v35 =	vpack.i.f32.bf16 v37, v36  }
0x1b5: {  	s13 =	sor.u32 s20, s12;
	v37 =	vor.u32 s8, v1;
	v36 =	vpack.i.f32.bf16 v43, v41;
	v41 =	vld [tilespmem:s4+$0x0];
	s4 =	sor.u32 s10, s12;
	[tilespmem:v16+s19+$0x0] =	vst.idx.msk $0xffff, v35;
	v16 =	vmovc v18;
	v18 =	vmov v40  }
0x1b6: {  	[tilespmem:v38+s19+$0x0] =	vst.idx.msk $0xffff, v36;
	v35 =	vld [tilespmem:s4+$0x0]  }
0x1b7: {  	v40 =	vor.u32 s28, v9;
	v36 =	vld [tilespmem:s6+$0x80];
	v38 =	vpack.i.f32.bf16 v48, v46  }
0x1b8: {  	v42 =	vld [tilespmem:s2+$0x0];
	[tilespmem:v25+s19+$0x0] =	vst.idx.msk $0xffff, v38;
	v25 =	vmov v44  }
0x1b9: {  	v38 =	vpack.i.f32.bf16 v50, v49;
	v43 =	vld [tilespmem:s1+$0x0]  }
0x1ba: {  	s31 =	sadd.s32 $0x2, s31;
	s1 =	sor.u32 $0x3100, s29;
	[tilespmem:v37+s19+$0x0] =	vst.idx.msk $0xffff, v38;
	v37 =	vld [tilespmem:s13+$0x0]  }
0x1bb: {  	p2 =	slt.u32 s31, $0xE;
	s4 =	sor.u32 $0x2900, s23;
	s2 =	sor.u32 s0, s1;
	v38 =	vld [tilespmem:s14+$0x100];
	v35 =	vpack.i.f32.bf16 v35, v41  }
0x1bc: {  	s12 =	sor.u32 s10, s4;
	s1 =	sor.u32 s21, s1;
	v41 =	vld [tilespmem:s2+$0x0];
	s2 =	sor.u32 $0x3900, s23;
	[tilespmem:v40+s19+$0x0] =	vst.idx.msk $0xffff, v35  }
0x1bd: {  	s4 =	sor.u32 s20, s4;
	v35 =	vpack.i.f32.bf16 v42, v36;
	v36 =	vor.u32 s8, v2;
	s13 =	sor.u32 s20, s2;
	v40 =	vld [tilespmem:s12+$0x0];
	s2 =	sor.u32 s10, s2  }
0x1be: {  	[tilespmem:v39+s19+$0x0] =	vst.idx.msk $0xffff, v35;
	v35 =	vld [tilespmem:s2+$0x0]  }
0x1bf: {  	v42 =	vor.u32 s28, v10;
	v39 =	vld [tilespmem:s6+$0x100];
	v37 =	vpack.i.f32.bf16 v37, v43  }
0x1c0: {  	v43 =	vld [tilespmem:s1+$0x0];
	[tilespmem:v23+s19+$0x0] =	vst.idx.msk $0xffff, v37;
	v23 =	vmov v45  }
0x1c1: {  	v37 =	vpack.i.f32.bf16 v41, v38;
	v38 =	vld [tilespmem:s4+$0x0]  }
0x1c2: {  	s1 =	sor.u32 $0x3180, s29;
	[tilespmem:v36+s19+$0x0] =	vst.idx.msk $0xffff, v37;
	v36 =	vld [tilespmem:s13+$0x0]  }
0x1c3: {  	s2 =	sor.u32 s21, s1;
	s1 =	sor.u32 s0, s1;
	s4 =	sor.u32 $0x2980, s23;
	v37 =	vld [tilespmem:s14+$0x180];
	v35 =	vpack.i.f32.bf16 v35, v40  }
0x1c4: {  	s12 =	sor.u32 $0x3980, s23;
	v40 =	vld [tilespmem:s1+$0x0];
	s1 =	sor.u32 s20, s4;
	[tilespmem:v42+s19+$0x0] =	vst.idx.msk $0xffff, v35;
	s4 =	sor.u32 s10, s4  }
0x1c5: {  	s13 =	sor.u32 s20, s12;
	v35 =	vpack.i.f32.bf16 v43, v39;
	v39 =	vor.u32 s8, v3;
	v41 =	vld [tilespmem:s4+$0x0];
	s4 =	sor.u32 s10, s12  }
0x1c6: {  	[tilespmem:v34+s19+$0x0] =	vst.idx.msk $0xffff, v35;
	v34 =	vld [tilespmem:s4+$0x0]  }
0x1c7: {  	v35 =	vld [tilespmem:s6+$0x180];
	v36 =	vpack.i.f32.bf16 v36, v38;
	v38 =	vor.u32 s28, v11  }
0x1c8: {  	v42 =	vld [tilespmem:s2+$0x0];
	[tilespmem:v22+s19+$0x0] =	vst.idx.msk $0xffff, v36;
	v22 =	vmov v47  }
0x1c9: {  	v36 =	vpack.i.f32.bf16 v40, v37;
	v37 =	vld [tilespmem:s1+$0x0]  }
0x1ca: {  	s1 =	sor.u32 $0x3200, s29;
	[tilespmem:v39+s19+$0x0] =	vst.idx.msk $0xffff, v36;
	v36 =	vld [tilespmem:s13+$0x0]  }
0x1cb: {  	s4 =	sor.u32 $0x2A00, s23;
	s2 =	sor.u32 s21, s1;
	s1 =	sor.u32 s0, s1;
	v39 =	vld [tilespmem:s14+$0x200];
	v34 =	vpack.i.f32.bf16 v34, v41  }
0x1cc: {  	s12 =	sor.u32 $0x3A00, s23;
	v40 =	vld [tilespmem:s1+$0x0];
	s1 =	sor.u32 s20, s4;
	[tilespmem:v38+s19+$0x0] =	vst.idx.msk $0xffff, v34;
	s4 =	sor.u32 s10, s4  }
0x1cd: {  	s13 =	sor.u32 s20, s12;
	v34 =	vpack.i.f32.bf16 v42, v35;
	v35 =	vor.u32 s8, v4;
	v38 =	vld [tilespmem:s4+$0x0];
	s4 =	sor.u32 s10, s12  }
0x1ce: {  	[tilespmem:v32+s19+$0x0] =	vst.idx.msk $0xffff, v34;
	v32 =	vld [tilespmem:s4+$0x0]  }
0x1cf: {  	v34 =	vld [tilespmem:s6+$0x200];
	v36 =	vpack.i.f32.bf16 v36, v37;
	v37 =	vor.u32 s28, v12  }
0x1d0: {  	v41 =	vld [tilespmem:s2+$0x0];
	[tilespmem:v21+s19+$0x0] =	vst.idx.msk $0xffff, v36;
	v21 =	vmov v33  }
0x1d1: {  	v33 =	vpack.i.f32.bf16 v40, v39;
	v36 =	vld [tilespmem:s1+$0x0]  }
0x1d2: {  	s1 =	sor.u32 $0x3280, s29;
	[tilespmem:v35+s19+$0x0] =	vst.idx.msk $0xffff, v33;
	v33 =	vld [tilespmem:s13+$0x0]  }
0x1d3: {  	s4 =	sor.u32 $0x2A80, s23;
	s2 =	sor.u32 s21, s1;
	s1 =	sor.u32 s0, s1;
	v35 =	vld [tilespmem:s14+$0x280];
	v32 =	vpack.i.f32.bf16 v32, v38  }
0x1d4: {  	s12 =	sor.u32 $0x3A80, s23;
	v38 =	vld [tilespmem:s1+$0x0];
	s1 =	sor.u32 s20, s4;
	[tilespmem:v37+s19+$0x0] =	vst.idx.msk $0xffff, v32;
	s4 =	sor.u32 s10, s4  }
0x1d5: {  	s9 =	sadd.s32 $0x2, s9;
	s13 =	sor.u32 s20, s12;
	v32 =	vpack.i.f32.bf16 v41, v34;
	v34 =	vor.u32 s8, v5;
	v37 =	vld [tilespmem:s4+$0x0];
	s4 =	sor.u32 s10, s12  }
0x1d6: {  	s12 =	sand.u32 $0x7, s9;
	[tilespmem:v30+s19+$0x0] =	vst.idx.msk $0xffff, v32;
	v30 =	vld [tilespmem:s4+$0x0]  }
0x1d7: {  	s4 =	sshll.u32 s12, $0x4;
	v32 =	vld [tilespmem:s6+$0x280];
	v33 =	vpack.i.f32.bf16 v33, v36;
	v36 =	vor.u32 s28, v13  }
0x1d8: {  	s4 =	sadd.s32 s22, s4;
	v39 =	vld [tilespmem:s2+$0x0];
	[tilespmem:v20+s19+$0x0] =	vst.idx.msk $0xffff, v33;
	v20 =	vmov v31  }
0x1d9: {  	s2 =	sadd.s32 $0x10, s4;
	v31 =	vpack.i.f32.bf16 v38, v35;
	v33 =	vld [tilespmem:s1+$0x0]  }
0x1da: {  	s1 =	sor.u32 $0x3300, s29;
	s2 =	sor.u32 $0x300, s2;
	[tilespmem:v34+s19+$0x0] =	vst.idx.msk $0xffff, v31;
	v31 =	vld [tilespmem:s13+$0x0]  }
0x1db: {  	s4 =	sor.u32 s21, s1;
	s1 =	sor.u32 s0, s1;
	v34 =	vld [tilespmem:s2+$0x2000];
	s2 =	sor.u32 $0x2B00, s23;
	v30 =	vpack.i.f32.bf16 v30, v37  }
0x1dc: {  	s6 =	sor.u32 $0x3B00, s23;
	v35 =	vld [tilespmem:s1+$0x0];
	s1 =	sor.u32 s20, s2;
	[tilespmem:v36+s19+$0x0] =	vst.idx.msk $0xffff, v30;
	s2 =	sor.u32 s10, s2  }
0x1dd: {  	s12 =	sor.u32 s20, s6;
	v30 =	vpack.i.f32.bf16 v39, v32;
	v32 =	vor.u32 s8, v6;
	v36 =	vld [tilespmem:s2+$0x0];
	s2 =	sor.u32 s10, s6  }
0x1de: {  	[tilespmem:v28+s19+$0x0] =	vst.idx.msk $0xffff, v30;
	v37 =	vld [tilespmem:s2+$0x0]  }
0x1df: {  	v38 =	vld [tilespmem:s24+$0x2000];
	v28 =	vpack.i.f32.bf16 v31, v33;
	v33 =	vor.u32 s28, v14  }
0x1e0: {  	v39 =	vld [tilespmem:s4+$0x0];
	[tilespmem:v19+s19+$0x0] =	vst.idx.msk $0xffff, v28;
	v19 =	vmov v29  }
.Ltmp6:
0x1e1: {  	s2 =	sor.u32 s7, s22;
	v29 =	vpack.i.f32.bf16 v35, v34;
	v28 =	vld [tilespmem:s1+$0x0];
	(pc) =	sbr.rel @p2 .LBB2_9-.Ltmp6, $4  }
0x1e2: {  	s2 =	sor.u32 $0x380, s2;
	s1 =	sor.u32 $0x3380, s29;
	[tilespmem:v32+s19+$0x0] =	vst.idx.msk $0xffff, v29;
	v30 =	vld [tilespmem:s12+$0x0]  }
0x1e3: {  	s14 =	sor.u32 s21, s1;
	s1 =	sor.u32 s0, s1;
	v31 =	vld [tilespmem:s2+$0x2000];
	s2 =	sor.u32 $0x2B80, s23;
	v29 =	vpack.i.f32.bf16 v37, v36  }
0x1e4: {  	s4 =	sor.u32 $0x3B80, s23;
	v32 =	vld [tilespmem:s1+$0x0];
	s1 =	sor.u32 s20, s2;
	[tilespmem:v33+s19+$0x0] =	vst.idx.msk $0xffff, v29;
	s2 =	sor.u32 s10, s2  }
0x1e5: {  	s5 =	sadd.s32 $0x1, s5;
	s6 =	sor.u32 s20, s4;
	s10 =	sor.u32 s10, s4;
	v33 =	vpack.i.f32.bf16 v39, v38;
	v29 =	vld [tilespmem:s2+$0x0]  }
0x1e6: {  	_ =	sdelay $0x3  }
0x1e7: {  	[tilespmem:v27+s19+$0x0] =	vst.idx.msk $0xffff, v33  }
0x1e8: {  	v54 =	vor.u32 s8, v7;
	v33 =	vld [tilespmem:s11+$0x2000]  }
0x1e9: {  	v34 =	vld [tilespmem:s14+$0x0];
	_ =	sdelay $0x2  }
0x1ea: {  	s2 =	sor.u32 $0x2800, s29;
	v31 =	vpack.i.f32.bf16 v32, v31  }
0x1eb: {  	s4 =	sor.u32 $0x3800, s29;
	s5 =	sor.u32 s0, s2;
	[tilespmem:v54+s19+$0x0] =	vst.idx.msk $0xffff, v31  }
0x1ec: {  	s22 =	sor.u32 s0, s4;
	v55 =	vpack.i.f32.bf16 v34, v33;
	v31 =	vld [tilespmem:s5+$0x0]  }
0x1ed: {  	s2 =	sor.u32 s21, s2;
	v56 =	vld [tilespmem:s22+$0x0];
	[tilespmem:v26+s19+$0x0] =	vst.idx.msk $0xffff, v55  }
0x1ee: {  	v57 =	vor.u32 s30, v8;
	s4 =	sor.u32 s21, s4;
	v58 =	vld [tilespmem:s2+$0x0]  }
0x1ef: {  	v59 =	vld [tilespmem:s4+$0x0];
	_ =	sdelay $0x2  }
0x1f0: {  	s23 =	sor.u32 $0x2880, s29;
	v26 =	vpack.i.f32.bf16 v56, v31  }
0x1f1: {  	s24 =	sor.u32 $0x3880, s29;
	s31 =	sor.u32 s0, s23;
	[tilespmem:v57+s19+$0x0] =	vst.idx.msk $0xffff, v26  }
0x1f2: {  	s7 =	sor.u32 s0, s24;
	v26 =	vld [tilespmem:s31+$0x0];
	v60 =	vpack.i.f32.bf16 v59, v58  }
0x1f3: {  	s2 =	sor.u32 s21, s23;
	v61 =	vld [tilespmem:s7+$0x0];
	[tilespmem:v25+s19+$0x0] =	vst.idx.msk $0xffff, v60  }
0x1f4: {  	v62 =	vor.u32 s30, v9;
	s4 =	sor.u32 s21, s24;
	v27 =	vld [tilespmem:s2+$0x0]  }
0x1f5: {  	v63 =	vld [tilespmem:s4+$0x0];
	_ =	sdelay $0x2  }
0x1f6: {  	s8 =	sor.u32 $0x2900, s29;
	v26 =	vpack.i.f32.bf16 v61, v26  }
0x1f7: {  	s9 =	sor.u32 $0x3900, s29;
	s11 =	sor.u32 s0, s8;
	[tilespmem:v62+s19+$0x0] =	vst.idx.msk $0xffff, v26  }
0x1f8: {  	s12 =	sor.u32 s0, s9;
	v25 =	vld [tilespmem:s11+$0x0];
	v36 =	vpack.i.f32.bf16 v63, v27  }
0x1f9: {  	s2 =	sor.u32 s21, s8;
	v37 =	vld [tilespmem:s12+$0x0];
	[tilespmem:v23+s19+$0x0] =	vst.idx.msk $0xffff, v36  }
0x1fa: {  	v38 =	vor.u32 s30, v10;
	s4 =	sor.u32 s21, s9;
	v26 =	vld [tilespmem:s2+$0x0]  }
0x1fb: {  	v39 =	vld [tilespmem:s4+$0x0];
	_ =	sdelay $0x2  }
0x1fc: {  	s13 =	sor.u32 $0x2980, s29;
	v25 =	vpack.i.f32.bf16 v37, v25  }
0x1fd: {  	s14 =	sor.u32 $0x3980, s29;
	s17 =	sor.u32 s0, s13;
	[tilespmem:v38+s19+$0x0] =	vst.idx.msk $0xffff, v25  }
0x1fe: {  	s20 =	sor.u32 s0, s14;
	v23 =	vld [tilespmem:s17+$0x0];
	v40 =	vpack.i.f32.bf16 v39, v26  }
0x1ff: {  	s2 =	sor.u32 s21, s13;
	v41 =	vld [tilespmem:s20+$0x0];
	[tilespmem:v22+s19+$0x0] =	vst.idx.msk $0xffff, v40  }
0x200: {  	v42 =	vor.u32 s30, v11;
	s4 =	sor.u32 s21, s14;
	v25 =	vld [tilespmem:s2+$0x0]  }
0x201: {  	v43 =	vld [tilespmem:s4+$0x0];
	_ =	sdelay $0x2  }
0x202: {  	s22 =	sor.u32 $0x2A00, s29;
	v23 =	vpack.i.f32.bf16 v41, v23  }
0x203: {  	s23 =	sor.u32 $0x3A00, s29;
	s24 =	sor.u32 s0, s22;
	[tilespmem:v42+s19+$0x0] =	vst.idx.msk $0xffff, v23  }
0x204: {  	s31 =	sor.u32 s0, s23;
	v22 =	vld [tilespmem:s24+$0x0];
	v44 =	vpack.i.f32.bf16 v43, v25  }
0x205: {  	s2 =	sor.u32 s21, s22;
	v45 =	vld [tilespmem:s31+$0x0];
	[tilespmem:v21+s19+$0x0] =	vst.idx.msk $0xffff, v44  }
0x206: {  	v46 =	vor.u32 s30, v12;
	s4 =	sor.u32 s21, s23;
	v23 =	vld [tilespmem:s2+$0x0]  }
0x207: {  	v47 =	vld [tilespmem:s4+$0x0];
	_ =	sdelay $0x2  }
0x208: {  	s7 =	sor.u32 $0x2A80, s29;
	v22 =	vpack.i.f32.bf16 v45, v22  }
0x209: {  	s8 =	sor.u32 $0x3A80, s29;
	s9 =	sor.u32 s0, s7;
	[tilespmem:v46+s19+$0x0] =	vst.idx.msk $0xffff, v22  }
0x20a: {  	s11 =	sor.u32 s0, s8;
	v21 =	vld [tilespmem:s9+$0x0];
	v48 =	vpack.i.f32.bf16 v47, v23  }
0x20b: {  	s2 =	sor.u32 s21, s7;
	v49 =	vld [tilespmem:s11+$0x0];
	[tilespmem:v20+s19+$0x0] =	vst.idx.msk $0xffff, v48  }
0x20c: {  	v50 =	vor.u32 s30, v13;
	s4 =	sor.u32 s21, s8;
	v22 =	vld [tilespmem:s2+$0x0]  }
0x20d: {  	v51 =	vld [tilespmem:s4+$0x0];
	_ =	sdelay $0x2  }
0x20e: {  	s12 =	sor.u32 $0x2B00, s29;
	v21 =	vpack.i.f32.bf16 v49, v21  }
0x20f: {  	s13 =	sor.u32 $0x3B00, s29;
	s14 =	sor.u32 s0, s12;
	[tilespmem:v50+s19+$0x0] =	vst.idx.msk $0xffff, v21  }
0x210: {  	s17 =	sor.u32 s0, s13;
	v20 =	vld [tilespmem:s14+$0x0];
	v52 =	vpack.i.f32.bf16 v51, v22  }
0x211: {  	s2 =	sor.u32 s21, s12;
	v53 =	vld [tilespmem:s17+$0x0];
	[tilespmem:v19+s19+$0x0] =	vst.idx.msk $0xffff, v52  }
0x212: {  	v54 =	vor.u32 s30, v14;
	s4 =	sor.u32 s21, s13;
	v21 =	vld [tilespmem:s2+$0x0]  }
0x213: {  	v55 =	vld [tilespmem:s4+$0x0]  }
0x214: {  	v56 =	vpack.i.f32.bf16 v30, v28  }
0x215: {  	v57 =	vld [tilespmem:s10+$0x0];
	[tilespmem:v17+s19+$0x0] =	vst.idx.msk $0xffff, v56  }
0x216: {  	v17 =	vld [tilespmem:s1+$0x0];
	s20 =	sor.u32 $0x2B80, s29;
	v20 =	vpack.i.f32.bf16 v53, v20  }
0x217: {  	v58 =	vld [tilespmem:s6+$0x0];
	s22 =	sor.u32 $0x3B80, s29;
	s23 =	sor.u32 s0, s20;
	[tilespmem:v54+s19+$0x0] =	vst.idx.msk $0xffff, v20  }
0x218: {  	s24 =	sor.u32 s0, s22;
	v19 =	vld [tilespmem:s23+$0x0];
	v59 =	vpack.i.f32.bf16 v55, v21  }
0x219: {  	s1 =	sor.u32 s21, s20;
	v61 =	vld [tilespmem:s24+$0x0];
	[tilespmem:v24+s19+$0x0] =	vst.idx.msk $0xffff, v59  }
0x21a: {  	v60 =	vor.u32 s28, v15;
	s29 =	sor.u32 s21, s22;
	v20 =	vld [tilespmem:s1+$0x0]  }
0x21b: {  	v62 =	vor.u32 s30, v15;
	v63 =	vld [tilespmem:s29+$0x0]  }
0x21c: {  	s25 =	sadd.s32 $0x1, s25  }
0x21d: {  	p2 =	sne.s32 s25, $0x3D;
	v17 =	vpack.i.f32.bf16 v58, v17  }
.Ltmp7:
0x21e: {  	[tilespmem:v16+s19+$0x0] =	vst.idx.msk $0xffff, v17;
	v26 =	vpack.i.f32.bf16 v57, v29;
	(pc) =	sbr.rel @p2 .LBB2_2-.Ltmp7, $4  }
0x21f: {  	[tilespmem:v60+s19+$0x0] =	vst.idx.msk $0xffff, v26;
	s31 =	sshll.u32 s26, $0x9;
	v16 =	vpack.i.f32.bf16 v61, v19  }
0x220: {  	s0 =	sand.u32 $0x1FFFFE00, s31;
	[tilespmem:v62+s19+$0x0] =	vst.idx.msk $0xffff, v16;
	v16 =	vpack.i.f32.bf16 v63, v20  }
0x221: {  	s0 =	sadd.s32 s3, s0;
	[tilespmem:v18+s19+$0x0] =	vst.idx.msk $0xffff, v16  }
0x222: {  	[hbm4b:s0+s18] =	stream.linear.scatter [tilespmem:s19], [sflag:$0x4], $0x1000, $0x38;
	[tilespmem:$0x7000] =	vst v63  }
0x223: {  	s0 =	simm.s32 $0x3  }
0x224: {  	_ =	swait.ge [sflag:s0], $0x1000  }
.Ltmp8:
0x225: {  	[sflag:s0] =	ssyncset.done $0x0;
	(pc) =	sbr.rel @p0 .LBB2_15-.Ltmp8, $4  }
0x226: {  	s31 =	simm.s32 $0x4;
	[sflag:s0] =	ssyncadd.s32 $0xFFFFF000  }
0x227: {  	_ =	swait.ge [sflag:s31], $0x1000  }
0x228: {  	[sflag:s31] =	ssyncset.done $0x0  }
0x229: {  	[sflag:s31] =	ssyncadd.s32 $0xFFFFF000  }
0x22a: {  	s0 =	simm.s32 $0x0  }
0x22b: {  	s1 =	rddreg [dreg:$0x6];
	s2 =	simm.s32 $0x800;
	s4 =	simm.s32 $0x7A1400  }
0x22c: {  	[tilespmem:s0], [sflag:$0x1] =	stream.strided.gather [hbm4b:s1+s2], $0x2000, s4, s2, $0x38;
	[tilespmem:$0x7000] =	vst v63  }
0x22d: {  	s1 =	simm.s32 $0x10;
	_ =	swait.ge [sflag:s15], $0x2000  }
0x22e: {  	s23 =	sand.u32 $0x400, s0;
	s28 =	sand.u32 $0x70, s1;
	[sflag:s15] =	ssyncset.done $0x0  }
0x22f: {  	s21 =	sor.u32 $0x1000, s23;
	s8 =	sor.u32 s28, s23;
	[sflag:s15] =	ssyncadd.s32 $0xFFFFE000  }
0x230: {  	s22 =	sor.u32 s28, s21;
	v16 =	vld [tilespmem:s8+$0x0]  }
0x231: {  	s25 =	simm.s32 $0x100;
	s6 =	simm.s32 $0x0;
	v17 =	vld [tilespmem:s22+$0x0]  }
0x232: {  	s10 =	sand.u32 $0x60, s6;
	v18 =	vor.u32 s25, v0  }
0x233: {  	s7 =	sor.u32 s10, s23  }
0x234: {  	s2 =	sor.u32 s10, s21;
	v19 =	vld [tilespmem:s7+$0x0]  }
0x235: {  	s5 =	simm.s32 $0x0;
	v20 =	vld [tilespmem:s2+$0x0]  }
0x236: {  	v21 =	vor.u32 s5, v0;
	v16 =	vpack.i.f32.bf16 v17, v16  }
0x237: {  	s24 =	sor.u32 $0x1080, s23;
	[tilespmem:v18+s16+$0x0] =	vst.idx.msk $0xffff, v16  }
0x238: {  	s26 =	sor.u32 s28, s24;
	v16 =	vld [tilespmem:s8+$0x80]  }
0x239: {  	v17 =	vld [tilespmem:s26+$0x0]  }
0x23a: {  	v18 =	vpack.i.f32.bf16 v20, v19;
	v19 =	vor.u32 s25, v1  }
0x23b: {  	[tilespmem:v21+s16+$0x0] =	vst.idx.msk $0xffff, v18  }
0x23c: {  	s2 =	sor.u32 s10, s24;
	v18 =	vld [tilespmem:s7+$0x80]  }
0x23d: {  	v20 =	vld [tilespmem:s2+$0x0]  }
0x23e: {  	v21 =	vor.u32 s5, v1;
	v16 =	vpack.i.f32.bf16 v17, v16  }
0x23f: {  	s30 =	sor.u32 $0x1100, s23;
	[tilespmem:v19+s16+$0x0] =	vst.idx.msk $0xffff, v16  }
0x240: {  	s31 =	sor.u32 s28, s30;
	v16 =	vld [tilespmem:s8+$0x100]  }
0x241: {  	v17 =	vld [tilespmem:s31+$0x0]  }
0x242: {  	v18 =	vpack.i.f32.bf16 v20, v18;
	v19 =	vor.u32 s25, v2  }
0x243: {  	[tilespmem:v21+s16+$0x0] =	vst.idx.msk $0xffff, v18  }
0x244: {  	s2 =	sor.u32 s10, s30;
	v18 =	vld [tilespmem:s7+$0x100]  }
0x245: {  	v20 =	vld [tilespmem:s2+$0x0]  }
0x246: {  	v21 =	vor.u32 s5, v2;
	v16 =	vpack.i.f32.bf16 v17, v16  }
0x247: {  	s9 =	sor.u32 $0x1180, s23;
	[tilespmem:v19+s16+$0x0] =	vst.idx.msk $0xffff, v16  }
0x248: {  	s11 =	sor.u32 s28, s9;
	v16 =	vld [tilespmem:s8+$0x180]  }
0x249: {  	v17 =	vld [tilespmem:s11+$0x0]  }
0x24a: {  	v18 =	vpack.i.f32.bf16 v20, v18;
	v19 =	vor.u32 s25, v3  }
0x24b: {  	[tilespmem:v21+s16+$0x0] =	vst.idx.msk $0xffff, v18  }
0x24c: {  	s2 =	sor.u32 s10, s9;
	v18 =	vld [tilespmem:s7+$0x180]  }
0x24d: {  	v20 =	vld [tilespmem:s2+$0x0]  }
0x24e: {  	v21 =	vor.u32 s5, v3;
	v16 =	vpack.i.f32.bf16 v17, v16  }
0x24f: {  	s12 =	sor.u32 $0x1200, s23;
	[tilespmem:v19+s16+$0x0] =	vst.idx.msk $0xffff, v16  }
0x250: {  	s13 =	sor.u32 s28, s12;
	v16 =	vld [tilespmem:s8+$0x200]  }
0x251: {  	v17 =	vld [tilespmem:s13+$0x0]  }
0x252: {  	v18 =	vpack.i.f32.bf16 v20, v18;
	v19 =	vor.u32 s25, v4  }
0x253: {  	[tilespmem:v21+s16+$0x0] =	vst.idx.msk $0xffff, v18  }
0x254: {  	s2 =	sor.u32 s10, s12;
	v18 =	vld [tilespmem:s7+$0x200]  }
0x255: {  	v20 =	vld [tilespmem:s2+$0x0]  }
0x256: {  	v21 =	vor.u32 s5, v4;
	v16 =	vpack.i.f32.bf16 v17, v16  }
0x257: {  	s14 =	sor.u32 $0x1280, s23;
	[tilespmem:v19+s16+$0x0] =	vst.idx.msk $0xffff, v16  }
0x258: {  	s17 =	sor.u32 s28, s14;
	v16 =	vld [tilespmem:s8+$0x280]  }
0x259: {  	v17 =	vld [tilespmem:s17+$0x0]  }
0x25a: {  	v18 =	vpack.i.f32.bf16 v20, v18;
	v19 =	vor.u32 s25, v5  }
0x25b: {  	s18 =	sand.u32 $0x7, s0;
	[tilespmem:v21+s16+$0x0] =	vst.idx.msk $0xffff, v18  }
0x25c: {  	s4 =	sshll.u32 s18, $0x4;
	s2 =	sor.u32 s10, s14;
	v18 =	vld [tilespmem:s7+$0x280]  }
0x25d: {  	s4 =	sadd.s32 $0x0, s4;
	v20 =	vld [tilespmem:s2+$0x0]  }
0x25e: {  	s20 =	sadd.s32 $0x10, s4;
	v21 =	vor.u32 s5, v5;
	v16 =	vpack.i.f32.bf16 v17, v16  }
0x25f: {  	s21 =	sor.u32 $0x1300, s23;
	s2 =	sor.u32 $0x300, s20;
	[tilespmem:v19+s16+$0x0] =	vst.idx.msk $0xffff, v16  }
0x260: {  	s22 =	sand.u32 $0x3, s0;
	s24 =	sor.u32 s28, s21;
	v16 =	vld [tilespmem:s2+$0x0]  }
0x261: {  	s7 =	sshll.u32 s22, $0x5;
	v17 =	vld [tilespmem:s24+$0x0]  }
0x262: {  	s26 =	sadd.s32 $0x0, s7;
	v18 =	vpack.i.f32.bf16 v20, v18;
	v19 =	vor.u32 s25, v6  }
0x263: {  	s2 =	sor.u32 $0x300, s26;
	[tilespmem:v21+s16+$0x0] =	vst.idx.msk $0xffff, v18  }
0x264: {  	s4 =	sor.u32 s10, s21;
	v18 =	vld [tilespmem:s2+$0x0]  }
0x265: {  	v20 =	vld [tilespmem:s4+$0x0]  }
0x266: {  	s1 =	sor.u32 s1, s0;
	v21 =	vor.u32 s5, v6;
	v16 =	vpack.i.f32.bf16 v17, v16  }
0x267: {  	s1 =	sor.u32 $0x380, s1;
	s30 =	sor.u32 $0x1380, s23;
	[tilespmem:v19+s16+$0x0] =	vst.idx.msk $0xffff, v16  }
0x268: {  	s31 =	sor.u32 s28, s30;
	v16 =	vld [tilespmem:s1+$0x0]  }
0x269: {  	v17 =	vld [tilespmem:s31+$0x0]  }
0x26a: {  	s0 =	sor.u32 s6, s0;
	v18 =	vpack.i.f32.bf16 v20, v18;
	v19 =	vor.u32 s25, v7  }
0x26b: {  	s0 =	sor.u32 $0x380, s0;
	s8 =	simm.s32 $0x100;
	s7 =	simm.s32 $0x30;
	[tilespmem:v21+s16+$0x0] =	vst.idx.msk $0xffff, v18  }
0x26c: {  	s21 =	sand.u32 $0x400, s8;
	s2 =	sor.u32 s10, s30;
	v18 =	vld [tilespmem:s0+$0x0];
	s0 =	sand.u32 $0x70, s7  }
0x26d: {  	s4 =	sor.u32 $0x1000, s21;
	v20 =	vld [tilespmem:s2+$0x0];
	s9 =	sor.u32 s0, s21  }
0x26e: {  	s11 =	simm.s32 $0x20;
	s14 =	sor.u32 $0x800, s23;
	v21 =	vor.u32 s5, v7;
	s13 =	sor.u32 s0, s4;
	v16 =	vpack.i.f32.bf16 v17, v16;
	v17 =	vld [tilespmem:s9+$0x0]  }
0x26f: {  	s12 =	sor.u32 $0x1800, s23;
	s17 =	sor.u32 s28, s14;
	s26 =	simm.s32 $0x300;
	[tilespmem:v19+s16+$0x0] =	vst.idx.msk $0xffff, v16;
	v16 =	vld [tilespmem:s13+$0x0]  }
0x270: {  	s18 =	sor.u32 s28, s12;
	s22 =	sand.u32 $0x60, s11;
	v19 =	vor.u32 s26, v0;
	v22 =	vld [tilespmem:s17+$0x0]  }
0x271: {  	s1 =	sor.u32 s22, s21;
	v23 =	vld [tilespmem:s18+$0x0]  }
0x272: {  	v24 =	vor.u32 s25, v8;
	s2 =	sor.u32 s22, s4;
	v18 =	vpack.i.f32.bf16 v20, v18;
	v20 =	vld [tilespmem:s1+$0x0]  }
0x273: {  	s6 =	simm.s32 $0x200;
	s4 =	sor.u32 s10, s14;
	[tilespmem:v21+s16+$0x0] =	vst.idx.msk $0xffff, v18;
	v18 =	vld [tilespmem:s2+$0x0]  }
0x274: {  	s20 =	sor.u32 s10, s12;
	v21 =	vor.u32 s6, v0;
	v16 =	vpack.i.f32.bf16 v16, v17;
	v17 =	vld [tilespmem:s4+$0x0]  }
0x275: {  	s24 =	sor.u32 $0x1080, s21;
	[tilespmem:v19+s16+$0x0] =	vst.idx.msk $0xffff, v16;
	v16 =	vld [tilespmem:s20+$0x0]  }
0x276: {  	s31 =	sor.u32 $0x880, s23;
	s30 =	sor.u32 s0, s24;
	v19 =	vor.u32 s5, v8;
	v22 =	vpack.i.f32.bf16 v23, v22;
	v25 =	vld [tilespmem:s9+$0x80]  }
0x277: {  	s14 =	sor.u32 $0x1880, s23;
	s13 =	sor.u32 s28, s31;
	v23 =	vld [tilespmem:s30+$0x0];
	[tilespmem:v24+s16+$0x0] =	vst.idx.msk $0xffff, v22  }
0x278: {  	s17 =	sor.u32 s28, s14;
	v18 =	vpack.i.f32.bf16 v18, v20;
	v20 =	vor.u32 s26, v1;
	v22 =	vld [tilespmem:s13+$0x0]  }
0x279: {  	[tilespmem:v21+s16+$0x0] =	vst.idx.msk $0xffff, v18;
	v18 =	vld [tilespmem:s17+$0x0]  }
0x27a: {  	s4 =	sor.u32 s22, s24;
	v21 =	vld [tilespmem:s1+$0x80];
	v16 =	vpack.i.f32.bf16 v16, v17;
	v17 =	vor.u32 s25, v9  }
0x27b: {  	s12 =	sor.u32 s10, s31;
	v24 =	vld [tilespmem:s4+$0x0];
	[tilespmem:v19+s16+$0x0] =	vst.idx.msk $0xffff, v16  }
0x27c: {  	s2 =	sor.u32 s10, s14;
	v16 =	vor.u32 s6, v1;
	v19 =	vpack.i.f32.bf16 v23, v25;
	v23 =	vld [tilespmem:s12+$0x0]  }
0x27d: {  	s18 =	sor.u32 $0x1100, s21;
	[tilespmem:v20+s16+$0x0] =	vst.idx.msk $0xffff, v19;
	v19 =	vld [tilespmem:s2+$0x0]  }
0x27e: {  	s24 =	sor.u32 $0x900, s23;
	s20 =	sor.u32 s0, s18;
	v20 =	vor.u32 s5, v9;
	v18 =	vpack.i.f32.bf16 v18, v22;
	v25 =	vld [tilespmem:s9+$0x100]  }
0x27f: {  	s31 =	sor.u32 s28, s24;
	s30 =	sor.u32 $0x1900, s23;
	v22 =	vld [tilespmem:s20+$0x0];
	[tilespmem:v17+s16+$0x0] =	vst.idx.msk $0xffff, v18  }
0x280: {  	s14 =	sor.u32 s28, s30;
	v17 =	vpack.i.f32.bf16 v24, v21;
	v18 =	vor.u32 s26, v2;
	v21 =	vld [tilespmem:s31+$0x0]  }
0x281: {  	[tilespmem:v16+s16+$0x0] =	vst.idx.msk $0xffff, v17;
	v16 =	vld [tilespmem:s14+$0x0]  }
0x282: {  	s4 =	sor.u32 s22, s18;
	v17 =	vld [tilespmem:s1+$0x100];
	v19 =	vpack.i.f32.bf16 v19, v23;
	v23 =	vor.u32 s25, v10  }
0x283: {  	s12 =	sor.u32 s10, s24;
	v24 =	vld [tilespmem:s4+$0x0];
	[tilespmem:v20+s16+$0x0] =	vst.idx.msk $0xffff, v19  }
0x284: {  	s2 =	sor.u32 s10, s30;
	v19 =	vor.u32 s6, v2;
	v20 =	vpack.i.f32.bf16 v22, v25;
	v22 =	vld [tilespmem:s12+$0x0]  }
0x285: {  	s17 =	sor.u32 $0x1180, s21;
	[tilespmem:v18+s16+$0x0] =	vst.idx.msk $0xffff, v20;
	v18 =	vld [tilespmem:s2+$0x0]  }
0x286: {  	s18 =	sor.u32 s0, s17;
	s20 =	sor.u32 $0x980, s23;
	v20 =	vor.u32 s5, v10;
	v25 =	vld [tilespmem:s9+$0x180];
	v16 =	vpack.i.f32.bf16 v16, v21  }
0x287: {  	s24 =	sor.u32 $0x1980, s23;
	s30 =	sor.u32 s28, s20;
	v21 =	vld [tilespmem:s18+$0x0];
	[tilespmem:v23+s16+$0x0] =	vst.idx.msk $0xffff, v16  }
0x288: {  	s31 =	sor.u32 s28, s24;
	v16 =	vpack.i.f32.bf16 v24, v17;
	v17 =	vor.u32 s26, v3;
	v23 =	vld [tilespmem:s30+$0x0]  }
0x289: {  	[tilespmem:v19+s16+$0x0] =	vst.idx.msk $0xffff, v16;
	v16 =	vld [tilespmem:s31+$0x0]  }
0x28a: {  	s4 =	sor.u32 s22, s17;
	v19 =	vld [tilespmem:s1+$0x180];
	v18 =	vpack.i.f32.bf16 v18, v22;
	v22 =	vor.u32 s25, v11  }
0x28b: {  	s12 =	sor.u32 s10, s20;
	v24 =	vld [tilespmem:s4+$0x0];
	[tilespmem:v20+s16+$0x0] =	vst.idx.msk $0xffff, v18  }
0x28c: {  	s2 =	sor.u32 s10, s24;
	v18 =	vor.u32 s6, v3;
	v20 =	vpack.i.f32.bf16 v21, v25;
	v21 =	vld [tilespmem:s12+$0x0]  }
0x28d: {  	s12 =	sor.u32 $0x1200, s21;
	[tilespmem:v17+s16+$0x0] =	vst.idx.msk $0xffff, v20;
	v17 =	vld [tilespmem:s2+$0x0]  }
0x28e: {  	s14 =	sor.u32 $0xA00, s23;
	v20 =	vor.u32 s5, v11;
	v25 =	vld [tilespmem:s9+$0x200];
	s13 =	sor.u32 s0, s12;
	v16 =	vpack.i.f32.bf16 v16, v23  }
0x28f: {  	s17 =	sor.u32 $0x1A00, s23;
	s18 =	sor.u32 s28, s14;
	v23 =	vld [tilespmem:s13+$0x0];
	[tilespmem:v22+s16+$0x0] =	vst.idx.msk $0xffff, v16  }
0x290: {  	s20 =	sor.u32 s28, s17;
	v16 =	vpack.i.f32.bf16 v24, v19;
	v19 =	vor.u32 s26, v4;
	v22 =	vld [tilespmem:s18+$0x0]  }
0x291: {  	[tilespmem:v18+s16+$0x0] =	vst.idx.msk $0xffff, v16;
	v16 =	vld [tilespmem:s20+$0x0]  }
0x292: {  	s4 =	sor.u32 s22, s12;
	v18 =	vld [tilespmem:s1+$0x200];
	v17 =	vpack.i.f32.bf16 v17, v21;
	v21 =	vor.u32 s25, v12  }
0x293: {  	s12 =	sor.u32 s10, s14;
	v24 =	vld [tilespmem:s4+$0x0];
	[tilespmem:v20+s16+$0x0] =	vst.idx.msk $0xffff, v17  }
0x294: {  	s2 =	sor.u32 s10, s17;
	v17 =	vor.u32 s6, v4;
	v20 =	vpack.i.f32.bf16 v23, v25;
	v23 =	vld [tilespmem:s12+$0x0]  }
0x295: {  	s24 =	sor.u32 $0x1280, s21;
	[tilespmem:v19+s16+$0x0] =	vst.idx.msk $0xffff, v20;
	v19 =	vld [tilespmem:s2+$0x0]  }
0x296: {  	s30 =	sor.u32 s0, s24;
	s31 =	sor.u32 $0xA80, s23;
	v20 =	vor.u32 s5, v12;
	v25 =	vld [tilespmem:s9+$0x280];
	v16 =	vpack.i.f32.bf16 v16, v22  }
0x297: {  	s17 =	sor.u32 $0x1A80, s23;
	s18 =	sor.u32 s28, s31;
	v22 =	vld [tilespmem:s30+$0x0];
	[tilespmem:v21+s16+$0x0] =	vst.idx.msk $0xffff, v16  }
0x298: {  	s20 =	sor.u32 s28, s17;
	s9 =	simm.s32 $0x2;
	v16 =	vpack.i.f32.bf16 v24, v18;
	v18 =	vor.u32 s26, v5;
	v21 =	vld [tilespmem:s18+$0x0]  }
0x299: {  	s14 =	sand.u32 $0x7, s9;
	[tilespmem:v17+s16+$0x0] =	vst.idx.msk $0xffff, v16;
	v16 =	vld [tilespmem:s20+$0x0]  }
0x29a: {  	s4 =	sor.u32 s22, s24;
	s24 =	sshll.u32 s14, $0x4;
	v17 =	vld [tilespmem:s1+$0x280];
	v19 =	vpack.i.f32.bf16 v19, v23;
	v23 =	vor.u32 s25, v13  }
0x29b: {  	s30 =	sor.u32 s10, s31;
	s31 =	sadd.s32 $0x100, s24;
	v24 =	vld [tilespmem:s4+$0x0];
	[tilespmem:v20+s16+$0x0] =	vst.idx.msk $0xffff, v19  }
0x29c: {  	s2 =	sor.u32 s10, s17;
	s13 =	sadd.s32 $0x10, s31;
	v19 =	vor.u32 s6, v5;
	v20 =	vpack.i.f32.bf16 v22, v25;
	v22 =	vld [tilespmem:s30+$0x0]  }
0x29d: {  	s17 =	sor.u32 $0x1300, s21;
	s14 =	simm.s32 $0x1;
	s4 =	sor.u32 $0x300, s13;
	[tilespmem:v18+s16+$0x0] =	vst.idx.msk $0xffff, v20;
	v18 =	vld [tilespmem:s2+$0x0]  }
0x29e: {  	s18 =	sor.u32 s0, s17;
	s20 =	sor.u32 $0xB00, s23;
	s1 =	sand.u32 $0x3, s14;
	v20 =	vor.u32 s5, v13;
	v25 =	vld [tilespmem:s4+$0x0];
	v16 =	vpack.i.f32.bf16 v16, v21  }
0x29f: {  	s24 =	sor.u32 $0x1B00, s23;
	s1 =	sshll.u32 s1, $0x5;
	s30 =	sor.u32 s28, s20;
	v21 =	vld [tilespmem:s18+$0x0];
	[tilespmem:v23+s16+$0x0] =	vst.idx.msk $0xffff, v16  }
0x2a0: {  	s31 =	sor.u32 s28, s24;
	s1 =	sadd.s32 $0x100, s1;
	v16 =	vpack.i.f32.bf16 v24, v17;
	v23 =	vor.u32 s26, v6;
	v24 =	vld [tilespmem:s30+$0x0]  }
0x2a1: {  	s1 =	sor.u32 $0x300, s1;
	[tilespmem:v19+s16+$0x0] =	vst.idx.msk $0xffff, v16;
	v19 =	vld [tilespmem:s31+$0x0]  }
0x2a2: {  	s12 =	sor.u32 s22, s17;
	v27 =	vld [tilespmem:s1+$0x0];
	v16 =	vpack.i.f32.bf16 v18, v22;
	v18 =	vor.u32 s25, v14  }
0x2a3: {  	s4 =	sor.u32 s10, s20;
	v29 =	vld [tilespmem:s12+$0x0];
	[tilespmem:v20+s16+$0x0] =	vst.idx.msk $0xffff, v16  }
0x2a4: {  	v33 =	vor.u32 s6, v6;
	s13 =	sor.u32 s7, s8;
	s2 =	sor.u32 s10, s24;
	v20 =	vpack.i.f32.bf16 v21, v25;
	v28 =	vld [tilespmem:s4+$0x0]  }
0x2a5: {  	v26 =	vor.u32 s6, v7;
	s14 =	sor.u32 $0x1380, s21;
	v17 =	vor.u32 s5, v14;
	s4 =	sor.u32 $0x380, s13;
	v30 =	vld [tilespmem:s2+$0x0];
	[tilespmem:v23+s16+$0x0] =	vst.idx.msk $0xffff, v20  }
0x2a6: {  	s17 =	sor.u32 s11, s8;
	s18 =	sor.u32 s0, s14;
	s20 =	sor.u32 $0xB80, s23;
	v22 =	vor.u32 s6, v10;
	v16 =	vor.u32 s5, v15;
	v31 =	vld [tilespmem:s4+$0x0];
	v19 =	vpack.i.f32.bf16 v19, v24  }
0x2a7: {  	s29 =	sor.u32 $0x380, s17;
	s24 =	sor.u32 $0x1B80, s23;
	s30 =	sor.u32 s28, s20;
	v25 =	vor.u32 s6, v8;
	v21 =	vor.u32 s6, v11;
	v23 =	vor.u32 s6, v9;
	v32 =	vld [tilespmem:s18+$0x0];
	[tilespmem:v18+s16+$0x0] =	vst.idx.msk $0xffff, v19  }
0x2a8: {  	s14 =	sor.u32 s22, s14;
	s31 =	sor.u32 s28, s24;
	s1 =	sor.u32 s10, s20;
	v20 =	vor.u32 s6, v12;
	v24 =	vor.u32 s6, v14;
	v27 =	vpack.i.f32.bf16 v29, v27;
	v29 =	vld [tilespmem:s30+$0x0]  }
0x2a9: {  	s5 =	simm.s32 $0x2;
	v19 =	vor.u32 s6, v13;
	v18 =	vor.u32 s6, v15;
	s6 =	sor.u32 s10, s24;
	s10 =	simm.s32 $0x2;
	[tilespmem:v33+s16+$0x0] =	vst.idx.msk $0xffff, v27;
	v33 =	vor.u32 s26, v7;
	v27 =	vld [tilespmem:s31+$0x0]  }
.LBB2_13:
0x2aa: {  	s2 =	sand.u32 $0x3, s10;
	v34 =	vld [tilespmem:s29+$0x0];
	v28 =	vpack.i.f32.bf16 v30, v28;
	v30 =	vor.u32 s25, v15;
	s25 =	smov.u32 s26  }
0x2ab: {  	s7 =	sadd.s32 $0x20, s7;
	s8 =	sadd.s32 $0x100, s8;
	s2 =	sshll.u32 s2, $0x5;
	v35 =	vld [tilespmem:s14+$0x0];
	[tilespmem:v17+s16+$0x0] =	vst.idx.msk $0xffff, v28;
	v17 =	vmov v24  }
0x2ac: {  	s4 =	sadd.s32 $0xFFFFFFF0, s7;
	s23 =	sand.u32 $0x400, s8;
	s11 =	sand.u32 $0x70, s7;
	v36 =	vld [tilespmem:s1+$0x0]  }
0x2ad: {  	s20 =	sand.u32 $0x60, s4;
	s12 =	sor.u32 $0x1000, s23;
	s1 =	sor.u32 s11, s23;
	v24 =	vpack.i.f32.bf16 v32, v31;
	v37 =	vld [tilespmem:s6+$0x0]  }
0x2ae: {  	s13 =	sor.u32 $0x800, s21;
	s14 =	sor.u32 s20, s23;
	s6 =	sor.u32 s11, s12;
	v31 =	vld [tilespmem:s1+$0x0];
	[tilespmem:v33+s16+$0x0] =	vst.idx.msk $0xffff, v24;
	v24 =	vpack.i.f32.bf16 v27, v29  }
0x2af: {  	s17 =	sor.u32 $0x1800, s21;
	s26 =	sadd.s32 $0x200, s26;
	v29 =	vld [tilespmem:s6+$0x0];
	s6 =	sor.u32 s0, s13;
	[tilespmem:v30+s16+$0x0] =	vst.idx.msk $0xffff, v24  }
0x2b0: {  	s18 =	sadd.s32 $0xFFFFFF00, s26;
	s12 =	sor.u32 s20, s12;
	v24 =	vor.u32 s26, v0;
	v27 =	vpack.i.f32.bf16 v35, v34;
	v35 =	vld [tilespmem:s6+$0x0];
	s6 =	sor.u32 s0, s17  }
0x2b1: {  	v38 =	vor.u32 s18, v0;
	v39 =	vor.u32 s18, v1;
	s2 =	sadd.s32 s2, s8;
	s4 =	sor.u32 s4, s8;
	s13 =	sor.u32 s22, s13;
	v34 =	vor.u32 s18, v2;
	[tilespmem:v26+s16+$0x0] =	vst.idx.msk $0xffff, v27;
	v40 =	vld [tilespmem:s6+$0x0]  }
0x2b2: {  	v42 =	vor.u32 s25, v8;
	v32 =	vor.u32 s18, v3;
	s29 =	sor.u32 $0x380, s4;
	v30 =	vor.u32 s18, v4;
	s6 =	sor.u32 $0x300, s2;
	s2 =	sor.u32 s22, s17;
	v41 =	vld [tilespmem:s14+$0x0]  }
0x2b3: {  	v28 =	vor.u32 s18, v5;
	v27 =	vor.u32 s18, v6;
	v26 =	vor.u32 s18, v7;
	v43 =	vld [tilespmem:s12+$0x0]  }
0x2b4: {  	v44 =	vor.u32 s18, v8;
	v45 =	vor.u32 s18, v9;
	v29 =	vpack.i.f32.bf16 v29, v31;
	v46 =	vld [tilespmem:s13+$0x0]  }
0x2b5: {  	v47 =	vor.u32 s18, v10;
	s4 =	sor.u32 $0x1080, s23;
	v33 =	vor.u32 s18, v11;
	v31 =	vor.u32 s18, v12;
	[tilespmem:v24+s16+$0x0] =	vst.idx.msk $0xffff, v29;
	v48 =	vld [tilespmem:s2+$0x0]  }
0x2b6: {  	s12 =	sor.u32 $0x880, s21;
	s2 =	sor.u32 s20, s4;
	v29 =	vor.u32 s18, v13;
	v24 =	vor.u32 s18, v14;
	s4 =	sor.u32 s11, s4;
	v49 =	vld [tilespmem:s1+$0x80];
	v35 =	vpack.i.f32.bf16 v40, v35  }
0x2b7: {  	s13 =	sor.u32 $0x1880, s21;
	v40 =	vor.u32 s18, v15;
	v50 =	vld [tilespmem:s4+$0x0];
	s4 =	sor.u32 s22, s12;
	[tilespmem:v42+s16+$0x0] =	vst.idx.msk $0xffff, v35;
	s12 =	sor.u32 s0, s12;
	v35 =	vpack.i.f32.bf16 v37, v36  }
0x2b8: {  	s17 =	sor.u32 s22, s13;
	v37 =	vor.u32 s26, v1;
	v36 =	vpack.i.f32.bf16 v43, v41;
	v41 =	vld [tilespmem:s12+$0x0];
	s12 =	sor.u32 s0, s13;
	[tilespmem:v16+s16+$0x0] =	vst.idx.msk $0xffff, v35;
	v16 =	vmovc v18;
	v18 =	vmov v40  }
0x2b9: {  	[tilespmem:v38+s16+$0x0] =	vst.idx.msk $0xffff, v36;
	v35 =	vld [tilespmem:s12+$0x0]  }
0x2ba: {  	v40 =	vor.u32 s25, v9;
	v36 =	vld [tilespmem:s14+$0x80];
	v38 =	vpack.i.f32.bf16 v48, v46  }
0x2bb: {  	v42 =	vld [tilespmem:s2+$0x0];
	[tilespmem:v25+s16+$0x0] =	vst.idx.msk $0xffff, v38;
	v25 =	vmov v44  }
0x2bc: {  	v38 =	vpack.i.f32.bf16 v50, v49;
	v43 =	vld [tilespmem:s4+$0x0]  }
0x2bd: {  	s5 =	sadd.s32 $0x2, s5;
	s2 =	sor.u32 $0x1100, s23;
	[tilespmem:v37+s16+$0x0] =	vst.idx.msk $0xffff, v38;
	v37 =	vld [tilespmem:s17+$0x0]  }
0x2be: {  	p2 =	slt.u32 s5, $0xE;
	s12 =	sor.u32 $0x900, s21;
	s4 =	sor.u32 s11, s2;
	v38 =	vld [tilespmem:s1+$0x100];
	v35 =	vpack.i.f32.bf16 v35, v41  }
0x2bf: {  	s13 =	sor.u32 s0, s12;
	s2 =	sor.u32 s20, s2;
	v41 =	vld [tilespmem:s4+$0x0];
	s4 =	sor.u32 $0x1900, s21;
	[tilespmem:v40+s16+$0x0] =	vst.idx.msk $0xffff, v35  }
0x2c0: {  	s12 =	sor.u32 s22, s12;
	v35 =	vpack.i.f32.bf16 v42, v36;
	v36 =	vor.u32 s26, v2;
	s17 =	sor.u32 s22, s4;
	v40 =	vld [tilespmem:s13+$0x0];
	s4 =	sor.u32 s0, s4  }
0x2c1: {  	[tilespmem:v39+s16+$0x0] =	vst.idx.msk $0xffff, v35;
	v35 =	vld [tilespmem:s4+$0x0]  }
0x2c2: {  	v42 =	vor.u32 s25, v10;
	v39 =	vld [tilespmem:s14+$0x100];
	v37 =	vpack.i.f32.bf16 v37, v43  }
0x2c3: {  	v43 =	vld [tilespmem:s2+$0x0];
	[tilespmem:v23+s16+$0x0] =	vst.idx.msk $0xffff, v37;
	v23 =	vmov v45  }
0x2c4: {  	v37 =	vpack.i.f32.bf16 v41, v38;
	v38 =	vld [tilespmem:s12+$0x0]  }
0x2c5: {  	s2 =	sor.u32 $0x1180, s23;
	[tilespmem:v36+s16+$0x0] =	vst.idx.msk $0xffff, v37;
	v36 =	vld [tilespmem:s17+$0x0]  }
0x2c6: {  	s4 =	sor.u32 s20, s2;
	s2 =	sor.u32 s11, s2;
	s12 =	sor.u32 $0x980, s21;
	v37 =	vld [tilespmem:s1+$0x180];
	v35 =	vpack.i.f32.bf16 v35, v40  }
0x2c7: {  	s13 =	sor.u32 $0x1980, s21;
	v40 =	vld [tilespmem:s2+$0x0];
	s2 =	sor.u32 s22, s12;
	[tilespmem:v42+s16+$0x0] =	vst.idx.msk $0xffff, v35;
	s12 =	sor.u32 s0, s12  }
0x2c8: {  	s17 =	sor.u32 s22, s13;
	v35 =	vpack.i.f32.bf16 v43, v39;
	v39 =	vor.u32 s26, v3;
	v41 =	vld [tilespmem:s12+$0x0];
	s12 =	sor.u32 s0, s13  }
0x2c9: {  	[tilespmem:v34+s16+$0x0] =	vst.idx.msk $0xffff, v35;
	v34 =	vld [tilespmem:s12+$0x0]  }
0x2ca: {  	v35 =	vld [tilespmem:s14+$0x180];
	v36 =	vpack.i.f32.bf16 v36, v38;
	v38 =	vor.u32 s25, v11  }
0x2cb: {  	v42 =	vld [tilespmem:s4+$0x0];
	[tilespmem:v22+s16+$0x0] =	vst.idx.msk $0xffff, v36;
	v22 =	vmov v47  }
0x2cc: {  	v36 =	vpack.i.f32.bf16 v40, v37;
	v37 =	vld [tilespmem:s2+$0x0]  }
0x2cd: {  	s2 =	sor.u32 $0x1200, s23;
	[tilespmem:v39+s16+$0x0] =	vst.idx.msk $0xffff, v36;
	v36 =	vld [tilespmem:s17+$0x0]  }
0x2ce: {  	s12 =	sor.u32 $0xA00, s21;
	s4 =	sor.u32 s20, s2;
	s2 =	sor.u32 s11, s2;
	v39 =	vld [tilespmem:s1+$0x200];
	v34 =	vpack.i.f32.bf16 v34, v41  }
0x2cf: {  	s13 =	sor.u32 $0x1A00, s21;
	v40 =	vld [tilespmem:s2+$0x0];
	s2 =	sor.u32 s22, s12;
	[tilespmem:v38+s16+$0x0] =	vst.idx.msk $0xffff, v34;
	s12 =	sor.u32 s0, s12  }
0x2d0: {  	s17 =	sor.u32 s22, s13;
	v34 =	vpack.i.f32.bf16 v42, v35;
	v35 =	vor.u32 s26, v4;
	v38 =	vld [tilespmem:s12+$0x0];
	s12 =	sor.u32 s0, s13  }
0x2d1: {  	[tilespmem:v32+s16+$0x0] =	vst.idx.msk $0xffff, v34;
	v32 =	vld [tilespmem:s12+$0x0]  }
0x2d2: {  	v34 =	vld [tilespmem:s14+$0x200];
	v36 =	vpack.i.f32.bf16 v36, v37;
	v37 =	vor.u32 s25, v12  }
0x2d3: {  	v41 =	vld [tilespmem:s4+$0x0];
	[tilespmem:v21+s16+$0x0] =	vst.idx.msk $0xffff, v36;
	v21 =	vmov v33  }
0x2d4: {  	v33 =	vpack.i.f32.bf16 v40, v39;
	v36 =	vld [tilespmem:s2+$0x0]  }
0x2d5: {  	s2 =	sor.u32 $0x1280, s23;
	[tilespmem:v35+s16+$0x0] =	vst.idx.msk $0xffff, v33;
	v33 =	vld [tilespmem:s17+$0x0]  }
0x2d6: {  	s4 =	sor.u32 s20, s2;
	v35 =	vld [tilespmem:s1+$0x280];
	s1 =	sor.u32 s11, s2;
	s2 =	sor.u32 $0xA80, s21;
	v32 =	vpack.i.f32.bf16 v32, v38  }
0x2d7: {  	s12 =	sor.u32 $0x1A80, s21;
	v38 =	vld [tilespmem:s1+$0x0];
	s1 =	sor.u32 s22, s2;
	[tilespmem:v37+s16+$0x0] =	vst.idx.msk $0xffff, v32;
	s2 =	sor.u32 s0, s2  }
0x2d8: {  	s9 =	sadd.s32 $0x2, s9;
	s13 =	sor.u32 s22, s12;
	v32 =	vpack.i.f32.bf16 v41, v34;
	v34 =	vor.u32 s26, v5;
	v37 =	vld [tilespmem:s2+$0x0];
	s2 =	sor.u32 s0, s12  }
0x2d9: {  	s12 =	sand.u32 $0x7, s9;
	[tilespmem:v30+s16+$0x0] =	vst.idx.msk $0xffff, v32;
	v30 =	vld [tilespmem:s2+$0x0]  }
0x2da: {  	s2 =	sshll.u32 s12, $0x4;
	v32 =	vld [tilespmem:s14+$0x280];
	v33 =	vpack.i.f32.bf16 v33, v36;
	v36 =	vor.u32 s25, v13  }
0x2db: {  	s2 =	sadd.s32 s8, s2;
	v39 =	vld [tilespmem:s4+$0x0];
	[tilespmem:v20+s16+$0x0] =	vst.idx.msk $0xffff, v33;
	v20 =	vmov v31  }
0x2dc: {  	s2 =	sadd.s32 $0x10, s2;
	v31 =	vpack.i.f32.bf16 v38, v35;
	v33 =	vld [tilespmem:s1+$0x0]  }
0x2dd: {  	s1 =	sor.u32 $0x1300, s23;
	s2 =	sor.u32 $0x300, s2;
	[tilespmem:v34+s16+$0x0] =	vst.idx.msk $0xffff, v31;
	v31 =	vld [tilespmem:s13+$0x0]  }
0x2de: {  	s4 =	sor.u32 s20, s1;
	s1 =	sor.u32 s11, s1;
	v34 =	vld [tilespmem:s2+$0x0];
	s2 =	sor.u32 $0xB00, s21;
	v30 =	vpack.i.f32.bf16 v30, v37  }
0x2df: {  	s12 =	sor.u32 $0x1B00, s21;
	v35 =	vld [tilespmem:s1+$0x0];
	s1 =	sor.u32 s22, s2;
	[tilespmem:v36+s16+$0x0] =	vst.idx.msk $0xffff, v30;
	s2 =	sor.u32 s0, s2  }
0x2e0: {  	s13 =	sor.u32 s22, s12;
	v30 =	vpack.i.f32.bf16 v39, v32;
	v32 =	vor.u32 s26, v6;
	v36 =	vld [tilespmem:s2+$0x0];
	s2 =	sor.u32 s0, s12  }
0x2e1: {  	[tilespmem:v28+s16+$0x0] =	vst.idx.msk $0xffff, v30;
	v37 =	vld [tilespmem:s2+$0x0]  }
0x2e2: {  	v38 =	vld [tilespmem:s6+$0x0];
	v28 =	vpack.i.f32.bf16 v31, v33;
	v33 =	vor.u32 s25, v14  }
0x2e3: {  	v39 =	vld [tilespmem:s4+$0x0];
	[tilespmem:v19+s16+$0x0] =	vst.idx.msk $0xffff, v28;
	v19 =	vmov v29  }
0x2e4: {  	s2 =	sor.u32 s7, s8;
	v29 =	vpack.i.f32.bf16 v35, v34;
	v28 =	vld [tilespmem:s1+$0x0]  }
.Ltmp9:
0x2e5: {  	s2 =	sor.u32 $0x380, s2;
	s1 =	sor.u32 $0x1380, s23;
	[tilespmem:v32+s16+$0x0] =	vst.idx.msk $0xffff, v29;
	v30 =	vld [tilespmem:s13+$0x0];
	(pc) =	sbr.rel @p2 .LBB2_13-.Ltmp9, $4  }
0x2e6: {  	s14 =	sor.u32 s20, s1;
	s1 =	sor.u32 s11, s1;
	v31 =	vld [tilespmem:s2+$0x0];
	s2 =	sor.u32 $0xB80, s21;
	v29 =	vpack.i.f32.bf16 v37, v36  }
0x2e7: {  	s4 =	sor.u32 $0x1B80, s21;
	v32 =	vld [tilespmem:s1+$0x0];
	s1 =	sor.u32 s22, s2;
	[tilespmem:v33+s16+$0x0] =	vst.idx.msk $0xffff, v29;
	s2 =	sor.u32 s0, s2  }
0x2e8: {  	s6 =	sor.u32 s22, s4;
	s21 =	smov.u32 s23;
	s0 =	sor.u32 s0, s4;
	v33 =	vpack.i.f32.bf16 v39, v38;
	v29 =	vld [tilespmem:s2+$0x0]  }
0x2e9: {  	s10 =	sadd.s32 $0x1, s10;
	s22 =	smov.u32 s20;
	[tilespmem:v27+s16+$0x0] =	vst.idx.msk $0xffff, v33;
	v33 =	vor.u32 s26, v7;
	v27 =	vld [tilespmem:s0+$0x0];
	s0 =	smov.u32 s11  }
0x2ea: {  	v34 =	vld [tilespmem:s29+$0x0]  }
0x2eb: {  	v35 =	vld [tilespmem:s14+$0x0];
	_ =	sdelay $0x2  }
0x2ec: {  	s2 =	sor.u32 $0x800, s21;
	v31 =	vpack.i.f32.bf16 v32, v31  }
0x2ed: {  	s4 =	sor.u32 $0x1800, s21;
	s5 =	sor.u32 s0, s2;
	[tilespmem:v33+s16+$0x0] =	vst.idx.msk $0xffff, v31  }
0x2ee: {  	s9 =	sor.u32 s0, s4;
	v55 =	vld [tilespmem:s5+$0x0];
	v54 =	vpack.i.f32.bf16 v35, v34  }
0x2ef: {  	s2 =	sor.u32 s22, s2;
	v56 =	vld [tilespmem:s9+$0x0];
	[tilespmem:v26+s16+$0x0] =	vst.idx.msk $0xffff, v54  }
0x2f0: {  	v57 =	vor.u32 s26, v8;
	s4 =	sor.u32 s22, s4;
	v58 =	vld [tilespmem:s2+$0x0]  }
0x2f1: {  	v59 =	vld [tilespmem:s4+$0x0];
	_ =	sdelay $0x2  }
0x2f2: {  	s10 =	sor.u32 $0x880, s21;
	v26 =	vpack.i.f32.bf16 v56, v55  }
0x2f3: {  	s11 =	sor.u32 $0x1880, s21;
	s12 =	sor.u32 s0, s10;
	[tilespmem:v57+s16+$0x0] =	vst.idx.msk $0xffff, v26  }
0x2f4: {  	s13 =	sor.u32 s0, s11;
	v26 =	vld [tilespmem:s12+$0x0];
	v60 =	vpack.i.f32.bf16 v59, v58  }
0x2f5: {  	s2 =	sor.u32 s22, s10;
	v61 =	vld [tilespmem:s13+$0x0];
	[tilespmem:v25+s16+$0x0] =	vst.idx.msk $0xffff, v60  }
0x2f6: {  	v62 =	vor.u32 s26, v9;
	s4 =	sor.u32 s22, s11;
	v31 =	vld [tilespmem:s2+$0x0]  }
0x2f7: {  	v63 =	vld [tilespmem:s4+$0x0];
	_ =	sdelay $0x2  }
0x2f8: {  	s14 =	sor.u32 $0x900, s21;
	v26 =	vpack.i.f32.bf16 v61, v26  }
0x2f9: {  	s17 =	sor.u32 $0x1900, s21;
	s18 =	sor.u32 s0, s14;
	[tilespmem:v62+s16+$0x0] =	vst.idx.msk $0xffff, v26  }
0x2fa: {  	s20 =	sor.u32 s0, s17;
	v25 =	vld [tilespmem:s18+$0x0];
	v36 =	vpack.i.f32.bf16 v63, v31  }
0x2fb: {  	s2 =	sor.u32 s22, s14;
	v37 =	vld [tilespmem:s20+$0x0];
	[tilespmem:v23+s16+$0x0] =	vst.idx.msk $0xffff, v36  }
0x2fc: {  	v38 =	vor.u32 s26, v10;
	s4 =	sor.u32 s22, s17;
	v26 =	vld [tilespmem:s2+$0x0]  }
0x2fd: {  	v39 =	vld [tilespmem:s4+$0x0];
	_ =	sdelay $0x2  }
0x2fe: {  	s23 =	sor.u32 $0x980, s21;
	v25 =	vpack.i.f32.bf16 v37, v25  }
0x2ff: {  	s24 =	sor.u32 $0x1980, s21;
	s28 =	sor.u32 s0, s23;
	[tilespmem:v38+s16+$0x0] =	vst.idx.msk $0xffff, v25  }
0x300: {  	s29 =	sor.u32 s0, s24;
	v23 =	vld [tilespmem:s28+$0x0];
	v40 =	vpack.i.f32.bf16 v39, v26  }
0x301: {  	s2 =	sor.u32 s22, s23;
	v41 =	vld [tilespmem:s29+$0x0];
	[tilespmem:v22+s16+$0x0] =	vst.idx.msk $0xffff, v40  }
0x302: {  	v42 =	vor.u32 s26, v11;
	s4 =	sor.u32 s22, s24;
	v25 =	vld [tilespmem:s2+$0x0]  }
0x303: {  	v43 =	vld [tilespmem:s4+$0x0];
	_ =	sdelay $0x2  }
0x304: {  	s30 =	sor.u32 $0xA00, s21;
	v23 =	vpack.i.f32.bf16 v41, v23  }
0x305: {  	s31 =	sor.u32 $0x1A00, s21;
	s7 =	sor.u32 s0, s30;
	[tilespmem:v42+s16+$0x0] =	vst.idx.msk $0xffff, v23  }
0x306: {  	s8 =	sor.u32 s0, s31;
	v22 =	vld [tilespmem:s7+$0x0];
	v44 =	vpack.i.f32.bf16 v43, v25  }
0x307: {  	s2 =	sor.u32 s22, s30;
	v45 =	vld [tilespmem:s8+$0x0];
	[tilespmem:v21+s16+$0x0] =	vst.idx.msk $0xffff, v44  }
0x308: {  	v46 =	vor.u32 s26, v12;
	s4 =	sor.u32 s22, s31;
	v23 =	vld [tilespmem:s2+$0x0]  }
0x309: {  	v47 =	vld [tilespmem:s4+$0x0];
	_ =	sdelay $0x2  }
0x30a: {  	s9 =	sor.u32 $0xA80, s21;
	v22 =	vpack.i.f32.bf16 v45, v22  }
0x30b: {  	s10 =	sor.u32 $0x1A80, s21;
	s11 =	sor.u32 s0, s9;
	[tilespmem:v46+s16+$0x0] =	vst.idx.msk $0xffff, v22  }
0x30c: {  	s12 =	sor.u32 s0, s10;
	v21 =	vld [tilespmem:s11+$0x0];
	v48 =	vpack.i.f32.bf16 v47, v23  }
0x30d: {  	s2 =	sor.u32 s22, s9;
	v49 =	vld [tilespmem:s12+$0x0];
	[tilespmem:v20+s16+$0x0] =	vst.idx.msk $0xffff, v48  }
0x30e: {  	v50 =	vor.u32 s26, v13;
	s4 =	sor.u32 s22, s10;
	v22 =	vld [tilespmem:s2+$0x0]  }
0x30f: {  	v51 =	vld [tilespmem:s4+$0x0];
	_ =	sdelay $0x2  }
0x310: {  	s13 =	sor.u32 $0xB00, s21;
	v21 =	vpack.i.f32.bf16 v49, v21  }
0x311: {  	s14 =	sor.u32 $0x1B00, s21;
	s17 =	sor.u32 s0, s13;
	[tilespmem:v50+s16+$0x0] =	vst.idx.msk $0xffff, v21  }
0x312: {  	s18 =	sor.u32 s0, s14;
	v20 =	vld [tilespmem:s17+$0x0];
	v52 =	vpack.i.f32.bf16 v51, v22  }
0x313: {  	s2 =	sor.u32 s22, s13;
	v53 =	vld [tilespmem:s18+$0x0];
	[tilespmem:v19+s16+$0x0] =	vst.idx.msk $0xffff, v52  }
0x314: {  	v54 =	vor.u32 s26, v14;
	s4 =	sor.u32 s22, s14;
	v21 =	vld [tilespmem:s2+$0x0]  }
0x315: {  	v55 =	vld [tilespmem:s4+$0x0]  }
0x316: {  	v56 =	vpack.i.f32.bf16 v30, v28  }
0x317: {  	[tilespmem:v17+s16+$0x0] =	vst.idx.msk $0xffff, v56  }
0x318: {  	v17 =	vld [tilespmem:s1+$0x0];
	s20 =	sor.u32 $0xB80, s21;
	v20 =	vpack.i.f32.bf16 v53, v20  }
0x319: {  	v57 =	vld [tilespmem:s6+$0x0];
	s23 =	sor.u32 $0x1B80, s21;
	s24 =	sor.u32 s0, s20;
	[tilespmem:v54+s16+$0x0] =	vst.idx.msk $0xffff, v20  }
0x31a: {  	s28 =	sor.u32 s0, s23;
	v19 =	vld [tilespmem:s24+$0x0];
	v58 =	vpack.i.f32.bf16 v55, v21  }
0x31b: {  	s1 =	sor.u32 s22, s20;
	v60 =	vld [tilespmem:s28+$0x0];
	[tilespmem:v24+s16+$0x0] =	vst.idx.msk $0xffff, v58  }
0x31c: {  	v59 =	vor.u32 s25, v15;
	s29 =	sor.u32 s22, s23;
	v20 =	vld [tilespmem:s1+$0x0]  }
0x31d: {  	v61 =	vor.u32 s26, v15;
	v62 =	vld [tilespmem:s29+$0x0];
	_ =	sdelay $0x1  }
0x31e: {  	v17 =	vpack.i.f32.bf16 v57, v17  }
0x31f: {  	[tilespmem:v16+s16+$0x0] =	vst.idx.msk $0xffff, v17;
	v63 =	vpack.i.f32.bf16 v27, v29  }
0x320: {  	[tilespmem:v59+s16+$0x0] =	vst.idx.msk $0xffff, v63;
	v16 =	vpack.i.f32.bf16 v60, v19  }
0x321: {  	[tilespmem:v61+s16+$0x0] =	vst.idx.msk $0xffff, v16;
	v16 =	vpack.i.f32.bf16 v62, v20  }
0x322: {  	[tilespmem:v18+s16+$0x0] =	vst.idx.msk $0xffff, v16  }
0x323: {  	s31 =	simm.s32 $0x3;
	s18 =	simm.s32 $0x0;
	s30 =	rddreg [dreg:$0x7]  }
0x324: {  	[hbm4b:s30+s18] =	stream.linear.scatter [tilespmem:s16], [sflag:$0x3], $0x1000, $0x38;
	[tilespmem:$0x7000] =	vst v63  }
0x325: {  	_ =	swait.ge [sflag:s31], $0x1000  }
0x326: {  	[sflag:s31] =	ssyncset.done $0x0  }
0x327: {  	[sflag:s31] =	ssyncadd.s32 $0xFFFFF000  }
.LBB2_15:
.Ltmp10:
0x328: {  	(pc) =	sbr.rel @p1 .LBB2_19-.Ltmp10, $2  }
0x329: {  	_ =	sdelay $0x2  }
0x32a: {  	s1 =	rddreg [dreg:$0xb]  }
0x32b: {  	s0 =	rddreg [dreg:$0x8];
	s1 =	simm.s32 $0x7A1400  }
0x32c: {  	s2 =	simm.s32 $0x400;
	s4 =	simm.s32 $0x6000;
	s31 =	simm.s32 $0x5  }
0x32d: {  	[tilespmem:s4], [sflag:$0x5] =	stream.strided.gather [hbm4b:s0+s2], $0x1000, s1, s2, $0x38;
	[tilespmem:$0x7000] =	vst v63  }
0x32e: {  	_ =	swait.ge [sflag:s31], $0x1000  }
0x32f: {  	[sflag:s31] =	ssyncset.done $0x0  }
0x330: {  	p2 =	por $0x1, $0x1;
	s0 =	simm.s32 $0x0;
	[sflag:s31] =	ssyncadd.s32 $0xFFFFF000  }
.LBB2_17:
0x331: {  	s1 =	sshll.u32 s0, $0x4  }
0x332: {  	s2 =	sor.u32 $0x1, s0;
	v16 =	vld [tilespmem:s1+$0x6000]  }
0x333: {  	s31 =	sshll.u32 s0, $0x8;
	v17 =	vld [tilespmem:s1+$0x6800];
	s5 =	sshll.u32 s2, $0x4  }
0x334: {  	v18 =	vor.u32 s31, v0;
	v19 =	vld [tilespmem:s5+$0x6000]  }
0x335: {  	s6 =	sshll.u32 s2, $0x8;
	v20 =	vld [tilespmem:s5+$0x6800]  }
0x336: {  	v21 =	vor.u32 s6, v0;
	_ =	sdelay $0x1  }
0x337: {  	v16 =	vpack.i.f32.bf16 v17, v16  }
0x338: {  	[tilespmem:v18+s16+$0x0] =	vst.idx.msk $0xffff, v16  }
0x339: {  	v17 =	vpack.i.f32.bf16 v20, v19;
	v16 =	vld [tilespmem:s1+$0x6080]  }
0x33a: {  	v18 =	vld [tilespmem:s1+$0x6880];
	[tilespmem:v21+s16+$0x0] =	vst.idx.msk $0xffff, v17  }
0x33b: {  	v17 =	vor.u32 s31, v1;
	v45 =	vld [tilespmem:s5+$0x6080]  }
0x33c: {  	v46 =	vld [tilespmem:s5+$0x6880]  }
0x33d: {  	v47 =	vor.u32 s6, v1;
	_ =	sdelay $0x1  }
0x33e: {  	v16 =	vpack.i.f32.bf16 v18, v16  }
0x33f: {  	[tilespmem:v17+s16+$0x0] =	vst.idx.msk $0xffff, v16  }
0x340: {  	v17 =	vpack.i.f32.bf16 v46, v45;
	v16 =	vld [tilespmem:s1+$0x6100]  }
0x341: {  	v48 =	vld [tilespmem:s1+$0x6900];
	[tilespmem:v47+s16+$0x0] =	vst.idx.msk $0xffff, v17  }
0x342: {  	v17 =	vor.u32 s31, v2;
	v49 =	vld [tilespmem:s5+$0x6100]  }
0x343: {  	v50 =	vld [tilespmem:s5+$0x6900]  }
0x344: {  	v51 =	vor.u32 s6, v2;
	_ =	sdelay $0x1  }
0x345: {  	v16 =	vpack.i.f32.bf16 v48, v16  }
0x346: {  	[tilespmem:v17+s16+$0x0] =	vst.idx.msk $0xffff, v16  }
0x347: {  	v17 =	vpack.i.f32.bf16 v50, v49;
	v16 =	vld [tilespmem:s1+$0x6180]  }
0x348: {  	v52 =	vld [tilespmem:s1+$0x6980];
	[tilespmem:v51+s16+$0x0] =	vst.idx.msk $0xffff, v17  }
0x349: {  	v17 =	vor.u32 s31, v3;
	v53 =	vld [tilespmem:s5+$0x6180]  }
0x34a: {  	v54 =	vld [tilespmem:s5+$0x6980]  }
0x34b: {  	v55 =	vor.u32 s6, v3;
	_ =	sdelay $0x1  }
0x34c: {  	v16 =	vpack.i.f32.bf16 v52, v16  }
0x34d: {  	[tilespmem:v17+s16+$0x0] =	vst.idx.msk $0xffff, v16  }
0x34e: {  	v17 =	vpack.i.f32.bf16 v54, v53;
	v16 =	vld [tilespmem:s1+$0x6200]  }
0x34f: {  	v56 =	vld [tilespmem:s1+$0x6A00];
	[tilespmem:v55+s16+$0x0] =	vst.idx.msk $0xffff, v17  }
0x350: {  	v17 =	vor.u32 s31, v4;
	v57 =	vld [tilespmem:s5+$0x6200]  }
0x351: {  	v58 =	vld [tilespmem:s5+$0x6A00]  }
0x352: {  	v59 =	vor.u32 s6, v4;
	_ =	sdelay $0x1  }
0x353: {  	v16 =	vpack.i.f32.bf16 v56, v16  }
0x354: {  	[tilespmem:v17+s16+$0x0] =	vst.idx.msk $0xffff, v16  }
0x355: {  	v17 =	vpack.i.f32.bf16 v58, v57;
	v16 =	vld [tilespmem:s1+$0x6280]  }
0x356: {  	v60 =	vld [tilespmem:s1+$0x6A80];
	[tilespmem:v59+s16+$0x0] =	vst.idx.msk $0xffff, v17  }
0x357: {  	v17 =	vor.u32 s31, v5;
	v61 =	vld [tilespmem:s5+$0x6280]  }
0x358: {  	v62 =	vld [tilespmem:s5+$0x6A80]  }
0x359: {  	v63 =	vor.u32 s6, v5;
	_ =	sdelay $0x1  }
0x35a: {  	v16 =	vpack.i.f32.bf16 v60, v16  }
0x35b: {  	[tilespmem:v17+s16+$0x0] =	vst.idx.msk $0xffff, v16  }
0x35c: {  	v17 =	vpack.i.f32.bf16 v62, v61;
	v16 =	vld [tilespmem:s1+$0x6300]  }
0x35d: {  	v24 =	vld [tilespmem:s1+$0x6B00];
	[tilespmem:v63+s16+$0x0] =	vst.idx.msk $0xffff, v17  }
0x35e: {  	v17 =	vor.u32 s31, v6;
	v25 =	vld [tilespmem:s5+$0x6300]  }
0x35f: {  	v26 =	vld [tilespmem:s5+$0x6B00]  }
0x360: {  	v27 =	vor.u32 s6, v6;
	_ =	sdelay $0x1  }
0x361: {  	v16 =	vpack.i.f32.bf16 v24, v16  }
0x362: {  	[tilespmem:v17+s16+$0x0] =	vst.idx.msk $0xffff, v16  }
0x363: {  	v17 =	vpack.i.f32.bf16 v26, v25;
	v16 =	vld [tilespmem:s1+$0x6380]  }
0x364: {  	v28 =	vld [tilespmem:s1+$0x6B80];
	[tilespmem:v27+s16+$0x0] =	vst.idx.msk $0xffff, v17  }
0x365: {  	v17 =	vor.u32 s31, v7;
	v29 =	vld [tilespmem:s5+$0x6380]  }
0x366: {  	v30 =	vld [tilespmem:s5+$0x6B80]  }
0x367: {  	v31 =	vor.u32 s6, v7;
	_ =	sdelay $0x1  }
0x368: {  	v16 =	vpack.i.f32.bf16 v28, v16  }
0x369: {  	[tilespmem:v17+s16+$0x0] =	vst.idx.msk $0xffff, v16  }
0x36a: {  	v17 =	vpack.i.f32.bf16 v30, v29;
	v16 =	vld [tilespmem:s1+$0x6400]  }
0x36b: {  	v32 =	vld [tilespmem:s1+$0x6C00];
	[tilespmem:v31+s16+$0x0] =	vst.idx.msk $0xffff, v17  }
0x36c: {  	v17 =	vor.u32 s31, v8;
	v33 =	vld [tilespmem:s5+$0x6400]  }
0x36d: {  	v34 =	vld [tilespmem:s5+$0x6C00]  }
0x36e: {  	v35 =	vor.u32 s6, v8;
	_ =	sdelay $0x1  }
0x36f: {  	v16 =	vpack.i.f32.bf16 v32, v16  }
0x370: {  	[tilespmem:v17+s16+$0x0] =	vst.idx.msk $0xffff, v16  }
0x371: {  	v17 =	vpack.i.f32.bf16 v34, v33;
	v16 =	vld [tilespmem:s1+$0x6480]  }
0x372: {  	v36 =	vld [tilespmem:s1+$0x6C80];
	[tilespmem:v35+s16+$0x0] =	vst.idx.msk $0xffff, v17  }
0x373: {  	v17 =	vor.u32 s31, v9;
	v37 =	vld [tilespmem:s5+$0x6480]  }
0x374: {  	v38 =	vld [tilespmem:s5+$0x6C80]  }
0x375: {  	v39 =	vor.u32 s6, v9;
	_ =	sdelay $0x1  }
0x376: {  	v16 =	vpack.i.f32.bf16 v36, v16  }
0x377: {  	[tilespmem:v17+s16+$0x0] =	vst.idx.msk $0xffff, v16  }
0x378: {  	v17 =	vpack.i.f32.bf16 v38, v37;
	v16 =	vld [tilespmem:s1+$0x6500]  }
0x379: {  	v40 =	vld [tilespmem:s1+$0x6D00];
	[tilespmem:v39+s16+$0x0] =	vst.idx.msk $0xffff, v17  }
0x37a: {  	v17 =	vor.u32 s31, v10;
	v41 =	vld [tilespmem:s5+$0x6500]  }
0x37b: {  	v42 =	vld [tilespmem:s5+$0x6D00]  }
0x37c: {  	v43 =	vor.u32 s6, v10;
	_ =	sdelay $0x1  }
0x37d: {  	v16 =	vpack.i.f32.bf16 v40, v16  }
0x37e: {  	[tilespmem:v17+s16+$0x0] =	vst.idx.msk $0xffff, v16  }
0x37f: {  	v17 =	vpack.i.f32.bf16 v42, v41;
	v16 =	vld [tilespmem:s1+$0x6580]  }
0x380: {  	v44 =	vld [tilespmem:s1+$0x6D80];
	[tilespmem:v43+s16+$0x0] =	vst.idx.msk $0xffff, v17  }
0x381: {  	v17 =	vor.u32 s31, v11;
	v45 =	vld [tilespmem:s5+$0x6580]  }
0x382: {  	v46 =	vld [tilespmem:s5+$0x6D80]  }
0x383: {  	v47 =	vor.u32 s6, v11;
	_ =	sdelay $0x1  }
0x384: {  	v16 =	vpack.i.f32.bf16 v44, v16  }
0x385: {  	[tilespmem:v17+s16+$0x0] =	vst.idx.msk $0xffff, v16  }
0x386: {  	v17 =	vpack.i.f32.bf16 v46, v45;
	v16 =	vld [tilespmem:s1+$0x6600]  }
0x387: {  	v48 =	vld [tilespmem:s1+$0x6E00];
	[tilespmem:v47+s16+$0x0] =	vst.idx.msk $0xffff, v17  }
0x388: {  	v17 =	vor.u32 s31, v12;
	v49 =	vld [tilespmem:s5+$0x6600]  }
0x389: {  	v50 =	vld [tilespmem:s5+$0x6E00]  }
0x38a: {  	v51 =	vor.u32 s6, v12;
	_ =	sdelay $0x1  }
0x38b: {  	v16 =	vpack.i.f32.bf16 v48, v16  }
0x38c: {  	[tilespmem:v17+s16+$0x0] =	vst.idx.msk $0xffff, v16  }
0x38d: {  	v17 =	vpack.i.f32.bf16 v50, v49;
	v16 =	vld [tilespmem:s1+$0x6680]  }
0x38e: {  	v52 =	vld [tilespmem:s1+$0x6E80];
	[tilespmem:v51+s16+$0x0] =	vst.idx.msk $0xffff, v17  }
0x38f: {  	v17 =	vor.u32 s31, v13;
	v53 =	vld [tilespmem:s5+$0x6680]  }
0x390: {  	v54 =	vld [tilespmem:s5+$0x6E80]  }
0x391: {  	v55 =	vor.u32 s6, v13;
	_ =	sdelay $0x1  }
0x392: {  	v16 =	vpack.i.f32.bf16 v52, v16  }
0x393: {  	[tilespmem:v17+s16+$0x0] =	vst.idx.msk $0xffff, v16  }
0x394: {  	v17 =	vpack.i.f32.bf16 v54, v53;
	v16 =	vld [tilespmem:s1+$0x6700]  }
0x395: {  	v56 =	vld [tilespmem:s1+$0x6F00];
	[tilespmem:v55+s16+$0x0] =	vst.idx.msk $0xffff, v17  }
0x396: {  	v17 =	vor.u32 s31, v14;
	v57 =	vld [tilespmem:s5+$0x6700]  }
0x397: {  	v58 =	vld [tilespmem:s5+$0x6F00]  }
0x398: {  	v59 =	vor.u32 s6, v14;
	_ =	sdelay $0x1  }
0x399: {  	v16 =	vpack.i.f32.bf16 v56, v16  }
0x39a: {  	[tilespmem:v17+s16+$0x0] =	vst.idx.msk $0xffff, v16  }
0x39b: {  	v17 =	vpack.i.f32.bf16 v58, v57;
	v16 =	vld [tilespmem:s1+$0x6780]  }
0x39c: {  	v60 =	vld [tilespmem:s1+$0x6F80];
	[tilespmem:v59+s16+$0x0] =	vst.idx.msk $0xffff, v17  }
0x39d: {  	v17 =	vld [tilespmem:s5+$0x6780]  }
0x39e: {  	v61 =	vor.u32 s31, v15;
	v62 =	vld [tilespmem:s5+$0x6F80]  }
0x39f: {  	p3 =	por p2, p2;
	v63 =	vor.u32 s6, v15  }
.Ltmp11:
0x3a0: {  	_ = 	snop;
	(pc) =	sbr.rel @p3 .LBB2_17-.Ltmp11, $4  }
0x3a1: {  	_ = 	snop  }
0x3a2: {  	v16 =	vpack.i.f32.bf16 v60, v16  }
0x3a3: {  	[tilespmem:v61+s16+$0x0] =	vst.idx.msk $0xffff, v16;
	v16 =	vpack.i.f32.bf16 v62, v17  }
0x3a4: {  	s0 =	simm.s32 $0x2;
	p2 =	por $0x0, $0x0;
	[tilespmem:v63+s16+$0x0] =	vst.idx.msk $0xffff, v16  }
.Ltmp12:
0x3a5: {  	s0 =	rddreg [dreg:$0x9];
	s31 =	simm.s32 $0x3;
	(pc) =	sbr.rel .LBB2_19-.Ltmp12, $4  }
0x3a6: {  	[hbm4b:s0+s18] =	stream.linear.scatter [tilespmem:s16], [sflag:$0x3], $0x400, $0x38;
	[tilespmem:$0x7000] =	vst v63  }
0x3a7: {  	_ =	swait.ge [sflag:s31], $0x400  }
0x3a8: {  	[sflag:s31] =	ssyncset.done $0x0  }
0x3a9: {  	s1 =	rddreg [dreg:$0xb];
	[sflag:s31] =	ssyncadd.s32 $0xFFFFFC00  }
.LBB2_20:
0x3aa: {  	_ =	sfence.sel $0x180000  }
0x3ab: {  	[bflag:$0x0] =	sbarrier.arrive $0xFFFF  }
0x3ac: {  	_ =	strace $0x90000047  }
0x3ad: {  	[bflag:$0x2] =	sbarrier.arrive $0xFFFF  }
0x3ae: {  	s0 =	rddreg [dreg:$0x2]  }
0x3af: {  	s0 =	sadd.s32 @!p0 $0x100000, s0  }
0x3b0: {  	[sflag:s0] =	ssyncadd.tile.s32 @!p0 $0x1;
	_ =	shalt  }
.Lfunc_end2:
_tile_overlayer_lowered:
.L_overlay_start_2:
0x3b1: {  	(tag) =	ssettag $0x2  }
0x3b2: {  	s0 =	rddreg [dreg:$0x0];
	s2 =	stileid.u32  }
0x3b3: {  	s1 =	rddreg [dreg:$0x1];
	p0 =	sne.s32 s2, $0x0  }
0x3b4: {  	s3 =	rddreg [dreg:$0x2];
	[bflag:$0x3] =	sbarrier.arrive $0xFFFF;
	s2 =	simm.s32 @!p0 $0x1C06  }
0x3b5: {  	[timem:s3], [sflag:s2] =	dma.local @!p0 [hbm:s0], s1  }
0x3b6: {  	s0 =	simm.s32 @!p0 $0x6  }
0x3b7: {  	_ =	swait.ge @!p0 [sflag:s0], s1  }
0x3b8: {  	s1 =	ssub.s32 @!p0 $0x0, s1;
	[sflag:s0] =	ssyncset.done @!p0 $0x0  }
0x3b9: {  	[sflag:s0] =	ssyncadd.s32 @!p0 s1  }
0x3ba: {  	[bflag:$0x3] =	sbarrier.arrive $0xFFFF  }
0x3bb: {  	_ =	shalt  }

// kernel: kernel.7.cloned.1.call-start
scs
__scs_entry_jumppad:
0x0: {  	(pc) =	sbr.rel $0x88, $3  }
0x1: {  	(tag) =	ssettag $0x0;
	lr =	simm.s32 $0x1  }
0x2: {  	[smem:$0x3F9D] =	sst lr;
	_ =	strace $0xD0000000  }
0x3: {  	_ = 	snop  }
0x4: {  	_ = 	snop  }
0x5: {  	_ = 	snop  }
0x6: {  	_ = 	snop  }
0x7: {  	_ = 	snop  }
__scs_overlays_trampoline_lowered:
0x8: {  	[smem:$0x3FAC] =	sst s0  }
0x9: {  	[smem:$0x3FAD] =	sst s1  }
0xa: {  	[smem:$0x3FAE] =	sst s2  }
0xb: {  	[smem:$0x3FAF] =	sst s3  }
0xc: {  	[smem:$0x3FB0] =	sst s4  }
0xd: {  	[smem:$0x3FB1] =	sst s5  }
0xe: {  	[smem:$0x3FB2] =	sst s6  }
0xf: {  	[smem:$0x3FB3] =	sst s7  }
0x10: {  	[smem:$0x3FB4] =	sst s8  }
0x11: {  	[smem:$0x3FB5] =	sst s9;
	s0 =	simm.s32 @!p0 $0x0  }
0x12: {  	s1 =	sld [smem:$0x3F9B];
	s0 =	simm.s32 @p0 $0x1  }
0x13: {  	[smem:$0x3FB6] =	sst s0;
	s0 =	simm.s32 @!p1 $0x0  }
0x14: {  	s2 =	sld [smem:$0x3F9A];
	s0 =	simm.s32 @p1 $0x1  }
0x15: {  	[smem:$0x3FB7] =	sst s0;
	s0 =	simm.s32 @!p2 $0x0  }
0x16: {  	s3 =	sld [smem:$0x3FDB];
	s0 =	simm.s32 @p2 $0x1  }
0x17: {  	s4 =	simm.s32 $0x1BF5;
	[smem:$0x3FB9] =	sst s0  }
0x18: {  	s0 =	sld [smem:$0x3F9C];
	_ =	swait.ge [sflag:s4], $0x0  }
0x19: {  	s7 =	sld [smem:$0x3F9D]  }
0x1a: {  	s8 =	sadd.s32 $0xFFFFE003, lr  }
0x1b: {  	s9 =	sadd.s32 $0xFFFFFEF7, lr;
	s5 =	simm.s32 $0xFFFFFFFF;
	p2 =	slt.u32 s8, $0xFFFFF086  }
0x1c: {  	p1 =	slt.u32 s9, $0xF7A;
	s5 =	simm.s32 @!p2 $0x0  }
0x1d: {  	s5 =	simm.s32 @p1 $0x1;
	p0 =	seq.s32 s7, s2  }
0x1e: {  	s7 =	smul.u32 @!p0 $0xF7A, s2;
	p2 =	seq.s32 @!p0 s5, $0x0  }
0x1f: {  	s9 =	smul.u32 $0xF7A, s1;
	s8 =	simm.s32 @!p0 $0x1BF5;
	p2 =	por !p2, p0  }
0x20: {  	[sflag:s8] =	ssyncset.s32 @!p0 $0xFFFFF086;
	s6 =	sadd.s32 @!p0 s3, s7;
	s7 =	simm.s32 @!p0 $0x108  }
0x21: {  	s3 =	sadd.s32 s3, s9;
	s6 =	sadd.s32 @!p0 $0x88, s6;
	s7 =	simm.s32 @p2 $0x1082  }
0x22: {  	[simem:s7], [sflag:s8] =	dma.local @!p0 [hbm:s6], $0xF7A  }
0x23: {  	s9 =	sor.u32 $0xD0000000, s2;
	s6 =	simm.s32 $0x108;
	_ =	swait.ge @!p0 [sflag:s8], $0x0  }
0x24: {  	s3 =	sadd.s32 $0x88, s3;
	s6 =	simm.s32 @!p1 $0x1082;
	[sflag:s4] =	ssyncset.s32 $0xFFFFF086  }
0x25: {  	[simem:s6], [sflag:s4] =	dma.local [hbm:s3], $0xF7A  }
0x26: {  	[smem:$0x3F9D] =	sst s1;
	(tag) =	ssettag s2;
	_ =	strace s9  }
0x27: {  	s1 =	sld [smem:$0x3FAD]  }
0x28: {  	s2 =	sld [smem:$0x3FAE]  }
0x29: {  	s4 =	sld [smem:$0x3FB0]  }
0x2a: {  	p0 =	seq.s32 s5, $0x0;
	s5 =	sld [smem:$0x3FB1]  }
0x2b: {  	s6 =	sld [smem:$0x3FB2]  }
0x2c: {  	s7 =	sld [smem:$0x3FB3]  }
0x2d: {  	s3 =	simm.s32 $0x108;
	s8 =	sld [smem:$0x3FB4]  }
0x2e: {  	s3 =	simm.s32 @!p0 $0x1082;
	s9 =	sld [smem:$0x3FB5]  }
0x2f: {  	lr =	sadd.s32 s0, s3;
	s0 =	sld [smem:$0x3FAC]  }
0x30: {  	s3 =	sld [smem:$0x3FAF]  }
0x31: {  	[smem:$0x3FB8] =	sst s10  }
0x32: {  	s10 =	sld [smem:$0x3FB6];
	_ =	sdelay $0x3  }
0x33: {  	p0 =	seq.s32 s10, $0x1;
	s10 =	sld [smem:$0x3FB8];
	_ =	sdelay $0x3  }
0x34: {  	[smem:$0x3FB8] =	sst s10  }
0x35: {  	s10 =	sld [smem:$0x3FB7];
	_ =	sdelay $0x3  }
0x36: {  	p1 =	seq.s32 s10, $0x1;
	s10 =	sld [smem:$0x3FB8];
	_ =	sdelay $0x3  }
0x37: {  	[smem:$0x3FB8] =	sst s10  }
0x38: {  	s10 =	sld [smem:$0x3FB9]  }
0x39: {  	_ = 	snop;
	(pc) =	sbr.ind lr, $3  }
0x3a: {  	_ = 	snop  }
0x3b: {  	_ = 	snop  }
0x3c: {  	p2 =	seq.s32 s10, $0x1;
	s10 =	sld [smem:$0x3FB8]  }
0x3d: {  	_ =	shalt  }
0x3e: {  	_ =	shalt  }
0x3f: {  	_ =	shalt  }
0x40: {  	_ =	shalt  }
0x41: {  	_ =	shalt  }
0x42: {  	_ =	shalt  }
0x43: {  	_ =	shalt  }
0x44: {  	_ =	shalt  }
0x45: {  	_ =	shalt  }
0x46: {  	_ =	shalt  }
0x47: {  	_ =	shalt  }
0x48: {  	_ =	shalt  }
0x49: {  	_ =	shalt  }
0x4a: {  	_ =	shalt  }
0x4b: {  	_ =	shalt  }
0x4c: {  	_ =	shalt  }
0x4d: {  	_ =	shalt  }
0x4e: {  	_ =	shalt  }
0x4f: {  	_ =	shalt  }
0x50: {  	_ =	shalt  }
0x51: {  	_ =	shalt  }
0x52: {  	_ =	shalt  }
0x53: {  	_ =	shalt  }
0x54: {  	_ =	shalt  }
0x55: {  	_ =	shalt  }
0x56: {  	_ =	shalt  }
0x57: {  	_ =	shalt  }
0x58: {  	_ =	shalt  }
0x59: {  	_ =	shalt  }
0x5a: {  	_ =	shalt  }
0x5b: {  	_ =	shalt  }
0x5c: {  	_ =	shalt  }
0x5d: {  	_ =	shalt  }
0x5e: {  	_ =	shalt  }
0x5f: {  	_ =	shalt  }
0x60: {  	_ =	shalt  }
0x61: {  	_ =	shalt  }
0x62: {  	_ =	shalt  }
0x63: {  	_ =	shalt  }
0x64: {  	_ =	shalt  }
0x65: {  	_ =	shalt  }
0x66: {  	_ =	shalt  }
0x67: {  	_ =	shalt  }
0x68: {  	_ =	shalt  }
0x69: {  	_ =	shalt  }
0x6a: {  	_ =	shalt  }
0x6b: {  	_ =	shalt  }
0x6c: {  	_ =	shalt  }
0x6d: {  	_ =	shalt  }
0x6e: {  	_ =	shalt  }
0x6f: {  	_ =	shalt  }
0x70: {  	_ =	shalt  }
0x71: {  	_ =	shalt  }
0x72: {  	_ =	shalt  }
0x73: {  	_ =	shalt  }
0x74: {  	_ =	shalt  }
0x75: {  	_ =	shalt  }
0x76: {  	_ =	shalt  }
0x77: {  	_ =	shalt  }
0x78: {  	_ =	shalt  }
0x79: {  	_ =	shalt  }
0x7a: {  	_ =	shalt  }
0x7b: {  	_ =	shalt  }
0x7c: {  	_ =	shalt  }
0x7d: {  	_ =	shalt  }
0x7e: {  	_ =	shalt  }
0x7f: {  	_ =	shalt  }
0x80: {  	_ =	shalt  }
0x81: {  	_ =	shalt  }
0x82: {  	_ =	shalt  }
0x83: {  	_ =	shalt  }
0x84: {  	_ =	shalt  }
0x85: {  	_ =	shalt  }
0x86: {  	_ =	shalt  }
0x87: {  	_ =	shalt  }
.Lfunc_end0:
.L_simem_size_0:
called_computation.1_lowered:
.L_overlay_start_0:
0x88: {  	s2 =	sld [smem:$0x3FD9]  }
0x89: {  	s3 =	sld [smem:$0x3FFE];
	_ =	sdelay $0x1  }
0x8a: {  	s1 =	srdreg.scid  }
0x8b: {  	s0 =	sand.u32 $0x1, s1  }
0x8c: {  	s17 =	sshll.u32 s0, $0xA;
	s2 =	sadd.s32 s3, s2  }
0x8d: {  	s2 =	sadd.s32 s2, s17  }
0x8e: {  	[smem:$0x3FC4] =	sst s2  }
0x8f: {  	_ = 	snop  }
0x90: {  	s2 =	sld [smem:$0x3FD0];
	(tm) =	ssettm $0x1  }
0x91: {  	s18 =	sld [smem:$0x3FFB];
	_ =	sdelay $0x3  }
0x92: {  	_ =	strace s18  }
0x93: {  	s3 =	sld [smem:$0x3FFC];
	_ =	sdelay $0x3  }
0x94: {  	_ =	strace s3  }
0x95: {  	s3 =	sld [smem:$0x3FFD];
	_ =	sdelay $0x3  }
0x96: {  	_ =	strace s3  }
0x97: {  	_ =	strace $0x8FFFFFFF  }
0x98: {  	s19 =	sld [smem:$0x3FDB];
	_ =	sdelay $0x1  }
0x99: {  	s4 =	simm.s32 $_scs_section_size  }
0x9a: {  	s5 =	simm.s32 $_size__tile_overlayer_lowered;
	s6 =	simm.s32 $_tile_overlayer_lowered  }
0x9b: {  	s22 =	simm.s32 $0x1BFF;
	s21 =	sshll.u32 s6, $0x1;
	s3 =	sadd.s32 s4, s19  }
0x9c: {  	s7 =	simm.s32 $0x0;
	s20 =	sshll.u32 s5, $0x1;
	s5 =	sadd.s32 s21, s3  }
0x9d: {  	[timem:s7], [sflag:s22] =	dma.local [hbm:s5], s20  }
0x9e: {  	_ =	swait.ge [sflag:s22], s20  }
0x9f: {  	s4 =	ssub.s32 $0x0, s20;
	[sflag:s22] =	ssyncset.done $0x0  }
0xa0: {  	[sflag:s22] =	ssyncadd.s32 s4;
	_ =	sdelay $0x1  }
0xa1: {  	s23 =	simm.s32 $0x1B8B  }
0xa2: {  	_ =	swait.ge [sflag:s23], $0x1  }
0xa3: {  	[sflag:s23] =	ssyncset.done $0x0  }
0xa4: {  	s25 =	simm.s32 $0x1B8E;
	s24 =	sld [smem:$0x3FFE];
	[sflag:s23] =	ssyncadd.s32 $0xFFFFFFFF  }
0xa5: {  	s26 =	simm.s32 $execute0_lowered;
	[smem:$0x3FD2] =	sst s25  }
0xa6: {  	s5 =	sshll.u32 s26, $0x1;
	_ =	strace $0x80000049;
	[dreg:$0x1] =	wrdreg $0xFFFFFFFF  }
0xa7: {  	s28 =	simm.s32 $_size_execute0_lowered;
	s3 =	sadd.s32 s3, s5;
	[dreg:$0x0] =	wrdreg $0x0  }
0xa8: {  	s5 =	sshll.u32 s28, $0x1;
	[dreg:$0x2] =	wrdreg s3  }
0xa9: {  	[dreg:$0x3] =	wrdreg s5  }
0xaa: {  	[dreg:$0x4] =	wrdreg $0xC0  }
0xab: {  	_ =	task [dreg:s7], $0x5FFFF  }
0xac: {  	[dreg:$0x1] =	wrdreg $0xFFFFFFFF  }
0xad: {  	[dreg:$0x0] =	wrdreg $0x60  }
0xae: {  	[dreg:$0x2] =	wrdreg s24  }
0xaf: {  	[dreg:$0x3] =	wrdreg s2  }
0xb0: {  	[dreg:$0x4] =	wrdreg $0x9  }
0xb1: {  	_ =	task.clear_ibuf [dreg:s7], $0x5FFFF;
	_ =	strace $0x90000049  }
0xb2: {  	s29 =	simm.s32 $0x9;
	_ =	strace $0x8000004B  }
0xb3: {  	_ =	swait.ge [sflag:s29], $0x1  }
0xb4: {  	[sflag:s29] =	ssyncadd.s32 $0xFFFFFFFF  }
0xb5: {  	_ =	strace $0x9000004B  }
0xb6: {  	_ =	sfence  }
0xb7: {  	s30 =	sld [smem:$0x0];
	_ =	sdelay $0x2  }
0xb8: {  	s31 =	sshll.u32 s1, $0xD;
	s1 =	sshrl.u32 s1, $0x2  }
0xb9: {  	s3 =	sand.u32 $0x4000, s31;
	s1 =	sadd.s32 s1, s30  }
0xba: {  	s0 =	sor.u32 s3, s0;
	s1 =	sshll.u32 s1, $0x11  }
0xbb: {  	s0 =	sor.u32 s1, s0  }
0xbc: {  	s0 =	sadd.s32 $0x8F2B, s0  }
0xbd: {  	[sflag:s0] =	ssyncadd.remote.s32 $0x1  }
0xbe: {  	_ =	sfence.sel $0xFFFF  }
0xbf: {  	[dreg:$0x0] =	wrdreg $0xFFFFFFFF;
	(pc) =	sbr.abs _section_cstart, $3  }
0xc0: {  	[dreg:$0x1] =	wrdreg $0xFFFFFFFF  }
0xc1: {  	_ =	task.clear_ibuf [dreg:s7], $0x2FFFF;
	_ =	strace $0x9FFFFFFF  }
0xc2: {  	(tm) =	ssettm $0x7FFFFFFF  }
0xc3: {  	_ =	shalt  }
tec
execute0_lowered:
.L_overlay_start_1:
0x0: {  	(tag) =	ssettag $0x1  }
0x1: {  	s0 =	srdreg.scid;
	s1 =	rddreg [dreg:$0x0]  }
0x2: {  	s2 =	stileid.u32;
	s6 =	rddreg [dreg:$0x1]  }
0x3: {  	s8 =	simm.s32 $0x9;
	s10 =	simm.s32 $0x68;
	s12 =	simm.s32 $0x60  }
0x4: {  	s21 =	simm.s32 $0x8A00;
	s22 =	simm.s32 $0x258;
	s23 =	simm.s32 $0x7780  }
0x5: {  	s24 =	simm.s32 $0x2C0;
	s28 =	simm.s32 $0x5;
	s29 =	simm.s32 $0x2  }
0x6: {  	s30 =	simm.s32 $0x6;
	s31 =	simm.s32 $0x3;
	s9 =	simm.s32 $0x8  }
0x7: {  	s11 =	simm.s32 $0x9600;
	s13 =	simm.s32 $0x0;
	s0 =	sand.u32 $0x1, s0  }
0x8: {  	s2 =	sshll.u32 s2, $0x8;
	s4 =	sadd.s32 $0xC00, s1;
	s3 =	sshll.u32 s0, $0x7  }
0x9: {  	s0 =	ssub.s32 $0x2, s0;
	s7 =	sor.u32 s3, s2;
	s2 =	simm.s32 $0x0  }
0xa: {  	s25 =	sshrl.u32 s0, $0x1;
	s3 =	smul.u32 $0x19, s7;
	[smem:$0x7FF] =	sst s2  }
0xb: {  	s0 =	ssub.s32 s0, s25;
	s26 =	sshrl.u32 s7, $0x3;
	s25 =	simm.s32 $0x9000  }
0xc: {  	_ =	strace $0x8000004A;
	s6 =	sadd.s32 s6, s26;
	s7 =	smax.u32 s0, $0x1  }
0xd: {  	s26 =	simm.s32 $0x1;
	s0 =	simm.s32 $0x4;
	s5 =	sadd.s32 s3, s1  }
0xe: {  	v0 =	vlaneseq.u32;
	s3 =	sadd.s32 $0x202200, s1;
	s1 =	simm.s32 $0x7;
	s5 =	sadd.s32 $0x1E9200, s5  }
.LBB2_1:
0xf: {  	[tilespmem:s2], [sflag:$0x9] =	stream.linear.gather [hbm4b:s5+s2], $0x6400, $0x38;
	[tilespmem:$0x96B0] =	vst v63  }
0x10: {  	_ =	swait.ge [sflag:s8], $0x6400  }
0x11: {  	[sflag:s8] =	ssyncset.done $0x0  }
0x12: {  	s14 =	simm.s32 $0x9680;
	[sflag:s8] =	ssyncadd.s32 $0xFFFF9C00  }
0x13: {  	[tilespmem:s14], [sflag:$0x9] =	stream.linear.gather [hbm4b:s3+s2], $0x30, $0x38;
	[tilespmem:$0x96B0] =	vst v63  }
0x14: {  	_ =	swait.ge [sflag:s8], $0x30  }
0x15: {  	[sflag:s8] =	ssyncset.done $0x0  }
0x16: {  	[sflag:s8] =	ssyncadd.s32 $0xFFFFFFD0  }
0x17: {  	v3 =	vld [tilespmem:$0x96A0];
	_ =	sdelay $0x3  }
0x18: {  	s18 =	simm.s32 $0x6400;
	v1 =	vld [tilespmem:$0x9680]  }
0x19: {  	v2 =	vld [tilespmem:$0x9690];
	[tilespmem:s18], [sflag:$0x1] =	stream.indirect.gather [hbm4b:s4+s10], $0x10, s2, s10, $0xb8;
	(v2sf) =	vpush v3, $0x0  }
0x1a: {  	s19 =	simm.s32 $0x7E00  }
0x1b: {  	[tilespmem:s19], [sflag:$0x5] =	stream.indirect.gather [hbm4b:s4+s12], $0x10, s10, s12, $0xb8;
	[tilespmem:$0x96B0] =	vst v63  }
0x1c: {  	s20 =	simm.s32 $0xC8;
	s15 =	simm.s32 $0x6A80  }
0x1d: {  	[tilespmem:s15], [sflag:$0x2] =	stream.indirect.gather [hbm4b:s4+s10], $0x10, s20, s10, $0xb8;
	[tilespmem:$0x96B0] =	vst v63  }
0x1e: {  	s16 =	simm.s32 $0x130;
	s17 =	simm.s32 $0x8400  }
0x1f: {  	[tilespmem:s17], [sflag:$0x6] =	stream.indirect.gather [hbm4b:s4+s12], $0x10, s16, s12, $0xb8;
	[tilespmem:$0x96B0] =	vst v63  }
0x20: {  	s18 =	simm.s32 $0x190;
	s19 =	simm.s32 $0x7100  }
0x21: {  	[tilespmem:s19], [sflag:$0x3] =	stream.indirect.gather [hbm4b:s4+s10], $0x10, s18, s10, $0xb8;
	[tilespmem:$0x96B0] =	vst v63  }
0x22: {  	s20 =	simm.s32 $0x1F8  }
0x23: {  	[tilespmem:s21], [sflag:$0x7] =	stream.indirect.gather [hbm4b:s4+s12], $0x10, s20, s12, $0xb8;
	[tilespmem:$0x96B0] =	vst v63  }
0x24: {  	_ = 	snop  }
0x25: {  	[tilespmem:s23], [sflag:$0x4] =	stream.indirect.gather [hbm4b:s4+s10], $0x10, s22, s10, $0xb8;
	[tilespmem:$0x96B0] =	vst v63  }
0x26: {  	_ = 	snop  }
0x27: {  	[tilespmem:s25], [sflag:$0x8] =	stream.indirect.gather [hbm4b:s4+s12], $0x10, s24, s12, $0xb8;
	[tilespmem:$0x96B0] =	vst v63  }
0x28: {  	s15 =	simm.s32 $0x0;
	v3 =	vimm.f32 $0.0e+00;
	s14 =	spop (v2sf)  }
.LBB2_2:
0x29: {  	_ =	swait.ge [sflag:s26], $0x680  }
0x2a: {  	[sflag:s26] =	ssyncset.done $0x0  }
0x2b: {  	s17 =	simm.s32 $0x6480;
	[sflag:s26] =	ssyncadd.s32 $0xFFFFF980  }
0x2c: {  	v4 =	vld [tilespmem:s17+$0xFFFFFF80]  }
0x2d: {  	v5 =	vld [tilespmem:s17+$0xFFFFFF90]  }
0x2e: {  	v6 =	vld [tilespmem:s17+$0xFFFFFFA0]  }
0x2f: {  	v7 =	vld [tilespmem:s17+$0xFFFFFFB0]  }
0x30: {  	v8 =	vld [tilespmem:s17+$0xFFFFFFC0]  }
0x31: {  	v10 =	vimm.bf16 $0.0e+00;
	v9 =	vld [tilespmem:s17+$0xFFFFFFD0]  }
0x32: {  	v11 =	vld [tilespmem:s17+$0xFFFFFFE0];
	v4 =	vadd.bf16 v4, v10;
	v5 =	vadd.bf16 v5, v10  }
0x33: {  	v10 =	vld [tilespmem:s17+$0xFFFFFFF0]  }
0x34: {  	v12 =	vld [tilespmem:s17+$0x0];
	v4 =	vadd.bf16 v6, v4;
	v5 =	vadd.bf16 v7, v5  }
0x35: {  	v6 =	vld [tilespmem:s17+$0x10]  }
0x36: {  	v7 =	vld [tilespmem:s17+$0x20];
	v4 =	vadd.bf16 v8, v4;
	v8 =	vadd.bf16 v9, v5  }
0x37: {  	v9 =	vld [tilespmem:s17+$0x30]  }
0x38: {  	v5 =	vld [tilespmem:s17+$0x40];
	v11 =	vadd.bf16 v11, v4;
	v13 =	vadd.bf16 v10, v8  }
0x39: {  	v8 =	vld [tilespmem:s17+$0x50]  }
0x3a: {  	v4 =	vld [tilespmem:s17+$0x60];
	v10 =	vadd.bf16 v12, v11;
	v11 =	vadd.bf16 v6, v13  }
0x3b: {  	s16 =	simm.s32 $0x0;
	v6 =	vld [tilespmem:s17+$0x70];
	s17 =	simm.s32 $0x6580  }
.LBB2_3:
0x3c: {  	v12 =	vld [tilespmem:s17+$0xFFFFFF80];
	v7 =	vadd.bf16 v7, v10;
	v9 =	vadd.bf16 v9, v11  }
0x3d: {  	s16 =	sadd.s32 $0x8, s16;
	v10 =	vld [tilespmem:s17+$0xFFFFFF90]  }
0x3e: {  	p0 =	slt.u32 s16, $0x28;
	v11 =	vld [tilespmem:s17+$0xFFFFFFA0];
	v5 =	vadd.bf16 v5, v7;
	v7 =	vadd.bf16 v8, v9  }
0x3f: {  	v8 =	vld [tilespmem:s17+$0xFFFFFFB0]  }
0x40: {  	v9 =	vld [tilespmem:s17+$0xFFFFFFC0];
	v4 =	vadd.bf16 v4, v5;
	v5 =	vadd.bf16 v6, v7  }
0x41: {  	v6 =	vld [tilespmem:s17+$0xFFFFFFD0]  }
0x42: {  	v4 =	vadd.bf16 v12, v4;
	v5 =	vadd.bf16 v10, v5;
	v10 =	vld [tilespmem:s17+$0xFFFFFFE0]  }
0x43: {  	v12 =	vld [tilespmem:s17+$0xFFFFFFF0]  }
0x44: {  	v4 =	vadd.bf16 v11, v4;
	v5 =	vadd.bf16 v8, v5;
	v11 =	vld [tilespmem:s17+$0x0]  }
0x45: {  	v13 =	vld [tilespmem:s17+$0x10]  }
0x46: {  	v4 =	vadd.bf16 v9, v4;
	v5 =	vadd.bf16 v6, v5;
	v7 =	vld [tilespmem:s17+$0x20]  }
.Ltmp0:
0x47: {  	v9 =	vld [tilespmem:s17+$0x30];
	(pc) =	sbr.rel @p0 .LBB2_3-.Ltmp0, $4  }
0x48: {  	v4 =	vadd.bf16 v10, v4;
	v6 =	vadd.bf16 v12, v5;
	v5 =	vld [tilespmem:s17+$0x40]  }
0x49: {  	v8 =	vld [tilespmem:s17+$0x50]  }
0x4a: {  	v10 =	vadd.bf16 v11, v4;
	v11 =	vadd.bf16 v13, v6;
	v4 =	vld [tilespmem:s17+$0x60]  }
0x4b: {  	v6 =	vld [tilespmem:s17+$0x70];
	s17 =	sadd.s32 $0x100, s17  }
0x4c: {  	v12 =	vld [tilespmem:$0x6A00]  }
0x4d: {  	v13 =	vld [tilespmem:$0x6A10]  }
0x4e: {  	v14 =	vld [tilespmem:$0x6A20];
	p0 =	seq.s32 s15, $0x1F  }
0x4f: {  	v15 =	vld [tilespmem:$0x6A30];
	v7 =	vadd.bf16 v7, v10;
	v9 =	vadd.bf16 v9, v11;
	s16 =	smul.u32 @!p0 $0xC80, s15  }
0x50: {  	v16 =	vld [tilespmem:$0x6A40]  }
0x51: {  	v10 =	vld [tilespmem:$0x6A50];
	v5 =	vadd.bf16 v5, v7;
	v7 =	vadd.bf16 v8, v9;
	s16 =	sshra.s32 @!p0 s16, $0x2  }
0x52: {  	v11 =	vld [tilespmem:$0x6A60];
	s18 =	simm.s32 @!p0 $0x68;
	s19 =	simm.s32 @!p0 $0x6400;
	s17 =	sadd.s32 @!p0 $0x320, s16  }
0x53: {  	v8 =	vld [tilespmem:$0x6A70];
	v4 =	vadd.bf16 v4, v5;
	v5 =	vadd.bf16 v6, v7;
	[tilespmem:s19], [sflag:$0x1] =	stream.indirect.gather @!p0 [hbm4b:s4+s18], $0x10, s17, s18, $0xb8  }
0x54: {  	_ =	swait.ge [sflag:s28], $0x600  }
0x55: {  	v4 =	vadd.bf16 v12, v4;
	v5 =	vadd.bf16 v13, v5;
	[sflag:s28] =	ssyncset.done $0x0  }
0x56: {  	s20 =	simm.s32 $0x7E80;
	[sflag:s28] =	ssyncadd.s32 $0xFFFFFA00  }
0x57: {  	v4 =	vadd.bf16 v14, v4;
	v5 =	vadd.bf16 v15, v5;
	v6 =	vld [tilespmem:s20+$0xFFFFFF80]  }
0x58: {  	v7 =	vld [tilespmem:s20+$0xFFFFFF90]  }
0x59: {  	v9 =	vld [tilespmem:s20+$0xFFFFFFA0];
	v4 =	vadd.bf16 v16, v4;
	v5 =	vadd.bf16 v10, v5  }
0x5a: {  	v10 =	vld [tilespmem:s20+$0xFFFFFFB0]  }
0x5b: {  	v61 =	vld [tilespmem:s20+$0xFFFFFFC0];
	v4 =	vadd.bf16 v11, v4;
	v5 =	vadd.bf16 v8, v5  }
0x5c: {  	v8 =	vld [tilespmem:s20+$0xFFFFFFD0]  }
0x5d: {  	v11 =	vld [tilespmem:s20+$0xFFFFFFE0];
	v4 =	vadd.bf16 v6, v4;
	v5 =	vadd.bf16 v7, v5  }
0x5e: {  	v6 =	vld [tilespmem:s20+$0xFFFFFFF0]  }
0x5f: {  	v62 =	vld [tilespmem:s20+$0x0];
	v4 =	vadd.bf16 v9, v4;
	v5 =	vadd.bf16 v10, v5  }
0x60: {  	v63 =	vld [tilespmem:s20+$0x10]  }
0x61: {  	v7 =	vld [tilespmem:s20+$0x20];
	v4 =	vadd.bf16 v61, v4;
	v8 =	vadd.bf16 v8, v5  }
0x62: {  	v9 =	vld [tilespmem:s20+$0x30]  }
0x63: {  	v5 =	vld [tilespmem:s20+$0x40];
	v10 =	vadd.bf16 v11, v4;
	v8 =	vadd.bf16 v6, v8  }
0x64: {  	v6 =	vld [tilespmem:s20+$0x50]  }
0x65: {  	v4 =	vld [tilespmem:s20+$0x60];
	v10 =	vadd.bf16 v62, v10;
	v11 =	vadd.bf16 v63, v8  }
0x66: {  	s17 =	sshll.u32 s15, $0x2;
	s18 =	simm.s32 $0x0;
	s19 =	simm.s32 $0x7F80;
	v8 =	vld [tilespmem:s20+$0x70]  }
.LBB2_5:
0x67: {  	v12 =	vld [tilespmem:s19+$0xFFFFFF80];
	v7 =	vadd.bf16 v7, v10;
	v9 =	vadd.bf16 v9, v11  }
0x68: {  	s18 =	sadd.s32 $0x8, s18;
	v10 =	vld [tilespmem:s19+$0xFFFFFF90]  }
0x69: {  	p1 =	slt.u32 s18, $0x28;
	v11 =	vld [tilespmem:s19+$0xFFFFFFA0];
	v5 =	vadd.bf16 v5, v7;
	v6 =	vadd.bf16 v6, v9  }
0x6a: {  	v7 =	vld [tilespmem:s19+$0xFFFFFFB0]  }
0x6b: {  	v9 =	vld [tilespmem:s19+$0xFFFFFFC0];
	v4 =	vadd.bf16 v4, v5;
	v5 =	vadd.bf16 v8, v6  }
0x6c: {  	v6 =	vld [tilespmem:s19+$0xFFFFFFD0]  }
0x6d: {  	v4 =	vadd.bf16 v12, v4;
	v5 =	vadd.bf16 v10, v5;
	v8 =	vld [tilespmem:s19+$0xFFFFFFE0]  }
0x6e: {  	v10 =	vld [tilespmem:s19+$0xFFFFFFF0]  }
0x6f: {  	v4 =	vadd.bf16 v11, v4;
	v5 =	vadd.bf16 v7, v5;
	v11 =	vld [tilespmem:s19+$0x0]  }
0x70: {  	v12 =	vld [tilespmem:s19+$0x10]  }
0x71: {  	v4 =	vadd.bf16 v9, v4;
	v5 =	vadd.bf16 v6, v5;
	v7 =	vld [tilespmem:s19+$0x20]  }
.Ltmp1:
0x72: {  	v9 =	vld [tilespmem:s19+$0x30];
	(pc) =	sbr.rel @p1 .LBB2_5-.Ltmp1, $4  }
0x73: {  	v4 =	vadd.bf16 v8, v4;
	v8 =	vadd.bf16 v10, v5;
	v5 =	vld [tilespmem:s19+$0x40]  }
0x74: {  	v6 =	vld [tilespmem:s19+$0x50]  }
0x75: {  	v10 =	vadd.bf16 v11, v4;
	v11 =	vadd.bf16 v12, v8;
	v4 =	vld [tilespmem:s19+$0x60]  }
0x76: {  	v8 =	vld [tilespmem:s19+$0x70];
	s19 =	sadd.s32 $0x100, s19  }
0x77: {  	s18 =	sadd.s32 @!p0 $0x388, s16;
	s19 =	simm.s32 @!p0 $0x60;
	s20 =	simm.s32 @!p0 $0x7E00  }
0x78: {  	[tilespmem:s20], [sflag:$0x5] =	stream.indirect.gather @!p0 [hbm4b:s4+s19], $0x10, s18, s19, $0xb8;
	[tilespmem:$0x96B0] =	vst v63  }
0x79: {  	_ =	swait.ge [sflag:s29], $0x680  }
0x7a: {  	[sflag:s29] =	ssyncset.done $0x0  }
0x7b: {  	s20 =	simm.s32 $0x6B00;
	[sflag:s29] =	ssyncadd.s32 $0xFFFFF980  }
0x7c: {  	v12 =	vld [tilespmem:s20+$0xFFFFFF80]  }
0x7d: {  	v13 =	vld [tilespmem:s20+$0xFFFFFF90]  }
0x7e: {  	v14 =	vld [tilespmem:s20+$0xFFFFFFA0]  }
0x7f: {  	v15 =	vld [tilespmem:s20+$0xFFFFFFB0]  }
0x80: {  	v16 =	vld [tilespmem:s20+$0xFFFFFFC0]  }
0x81: {  	v17 =	vimm.bf16 $0.0e+00;
	v18 =	vld [tilespmem:s20+$0xFFFFFFD0]  }
0x82: {  	v19 =	vld [tilespmem:s20+$0xFFFFFFE0];
	v12 =	vadd.bf16 v12, v17;
	v13 =	vadd.bf16 v13, v17  }
0x83: {  	v7 =	vadd.bf16 v7, v10;
	v17 =	vld [tilespmem:s20+$0xFFFFFFF0]  }
0x84: {  	v10 =	vadd.bf16 v14, v12;
	v14 =	vld [tilespmem:s20+$0x0];
	v12 =	vadd.bf16 v15, v13  }
0x85: {  	v11 =	vadd.bf16 v9, v11;
	v5 =	vadd.bf16 v5, v7;
	v13 =	vld [tilespmem:s20+$0x10]  }
0x86: {  	v9 =	vld [tilespmem:s20+$0x20];
	v7 =	vadd.bf16 v16, v10;
	v10 =	vadd.bf16 v18, v12  }
0x87: {  	v6 =	vadd.bf16 v6, v11;
	v5 =	vadd.bf16 v4, v5;
	v12 =	vld [tilespmem:s20+$0x30]  }
0x88: {  	v11 =	vadd.bf16 v19, v7;
	v7 =	vld [tilespmem:s20+$0x40];
	v15 =	vadd.bf16 v17, v10  }
0x89: {  	v8 =	vadd.bf16 v8, v6;
	v10 =	vld [tilespmem:s20+$0x50]  }
0x8a: {  	v4 =	vunpack.i.u.bf16.f32 v5;
	v14 =	vadd.bf16 v14, v11;
	v11 =	vld [tilespmem:s20+$0x60];
	v15 =	vadd.bf16 v13, v15  }
0x8b: {  	s18 =	simm.s32 $0x0;
	s19 =	simm.s32 $0x6C00;
	v5 =	vunpack.i.l.bf16.f32 v5;
	v6 =	vunpack.i.u.bf16.f32 v8;
	v8 =	vunpack.i.l.bf16.f32 v8;
	v13 =	vld [tilespmem:s20+$0x70]  }
.LBB2_7:
0x8c: {  	v16 =	vld [tilespmem:s19+$0xFFFFFF80];
	v9 =	vadd.bf16 v9, v14;
	v12 =	vadd.bf16 v12, v15  }
0x8d: {  	s18 =	sadd.s32 $0x8, s18;
	v14 =	vld [tilespmem:s19+$0xFFFFFF90]  }
0x8e: {  	p1 =	slt.u32 s18, $0x28;
	v15 =	vld [tilespmem:s19+$0xFFFFFFA0];
	v7 =	vadd.bf16 v7, v9;
	v9 =	vadd.bf16 v10, v12  }
0x8f: {  	v10 =	vld [tilespmem:s19+$0xFFFFFFB0]  }
0x90: {  	v12 =	vld [tilespmem:s19+$0xFFFFFFC0];
	v7 =	vadd.bf16 v11, v7;
	v9 =	vadd.bf16 v13, v9  }
0x91: {  	v11 =	vld [tilespmem:s19+$0xFFFFFFD0]  }
0x92: {  	v7 =	vadd.bf16 v16, v7;
	v9 =	vadd.bf16 v14, v9;
	v13 =	vld [tilespmem:s19+$0xFFFFFFE0]  }
0x93: {  	v14 =	vld [tilespmem:s19+$0xFFFFFFF0]  }
0x94: {  	v7 =	vadd.bf16 v15, v7;
	v9 =	vadd.bf16 v10, v9;
	v15 =	vld [tilespmem:s19+$0x0]  }
0x95: {  	v16 =	vld [tilespmem:s19+$0x10]  }
0x96: {  	v7 =	vadd.bf16 v12, v7;
	v10 =	vadd.bf16 v11, v9;
	v9 =	vld [tilespmem:s19+$0x20]  }
.Ltmp2:
0x97: {  	v12 =	vld [tilespmem:s19+$0x30];
	(pc) =	sbr.rel @p1 .LBB2_7-.Ltmp2, $4  }
0x98: {  	v11 =	vadd.bf16 v13, v7;
	v13 =	vadd.bf16 v14, v10;
	v7 =	vld [tilespmem:s19+$0x40]  }
0x99: {  	v10 =	vld [tilespmem:s19+$0x50]  }
0x9a: {  	v14 =	vadd.bf16 v15, v11;
	v15 =	vadd.bf16 v16, v13;
	v11 =	vld [tilespmem:s19+$0x60]  }
0x9b: {  	v13 =	vld [tilespmem:s19+$0x70];
	s19 =	sadd.s32 $0x100, s19  }
0x9c: {  	v5 =	vadd.f32 v8, v5  }
0x9d: {  	v4 =	vadd.f32 v6, v4  }
0x9e: {  	v5 =	vmul.f32 v5, v1  }
0x9f: {  	v4 =	vmul.f32 v4, v2  }
0xa0: {  	(xrf2) =	vadd.scan.msk.f32 $0xffff, v5  }
0xa1: {  	(xrf2) =	vadd.scan.msk.f32 $0xffff, v4;
	_ =	sdelay $0x8  }
0xa2: {  	v4, _, _ =	vpop (xrf2)  }
0xa3: {  	(v2sf) =	vpush v4, $0xF;
	v4, _, _ =	vpop (xrf2)  }
0xa4: {  	(v2sf) =	vpush v4, $0xF;
	_ =	sdelay $0x5  }
0xa5: {  	v6 =	vld [tilespmem:$0x70A0]  }
0xa6: {  	v8 =	vld [tilespmem:$0x70B0]  }
0xa7: {  	v16 =	vld [tilespmem:$0x70C0]  }
0xa8: {  	v17 =	vld [tilespmem:$0x70D0]  }
0xa9: {  	v18 =	vld [tilespmem:$0x70E0]  }
0xaa: {  	v9 =	vadd.bf16 v9, v14;
	v12 =	vadd.bf16 v12, v15;
	v5 =	vld [tilespmem:$0x7090]  }
0xab: {  	s18 =	sadd.s32 @!p0 $0x3E8, s16;
	s19 =	simm.s32 @!p0 $0x68;
	s20 =	simm.s32 @!p0 $0x6A80;
	v4 =	vld [tilespmem:$0x7080]  }
0xac: {  	v60 =	vld [tilespmem:$0x70F0];
	v7 =	vadd.bf16 v7, v9;
	v9 =	vadd.bf16 v10, v12;
	[tilespmem:s20], [sflag:$0x2] =	stream.indirect.gather @!p0 [hbm4b:s4+s19], $0x10, s18, s19, $0xb8  }
0xad: {  	s18 =	spop (v2sf)  }
0xae: {  	v7 =	vadd.bf16 v11, v7;
	v9 =	vadd.bf16 v13, v9;
	s19 =	spop (v2sf)  }
0xaf: {  	_ =	swait.ge [sflag:s30], $0x600  }
0xb0: {  	v5 =	vadd.bf16 v5, v9;
	v4 =	vadd.bf16 v4, v7;
	[sflag:s30] =	ssyncset.done $0x0  }
0xb1: {  	s20 =	simm.s32 $0x8480;
	[sflag:s30] =	ssyncadd.s32 $0xFFFFFA00  }
0xb2: {  	v5 =	vadd.bf16 v8, v5;
	v4 =	vadd.bf16 v6, v4;
	v7 =	vld [tilespmem:s20+$0xFFFFFF80]  }
0xb3: {  	v6 =	vld [tilespmem:s20+$0xFFFFFF90]  }
0xb4: {  	v5 =	vadd.bf16 v17, v5;
	v4 =	vadd.bf16 v16, v4;
	v8 =	vld [tilespmem:s20+$0xFFFFFFA0]  }
0xb5: {  	v9 =	vld [tilespmem:s20+$0xFFFFFFB0]  }
0xb6: {  	v5 =	vadd.bf16 v60, v5;
	v4 =	vadd.bf16 v18, v4;
	v10 =	vld [tilespmem:s20+$0xFFFFFFC0]  }
0xb7: {  	v11 =	vld [tilespmem:s20+$0xFFFFFFD0]  }
0xb8: {  	v61 =	vld [tilespmem:s20+$0xFFFFFFE0];
	v4 =	vadd.bf16 v7, v4;
	v5 =	vadd.bf16 v6, v5  }
0xb9: {  	v7 =	vld [tilespmem:s20+$0xFFFFFFF0]  }
0xba: {  	v62 =	vld [tilespmem:s20+$0x0];
	v4 =	vadd.bf16 v8, v4;
	v5 =	vadd.bf16 v9, v5  }
0xbb: {  	s18 =	sadd.f32 s18, s19;
	v9 =	vld [tilespmem:s20+$0x10]  }
0xbc: {  	v6 =	vld [tilespmem:s20+$0x20];
	v10 =	vadd.bf16 v10, v4;
	v5 =	vadd.bf16 v11, v5  }
0xbd: {  	s18 =	smul.f32 $4.999999890e-03, s18;
	v8 =	vld [tilespmem:s20+$0x30]  }
0xbe: {  	s17 =	sand.u32 $0xC, s17;
	v4 =	vld [tilespmem:s20+$0x40];
	v10 =	vadd.bf16 v61, v10;
	v63 =	vadd.bf16 v7, v5  }
0xbf: {  	s18 =	sadd.f32 s18, s14;
	v11 =	vmov s17;
	v7 =	vld [tilespmem:s20+$0x50]  }
0xc0: {  	vm0 =	veq.s32 v11, v0;
	v5 =	vld [tilespmem:s20+$0x60];
	v11 =	vadd.bf16 v62, v10;
	v10 =	vadd.bf16 v9, v63  }
0xc1: {  	s19 =	simm.s32 $0x8580;
	v3 =	vsel vm0, s18, v3;
	s18 =	simm.s32 $0x0;
	v9 =	vld [tilespmem:s20+$0x70]  }
.LBB2_9:
0xc2: {  	v12 =	vld [tilespmem:s19+$0xFFFFFF80];
	v6 =	vadd.bf16 v6, v11;
	v8 =	vadd.bf16 v8, v10  }
0xc3: {  	s18 =	sadd.s32 $0x8, s18;
	v10 =	vld [tilespmem:s19+$0xFFFFFF90]  }
0xc4: {  	p1 =	slt.u32 s18, $0x28;
	v11 =	vld [tilespmem:s19+$0xFFFFFFA0];
	v4 =	vadd.bf16 v4, v6;
	v6 =	vadd.bf16 v7, v8  }
0xc5: {  	v7 =	vld [tilespmem:s19+$0xFFFFFFB0]  }
0xc6: {  	v8 =	vld [tilespmem:s19+$0xFFFFFFC0];
	v4 =	vadd.bf16 v5, v4;
	v5 =	vadd.bf16 v9, v6  }
0xc7: {  	v6 =	vld [tilespmem:s19+$0xFFFFFFD0]  }
0xc8: {  	v4 =	vadd.bf16 v12, v4;
	v5 =	vadd.bf16 v10, v5;
	v9 =	vld [tilespmem:s19+$0xFFFFFFE0]  }
0xc9: {  	v10 =	vld [tilespmem:s19+$0xFFFFFFF0]  }
0xca: {  	v4 =	vadd.bf16 v11, v4;
	v5 =	vadd.bf16 v7, v5;
	v11 =	vld [tilespmem:s19+$0x0]  }
0xcb: {  	v12 =	vld [tilespmem:s19+$0x10]  }
0xcc: {  	v4 =	vadd.bf16 v8, v4;
	v5 =	vadd.bf16 v6, v5;
	v6 =	vld [tilespmem:s19+$0x20]  }
.Ltmp3:
0xcd: {  	v8 =	vld [tilespmem:s19+$0x30];
	(pc) =	sbr.rel @p1 .LBB2_9-.Ltmp3, $4  }
0xce: {  	v9 =	vadd.bf16 v9, v4;
	v5 =	vadd.bf16 v10, v5;
	v4 =	vld [tilespmem:s19+$0x40]  }
0xcf: {  	v7 =	vld [tilespmem:s19+$0x50]  }
0xd0: {  	v11 =	vadd.bf16 v11, v9;
	v10 =	vadd.bf16 v12, v5;
	v5 =	vld [tilespmem:s19+$0x60]  }
0xd1: {  	v9 =	vld [tilespmem:s19+$0x70];
	s19 =	sadd.s32 $0x100, s19  }
0xd2: {  	s18 =	sadd.s32 @!p0 $0x450, s16;
	s19 =	simm.s32 @!p0 $0x60;
	s20 =	simm.s32 @!p0 $0x8400  }
0xd3: {  	[tilespmem:s20], [sflag:$0x6] =	stream.indirect.gather @!p0 [hbm4b:s4+s19], $0x10, s18, s19, $0xb8;
	[tilespmem:$0x96B0] =	vst v63  }
0xd4: {  	_ =	swait.ge [sflag:s31], $0x680  }
0xd5: {  	[sflag:s31] =	ssyncset.done $0x0  }
0xd6: {  	s20 =	simm.s32 $0x7180;
	[sflag:s31] =	ssyncadd.s32 $0xFFFFF980  }
0xd7: {  	v12 =	vld [tilespmem:s20+$0xFFFFFF80]  }
0xd8: {  	v13 =	vld [tilespmem:s20+$0xFFFFFF90]  }
0xd9: {  	v14 =	vld [tilespmem:s20+$0xFFFFFFA0]  }
0xda: {  	v15 =	vld [tilespmem:s20+$0xFFFFFFB0]  }
0xdb: {  	v16 =	vld [tilespmem:s20+$0xFFFFFFC0]  }
0xdc: {  	v17 =	vimm.bf16 $0.0e+00;
	v18 =	vld [tilespmem:s20+$0xFFFFFFD0]  }
0xdd: {  	v19 =	vld [tilespmem:s20+$0xFFFFFFE0];
	v12 =	vadd.bf16 v12, v17;
	v13 =	vadd.bf16 v13, v17  }
0xde: {  	v6 =	vadd.bf16 v6, v11;
	v17 =	vld [tilespmem:s20+$0xFFFFFFF0]  }
0xdf: {  	v11 =	vadd.bf16 v14, v12;
	v14 =	vld [tilespmem:s20+$0x0];
	v12 =	vadd.bf16 v15, v13  }
0xe0: {  	v8 =	vadd.bf16 v8, v10;
	v4 =	vadd.bf16 v4, v6;
	v13 =	vld [tilespmem:s20+$0x10]  }
0xe1: {  	v10 =	vld [tilespmem:s20+$0x20];
	v6 =	vadd.bf16 v16, v11;
	v11 =	vadd.bf16 v18, v12  }
0xe2: {  	v8 =	vadd.bf16 v7, v8;
	v5 =	vadd.bf16 v5, v4;
	v12 =	vld [tilespmem:s20+$0x30]  }
0xe3: {  	v7 =	vld [tilespmem:s20+$0x40];
	v6 =	vadd.bf16 v19, v6;
	v15 =	vadd.bf16 v17, v11  }
0xe4: {  	v8 =	vadd.bf16 v9, v8;
	v9 =	vld [tilespmem:s20+$0x50]  }
0xe5: {  	v4 =	vunpack.i.u.bf16.f32 v5;
	v11 =	vld [tilespmem:s20+$0x60];
	v14 =	vadd.bf16 v14, v6;
	v15 =	vadd.bf16 v13, v15  }
0xe6: {  	s18 =	simm.s32 $0x0;
	s19 =	simm.s32 $0x7280;
	v5 =	vunpack.i.l.bf16.f32 v5;
	v6 =	vunpack.i.u.bf16.f32 v8;
	v8 =	vunpack.i.l.bf16.f32 v8;
	v13 =	vld [tilespmem:s20+$0x70]  }
.LBB2_11:
0xe7: {  	v16 =	vld [tilespmem:s19+$0xFFFFFF80];
	v10 =	vadd.bf16 v10, v14;
	v12 =	vadd.bf16 v12, v15  }
0xe8: {  	s18 =	sadd.s32 $0x8, s18;
	v14 =	vld [tilespmem:s19+$0xFFFFFF90]  }
0xe9: {  	p1 =	slt.u32 s18, $0x28;
	v15 =	vld [tilespmem:s19+$0xFFFFFFA0];
	v7 =	vadd.bf16 v7, v10;
	v9 =	vadd.bf16 v9, v12  }
0xea: {  	v10 =	vld [tilespmem:s19+$0xFFFFFFB0]  }
0xeb: {  	v12 =	vld [tilespmem:s19+$0xFFFFFFC0];
	v7 =	vadd.bf16 v11, v7;
	v9 =	vadd.bf16 v13, v9  }
0xec: {  	v11 =	vld [tilespmem:s19+$0xFFFFFFD0]  }
0xed: {  	v7 =	vadd.bf16 v16, v7;
	v9 =	vadd.bf16 v14, v9;
	v13 =	vld [tilespmem:s19+$0xFFFFFFE0]  }
0xee: {  	v14 =	vld [tilespmem:s19+$0xFFFFFFF0]  }
0xef: {  	v7 =	vadd.bf16 v15, v7;
	v9 =	vadd.bf16 v10, v9;
	v15 =	vld [tilespmem:s19+$0x0]  }
0xf0: {  	v16 =	vld [tilespmem:s19+$0x10]  }
0xf1: {  	v7 =	vadd.bf16 v12, v7;
	v9 =	vadd.bf16 v11, v9;
	v10 =	vld [tilespmem:s19+$0x20]  }
.Ltmp4:
0xf2: {  	v12 =	vld [tilespmem:s19+$0x30];
	(pc) =	sbr.rel @p1 .LBB2_11-.Ltmp4, $4  }
0xf3: {  	v11 =	vadd.bf16 v13, v7;
	v13 =	vadd.bf16 v14, v9;
	v7 =	vld [tilespmem:s19+$0x40]  }
0xf4: {  	v9 =	vld [tilespmem:s19+$0x50]  }
0xf5: {  	v14 =	vadd.bf16 v15, v11;
	v15 =	vadd.bf16 v16, v13;
	v11 =	vld [tilespmem:s19+$0x60]  }
0xf6: {  	v13 =	vld [tilespmem:s19+$0x70];
	s19 =	sadd.s32 $0x100, s19  }
0xf7: {  	v5 =	vadd.f32 v8, v5  }
0xf8: {  	v4 =	vadd.f32 v6, v4  }
0xf9: {  	v5 =	vmul.f32 v5, v1  }
0xfa: {  	v4 =	vmul.f32 v4, v2  }
0xfb: {  	(xrf2) =	vadd.scan.msk.f32 $0xffff, v5  }
0xfc: {  	(xrf2) =	vadd.scan.msk.f32 $0xffff, v4;
	_ =	sdelay $0x8  }
0xfd: {  	v4, _, _ =	vpop (xrf2)  }
0xfe: {  	(v2sf) =	vpush v4, $0xF;
	v4, _, _ =	vpop (xrf2)  }
0xff: {  	(v2sf) =	vpush v4, $0xF;
	_ =	sdelay $0x5  }
0x100: {  	v6 =	vld [tilespmem:$0x7720]  }
0x101: {  	v8 =	vld [tilespmem:$0x7730]  }
0x102: {  	v16 =	vld [tilespmem:$0x7740]  }
0x103: {  	v17 =	vld [tilespmem:$0x7750]  }
0x104: {  	v18 =	vld [tilespmem:$0x7760]  }
0x105: {  	v10 =	vadd.bf16 v10, v14;
	v12 =	vadd.bf16 v12, v15;
	v5 =	vld [tilespmem:$0x7710]  }
0x106: {  	s18 =	sadd.s32 @!p0 $0x4B0, s16;
	s19 =	simm.s32 @!p0 $0x68;
	s20 =	simm.s32 @!p0 $0x7100;
	v4 =	vld [tilespmem:$0x7700]  }
0x107: {  	v60 =	vld [tilespmem:$0x7770];
	v7 =	vadd.bf16 v7, v10;
	v9 =	vadd.bf16 v9, v12;
	[tilespmem:s20], [sflag:$0x3] =	stream.indirect.gather @!p0 [hbm4b:s4+s19], $0x10, s18, s19, $0xb8  }
0x108: {  	s18 =	spop (v2sf)  }
0x109: {  	v7 =	vadd.bf16 v11, v7;
	v9 =	vadd.bf16 v13, v9;
	s19 =	spop (v2sf)  }
0x10a: {  	_ =	swait.ge [sflag:s1], $0x600  }
0x10b: {  	v5 =	vadd.bf16 v5, v9;
	v4 =	vadd.bf16 v4, v7;
	[sflag:s1] =	ssyncset.done $0x0  }
0x10c: {  	s20 =	simm.s32 $0x8A80;
	[sflag:s1] =	ssyncadd.s32 $0xFFFFFA00  }
0x10d: {  	v5 =	vadd.bf16 v8, v5;
	v4 =	vadd.bf16 v6, v4;
	v7 =	vld [tilespmem:s20+$0xFFFFFF80]  }
0x10e: {  	v6 =	vld [tilespmem:s20+$0xFFFFFF90]  }
0x10f: {  	v5 =	vadd.bf16 v17, v5;
	v4 =	vadd.bf16 v16, v4;
	v8 =	vld [tilespmem:s20+$0xFFFFFFA0]  }
0x110: {  	v9 =	vld [tilespmem:s20+$0xFFFFFFB0]  }
0x111: {  	v5 =	vadd.bf16 v60, v5;
	v4 =	vadd.bf16 v18, v4;
	v10 =	vld [tilespmem:s20+$0xFFFFFFC0]  }
0x112: {  	v11 =	vld [tilespmem:s20+$0xFFFFFFD0]  }
0x113: {  	v61 =	vld [tilespmem:s20+$0xFFFFFFE0];
	v4 =	vadd.bf16 v7, v4;
	v5 =	vadd.bf16 v6, v5  }
0x114: {  	v7 =	vld [tilespmem:s20+$0xFFFFFFF0]  }
0x115: {  	v62 =	vld [tilespmem:s20+$0x0];
	v4 =	vadd.bf16 v8, v4;
	v5 =	vadd.bf16 v9, v5  }
0x116: {  	s18 =	sadd.f32 s18, s19;
	v9 =	vld [tilespmem:s20+$0x10]  }
0x117: {  	v6 =	vld [tilespmem:s20+$0x20];
	v10 =	vadd.bf16 v10, v4;
	v5 =	vadd.bf16 v11, v5  }
0x118: {  	s18 =	smul.f32 $4.999999890e-03, s18;
	v8 =	vld [tilespmem:s20+$0x30]  }
0x119: {  	s19 =	sor.u32 $0x1, s17;
	v4 =	vld [tilespmem:s20+$0x40];
	v10 =	vadd.bf16 v61, v10;
	v63 =	vadd.bf16 v7, v5  }
0x11a: {  	s18 =	sadd.f32 s18, s14;
	v11 =	vmov s19;
	v7 =	vld [tilespmem:s20+$0x50]  }
0x11b: {  	vm0 =	veq.s32 v11, v0;
	v5 =	vld [tilespmem:s20+$0x60];
	v11 =	vadd.bf16 v62, v10;
	v10 =	vadd.bf16 v9, v63  }
0x11c: {  	s19 =	simm.s32 $0x8B80;
	v3 =	vsel vm0, s18, v3;
	s18 =	simm.s32 $0x0;
	v9 =	vld [tilespmem:s20+$0x70]  }
.LBB2_13:
0x11d: {  	v12 =	vld [tilespmem:s19+$0xFFFFFF80];
	v6 =	vadd.bf16 v6, v11;
	v8 =	vadd.bf16 v8, v10  }
0x11e: {  	s18 =	sadd.s32 $0x8, s18;
	v10 =	vld [tilespmem:s19+$0xFFFFFF90]  }
0x11f: {  	p1 =	slt.u32 s18, $0x28;
	v11 =	vld [tilespmem:s19+$0xFFFFFFA0];
	v4 =	vadd.bf16 v4, v6;
	v6 =	vadd.bf16 v7, v8  }
0x120: {  	v7 =	vld [tilespmem:s19+$0xFFFFFFB0]  }
0x121: {  	v8 =	vld [tilespmem:s19+$0xFFFFFFC0];
	v4 =	vadd.bf16 v5, v4;
	v5 =	vadd.bf16 v9, v6  }
0x122: {  	v6 =	vld [tilespmem:s19+$0xFFFFFFD0]  }
0x123: {  	v4 =	vadd.bf16 v12, v4;
	v5 =	vadd.bf16 v10, v5;
	v9 =	vld [tilespmem:s19+$0xFFFFFFE0]  }
0x124: {  	v10 =	vld [tilespmem:s19+$0xFFFFFFF0]  }
0x125: {  	v4 =	vadd.bf16 v11, v4;
	v5 =	vadd.bf16 v7, v5;
	v11 =	vld [tilespmem:s19+$0x0]  }
0x126: {  	v12 =	vld [tilespmem:s19+$0x10]  }
0x127: {  	v4 =	vadd.bf16 v8, v4;
	v5 =	vadd.bf16 v6, v5;
	v6 =	vld [tilespmem:s19+$0x20]  }
.Ltmp5:
0x128: {  	v8 =	vld [tilespmem:s19+$0x30];
	(pc) =	sbr.rel @p1 .LBB2_13-.Ltmp5, $4  }
0x129: {  	v9 =	vadd.bf16 v9, v4;
	v5 =	vadd.bf16 v10, v5;
	v4 =	vld [tilespmem:s19+$0x40]  }
0x12a: {  	v7 =	vld [tilespmem:s19+$0x50]  }
0x12b: {  	v11 =	vadd.bf16 v11, v9;
	v10 =	vadd.bf16 v12, v5;
	v5 =	vld [tilespmem:s19+$0x60]  }
0x12c: {  	v9 =	vld [tilespmem:s19+$0x70];
	s19 =	sadd.s32 $0x100, s19  }
0x12d: {  	s18 =	sadd.s32 @!p0 $0x518, s16;
	s19 =	simm.s32 @!p0 $0x60;
	s20 =	simm.s32 @!p0 $0x8A00  }
0x12e: {  	[tilespmem:s20], [sflag:$0x7] =	stream.indirect.gather @!p0 [hbm4b:s4+s19], $0x10, s18, s19, $0xb8;
	[tilespmem:$0x96B0] =	vst v63  }
0x12f: {  	_ =	swait.ge [sflag:s0], $0x680  }
0x130: {  	[sflag:s0] =	ssyncset.done $0x0  }
0x131: {  	s20 =	simm.s32 $0x7800;
	[sflag:s0] =	ssyncadd.s32 $0xFFFFF980  }
0x132: {  	v12 =	vld [tilespmem:s20+$0xFFFFFF80]  }
0x133: {  	v13 =	vld [tilespmem:s20+$0xFFFFFF90]  }
0x134: {  	v14 =	vld [tilespmem:s20+$0xFFFFFFA0]  }
0x135: {  	v15 =	vld [tilespmem:s20+$0xFFFFFFB0]  }
0x136: {  	v16 =	vld [tilespmem:s20+$0xFFFFFFC0]  }
0x137: {  	v17 =	vimm.bf16 $0.0e+00;
	v18 =	vld [tilespmem:s20+$0xFFFFFFD0]  }
0x138: {  	v19 =	vld [tilespmem:s20+$0xFFFFFFE0];
	v12 =	vadd.bf16 v12, v17;
	v13 =	vadd.bf16 v13, v17  }
0x139: {  	v6 =	vadd.bf16 v6, v11;
	v17 =	vld [tilespmem:s20+$0xFFFFFFF0]  }
0x13a: {  	v11 =	vadd.bf16 v14, v12;
	v14 =	vld [tilespmem:s20+$0x0];
	v12 =	vadd.bf16 v15, v13  }
0x13b: {  	v8 =	vadd.bf16 v8, v10;
	v4 =	vadd.bf16 v4, v6;
	v13 =	vld [tilespmem:s20+$0x10]  }
0x13c: {  	v10 =	vld [tilespmem:s20+$0x20];
	v6 =	vadd.bf16 v16, v11;
	v11 =	vadd.bf16 v18, v12  }
0x13d: {  	v8 =	vadd.bf16 v7, v8;
	v5 =	vadd.bf16 v5, v4;
	v12 =	vld [tilespmem:s20+$0x30]  }
0x13e: {  	v7 =	vld [tilespmem:s20+$0x40];
	v6 =	vadd.bf16 v19, v6;
	v15 =	vadd.bf16 v17, v11  }
0x13f: {  	v8 =	vadd.bf16 v9, v8;
	v9 =	vld [tilespmem:s20+$0x50]  }
0x140: {  	v4 =	vunpack.i.u.bf16.f32 v5;
	v11 =	vld [tilespmem:s20+$0x60];
	v14 =	vadd.bf16 v14, v6;
	v15 =	vadd.bf16 v13, v15  }
0x141: {  	s18 =	simm.s32 $0x0;
	s19 =	simm.s32 $0x7900;
	v5 =	vunpack.i.l.bf16.f32 v5;
	v6 =	vunpack.i.u.bf16.f32 v8;
	v8 =	vunpack.i.l.bf16.f32 v8;
	v13 =	vld [tilespmem:s20+$0x70]  }
.LBB2_15:
0x142: {  	v16 =	vld [tilespmem:s19+$0xFFFFFF80];
	v10 =	vadd.bf16 v10, v14;
	v12 =	vadd.bf16 v12, v15  }
0x143: {  	s18 =	sadd.s32 $0x8, s18;
	v14 =	vld [tilespmem:s19+$0xFFFFFF90]  }
0x144: {  	p1 =	slt.u32 s18, $0x28;
	v15 =	vld [tilespmem:s19+$0xFFFFFFA0];
	v7 =	vadd.bf16 v7, v10;
	v9 =	vadd.bf16 v9, v12  }
0x145: {  	v10 =	vld [tilespmem:s19+$0xFFFFFFB0]  }
0x146: {  	v12 =	vld [tilespmem:s19+$0xFFFFFFC0];
	v7 =	vadd.bf16 v11, v7;
	v9 =	vadd.bf16 v13, v9  }
0x147: {  	v11 =	vld [tilespmem:s19+$0xFFFFFFD0]  }
0x148: {  	v7 =	vadd.bf16 v16, v7;
	v9 =	vadd.bf16 v14, v9;
	v13 =	vld [tilespmem:s19+$0xFFFFFFE0]  }
0x149: {  	v14 =	vld [tilespmem:s19+$0xFFFFFFF0]  }
0x14a: {  	v7 =	vadd.bf16 v15, v7;
	v9 =	vadd.bf16 v10, v9;
	v15 =	vld [tilespmem:s19+$0x0]  }
0x14b: {  	v16 =	vld [tilespmem:s19+$0x10]  }
0x14c: {  	v7 =	vadd.bf16 v12, v7;
	v9 =	vadd.bf16 v11, v9;
	v10 =	vld [tilespmem:s19+$0x20]  }
.Ltmp6:
0x14d: {  	v12 =	vld [tilespmem:s19+$0x30];
	(pc) =	sbr.rel @p1 .LBB2_15-.Ltmp6, $4  }
0x14e: {  	v11 =	vadd.bf16 v13, v7;
	v13 =	vadd.bf16 v14, v9;
	v7 =	vld [tilespmem:s19+$0x40]  }
0x14f: {  	v9 =	vld [tilespmem:s19+$0x50]  }
0x150: {  	v14 =	vadd.bf16 v15, v11;
	v15 =	vadd.bf16 v16, v13;
	v11 =	vld [tilespmem:s19+$0x60]  }
0x151: {  	v13 =	vld [tilespmem:s19+$0x70];
	s19 =	sadd.s32 $0x100, s19  }
0x152: {  	v5 =	vadd.f32 v8, v5  }
0x153: {  	v4 =	vadd.f32 v6, v4  }
0x154: {  	v5 =	vmul.f32 v5, v1  }
0x155: {  	v4 =	vmul.f32 v4, v2  }
0x156: {  	(xrf2) =	vadd.scan.msk.f32 $0xffff, v5  }
0x157: {  	(xrf2) =	vadd.scan.msk.f32 $0xffff, v4;
	_ =	sdelay $0x8  }
0x158: {  	v4, _, _ =	vpop (xrf2)  }
0x159: {  	(v2sf) =	vpush v4, $0xF;
	v4, _, _ =	vpop (xrf2)  }
0x15a: {  	(v2sf) =	vpush v4, $0xF;
	_ =	sdelay $0x5  }
0x15b: {  	v6 =	vld [tilespmem:$0x7DA0]  }
0x15c: {  	v8 =	vld [tilespmem:$0x7DB0]  }
0x15d: {  	v16 =	vld [tilespmem:$0x7DC0]  }
0x15e: {  	v17 =	vld [tilespmem:$0x7DD0]  }
0x15f: {  	v18 =	vld [tilespmem:$0x7DE0]  }
0x160: {  	v10 =	vadd.bf16 v10, v14;
	v12 =	vadd.bf16 v12, v15;
	v5 =	vld [tilespmem:$0x7D90]  }
0x161: {  	s18 =	sadd.s32 @!p0 $0x578, s16;
	s19 =	simm.s32 @!p0 $0x68;
	s20 =	simm.s32 @!p0 $0x7780;
	v4 =	vld [tilespmem:$0x7D80]  }
0x162: {  	v60 =	vld [tilespmem:$0x7DF0];
	v7 =	vadd.bf16 v7, v10;
	v9 =	vadd.bf16 v9, v12;
	[tilespmem:s20], [sflag:$0x4] =	stream.indirect.gather @!p0 [hbm4b:s4+s19], $0x10, s18, s19, $0xb8  }
0x163: {  	s18 =	spop (v2sf)  }
0x164: {  	v7 =	vadd.bf16 v11, v7;
	v9 =	vadd.bf16 v13, v9;
	s19 =	spop (v2sf)  }
0x165: {  	_ =	swait.ge [sflag:s9], $0x600  }
0x166: {  	v5 =	vadd.bf16 v5, v9;
	v4 =	vadd.bf16 v4, v7;
	[sflag:s9] =	ssyncset.done $0x0  }
0x167: {  	s20 =	simm.s32 $0x9080;
	[sflag:s9] =	ssyncadd.s32 $0xFFFFFA00  }
0x168: {  	v5 =	vadd.bf16 v8, v5;
	v4 =	vadd.bf16 v6, v4;
	v7 =	vld [tilespmem:s20+$0xFFFFFF80]  }
0x169: {  	v6 =	vld [tilespmem:s20+$0xFFFFFF90]  }
0x16a: {  	v5 =	vadd.bf16 v17, v5;
	v4 =	vadd.bf16 v16, v4;
	v8 =	vld [tilespmem:s20+$0xFFFFFFA0]  }
0x16b: {  	v9 =	vld [tilespmem:s20+$0xFFFFFFB0]  }
0x16c: {  	v5 =	vadd.bf16 v60, v5;
	v4 =	vadd.bf16 v18, v4;
	v10 =	vld [tilespmem:s20+$0xFFFFFFC0]  }
0x16d: {  	v11 =	vld [tilespmem:s20+$0xFFFFFFD0]  }
0x16e: {  	v61 =	vld [tilespmem:s20+$0xFFFFFFE0];
	v4 =	vadd.bf16 v7, v4;
	v5 =	vadd.bf16 v6, v5  }
0x16f: {  	v7 =	vld [tilespmem:s20+$0xFFFFFFF0]  }
0x170: {  	v62 =	vld [tilespmem:s20+$0x0];
	v6 =	vadd.bf16 v8, v4;
	v5 =	vadd.bf16 v9, v5  }
0x171: {  	s18 =	sadd.f32 s18, s19;
	v9 =	vld [tilespmem:s20+$0x10]  }
0x172: {  	v4 =	vld [tilespmem:s20+$0x20];
	v8 =	vadd.bf16 v10, v6;
	v10 =	vadd.bf16 v11, v5  }
0x173: {  	s18 =	smul.f32 $4.999999890e-03, s18;
	v6 =	vld [tilespmem:s20+$0x30]  }
0x174: {  	s19 =	sor.u32 $0x2, s17;
	v5 =	vld [tilespmem:s20+$0x40];
	v12 =	vadd.bf16 v61, v8;
	v63 =	vadd.bf16 v7, v10  }
0x175: {  	s18 =	sadd.f32 s18, s14;
	v11 =	vmov s19;
	v7 =	vld [tilespmem:s20+$0x50]  }
0x176: {  	vm0 =	veq.s32 v11, v0;
	v8 =	vld [tilespmem:s20+$0x60];
	v10 =	vadd.bf16 v62, v12;
	v11 =	vadd.bf16 v9, v63  }
0x177: {  	s19 =	simm.s32 $0x9180;
	v3 =	vsel vm0, s18, v3;
	s18 =	simm.s32 $0x0;
	v9 =	vld [tilespmem:s20+$0x70]  }
.LBB2_17:
0x178: {  	v12 =	vld [tilespmem:s19+$0xFFFFFF80];
	v4 =	vadd.bf16 v4, v10;
	v6 =	vadd.bf16 v6, v11  }
0x179: {  	s18 =	sadd.s32 $0x8, s18;
	v10 =	vld [tilespmem:s19+$0xFFFFFF90]  }
0x17a: {  	p1 =	slt.u32 s18, $0x28;
	v11 =	vld [tilespmem:s19+$0xFFFFFFA0];
	v4 =	vadd.bf16 v5, v4;
	v5 =	vadd.bf16 v7, v6  }
0x17b: {  	v6 =	vld [tilespmem:s19+$0xFFFFFFB0]  }
0x17c: {  	v7 =	vld [tilespmem:s19+$0xFFFFFFC0];
	v4 =	vadd.bf16 v8, v4;
	v5 =	vadd.bf16 v9, v5  }
0x17d: {  	v8 =	vld [tilespmem:s19+$0xFFFFFFD0]  }
0x17e: {  	v4 =	vadd.bf16 v12, v4;
	v5 =	vadd.bf16 v10, v5;
	v9 =	vld [tilespmem:s19+$0xFFFFFFE0]  }
0x17f: {  	v10 =	vld [tilespmem:s19+$0xFFFFFFF0]  }
0x180: {  	v4 =	vadd.bf16 v11, v4;
	v5 =	vadd.bf16 v6, v5;
	v11 =	vld [tilespmem:s19+$0x0]  }
0x181: {  	v12 =	vld [tilespmem:s19+$0x10]  }
0x182: {  	v7 =	vadd.bf16 v7, v4;
	v5 =	vadd.bf16 v8, v5;
	v4 =	vld [tilespmem:s19+$0x20]  }
.Ltmp7:
0x183: {  	v6 =	vld [tilespmem:s19+$0x30];
	(pc) =	sbr.rel @p1 .LBB2_17-.Ltmp7, $4  }
0x184: {  	v8 =	vadd.bf16 v9, v7;
	v9 =	vadd.bf16 v10, v5;
	v5 =	vld [tilespmem:s19+$0x40]  }
0x185: {  	v7 =	vld [tilespmem:s19+$0x50]  }
0x186: {  	v10 =	vadd.bf16 v11, v8;
	v11 =	vadd.bf16 v12, v9;
	v8 =	vld [tilespmem:s19+$0x60]  }
0x187: {  	v9 =	vld [tilespmem:s19+$0x70];
	s19 =	sadd.s32 $0x100, s19  }
0x188: {  	v4 =	vadd.bf16 v4, v10;
	v6 =	vadd.bf16 v6, v11;
	_ =	sdelay $0x1  }
0x189: {  	v4 =	vadd.bf16 v5, v4;
	v5 =	vadd.bf16 v7, v6;
	_ =	sdelay $0x1  }
0x18a: {  	v4 =	vadd.bf16 v8, v4;
	v5 =	vadd.bf16 v9, v5;
	_ =	sdelay $0x1  }
0x18b: {  	v62 =	vunpack.i.l.bf16.f32 v4;
	v63 =	vunpack.i.l.bf16.f32 v5  }
0x18c: {  	v4 =	vunpack.i.u.bf16.f32 v4;
	v5 =	vunpack.i.u.bf16.f32 v5;
	v6 =	vadd.f32 v63, v62  }
0x18d: {  	v4 =	vadd.f32 v5, v4  }
0x18e: {  	v5 =	vmul.f32 v6, v1  }
0x18f: {  	v4 =	vmul.f32 v4, v2  }
0x190: {  	(xrf2) =	vadd.scan.msk.f32 $0xffff, v5  }
0x191: {  	(xrf2) =	vadd.scan.msk.f32 $0xffff, v4;
	_ =	sdelay $0x8  }
0x192: {  	v4, _, _ =	vpop (xrf2)  }
0x193: {  	(v2sf) =	vpush v4, $0xF;
	v4, _, _ =	vpop (xrf2)  }
0x194: {  	(v2sf) =	vpush v4, $0xF;
	_ =	sdelay $0xd  }
0x195: {  	s18 =	spop (v2sf)  }
0x196: {  	s19 =	spop (v2sf)  }
0x197: {  	s18 =	sadd.f32 s18, s19;
	_ =	sdelay $0x1  }
0x198: {  	s18 =	smul.f32 $4.999999890e-03, s18  }
0x199: {  	s20 =	sor.u32 $0x3, s17  }
0x19a: {  	v4 =	vmov s20;
	s18 =	sadd.f32 s18, s14  }
0x19b: {  	vm0 =	veq.s32 v4, v0  }
0x19c: {  	p1 =	sne.s32 s17, $0xC;
	v3 =	vsel vm0, s18, v3  }
0x19d: {  	v4 =	vsub.f32 @!p1 $0.0e+00, v3;
	_ =	sdelay $0x1  }
0x19e: {  	v4 =	vmul.f32 @!p1 $1.442695020e+00, v4;
	_ =	sdelay $0x1  }
0x19f: {  	(erf) = vpow2.f32 @!p1 v4;
	_ =	sdelay $0x8  }
0x1a0: {  	v4 =	vpop @!p1 (erf)  }
0x1a1: {  	v4 =	vadd.f32 @!p1 $1.000000000e+00, v4;
	_ =	sdelay $0x1  }
0x1a2: {  	(erf) = vrcp.f32 @!p1 v4;
	_ =	sdelay $0x1  }
0x1a3: {  	s16 =	sadd.s32 @!p0 $0x5E0, s16;
	s17 =	simm.s32 @!p0 $0x60;
	s18 =	simm.s32 @!p0 $0x9000  }
0x1a4: {  	[tilespmem:s18], [sflag:$0x8] =	stream.indirect.gather @!p0 [hbm4b:s4+s17], $0x10, s16, s17, $0xb8;
	[tilespmem:$0x96B0] =	vst v63  }
0x1a5: {  	s16 =	sshll.u32 @!p1 s15, $0x2;
	s15 =	sadd.s32 $0x1, s15  }
0x1a6: {  	p0 =	sne.s32 s15, $0x20  }
.Ltmp8:
0x1a7: {  	_ = 	snop;
	(pc) =	sbr.rel @p0 .LBB2_2-.Ltmp8, $3  }
0x1a8: {  	_ =	sdelay $0x1  }
0x1a9: {  	s16 =	sand.u32 @!p1 $0x70, s16;
	v4 =	vpop @!p1 (erf)  }
0x1aa: {  	[tilespmem:s16+$0x9600] =	vst @!p1 v4  }
0x1ab: {  	s13 =	sadd.s32 $0x1, s13  }
0x1ac: {  	p0 =	sne.s32 s13, s7  }
.Ltmp9:
0x1ad: {  	_ = 	snop;
	(pc) =	sbr.rel @p0 .LBB2_1-.Ltmp9, $4  }
0x1ae: {  	[hbm4b:s6+s2] =	stream.linear.scatter [tilespmem:s11], [sflag:$0x9], $0x80, $0x38;
	[tilespmem:$0x96B0] =	vst v63  }
0x1af: {  	_ =	swait.ge [sflag:s8], $0x80  }
0x1b0: {  	[sflag:s8] =	ssyncset.done $0x0  }
0x1b1: {  	[sflag:s8] =	ssyncadd.s32 $0xFFFFFF80  }
0x1b2: {  	_ =	sfence.sel $0x180000  }
0x1b3: {  	[bflag:$0x0] =	sbarrier.arrive $0xFFFF  }
0x1b4: {  	_ =	strace $0x9000004A  }
0x1b5: {  	s0 =	stileid.u32;
	[bflag:$0x2] =	sbarrier.arrive $0xFFFF  }
0x1b6: {  	p0 =	sne.s32 s0, $0x0;
	s0 =	rddreg [dreg:$0x2]  }
0x1b7: {  	s0 =	sadd.s32 @!p0 $0x100000, s0  }
0x1b8: {  	[sflag:s0] =	ssyncadd.tile.s32 @!p0 $0x1;
	_ =	shalt  }
.Lfunc_end2:
_tile_overlayer_lowered:
.L_overlay_start_2:
0x1b9: {  	(tag) =	ssettag $0x2  }
0x1ba: {  	s0 =	rddreg [dreg:$0x0];
	s2 =	stileid.u32  }
0x1bb: {  	s1 =	rddreg [dreg:$0x1];
	p0 =	sne.s32 s2, $0x0  }
0x1bc: {  	s3 =	rddreg [dreg:$0x2];
	[bflag:$0x3] =	sbarrier.arrive $0xFFFF;
	s2 =	simm.s32 @!p0 $0x1C09  }
0x1bd: {  	[timem:s3], [sflag:s2] =	dma.local @!p0 [hbm:s0], s1  }
0x1be: {  	s0 =	simm.s32 @!p0 $0x9  }
0x1bf: {  	_ =	swait.ge @!p0 [sflag:s0], s1  }
0x1c0: {  	s1 =	ssub.s32 @!p0 $0x0, s1;
	[sflag:s0] =	ssyncset.done @!p0 $0x0  }
0x1c1: {  	[sflag:s0] =	ssyncadd.s32 @!p0 s1  }
0x1c2: {  	[bflag:$0x3] =	sbarrier.arrive $0xFFFF  }
0x1c3: {  	_ =	shalt  }

</sc_bundles>
